<compile_context>
chip_gen: v7x
topology: tpu7x:2x2x1
jax: 0.10.2.dev20260603
libtpu: 0.0.44.dev20260713+nightly
codegen_flags: <defaults>
</compile_context>

<pallas_src>
import functools

import jax
import jax.numpy as jnp
from jax import lax
from jax.experimental import pallas as pl
from jax.experimental.pallas import tpu as pltpu
from jax.experimental.pallas import tpu_sc as plsc

N = 10000
E = 320000
F_IN = 128
H = 256
LATENT = 128
DENSE = 512
G = 64
EPS = 1e-5

NC = 2
NS = 16
CH = 128
IG = 8
DW = 128
EP = 327680
NROW = 10112
STRIPE = NROW // NS
R = 1000
NBLK = N // R

def _sc_mesh():
    return plsc.VectorSubcoreMesh(core_axis_name="c", subcore_axis_name="s",
                                  num_cores=NC, num_subcores=NS)



def _sc_deg(dst2d, ones_h, zero_h, dw=DW):
    chunks = EP // (NC * NS * CH)
    groups = chunks // IG

    @functools.partial(
        pl.kernel,
        out_type=jax.ShapeDtypeStruct((NC, NROW, dw), jnp.float32),
        mesh=_sc_mesh(),
        scratch_types=[
            pltpu.VMEM((IG, CH), jnp.int32),
            pltpu.VMEM((CH, dw), jnp.float32),
            pltpu.VMEM_SHARED((NROW, dw), jnp.float32),
            pltpu.SemaphoreType.DMA,
        ],
    )
    def k(dst_h, ones_hh, zero_hh, out_h, didx, ones_v, acc, sem):
        cid = lax.axis_index("c")
        sid = lax.axis_index("s")
        tid = cid * NS + sid
        pltpu.sync_copy(ones_hh, ones_v)
        pltpu.sync_copy(zero_hh, acc.at[pl.ds(sid * STRIPE, STRIPE)])
        plsc.subcore_barrier()

        def group(gi, carry):
            pltpu.sync_copy(dst_h.at[pl.ds(tid * chunks + gi * IG, IG)], didx)
            pend = []
            for j in range(IG):
                if len(pend) == 4:
                    pend.pop(0).wait()
                pend.append(pltpu.async_copy(ones_v, acc.at[didx.at[j]],
                                             sem, add=True))
            for s in pend:
                s.wait()
            return carry

        lax.fori_loop(0, groups, group, 0)
        plsc.subcore_barrier()
        pltpu.sync_copy(acc.at[pl.ds(sid * STRIPE, STRIPE)],
                        out_h.at[cid, pl.ds(sid * STRIPE, STRIPE)])

    return k(dst2d, ones_h, zero_h)


def _make_agg(feat_split):
    chunks = EP // (NS * CH) if feat_split else EP // (NC * NS * CH)
    groups = chunks // IG

    @functools.partial(
        pl.kernel,
        out_type=jax.ShapeDtypeStruct((NC, NROW, 128), jnp.float32),
        mesh=_sc_mesh(),
        scratch_types=[
            pltpu.VMEM((IG, CH), jnp.int32),
            pltpu.VMEM((IG, CH), jnp.int32),
            pltpu.VMEM((CH, 128), jnp.float32),
            pltpu.VMEM((CH, 128), jnp.float32),
            pltpu.VMEM_SHARED((NROW, 128), jnp.float32),
            pltpu.SemaphoreType.DMA,
            pltpu.SemaphoreType.DMA,
            pltpu.SemaphoreType.DMA,
            pltpu.SemaphoreType.DMA,
        ],
    )
    def k(table_h, src_h, dst_h, zero_hh, out_h, sidx, didx, rows0, rows1,
          acc, gsem0, gsem1, ssem0, ssem1):
        cid = lax.axis_index("c")
        sid = lax.axis_index("s")
        if feat_split:
            src_base = cid * (EP // CH) + sid * chunks
            dst_base = sid * chunks
        else:
            tid = cid * NS + sid
            src_base = tid * chunks
            dst_base = tid * chunks
        pltpu.sync_copy(zero_hh, acc.at[pl.ds(sid * STRIPE, STRIPE)])
        plsc.subcore_barrier()

        rows = (rows0, rows1)
        gsem = (gsem0, gsem1)
        ssem = (ssem0, ssem1)

        def group(gi, carry):
            pltpu.sync_copy(src_h.at[pl.ds(src_base + gi * IG, IG)], sidx)
            pltpu.sync_copy(dst_h.at[pl.ds(dst_base + gi * IG, IG)], didx)
            scat = [None, None]
            for j in range(IG):
                b = j % 2
                if scat[b] is not None:
                    scat[b].wait()
                pltpu.async_copy(table_h.at[sidx.at[j]], rows[b], gsem[b]).wait()
                scat[b] = pltpu.async_copy(rows[b], acc.at[didx.at[j]],
                                           ssem[b], add=True)
            scat[0].wait()
            scat[1].wait()
            return carry

        lax.fori_loop(0, groups, group, 0)
        plsc.subcore_barrier()
        pltpu.sync_copy(acc.at[pl.ds(sid * STRIPE, STRIPE)],
                        out_h.at[cid, pl.ds(sid * STRIPE, STRIPE)])

    return k



def _tc_prep1(x, degp):
    def body(x_ref, d_ref, dinv_ref, u_ref):
        d = d_ref[...]
        dinv = lax.rsqrt(d[0, :, 0:1] + d[1, :, 0:1] + 1.0)
        dinv_ref[...] = dinv
        u_ref[...] = x_ref[...] * dinv

    return pl.pallas_call(
        body,
        grid=(NBLK,),
        in_specs=[
            pl.BlockSpec((R, F_IN), lambda i: (i, 0)),
            pl.BlockSpec((NC, R, DW), lambda i: (0, i, 0)),
        ],
        out_specs=[
            pl.BlockSpec((R, 1), lambda i: (i, 0)),
            pl.BlockSpec((R, F_IN), lambda i: (i, 0)),
        ],
        out_shape=[
            jax.ShapeDtypeStruct((N, 1), jnp.float32),
            jax.ShapeDtypeStruct((N, F_IN), jnp.float32),
        ],
    )(x, degp)


def _tc_layer_mm(parts, u, dinv, W, b, split_u, fout):
    fin = 256 if split_u else 128

    def body(p_ref, u_ref, dinv_ref, W_ref, b_ref, z_ref, st_ref, acc_ref):
        i = pl.program_id(0)
        p = p_ref[...]
        dinv = dinv_ref[...]
        if split_u:
            uu = u_ref[...]
            y = jnp.concatenate([(p[0] + uu[0]) * dinv,
                                 (p[1] + uu[1]) * dinv], axis=1)
        else:
            y = (p[0] + p[1] + u_ref[...]) * dinv
        z = jnp.dot(y, W_ref[...], preferred_element_type=jnp.float32, precision=lax.Precision.HIGHEST) + b_ref[...]
        z_ref[...] = z

        @pl.when(i == 0)
        def _():
            acc_ref[...] = jnp.zeros((8, fout), jnp.float32)

        acc_ref[0:1] += jnp.sum(z, axis=0, keepdims=True)
        acc_ref[1:2] += jnp.sum(z * z, axis=0, keepdims=True)

        @pl.when(i == NBLK - 1)
        def _():
            st_ref[...] = acc_ref[...]

    u_spec = (pl.BlockSpec((NC, R, 128), lambda i: (0, i, 0)) if split_u
              else pl.BlockSpec((R, 128), lambda i: (i, 0)))
    return pl.pallas_call(
        body,
        grid=(NBLK,),
        in_specs=[
            pl.BlockSpec((NC, R, 128), lambda i: (0, i, 0)),
            u_spec,
            pl.BlockSpec((R, 1), lambda i: (i, 0)),
            pl.BlockSpec((fin, fout), lambda i: (0, 0)),
            pl.BlockSpec((1, fout), lambda i: (0, 0)),
        ],
        out_specs=[
            pl.BlockSpec((R, fout), lambda i: (i, 0)),
            pl.BlockSpec((8, fout), lambda i: (0, 0)),
        ],
        out_shape=[
            jax.ShapeDtypeStruct((N, fout), jnp.float32),
            jax.ShapeDtypeStruct((8, fout), jnp.float32),
        ],
        scratch_shapes=[pltpu.VMEM((8, fout), jnp.float32)],
    )(parts, u, dinv, W, b)


def _tc_bn_prep2(z, st, g, be, dinv):
    def body(z_ref, st_ref, g_ref, be_ref, dinv_ref, u_ref):
        st = st_ref[...]
        mu = st[0:1] / N
        var = st[1:2] / N - mu * mu
        alpha = g_ref[...] * lax.rsqrt(var + EPS)
        beta = be_ref[...] - mu * alpha
        h = jnp.maximum(z_ref[...] * alpha + beta, 0.0)
        u = h * dinv_ref[...]
        u_ref[...] = jnp.stack([u[:, :128], u[:, 128:]], axis=0)

    return pl.pallas_call(
        body,
        grid=(NBLK,),
        in_specs=[
            pl.BlockSpec((R, H), lambda i: (i, 0)),
            pl.BlockSpec((8, H), lambda i: (0, 0)),
            pl.BlockSpec((1, H), lambda i: (0, 0)),
            pl.BlockSpec((1, H), lambda i: (0, 0)),
            pl.BlockSpec((R, 1), lambda i: (i, 0)),
        ],
        out_specs=pl.BlockSpec((NC, R, 128), lambda i: (0, i, 0)),
        out_shape=jax.ShapeDtypeStruct((NC, N, 128), jnp.float32),
    )(z, st, g, be, dinv)


def _tc_bn_mm_prep3(z, st, g, be, dinv, W3):
    def body(z_ref, st_ref, g_ref, be_ref, dinv_ref, W_ref, u_ref):
        st = st_ref[...]
        mu = st[0:1] / N
        var = st[1:2] / N - mu * mu
        alpha = g_ref[...] * lax.rsqrt(var + EPS)
        beta = be_ref[...] - mu * alpha
        h = jnp.maximum(z_ref[...] * alpha + beta, 0.0)
        t = jnp.dot(h, W_ref[...], preferred_element_type=jnp.float32, precision=lax.Precision.HIGHEST)
        u_ref[...] = t * dinv_ref[...]

    return pl.pallas_call(
        body,
        grid=(NBLK,),
        in_specs=[
            pl.BlockSpec((R, H), lambda i: (i, 0)),
            pl.BlockSpec((8, H), lambda i: (0, 0)),
            pl.BlockSpec((1, H), lambda i: (0, 0)),
            pl.BlockSpec((1, H), lambda i: (0, 0)),
            pl.BlockSpec((R, 1), lambda i: (i, 0)),
            pl.BlockSpec((H, LATENT), lambda i: (0, 0)),
        ],
        out_specs=pl.BlockSpec((R, LATENT), lambda i: (i, 0)),
        out_shape=jax.ShapeDtypeStruct((N, LATENT), jnp.float32),
    )(z, st, g, be, dinv, W3)


def _tc_layer3_pool(parts, u3, dinv, b3, batch2d):
    def body(p_ref, u_ref, dinv_ref, b_ref, bat_ref, gs_ref, cnt_ref, st_ref,
             gacc, cacc, sacc):
        i = pl.program_id(0)

        @pl.when(i == 0)
        def _():
            gacc[...] = jnp.zeros((G, LATENT), jnp.float32)
            cacc[...] = jnp.zeros((G, 1), jnp.float32)
            sacc[...] = jnp.zeros((8, LATENT), jnp.float32)

        p = p_ref[...]
        y = (p[0] + p[1] + u_ref[...]) * dinv_ref[...] + b_ref[...]
        sacc[0:1] += jnp.sum(y, axis=0, keepdims=True)
        sacc[1:2] += jnp.sum(y * y, axis=0, keepdims=True)
        bat = bat_ref[0]
        oh = (lax.broadcasted_iota(jnp.int32, (G, R), 0)
              == jnp.broadcast_to(bat, (G, R))).astype(jnp.float32)
        gacc[...] += jnp.dot(oh, y, preferred_element_type=jnp.float32, precision=lax.Precision.HIGHEST)
        cacc[...] += jnp.sum(oh, axis=1, keepdims=True)

        @pl.when(i == NBLK - 1)
        def _():
            gs_ref[...] = gacc[...]
            cnt_ref[...] = cacc[...]
            st_ref[...] = sacc[...]

    return pl.pallas_call(
        body,
        grid=(NBLK,),
        in_specs=[
            pl.BlockSpec((NC, R, 128), lambda i: (0, i, 0)),
            pl.BlockSpec((R, LATENT), lambda i: (i, 0)),
            pl.BlockSpec((R, 1), lambda i: (i, 0)),
            pl.BlockSpec((1, LATENT), lambda i: (0, 0)),
            pl.BlockSpec((1, 1, R), lambda i: (i, 0, 0)),
        ],
        out_specs=[
            pl.BlockSpec((G, LATENT), lambda i: (0, 0)),
            pl.BlockSpec((G, 1), lambda i: (0, 0)),
            pl.BlockSpec((8, LATENT), lambda i: (0, 0)),
        ],
        out_shape=[
            jax.ShapeDtypeStruct((G, LATENT), jnp.float32),
            jax.ShapeDtypeStruct((G, 1), jnp.float32),
            jax.ShapeDtypeStruct((8, LATENT), jnp.float32),
        ],
        scratch_shapes=[
            pltpu.VMEM((G, LATENT), jnp.float32),
            pltpu.VMEM((G, 1), jnp.float32),
            pltpu.VMEM((8, LATENT), jnp.float32),
        ],
    )(parts, u3, dinv, b3, batch2d)


def _tc_head(gsum, cnt, st, g3, be3, L0, Lb0, L1, Lb1, L2, Lb2, Lo_p, Lbo_p):
    def body(gs_ref, cnt_ref, st_ref, g_ref, be_ref, L0_ref, Lb0_ref, L1_ref,
             Lb1_ref, L2_ref, Lb2_ref, Lo_ref, Lbo_ref, o_ref):
        st = st_ref[...]
        mu = st[0:1] / N
        var = st[1:2] / N - mu * mu
        alpha = g_ref[...] * lax.rsqrt(var + EPS)
        beta = be_ref[...] - mu * alpha
        pooled = gs_ref[...] / jnp.maximum(cnt_ref[...], 1.0)
        hb = pooled * alpha + beta
        z = jnp.maximum(jnp.dot(hb, L0_ref[...], preferred_element_type=jnp.float32, precision=lax.Precision.HIGHEST) + Lb0_ref[...], 0.0)
        z = jnp.maximum(jnp.dot(z, L1_ref[...], preferred_element_type=jnp.float32, precision=lax.Precision.HIGHEST) + Lb1_ref[...], 0.0)
        z = jnp.maximum(jnp.dot(z, L2_ref[...], preferred_element_type=jnp.float32, precision=lax.Precision.HIGHEST) + Lb2_ref[...], 0.0)
        o_ref[...] = jnp.dot(z, Lo_ref[...], preferred_element_type=jnp.float32, precision=lax.Precision.HIGHEST) + Lbo_ref[...]

    return pl.pallas_call(
        body,
        out_shape=jax.ShapeDtypeStruct((G, 128), jnp.float32),
    )(gsum, cnt, st, g3, be3, L0, Lb0, L1, Lb1, L2, Lb2, Lo_p, Lbo_p)



def kernel(x, edge_index, batch, W1, b1, g1, be1, W2, b2, g2, be2, W3, b3,
           g3, be3, L0, Lb0, L1, Lb1, L2, Lb2, Lo, Lbo):
    src = edge_index[0]
    dst = edge_index[1]
    pad = EP - E
    src_p = jnp.concatenate([src, jnp.zeros((pad,), jnp.int32)])
    pad_dst = N + (jnp.arange(pad, dtype=jnp.int32) % (NROW - N))
    dst_p = jnp.concatenate([dst, pad_dst])
    dst2d = dst_p.reshape(EP // CH, CH)
    src2d = src_p.reshape(EP // CH, CH)
    src_off2d = jnp.concatenate([src_p, src_p + N]).reshape(2 * EP // CH, CH)

    ones_c = jnp.ones((CH, DW), jnp.float32)
    zero1 = jnp.zeros((STRIPE, DW), jnp.float32)
    zero128 = jnp.zeros((STRIPE, 128), jnp.float32)
    batch3d = batch.reshape(NBLK, 1, R)

    b1r, b2r, b3r = b1.reshape(1, H), b2.reshape(1, H), b3.reshape(1, LATENT)
    g1r, g2r, g3r = g1.reshape(1, H), g2.reshape(1, H), g3.reshape(1, LATENT)
    be1r, be2r, be3r = be1.reshape(1, H), be2.reshape(1, H), be3.reshape(1, LATENT)
    Lb0r, Lb1r, Lb2r = Lb0.reshape(1, DENSE), Lb1.reshape(1, DENSE), Lb2.reshape(1, DENSE)
    Lo_p = jnp.pad(Lo, ((0, 0), (0, 128 - Lo.shape[1])))
    Lbo_p = jnp.pad(Lbo, (0, 128 - Lbo.shape[0])).reshape(1, 128)

    agg_es = _make_agg(feat_split=False)
    agg_fs = _make_agg(feat_split=True)

    degp = _sc_deg(dst2d, ones_c, zero1)
    dinv, u1 = _tc_prep1(x, degp)

    p1 = agg_es(u1, src2d, dst2d, zero128)
    z1, st1 = _tc_layer_mm(p1, u1, dinv, W1, b1r, split_u=False, fout=H)

    u2 = _tc_bn_prep2(z1, st1, g1r, be1r, dinv)
    p2 = agg_fs(u2.reshape(2 * N, 128), src_off2d, dst2d, zero128)
    z2, st2 = _tc_layer_mm(p2, u2, dinv, W2, b2r, split_u=True, fout=H)

    u3 = _tc_bn_mm_prep3(z2, st2, g2r, be2r, dinv, W3)
    p3 = agg_es(u3, src2d, dst2d, zero128)
    gsum, cnt, st3 = _tc_layer3_pool(p3, u3, dinv, b3r, batch3d)

    out = _tc_head(gsum, cnt, st3, g3r, be3r, L0, Lb0r, L1, Lb1r, L2, Lb2r,
                   Lo_p, Lbo_p)
    return out[:, :3]

# --- scband reference (transcript-rebuilt; emitter-appended) ---
"""Pipeline reference for scband-gnnl-54228257079466 (READ-ONLY COPY).

The authoritative reference and input builder live on the scoring server;
editing this copy changes nothing except your own understanding.
"""

import jax, jax.numpy as jnp
import numpy as np

N = 10000
E = 320000
F_IN = 128
H = 256
LATENT = 128
DENSE = 512
N_GRAPHS = 64
EPS = 1e-5


def setup_inputs(seed: int = 0) -> dict:
    key = jax.random.key(seed)
    ks = jax.random.split(key, 32)
    x = jax.random.normal(ks[0], (N, F_IN), dtype=jnp.float32)
    edge_index = jax.random.randint(ks[1], (2, E), 0, N, dtype=jnp.int32)
    batch = jnp.sort(jax.random.randint(ks[2], (N,), 0, N_GRAPHS, dtype=jnp.int32))
    def lin(k, fan_in, fan_out):
        s = 1.0 / np.sqrt(fan_in)
        return jax.random.uniform(k, (fan_in, fan_out), jnp.float32, -s, s)
    inp = {
        'x': x, 'edge_index': edge_index, 'batch': batch,
        'W1': lin(ks[3], F_IN, H), 'b1': jnp.zeros((H,), jnp.float32),
        'g1': jnp.ones((H,), jnp.float32), 'be1': jnp.zeros((H,), jnp.float32),
        'W2': lin(ks[4], H, H), 'b2': jnp.zeros((H,), jnp.float32),
        'g2': jnp.ones((H,), jnp.float32), 'be2': jnp.zeros((H,), jnp.float32),
        'W3': lin(ks[5], H, LATENT), 'b3': jnp.zeros((LATENT,), jnp.float32),
        'g3': jnp.ones((LATENT,), jnp.float32), 'be3': jnp.zeros((LATENT,), jnp.float32),
        'L0': lin(ks[6], LATENT, DENSE), 'Lb0': jnp.zeros((DENSE,), jnp.float32),
        'L1': lin(ks[7], DENSE, DENSE), 'Lb1': jnp.zeros((DENSE,), jnp.float32),
        'L2': lin(ks[8], DENSE, DENSE), 'Lb2': jnp.zeros((DENSE,), jnp.float32),
        'Lo': lin(ks[9], DENSE, 3), 'Lbo': jnp.zeros((3,), jnp.float32),
    }
    return inp


def gcn_conv(x, edge_index, W, b):
    src = edge_index[0]
    dst = edge_index[1]
    loop = jnp.arange(N, dtype=src.dtype)
    src = jnp.concatenate([src, loop])
    dst = jnp.concatenate([dst, loop])
    h = x @ W
    ones = jnp.ones(dst.shape[0], dtype=h.dtype)
    deg = jax.ops.segment_sum(ones, dst, num_segments=N)
    dinv = jnp.where(deg > 0, deg ** -0.5, 0.0)
    norm = dinv[src] * dinv[dst]
    msgs = h[src] * norm[:, None]
    out = jax.ops.segment_sum(msgs, dst, num_segments=N)
    return out + b


def batch_norm(x, g, b):
    mu = jnp.mean(x, axis=0)
    var = jnp.var(x, axis=0)
    return g * (x - mu) / jnp.sqrt(var + EPS) + b


def global_mean_pool(x, batch):
    sums = jax.ops.segment_sum(x, batch, num_segments=N_GRAPHS)
    cnts = jax.ops.segment_sum(jnp.ones((x.shape[0],), x.dtype), batch, num_segments=N_GRAPHS)
    return sums / jnp.clip(cnts, 1.0)[:, None]


def reference(x, edge_index, batch, W1, b1, g1, be1, W2, b2, g2, be2, W3, b3, g3, be3, L0, Lb0, L1, Lb1, L2, Lb2, Lo, Lbo):
    h = gcn_conv(x, edge_index, W1, b1)
    h = batch_norm(h, g1, be1)
    h = jax.nn.relu(h)
    h = gcn_conv(h, edge_index, W2, b2)
    h = batch_norm(h, g2, be2)
    h = jax.nn.relu(h)
    h = gcn_conv(h, edge_index, W3, b3)
    h = batch_norm(h, g3, be3)
    hg = global_mean_pool(h, batch)
    z = jax.nn.relu(hg @ L0 + Lb0)
    z = jax.nn.relu(z @ L1 + Lb1)
    z = jax.nn.relu(z @ L2 + Lb2)
    return z @ Lo + Lbo

if __name__ == "__main__":
    import jax
    _d = setup_inputs()
    print(jax.jit(kernel)(*tuple(_d.values())))

</pallas_src>

<mosaic_0001>
#map = affine_map<(d0, d1) -> (0, 0)>
#map1 = affine_map<(d0, d1) -> (0, 0, 0)>
module attributes {stable_mosaic.version = 14 : i64} {
  func.func @k(%arg0: i32, %arg1: i32, %arg2: memref<2560x128xi32, #tpu.memory_space<hbm>>, %arg3: memref<128x128xf32, #tpu.memory_space<hbm>>, %arg4: memref<632x128xf32, #tpu.memory_space<hbm>>, %arg5: memref<2x10112x128xf32, #tpu.memory_space<hbm>>, %arg6: memref<8x128xi32, #tpu.memory_space<vmem>>, %arg7: memref<128x128xf32, #tpu.memory_space<vmem>>, %arg8: memref<10112x128xf32, #tpu.memory_space<vmem_shared>>, %arg9: memref<!tpu.dma_semaphore, #tpu.memory_space<semaphore_mem>>) attributes {dimension_semantics = [#tpu.dimension_semantics<core_parallel>, #tpu.dimension_semantics<subcore_parallel>], iteration_bounds = array<i64: 2, 16>, scalar_prefetch = 0 : i64, scratch_operands = 4 : i64, tpu.core_type = #tpu.core_type<sc_vector_subcore>, window_params = [{transform_indices = #map}, {transform_indices = #map}, {transform_indices = #map}, {transform_indices = #map1}]} {
    %mul3A = arith.constant 16 : i32
    %mul3A_0 = arith.muli %arg0, %mul3A : i32
    %add3A = arith.addi %mul3A_0, %arg1 : i32
    "tpu.region"() ({
      %run_scoped3A = tpu.sem_alloc : memref<!tpu.dma_semaphore, #tpu.memory_space<semaphore_mem>>
      tpu.enqueue_dma source(%arg3 : memref<128x128xf32, #tpu.memory_space<hbm>>) target(%arg7 : memref<128x128xf32, #tpu.memory_space<vmem>>) target_semaphore(%run_scoped3A : memref<!tpu.dma_semaphore, #tpu.memory_space<semaphore_mem>>)
      tpu.wait_dma2 semaphore(%run_scoped3A : memref<!tpu.dma_semaphore, #tpu.memory_space<semaphore_mem>>) src(%arg3 : memref<128x128xf32, #tpu.memory_space<hbm>>) dst(%arg7 : memref<128x128xf32, #tpu.memory_space<vmem>>)
      tpu.yield
    }) : () -> ()
    %mul3A_1 = arith.constant 632 : i32
    %mul3A_2 = arith.muli %arg1, %mul3A_1 : i32
    "tpu.region"() ({
      %run_scoped3A = tpu.sem_alloc : memref<!tpu.dma_semaphore, #tpu.memory_space<semaphore_mem>>
      %dma_start3A = arith.constant 0 : i32
      %dma_start3A_13 = tpu.memref_slice %arg8[%mul3A_2, %dma_start3A] : memref<10112x128xf32, #tpu.memory_space<vmem_shared>> -> memref<632x128xf32, #tpu.memory_space<vmem_shared>>
      tpu.enqueue_dma source(%arg4 : memref<632x128xf32, #tpu.memory_space<hbm>>) target(%dma_start3A_13 : memref<632x128xf32, #tpu.memory_space<vmem_shared>>) target_semaphore(%run_scoped3A : memref<!tpu.dma_semaphore, #tpu.memory_space<semaphore_mem>>)
      %dma_wait3A = arith.constant 0 : i32
      %dma_wait3A_14 = tpu.memref_slice %arg8[%mul3A_2, %dma_wait3A] : memref<10112x128xf32, #tpu.memory_space<vmem_shared>> -> memref<632x128xf32, #tpu.memory_space<vmem_shared>>
      tpu.wait_dma2 semaphore(%run_scoped3A : memref<!tpu.dma_semaphore, #tpu.memory_space<semaphore_mem>>) src(%arg4 : memref<632x128xf32, #tpu.memory_space<hbm>>) dst(%dma_wait3A_14 : memref<632x128xf32, #tpu.memory_space<vmem_shared>>)
      tpu.yield
    }) : () -> ()
    %barrier3A = arith.constant 0 : index
    tpu.barrier barrier_id(%barrier3A)
    %scan3A = arith.constant 0 : i32
    %scan3A_3 = arith.constant 0 : i32
    %scan3A_4 = arith.constant 10 : i32
    %scan3A_5 = arith.addi %scan3A_3, %scan3A_4 : i32
    %scan3A_6 = arith.constant 1 : i32
    scf.for %scan3A_13 = %scan3A_3 to %scan3A_5 step %scan3A_6  : i32 {
      %mul3A_14 = arith.constant 80 : i32
      %mul3A_15 = arith.muli %add3A, %mul3A_14 : i32
      %mul3A_16 = arith.constant 8 : i32
      %mul3A_17 = arith.muli %scan3A_13, %mul3A_16 : i32
      %add3A_18 = arith.addi %mul3A_15, %mul3A_17 : i32
      "tpu.region"() ({
        %run_scoped3A = tpu.sem_alloc : memref<!tpu.dma_semaphore, #tpu.memory_space<semaphore_mem>>
        %dma_start3A_129 = arith.constant 0 : i32
        %dma_start3A_130 = tpu.memref_slice %arg2[%add3A_18, %dma_start3A_129] : memref<2560x128xi32, #tpu.memory_space<hbm>> -> memref<8x128xi32, #tpu.memory_space<hbm>>
        %dma_start3A_131 = arith.constant 0 : i32
        %dma_start3A_132 = tpu.memref_slice %arg2[%add3A_18, %dma_start3A_131] : memref<2560x128xi32, #tpu.memory_space<hbm>> -> memref<8x128xi32, #tpu.memory_space<hbm>>
        tpu.enqueue_dma source(%dma_start3A_132 : memref<8x128xi32, #tpu.memory_space<hbm>>) target(%arg6 : memref<8x128xi32, #tpu.memory_space<vmem>>) target_semaphore(%run_scoped3A : memref<!tpu.dma_semaphore, #tpu.memory_space<semaphore_mem>>)
        %dma_wait3A_133 = arith.constant 0 : i32
        %dma_wait3A_134 = tpu.memref_slice %arg2[%add3A_18, %dma_wait3A_133] : memref<2560x128xi32, #tpu.memory_space<hbm>> -> memref<8x128xi32, #tpu.memory_space<hbm>>
        %dma_wait3A_135 = arith.constant 0 : i32
        %dma_wait3A_136 = tpu.memref_slice %arg2[%add3A_18, %dma_wait3A_135] : memref<2560x128xi32, #tpu.memory_space<hbm>> -> memref<8x128xi32, #tpu.memory_space<hbm>>
        tpu.wait_dma2 semaphore(%run_scoped3A : memref<!tpu.dma_semaphore, #tpu.memory_space<semaphore_mem>>) src(%dma_wait3A_136 : memref<8x128xi32, #tpu.memory_space<hbm>>) dst(%arg6 : memref<8x128xi32, #tpu.memory_space<vmem>>)
        tpu.yield
      }) : () -> ()
      %dma_start3A = arith.constant 0 : i32
      %dma_start3A_19 = arith.constant 0 : i32
      %dma_start3A_20 = tpu.memref_slice %arg6[%dma_start3A, %dma_start3A_19] : memref<8x128xi32, #tpu.memory_space<vmem>> -> memref<1x128xi32, #tpu.memory_space<vmem>>
      %dma_start3A_21 = tpu.memref_squeeze %dma_start3A_20 : memref<1x128xi32, #tpu.memory_space<vmem>> -> memref<128xi32, #tpu.memory_space<vmem>>
      %dma_start3A_22 = arith.constant 0 : i32
      %dma_start3A_23 = arith.constant 0 : i32
      %dma_start3A_24 = tpu.memref_slice %arg8[%dma_start3A_22, %dma_start3A_23] : memref<10112x128xf32, #tpu.memory_space<vmem_shared>> -> memref<10112x128xf32, #tpu.memory_space<vmem_shared>>
      tpu.enqueue_indirect_dma source(%arg7 : memref<128x128xf32, #tpu.memory_space<vmem>>) target(%dma_start3A_24 : memref<10112x128xf32, #tpu.memory_space<vmem_shared>>) offsets(%dma_start3A_21 : memref<128xi32, #tpu.memory_space<vmem>>) semaphore(%arg9 : memref<!tpu.dma_semaphore, #tpu.memory_space<semaphore_mem>>) {add = true}
      %dma_start3A_25 = arith.constant 1 : i32
      %dma_start3A_26 = arith.constant 0 : i32
      %dma_start3A_27 = tpu.memref_slice %arg6[%dma_start3A_25, %dma_start3A_26] : memref<8x128xi32, #tpu.memory_space<vmem>> -> memref<1x128xi32, #tpu.memory_space<vmem>>
      %dma_start3A_28 = tpu.memref_squeeze %dma_start3A_27 : memref<1x128xi32, #tpu.memory_space<vmem>> -> memref<128xi32, #tpu.memory_space<vmem>>
      %dma_start3A_29 = arith.constant 0 : i32
      %dma_start3A_30 = arith.constant 0 : i32
      %dma_start3A_31 = tpu.memref_slice %arg8[%dma_start3A_29, %dma_start3A_30] : memref<10112x128xf32, #tpu.memory_space<vmem_shared>> -> memref<10112x128xf32, #tpu.memory_space<vmem_shared>>
      tpu.enqueue_indirect_dma source(%arg7 : memref<128x128xf32, #tpu.memory_space<vmem>>) target(%dma_start3A_31 : memref<10112x128xf32, #tpu.memory_space<vmem_shared>>) offsets(%dma_start3A_28 : memref<128xi32, #tpu.memory_space<vmem>>) semaphore(%arg9 : memref<!tpu.dma_semaphore, #tpu.memory_space<semaphore_mem>>) {add = true}
      %dma_start3A_32 = arith.constant 2 : i32
      %dma_start3A_33 = arith.constant 0 : i32
      %dma_start3A_34 = tpu.memref_slice %arg6[%dma_start3A_32, %dma_start3A_33] : memref<8x128xi32, #tpu.memory_space<vmem>> -> memref<1x128xi32, #tpu.memory_space<vmem>>
      %dma_start3A_35 = tpu.memref_squeeze %dma_start3A_34 : memref<1x128xi32, #tpu.memory_space<vmem>> -> memref<128xi32, #tpu.memory_space<vmem>>
      %dma_start3A_36 = arith.constant 0 : i32
      %dma_start3A_37 = arith.constant 0 : i32
      %dma_start3A_38 = tpu.memref_slice %arg8[%dma_start3A_36, %dma_start3A_37] : memref<10112x128xf32, #tpu.memory_space<vmem_shared>> -> memref<10112x128xf32, #tpu.memory_space<vmem_shared>>
      tpu.enqueue_indirect_dma source(%arg7 : memref<128x128xf32, #tpu.memory_space<vmem>>) target(%dma_start3A_38 : memref<10112x128xf32, #tpu.memory_space<vmem_shared>>) offsets(%dma_start3A_35 : memref<128xi32, #tpu.memory_space<vmem>>) semaphore(%arg9 : memref<!tpu.dma_semaphore, #tpu.memory_space<semaphore_mem>>) {add = true}
      %dma_start3A_39 = arith.constant 3 : i32
      %dma_start3A_40 = arith.constant 0 : i32
      %dma_start3A_41 = tpu.memref_slice %arg6[%dma_start3A_39, %dma_start3A_40] : memref<8x128xi32, #tpu.memory_space<vmem>> -> memref<1x128xi32, #tpu.memory_space<vmem>>
      %dma_start3A_42 = tpu.memref_squeeze %dma_start3A_41 : memref<1x128xi32, #tpu.memory_space<vmem>> -> memref<128xi32, #tpu.memory_space<vmem>>
      %dma_start3A_43 = arith.constant 0 : i32
      %dma_start3A_44 = arith.constant 0 : i32
      %dma_start3A_45 = tpu.memref_slice %arg8[%dma_start3A_43, %dma_start3A_44] : memref<10112x128xf32, #tpu.memory_space<vmem_shared>> -> memref<10112x128xf32, #tpu.memory_space<vmem_shared>>
      tpu.enqueue_indirect_dma source(%arg7 : memref<128x128xf32, #tpu.memory_space<vmem>>) target(%dma_start3A_45 : memref<10112x128xf32, #tpu.memory_space<vmem_shared>>) offsets(%dma_start3A_42 : memref<128xi32, #tpu.memory_space<vmem>>) semaphore(%arg9 : memref<!tpu.dma_semaphore, #tpu.memory_space<semaphore_mem>>) {add = true}
      %dma_wait3A = arith.constant 0 : i32
      %dma_wait3A_46 = arith.constant 0 : i32
      %dma_wait3A_47 = tpu.memref_slice %arg6[%dma_wait3A, %dma_wait3A_46] : memref<8x128xi32, #tpu.memory_space<vmem>> -> memref<1x128xi32, #tpu.memory_space<vmem>>
      %dma_wait3A_48 = tpu.memref_squeeze %dma_wait3A_47 : memref<1x128xi32, #tpu.memory_space<vmem>> -> memref<128xi32, #tpu.memory_space<vmem>>
      %dma_wait3A_49 = arith.constant 0 : i32
      %dma_wait3A_50 = arith.constant 0 : i32
      %dma_wait3A_51 = tpu.memref_slice %arg8[%dma_wait3A_49, %dma_wait3A_50] : memref<10112x128xf32, #tpu.memory_space<vmem_shared>> -> memref<10112x128xf32, #tpu.memory_space<vmem_shared>>
      tpu.wait_indirect_dma semaphore(%arg9 : memref<!tpu.dma_semaphore, #tpu.memory_space<semaphore_mem>>) src(%arg7 : memref<128x128xf32, #tpu.memory_space<vmem>>) dst(%dma_wait3A_51 : memref<10112x128xf32, #tpu.memory_space<vmem_shared>>)
      %dma_start3A_52 = arith.constant 4 : i32
      %dma_start3A_53 = arith.constant 0 : i32
      %dma_start3A_54 = tpu.memref_slice %arg6[%dma_start3A_52, %dma_start3A_53] : memref<8x128xi32, #tpu.memory_space<vmem>> -> memref<1x128xi32, #tpu.memory_space<vmem>>
      %dma_start3A_55 = tpu.memref_squeeze %dma_start3A_54 : memref<1x128xi32, #tpu.memory_space<vmem>> -> memref<128xi32, #tpu.memory_space<vmem>>
      %dma_start3A_56 = arith.constant 0 : i32
      %dma_start3A_57 = arith.constant 0 : i32
      %dma_start3A_58 = tpu.memref_slice %arg8[%dma_start3A_56, %dma_start3A_57] : memref<10112x128xf32, #tpu.memory_space<vmem_shared>> -> memref<10112x128xf32, #tpu.memory_space<vmem_shared>>
      tpu.enqueue_indirect_dma source(%arg7 : memref<128x128xf32, #tpu.memory_space<vmem>>) target(%dma_start3A_58 : memref<10112x128xf32, #tpu.memory_space<vmem_shared>>) offsets(%dma_start3A_55 : memref<128xi32, #tpu.memory_space<vmem>>) semaphore(%arg9 : memref<!tpu.dma_semaphore, #tpu.memory_space<semaphore_mem>>) {add = true}
      %dma_wait3A_59 = arith.constant 1 : i32
      %dma_wait3A_60 = arith.constant 0 : i32
      %dma_wait3A_61 = tpu.memref_slice %arg6[%dma_wait3A_59, %dma_wait3A_60] : memref<8x128xi32, #tpu.memory_space<vmem>> -> memref<1x128xi32, #tpu.memory_space<vmem>>
      %dma_wait3A_62 = tpu.memref_squeeze %dma_wait3A_61 : memref<1x128xi32, #tpu.memory_space<vmem>> -> memref<128xi32, #tpu.memory_space<vmem>>
      %dma_wait3A_63 = arith.constant 0 : i32
      %dma_wait3A_64 = arith.constant 0 : i32
      %dma_wait3A_65 = tpu.memref_slice %arg8[%dma_wait3A_63, %dma_wait3A_64] : memref<10112x128xf32, #tpu.memory_space<vmem_shared>> -> memref<10112x128xf32, #tpu.memory_space<vmem_shared>>
      tpu.wait_indirect_dma semaphore(%arg9 : memref<!tpu.dma_semaphore, #tpu.memory_space<semaphore_mem>>) src(%arg7 : memref<128x128xf32, #tpu.memory_space<vmem>>) dst(%dma_wait3A_65 : memref<10112x128xf32, #tpu.memory_space<vmem_shared>>)
      %dma_start3A_66 = arith.constant 5 : i32
      %dma_start3A_67 = arith.constant 0 : i32
      %dma_start3A_68 = tpu.memref_slice %arg6[%dma_start3A_66, %dma_start3A_67] : memref<8x128xi32, #tpu.memory_space<vmem>> -> memref<1x128xi32, #tpu.memory_space<vmem>>
      %dma_start3A_69 = tpu.memref_squeeze %dma_start3A_68 : memref<1x128xi32, #tpu.memory_space<vmem>> -> memref<128xi32, #tpu.memory_space<vmem>>
      %dma_start3A_70 = arith.constant 0 : i32
      %dma_start3A_71 = arith.constant 0 : i32
      %dma_start3A_72 = tpu.memref_slice %arg8[%dma_start3A_70, %dma_start3A_71] : memref<10112x128xf32, #tpu.memory_space<vmem_shared>> -> memref<10112x128xf32, #tpu.memory_space<vmem_shared>>
      tpu.enqueue_indirect_dma source(%arg7 : memref<128x128xf32, #tpu.memory_space<vmem>>) target(%dma_start3A_72 : memref<10112x128xf32, #tpu.memory_space<vmem_shared>>) offsets(%dma_start3A_69 : memref<128xi32, #tpu.memory_space<vmem>>) semaphore(%arg9 : memref<!tpu.dma_semaphore, #tpu.memory_space<semaphore_mem>>) {add = true}
      %dma_wait3A_73 = arith.constant 2 : i32
      %dma_wait3A_74 = arith.constant 0 : i32
      %dma_wait3A_75 = tpu.memref_slice %arg6[%dma_wait3A_73, %dma_wait3A_74] : memref<8x128xi32, #tpu.memory_space<vmem>> -> memref<1x128xi32, #tpu.memory_space<vmem>>
      %dma_wait3A_76 = tpu.memref_squeeze %dma_wait3A_75 : memref<1x128xi32, #tpu.memory_space<vmem>> -> memref<128xi32, #tpu.memory_space<vmem>>
      %dma_wait3A_77 = arith.constant 0 : i32
      %dma_wait3A_78 = arith.constant 0 : i32
      %dma_wait3A_79 = tpu.memref_slice %arg8[%dma_wait3A_77, %dma_wait3A_78] : memref<10112x128xf32, #tpu.memory_space<vmem_shared>> -> memref<10112x128xf32, #tpu.memory_space<vmem_shared>>
      tpu.wait_indirect_dma semaphore(%arg9 : memref<!tpu.dma_semaphore, #tpu.memory_space<semaphore_mem>>) src(%arg7 : memref<128x128xf32, #tpu.memory_space<vmem>>) dst(%dma_wait3A_79 : memref<10112x128xf32, #tpu.memory_space<vmem_shared>>)
      %dma_start3A_80 = arith.constant 6 : i32
      %dma_start3A_81 = arith.constant 0 : i32
      %dma_start3A_82 = tpu.memref_slice %arg6[%dma_start3A_80, %dma_start3A_81] : memref<8x128xi32, #tpu.memory_space<vmem>> -> memref<1x128xi32, #tpu.memory_space<vmem>>
      %dma_start3A_83 = tpu.memref_squeeze %dma_start3A_82 : memref<1x128xi32, #tpu.memory_space<vmem>> -> memref<128xi32, #tpu.memory_space<vmem>>
      %dma_start3A_84 = arith.constant 0 : i32
      %dma_start3A_85 = arith.constant 0 : i32
      %dma_start3A_86 = tpu.memref_slice %arg8[%dma_start3A_84, %dma_start3A_85] : memref<10112x128xf32, #tpu.memory_space<vmem_shared>> -> memref<10112x128xf32, #tpu.memory_space<vmem_shared>>
      tpu.enqueue_indirect_dma source(%arg7 : memref<128x128xf32, #tpu.memory_space<vmem>>) target(%dma_start3A_86 : memref<10112x128xf32, #tpu.memory_space<vmem_shared>>) offsets(%dma_start3A_83 : memref<128xi32, #tpu.memory_space<vmem>>) semaphore(%arg9 : memref<!tpu.dma_semaphore, #tpu.memory_space<semaphore_mem>>) {add = true}
      %dma_wait3A_87 = arith.constant 3 : i32
      %dma_wait3A_88 = arith.constant 0 : i32
      %dma_wait3A_89 = tpu.memref_slice %arg6[%dma_wait3A_87, %dma_wait3A_88] : memref<8x128xi32, #tpu.memory_space<vmem>> -> memref<1x128xi32, #tpu.memory_space<vmem>>
      %dma_wait3A_90 = tpu.memref_squeeze %dma_wait3A_89 : memref<1x128xi32, #tpu.memory_space<vmem>> -> memref<128xi32, #tpu.memory_space<vmem>>
      %dma_wait3A_91 = arith.constant 0 : i32
      %dma_wait3A_92 = arith.constant 0 : i32
      %dma_wait3A_93 = tpu.memref_slice %arg8[%dma_wait3A_91, %dma_wait3A_92] : memref<10112x128xf32, #tpu.memory_space<vmem_shared>> -> memref<10112x128xf32, #tpu.memory_space<vmem_shared>>
      tpu.wait_indirect_dma semaphore(%arg9 : memref<!tpu.dma_semaphore, #tpu.memory_space<semaphore_mem>>) src(%arg7 : memref<128x128xf32, #tpu.memory_space<vmem>>) dst(%dma_wait3A_93 : memref<10112x128xf32, #tpu.memory_space<vmem_shared>>)
      %dma_start3A_94 = arith.constant 7 : i32
      %dma_start3A_95 = arith.constant 0 : i32
      %dma_start3A_96 = tpu.memref_slice %arg6[%dma_start3A_94, %dma_start3A_95] : memref<8x128xi32, #tpu.memory_space<vmem>> -> memref<1x128xi32, #tpu.memory_space<vmem>>
      %dma_start3A_97 = tpu.memref_squeeze %dma_start3A_96 : memref<1x128xi32, #tpu.memory_space<vmem>> -> memref<128xi32, #tpu.memory_space<vmem>>
      %dma_start3A_98 = arith.constant 0 : i32
      %dma_start3A_99 = arith.constant 0 : i32
      %dma_start3A_100 = tpu.memref_slice %arg8[%dma_start3A_98, %dma_start3A_99] : memref<10112x128xf32, #tpu.memory_space<vmem_shared>> -> memref<10112x128xf32, #tpu.memory_space<vmem_shared>>
      tpu.enqueue_indirect_dma source(%arg7 : memref<128x128xf32, #tpu.memory_space<vmem>>) target(%dma_start3A_100 : memref<10112x128xf32, #tpu.memory_space<vmem_shared>>) offsets(%dma_start3A_97 : memref<128xi32, #tpu.memory_space<vmem>>) semaphore(%arg9 : memref<!tpu.dma_semaphore, #tpu.memory_space<semaphore_mem>>) {add = true}
      %dma_wait3A_101 = arith.constant 4 : i32
      %dma_wait3A_102 = arith.constant 0 : i32
      %dma_wait3A_103 = tpu.memref_slice %arg6[%dma_wait3A_101, %dma_wait3A_102] : memref<8x128xi32, #tpu.memory_space<vmem>> -> memref<1x128xi32, #tpu.memory_space<vmem>>
      %dma_wait3A_104 = tpu.memref_squeeze %dma_wait3A_103 : memref<1x128xi32, #tpu.memory_space<vmem>> -> memref<128xi32, #tpu.memory_space<vmem>>
      %dma_wait3A_105 = arith.constant 0 : i32
      %dma_wait3A_106 = arith.constant 0 : i32
      %dma_wait3A_107 = tpu.memref_slice %arg8[%dma_wait3A_105, %dma_wait3A_106] : memref<10112x128xf32, #tpu.memory_space<vmem_shared>> -> memref<10112x128xf32, #tpu.memory_space<vmem_shared>>
      tpu.wait_indirect_dma semaphore(%arg9 : memref<!tpu.dma_semaphore, #tpu.memory_space<semaphore_mem>>) src(%arg7 : memref<128x128xf32, #tpu.memory_space<vmem>>) dst(%dma_wait3A_107 : memref<10112x128xf32, #tpu.memory_space<vmem_shared>>)
      %dma_wait3A_108 = arith.constant 5 : i32
      %dma_wait3A_109 = arith.constant 0 : i32
      %dma_wait3A_110 = tpu.memref_slice %arg6[%dma_wait3A_108, %dma_wait3A_109] : memref<8x128xi32, #tpu.memory_space<vmem>> -> memref<1x128xi32, #tpu.memory_space<vmem>>
      %dma_wait3A_111 = tpu.memref_squeeze %dma_wait3A_110 : memref<1x128xi32, #tpu.memory_space<vmem>> -> memref<128xi32, #tpu.memory_space<vmem>>
      %dma_wait3A_112 = arith.constant 0 : i32
      %dma_wait3A_113 = arith.constant 0 : i32
      %dma_wait3A_114 = tpu.memref_slice %arg8[%dma_wait3A_112, %dma_wait3A_113] : memref<10112x128xf32, #tpu.memory_space<vmem_shared>> -> memref<10112x128xf32, #tpu.memory_space<vmem_shared>>
      tpu.wait_indirect_dma semaphore(%arg9 : memref<!tpu.dma_semaphore, #tpu.memory_space<semaphore_mem>>) src(%arg7 : memref<128x128xf32, #tpu.memory_space<vmem>>) dst(%dma_wait3A_114 : memref<10112x128xf32, #tpu.memory_space<vmem_shared>>)
      %dma_wait3A_115 = arith.constant 6 : i32
      %dma_wait3A_116 = arith.constant 0 : i32
      %dma_wait3A_117 = tpu.memref_slice %arg6[%dma_wait3A_115, %dma_wait3A_116] : memref<8x128xi32, #tpu.memory_space<vmem>> -> memref<1x128xi32, #tpu.memory_space<vmem>>
      %dma_wait3A_118 = tpu.memref_squeeze %dma_wait3A_117 : memref<1x128xi32, #tpu.memory_space<vmem>> -> memref<128xi32, #tpu.memory_space<vmem>>
      %dma_wait3A_119 = arith.constant 0 : i32
      %dma_wait3A_120 = arith.constant 0 : i32
      %dma_wait3A_121 = tpu.memref_slice %arg8[%dma_wait3A_119, %dma_wait3A_120] : memref<10112x128xf32, #tpu.memory_space<vmem_shared>> -> memref<10112x128xf32, #tpu.memory_space<vmem_shared>>
      tpu.wait_indirect_dma semaphore(%arg9 : memref<!tpu.dma_semaphore, #tpu.memory_space<semaphore_mem>>) src(%arg7 : memref<128x128xf32, #tpu.memory_space<vmem>>) dst(%dma_wait3A_121 : memref<10112x128xf32, #tpu.memory_space<vmem_shared>>)
      %dma_wait3A_122 = arith.constant 7 : i32
      %dma_wait3A_123 = arith.constant 0 : i32
      %dma_wait3A_124 = tpu.memref_slice %arg6[%dma_wait3A_122, %dma_wait3A_123] : memref<8x128xi32, #tpu.memory_space<vmem>> -> memref<1x128xi32, #tpu.memory_space<vmem>>
      %dma_wait3A_125 = tpu.memref_squeeze %dma_wait3A_124 : memref<1x128xi32, #tpu.memory_space<vmem>> -> memref<128xi32, #tpu.memory_space<vmem>>
      %dma_wait3A_126 = arith.constant 0 : i32
      %dma_wait3A_127 = arith.constant 0 : i32
      %dma_wait3A_128 = tpu.memref_slice %arg8[%dma_wait3A_126, %dma_wait3A_127] : memref<10112x128xf32, #tpu.memory_space<vmem_shared>> -> memref<10112x128xf32, #tpu.memory_space<vmem_shared>>
      tpu.wait_indirect_dma semaphore(%arg9 : memref<!tpu.dma_semaphore, #tpu.memory_space<semaphore_mem>>) src(%arg7 : memref<128x128xf32, #tpu.memory_space<vmem>>) dst(%dma_wait3A_128 : memref<10112x128xf32, #tpu.memory_space<vmem_shared>>)
    }
    %scan3A_7 = arith.constant 10 : i32
    %barrier3A_8 = arith.constant 0 : index
    tpu.barrier barrier_id(%barrier3A_8)
    %mul3A_9 = arith.constant 632 : i32
    %mul3A_10 = arith.muli %arg1, %mul3A_9 : i32
    %mul3A_11 = arith.constant 632 : i32
    %mul3A_12 = arith.muli %arg1, %mul3A_11 : i32
    "tpu.region"() ({
      %run_scoped3A = tpu.sem_alloc : memref<!tpu.dma_semaphore, #tpu.memory_space<semaphore_mem>>
      %dma_start3A = arith.constant 0 : i32
      %dma_start3A_13 = tpu.memref_slice %arg5[%arg0, %mul3A_12, %dma_start3A] : memref<2x10112x128xf32, #tpu.memory_space<hbm>> -> memref<1x632x128xf32, #tpu.memory_space<hbm>>
      %dma_start3A_14 = tpu.memref_squeeze %dma_start3A_13 : memref<1x632x128xf32, #tpu.memory_space<hbm>> -> memref<632x128xf32, #tpu.memory_space<hbm>>
      %dma_start3A_15 = arith.constant 0 : i32
      %dma_start3A_16 = tpu.memref_slice %arg8[%mul3A_10, %dma_start3A_15] : memref<10112x128xf32, #tpu.memory_space<vmem_shared>> -> memref<632x128xf32, #tpu.memory_space<vmem_shared>>
      tpu.enqueue_dma source(%dma_start3A_16 : memref<632x128xf32, #tpu.memory_space<vmem_shared>>) target(%dma_start3A_14 : memref<632x128xf32, #tpu.memory_space<hbm>>) target_semaphore(%run_scoped3A : memref<!tpu.dma_semaphore, #tpu.memory_space<semaphore_mem>>)
      %dma_wait3A = arith.constant 0 : i32
      %dma_wait3A_17 = tpu.memref_slice %arg5[%arg0, %mul3A_12, %dma_wait3A] : memref<2x10112x128xf32, #tpu.memory_space<hbm>> -> memref<1x632x128xf32, #tpu.memory_space<hbm>>
      %dma_wait3A_18 = tpu.memref_squeeze %dma_wait3A_17 : memref<1x632x128xf32, #tpu.memory_space<hbm>> -> memref<632x128xf32, #tpu.memory_space<hbm>>
      %dma_wait3A_19 = arith.constant 0 : i32
      %dma_wait3A_20 = tpu.memref_slice %arg8[%mul3A_10, %dma_wait3A_19] : memref<10112x128xf32, #tpu.memory_space<vmem_shared>> -> memref<632x128xf32, #tpu.memory_space<vmem_shared>>
      tpu.wait_dma2 semaphore(%run_scoped3A : memref<!tpu.dma_semaphore, #tpu.memory_space<semaphore_mem>>) src(%dma_wait3A_20 : memref<632x128xf32, #tpu.memory_space<vmem_shared>>) dst(%dma_wait3A_18 : memref<632x128xf32, #tpu.memory_space<hbm>>)
      tpu.yield
    }) : () -> ()
    return
  }
}

#map = affine_map<(d0, d1) -> (0, 0)>
#map1 = affine_map<(d0, d1) -> (0, 0, 0)>
module attributes {stable_mosaic.version = 14 : i64} {
  func.func @k(%arg0: i32, %arg1: i32, %arg2: memref<10000x128xf32, #tpu.memory_space<hbm>>, %arg3: memref<2560x128xi32, #tpu.memory_space<hbm>>, %arg4: memref<2560x128xi32, #tpu.memory_space<hbm>>, %arg5: memref<632x128xf32, #tpu.memory_space<hbm>>, %arg6: memref<2x10112x128xf32, #tpu.memory_space<hbm>>, %arg7: memref<8x128xi32, #tpu.memory_space<vmem>>, %arg8: memref<8x128xi32, #tpu.memory_space<vmem>>, %arg9: memref<128x128xf32, #tpu.memory_space<vmem>>, %arg10: memref<128x128xf32, #tpu.memory_space<vmem>>, %arg11: memref<10112x128xf32, #tpu.memory_space<vmem_shared>>, %arg12: memref<!tpu.dma_semaphore, #tpu.memory_space<semaphore_mem>>, %arg13: memref<!tpu.dma_semaphore, #tpu.memory_space<semaphore_mem>>, %arg14: memref<!tpu.dma_semaphore, #tpu.memory_space<semaphore_mem>>, %arg15: memref<!tpu.dma_semaphore, #tpu.memory_space<semaphore_mem>>) attributes {dimension_semantics = [#tpu.dimension_semantics<core_parallel>, #tpu.dimension_semantics<subcore_parallel>], iteration_bounds = array<i64: 2, 16>, scalar_prefetch = 0 : i64, scratch_operands = 9 : i64, tpu.core_type = #tpu.core_type<sc_vector_subcore>, window_params = [{transform_indices = #map}, {transform_indices = #map}, {transform_indices = #map}, {transform_indices = #map}, {transform_indices = #map1}]} {
    %mul3A = arith.constant 16 : i32
    %mul3A_0 = arith.muli %arg0, %mul3A : i32
    %add3A = arith.addi %mul3A_0, %arg1 : i32
    %mul3A_1 = arith.constant 80 : i32
    %mul3A_2 = arith.muli %add3A, %mul3A_1 : i32
    %mul3A_3 = arith.constant 80 : i32
    %mul3A_4 = arith.muli %add3A, %mul3A_3 : i32
    %mul3A_5 = arith.constant 632 : i32
    %mul3A_6 = arith.muli %arg1, %mul3A_5 : i32
    "tpu.region"() ({
      %run_scoped3A = tpu.sem_alloc : memref<!tpu.dma_semaphore, #tpu.memory_space<semaphore_mem>>
      %dma_start3A = arith.constant 0 : i32
      %dma_start3A_17 = tpu.memref_slice %arg11[%mul3A_6, %dma_start3A] : memref<10112x128xf32, #tpu.memory_space<vmem_shared>> -> memref<632x128xf32, #tpu.memory_space<vmem_shared>>
      tpu.enqueue_dma source(%arg5 : memref<632x128xf32, #tpu.memory_space<hbm>>) target(%dma_start3A_17 : memref<632x128xf32, #tpu.memory_space<vmem_shared>>) target_semaphore(%run_scoped3A : memref<!tpu.dma_semaphore, #tpu.memory_space<semaphore_mem>>)
      %dma_wait3A = arith.constant 0 : i32
      %dma_wait3A_18 = tpu.memref_slice %arg11[%mul3A_6, %dma_wait3A] : memref<10112x128xf32, #tpu.memory_space<vmem_shared>> -> memref<632x128xf32, #tpu.memory_space<vmem_shared>>
      tpu.wait_dma2 semaphore(%run_scoped3A : memref<!tpu.dma_semaphore, #tpu.memory_space<semaphore_mem>>) src(%arg5 : memref<632x128xf32, #tpu.memory_space<hbm>>) dst(%dma_wait3A_18 : memref<632x128xf32, #tpu.memory_space<vmem_shared>>)
      tpu.yield
    }) : () -> ()
    %barrier3A = arith.constant 0 : index
    tpu.barrier barrier_id(%barrier3A)
    %scan3A = arith.constant 0 : i32
    %scan3A_7 = arith.constant 0 : i32
    %scan3A_8 = arith.constant 10 : i32
    %scan3A_9 = arith.addi %scan3A_7, %scan3A_8 : i32
    %scan3A_10 = arith.constant 1 : i32
    scf.for %scan3A_17 = %scan3A_7 to %scan3A_9 step %scan3A_10  : i32 {
      %mul3A_18 = arith.constant 8 : i32
      %mul3A_19 = arith.muli %scan3A_17, %mul3A_18 : i32
      %add3A_20 = arith.addi %mul3A_2, %mul3A_19 : i32
      "tpu.region"() ({
        %run_scoped3A = tpu.sem_alloc : memref<!tpu.dma_semaphore, #tpu.memory_space<semaphore_mem>>
        %dma_start3A_246 = arith.constant 0 : i32
        %dma_start3A_247 = tpu.memref_slice %arg3[%add3A_20, %dma_start3A_246] : memref<2560x128xi32, #tpu.memory_space<hbm>> -> memref<8x128xi32, #tpu.memory_space<hbm>>
        %dma_start3A_248 = arith.constant 0 : i32
        %dma_start3A_249 = tpu.memref_slice %arg3[%add3A_20, %dma_start3A_248] : memref<2560x128xi32, #tpu.memory_space<hbm>> -> memref<8x128xi32, #tpu.memory_space<hbm>>
        tpu.enqueue_dma source(%dma_start3A_249 : memref<8x128xi32, #tpu.memory_space<hbm>>) target(%arg7 : memref<8x128xi32, #tpu.memory_space<vmem>>) target_semaphore(%run_scoped3A : memref<!tpu.dma_semaphore, #tpu.memory_space<semaphore_mem>>)
        %dma_wait3A_250 = arith.constant 0 : i32
        %dma_wait3A_251 = tpu.memref_slice %arg3[%add3A_20, %dma_wait3A_250] : memref<2560x128xi32, #tpu.memory_space<hbm>> -> memref<8x128xi32, #tpu.memory_space<hbm>>
        %dma_wait3A_252 = arith.constant 0 : i32
        %dma_wait3A_253 = tpu.memref_slice %arg3[%add3A_20, %dma_wait3A_252] : memref<2560x128xi32, #tpu.memory_space<hbm>> -> memref<8x128xi32, #tpu.memory_space<hbm>>
        tpu.wait_dma2 semaphore(%run_scoped3A : memref<!tpu.dma_semaphore, #tpu.memory_space<semaphore_mem>>) src(%dma_wait3A_253 : memref<8x128xi32, #tpu.memory_space<hbm>>) dst(%arg7 : memref<8x128xi32, #tpu.memory_space<vmem>>)
        tpu.yield
      }) : () -> ()
      %mul3A_21 = arith.constant 8 : i32
      %mul3A_22 = arith.muli %scan3A_17, %mul3A_21 : i32
      %add3A_23 = arith.addi %mul3A_4, %mul3A_22 : i32
      "tpu.region"() ({
        %run_scoped3A = tpu.sem_alloc : memref<!tpu.dma_semaphore, #tpu.memory_space<semaphore_mem>>
        %dma_start3A_246 = arith.constant 0 : i32
        %dma_start3A_247 = tpu.memref_slice %arg4[%add3A_23, %dma_start3A_246] : memref<2560x128xi32, #tpu.memory_space<hbm>> -> memref<8x128xi32, #tpu.memory_space<hbm>>
        %dma_start3A_248 = arith.constant 0 : i32
        %dma_start3A_249 = tpu.memref_slice %arg4[%add3A_23, %dma_start3A_248] : memref<2560x128xi32, #tpu.memory_space<hbm>> -> memref<8x128xi32, #tpu.memory_space<hbm>>
        tpu.enqueue_dma source(%dma_start3A_249 : memref<8x128xi32, #tpu.memory_space<hbm>>) target(%arg8 : memref<8x128xi32, #tpu.memory_space<vmem>>) target_semaphore(%run_scoped3A : memref<!tpu.dma_semaphore, #tpu.memory_space<semaphore_mem>>)
        %dma_wait3A_250 = arith.constant 0 : i32
        %dma_wait3A_251 = tpu.memref_slice %arg4[%add3A_23, %dma_wait3A_250] : memref<2560x128xi32, #tpu.memory_space<hbm>> -> memref<8x128xi32, #tpu.memory_space<hbm>>
        %dma_wait3A_252 = arith.constant 0 : i32
        %dma_wait3A_253 = tpu.memref_slice %arg4[%add3A_23, %dma_wait3A_252] : memref<2560x128xi32, #tpu.memory_space<hbm>> -> memref<8x128xi32, #tpu.memory_space<hbm>>
        tpu.wait_dma2 semaphore(%run_scoped3A : memref<!tpu.dma_semaphore, #tpu.memory_space<semaphore_mem>>) src(%dma_wait3A_253 : memref<8x128xi32, #tpu.memory_space<hbm>>) dst(%arg8 : memref<8x128xi32, #tpu.memory_space<vmem>>)
        tpu.yield
      }) : () -> ()
      %dma_start3A = arith.constant 0 : i32
      %dma_start3A_24 = arith.constant 0 : i32
      %dma_start3A_25 = tpu.memref_slice %arg7[%dma_start3A, %dma_start3A_24] : memref<8x128xi32, #tpu.memory_space<vmem>> -> memref<1x128xi32, #tpu.memory_space<vmem>>
      %dma_start3A_26 = tpu.memref_squeeze %dma_start3A_25 : memref<1x128xi32, #tpu.memory_space<vmem>> -> memref<128xi32, #tpu.memory_space<vmem>>
      %dma_start3A_27 = arith.constant 0 : i32
      %dma_start3A_28 = arith.constant 0 : i32
      %dma_start3A_29 = tpu.memref_slice %arg2[%dma_start3A_27, %dma_start3A_28] : memref<10000x128xf32, #tpu.memory_space<hbm>> -> memref<10000x128xf32, #tpu.memory_space<hbm>>
      tpu.enqueue_indirect_dma source(%dma_start3A_29 : memref<10000x128xf32, #tpu.memory_space<hbm>>) target(%arg9 : memref<128x128xf32, #tpu.memory_space<vmem>>) offsets(%dma_start3A_26 : memref<128xi32, #tpu.memory_space<vmem>>) semaphore(%arg12 : memref<!tpu.dma_semaphore, #tpu.memory_space<semaphore_mem>>)
      %dma_wait3A = arith.constant 0 : i32
      %dma_wait3A_30 = arith.constant 0 : i32
      %dma_wait3A_31 = tpu.memref_slice %arg7[%dma_wait3A, %dma_wait3A_30] : memref<8x128xi32, #tpu.memory_space<vmem>> -> memref<1x128xi32, #tpu.memory_space<vmem>>
      %dma_wait3A_32 = tpu.memref_squeeze %dma_wait3A_31 : memref<1x128xi32, #tpu.memory_space<vmem>> -> memref<128xi32, #tpu.memory_space<vmem>>
      %dma_wait3A_33 = arith.constant 0 : i32
      %dma_wait3A_34 = arith.constant 0 : i32
      %dma_wait3A_35 = tpu.memref_slice %arg2[%dma_wait3A_33, %dma_wait3A_34] : memref<10000x128xf32, #tpu.memory_space<hbm>> -> memref<10000x128xf32, #tpu.memory_space<hbm>>
      tpu.wait_indirect_dma semaphore(%arg12 : memref<!tpu.dma_semaphore, #tpu.memory_space<semaphore_mem>>) src(%dma_wait3A_35 : memref<10000x128xf32, #tpu.memory_space<hbm>>) dst(%arg9 : memref<128x128xf32, #tpu.memory_space<vmem>>)
      %dma_start3A_36 = arith.constant 0 : i32
      %dma_start3A_37 = arith.constant 0 : i32
      %dma_start3A_38 = tpu.memref_slice %arg8[%dma_start3A_36, %dma_start3A_37] : memref<8x128xi32, #tpu.memory_space<vmem>> -> memref<1x128xi32, #tpu.memory_space<vmem>>
      %dma_start3A_39 = tpu.memref_squeeze %dma_start3A_38 : memref<1x128xi32, #tpu.memory_space<vmem>> -> memref<128xi32, #tpu.memory_space<vmem>>
      %dma_start3A_40 = arith.constant 0 : i32
      %dma_start3A_41 = arith.constant 0 : i32
      %dma_start3A_42 = tpu.memref_slice %arg11[%dma_start3A_40, %dma_start3A_41] : memref<10112x128xf32, #tpu.memory_space<vmem_shared>> -> memref<10112x128xf32, #tpu.memory_space<vmem_shared>>
      tpu.enqueue_indirect_dma source(%arg9 : memref<128x128xf32, #tpu.memory_space<vmem>>) target(%dma_start3A_42 : memref<10112x128xf32, #tpu.memory_space<vmem_shared>>) offsets(%dma_start3A_39 : memref<128xi32, #tpu.memory_space<vmem>>) semaphore(%arg14 : memref<!tpu.dma_semaphore, #tpu.memory_space<semaphore_mem>>) {add = true}
      %dma_start3A_43 = arith.constant 1 : i32
      %dma_start3A_44 = arith.constant 0 : i32
      %dma_start3A_45 = tpu.memref_slice %arg7[%dma_start3A_43, %dma_start3A_44] : memref<8x128xi32, #tpu.memory_space<vmem>> -> memref<1x128xi32, #tpu.memory_space<vmem>>
      %dma_start3A_46 = tpu.memref_squeeze %dma_start3A_45 : memref<1x128xi32, #tpu.memory_space<vmem>> -> memref<128xi32, #tpu.memory_space<vmem>>
      %dma_start3A_47 = arith.constant 0 : i32
      %dma_start3A_48 = arith.constant 0 : i32
      %dma_start3A_49 = tpu.memref_slice %arg2[%dma_start3A_47, %dma_start3A_48] : memref<10000x128xf32, #tpu.memory_space<hbm>> -> memref<10000x128xf32, #tpu.memory_space<hbm>>
      tpu.enqueue_indirect_dma source(%dma_start3A_49 : memref<10000x128xf32, #tpu.memory_space<hbm>>) target(%arg10 : memref<128x128xf32, #tpu.memory_space<vmem>>) offsets(%dma_start3A_46 : memref<128xi32, #tpu.memory_space<vmem>>) semaphore(%arg13 : memref<!tpu.dma_semaphore, #tpu.memory_space<semaphore_mem>>)
      %dma_wait3A_50 = arith.constant 1 : i32
      %dma_wait3A_51 = arith.constant 0 : i32
      %dma_wait3A_52 = tpu.memref_slice %arg7[%dma_wait3A_50, %dma_wait3A_51] : memref<8x128xi32, #tpu.memory_space<vmem>> -> memref<1x128xi32, #tpu.memory_space<vmem>>
      %dma_wait3A_53 = tpu.memref_squeeze %dma_wait3A_52 : memref<1x128xi32, #tpu.memory_space<vmem>> -> memref<128xi32, #tpu.memory_space<vmem>>
      %dma_wait3A_54 = arith.constant 0 : i32
      %dma_wait3A_55 = arith.constant 0 : i32
      %dma_wait3A_56 = tpu.memref_slice %arg2[%dma_wait3A_54, %dma_wait3A_55] : memref<10000x128xf32, #tpu.memory_space<hbm>> -> memref<10000x128xf32, #tpu.memory_space<hbm>>
      tpu.wait_indirect_dma semaphore(%arg13 : memref<!tpu.dma_semaphore, #tpu.memory_space<semaphore_mem>>) src(%dma_wait3A_56 : memref<10000x128xf32, #tpu.memory_space<hbm>>) dst(%arg10 : memref<128x128xf32, #tpu.memory_space<vmem>>)
      %dma_start3A_57 = arith.constant 1 : i32
      %dma_start3A_58 = arith.constant 0 : i32
      %dma_start3A_59 = tpu.memref_slice %arg8[%dma_start3A_57, %dma_start3A_58] : memref<8x128xi32, #tpu.memory_space<vmem>> -> memref<1x128xi32, #tpu.memory_space<vmem>>
      %dma_start3A_60 = tpu.memref_squeeze %dma_start3A_59 : memref<1x128xi32, #tpu.memory_space<vmem>> -> memref<128xi32, #tpu.memory_space<vmem>>
      %dma_start3A_61 = arith.constant 0 : i32
      %dma_start3A_62 = arith.constant 0 : i32
      %dma_start3A_63 = tpu.memref_slice %arg11[%dma_start3A_61, %dma_start3A_62] : memref<10112x128xf32, #tpu.memory_space<vmem_shared>> -> memref<10112x128xf32, #tpu.memory_space<vmem_shared>>
      tpu.enqueue_indirect_dma source(%arg10 : memref<128x128xf32, #tpu.memory_space<vmem>>) target(%dma_start3A_63 : memref<10112x128xf32, #tpu.memory_space<vmem_shared>>) offsets(%dma_start3A_60 : memref<128xi32, #tpu.memory_space<vmem>>) semaphore(%arg15 : memref<!tpu.dma_semaphore, #tpu.memory_space<semaphore_mem>>) {add = true}
      %dma_wait3A_64 = arith.constant 0 : i32
      %dma_wait3A_65 = arith.constant 0 : i32
      %dma_wait3A_66 = tpu.memref_slice %arg8[%dma_wait3A_64, %dma_wait3A_65] : memref<8x128xi32, #tpu.memory_space<vmem>> -> memref<1x128xi32, #tpu.memory_space<vmem>>
      %dma_wait3A_67 = tpu.memref_squeeze %dma_wait3A_66 : memref<1x128xi32, #tpu.memory_space<vmem>> -> memref<128xi32, #tpu.memory_space<vmem>>
      %dma_wait3A_68 = arith.constant 0 : i32
      %dma_wait3A_69 = arith.constant 0 : i32
      %dma_wait3A_70 = tpu.memref_slice %arg11[%dma_wait3A_68, %dma_wait3A_69] : memref<10112x128xf32, #tpu.memory_space<vmem_shared>> -> memref<10112x128xf32, #tpu.memory_space<vmem_shared>>
      tpu.wait_indirect_dma semaphore(%arg14 : memref<!tpu.dma_semaphore, #tpu.memory_space<semaphore_mem>>) src(%arg9 : memref<128x128xf32, #tpu.memory_space<vmem>>) dst(%dma_wait3A_70 : memref<10112x128xf32, #tpu.memory_space<vmem_shared>>)
      %dma_start3A_71 = arith.constant 2 : i32
      %dma_start3A_72 = arith.constant 0 : i32
      %dma_start3A_73 = tpu.memref_slice %arg7[%dma_start3A_71, %dma_start3A_72] : memref<8x128xi32, #tpu.memory_space<vmem>> -> memref<1x128xi32, #tpu.memory_space<vmem>>
      %dma_start3A_74 = tpu.memref_squeeze %dma_start3A_73 : memref<1x128xi32, #tpu.memory_space<vmem>> -> memref<128xi32, #tpu.memory_space<vmem>>
      %dma_start3A_75 = arith.constant 0 : i32
      %dma_start3A_76 = arith.constant 0 : i32
      %dma_start3A_77 = tpu.memref_slice %arg2[%dma_start3A_75, %dma_start3A_76] : memref<10000x128xf32, #tpu.memory_space<hbm>> -> memref<10000x128xf32, #tpu.memory_space<hbm>>
      tpu.enqueue_indirect_dma source(%dma_start3A_77 : memref<10000x128xf32, #tpu.memory_space<hbm>>) target(%arg9 : memref<128x128xf32, #tpu.memory_space<vmem>>) offsets(%dma_start3A_74 : memref<128xi32, #tpu.memory_space<vmem>>) semaphore(%arg12 : memref<!tpu.dma_semaphore, #tpu.memory_space<semaphore_mem>>)
      %dma_wait3A_78 = arith.constant 2 : i32
      %dma_wait3A_79 = arith.constant 0 : i32
      %dma_wait3A_80 = tpu.memref_slice %arg7[%dma_wait3A_78, %dma_wait3A_79] : memref<8x128xi32, #tpu.memory_space<vmem>> -> memref<1x128xi32, #tpu.memory_space<vmem>>
      %dma_wait3A_81 = tpu.memref_squeeze %dma_wait3A_80 : memref<1x128xi32, #tpu.memory_space<vmem>> -> memref<128xi32, #tpu.memory_space<vmem>>
      %dma_wait3A_82 = arith.constant 0 : i32
      %dma_wait3A_83 = arith.constant 0 : i32
      %dma_wait3A_84 = tpu.memref_slice %arg2[%dma_wait3A_82, %dma_wait3A_83] : memref<10000x128xf32, #tpu.memory_space<hbm>> -> memref<10000x128xf32, #tpu.memory_space<hbm>>
      tpu.wait_indirect_dma semaphore(%arg12 : memref<!tpu.dma_semaphore, #tpu.memory_space<semaphore_mem>>) src(%dma_wait3A_84 : memref<10000x128xf32, #tpu.memory_space<hbm>>) dst(%arg9 : memref<128x128xf32, #tpu.memory_space<vmem>>)
      %dma_start3A_85 = arith.constant 2 : i32
      %dma_start3A_86 = arith.constant 0 : i32
      %dma_start3A_87 = tpu.memref_slice %arg8[%dma_start3A_85, %dma_start3A_86] : memref<8x128xi32, #tpu.memory_space<vmem>> -> memref<1x128xi32, #tpu.memory_space<vmem>>
      %dma_start3A_88 = tpu.memref_squeeze %dma_start3A_87 : memref<1x128xi32, #tpu.memory_space<vmem>> -> memref<128xi32, #tpu.memory_space<vmem>>
      %dma_start3A_89 = arith.constant 0 : i32
      %dma_start3A_90 = arith.constant 0 : i32
      %dma_start3A_91 = tpu.memref_slice %arg11[%dma_start3A_89, %dma_start3A_90] : memref<10112x128xf32, #tpu.memory_space<vmem_shared>> -> memref<10112x128xf32, #tpu.memory_space<vmem_shared>>
      tpu.enqueue_indirect_dma source(%arg9 : memref<128x128xf32, #tpu.memory_space<vmem>>) target(%dma_start3A_91 : memref<10112x128xf32, #tpu.memory_space<vmem_shared>>) offsets(%dma_start3A_88 : memref<128xi32, #tpu.memory_space<vmem>>) semaphore(%arg14 : memref<!tpu.dma_semaphore, #tpu.memory_space<semaphore_mem>>) {add = true}
      %dma_wait3A_92 = arith.constant 1 : i32
      %dma_wait3A_93 = arith.constant 0 : i32
      %dma_wait3A_94 = tpu.memref_slice %arg8[%dma_wait3A_92, %dma_wait3A_93] : memref<8x128xi32, #tpu.memory_space<vmem>> -> memref<1x128xi32, #tpu.memory_space<vmem>>
      %dma_wait3A_95 = tpu.memref_squeeze %dma_wait3A_94 : memref<1x128xi32, #tpu.memory_space<vmem>> -> memref<128xi32, #tpu.memory_space<vmem>>
      %dma_wait3A_96 = arith.constant 0 : i32
      %dma_wait3A_97 = arith.constant 0 : i32
      %dma_wait3A_98 = tpu.memref_slice %arg11[%dma_wait3A_96, %dma_wait3A_97] : memref<10112x128xf32, #tpu.memory_space<vmem_shared>> -> memref<10112x128xf32, #tpu.memory_space<vmem_shared>>
      tpu.wait_indirect_dma semaphore(%arg15 : memref<!tpu.dma_semaphore, #tpu.memory_space<semaphore_mem>>) src(%arg10 : memref<128x128xf32, #tpu.memory_space<vmem>>) dst(%dma_wait3A_98 : memref<10112x128xf32, #tpu.memory_space<vmem_shared>>)
      %dma_start3A_99 = arith.constant 3 : i32
      %dma_start3A_100 = arith.constant 0 : i32
      %dma_start3A_101 = tpu.memref_slice %arg7[%dma_start3A_99, %dma_start3A_100] : memref<8x128xi32, #tpu.memory_space<vmem>> -> memref<1x128xi32, #tpu.memory_space<vmem>>
      %dma_start3A_102 = tpu.memref_squeeze %dma_start3A_101 : memref<1x128xi32, #tpu.memory_space<vmem>> -> memref<128xi32, #tpu.memory_space<vmem>>
      %dma_start3A_103 = arith.constant 0 : i32
      %dma_start3A_104 = arith.constant 0 : i32
      %dma_start3A_105 = tpu.memref_slice %arg2[%dma_start3A_103, %dma_start3A_104] : memref<10000x128xf32, #tpu.memory_space<hbm>> -> memref<10000x128xf32, #tpu.memory_space<hbm>>
      tpu.enqueue_indirect_dma source(%dma_start3A_105 : memref<10000x128xf32, #tpu.memory_space<hbm>>) target(%arg10 : memref<128x128xf32, #tpu.memory_space<vmem>>) offsets(%dma_start3A_102 : memref<128xi32, #tpu.memory_space<vmem>>) semaphore(%arg13 : memref<!tpu.dma_semaphore, #tpu.memory_space<semaphore_mem>>)
      %dma_wait3A_106 = arith.constant 3 : i32
      %dma_wait3A_107 = arith.constant 0 : i32
      %dma_wait3A_108 = tpu.memref_slice %arg7[%dma_wait3A_106, %dma_wait3A_107] : memref<8x128xi32, #tpu.memory_space<vmem>> -> memref<1x128xi32, #tpu.memory_space<vmem>>
      %dma_wait3A_109 = tpu.memref_squeeze %dma_wait3A_108 : memref<1x128xi32, #tpu.memory_space<vmem>> -> memref<128xi32, #tpu.memory_space<vmem>>
      %dma_wait3A_110 = arith.constant 0 : i32
      %dma_wait3A_111 = arith.constant 0 : i32
      %dma_wait3A_112 = tpu.memref_slice %arg2[%dma_wait3A_110, %dma_wait3A_111] : memref<10000x128xf32, #tpu.memory_space<hbm>> -> memref<10000x128xf32, #tpu.memory_space<hbm>>
      tpu.wait_indirect_dma semaphore(%arg13 : memref<!tpu.dma_semaphore, #tpu.memory_space<semaphore_mem>>) src(%dma_wait3A_112 : memref<10000x128xf32, #tpu.memory_space<hbm>>) dst(%arg10 : memref<128x128xf32, #tpu.memory_space<vmem>>)
      %dma_start3A_113 = arith.constant 3 : i32
      %dma_start3A_114 = arith.constant 0 : i32
      %dma_start3A_115 = tpu.memref_slice %arg8[%dma_start3A_113, %dma_start3A_114] : memref<8x128xi32, #tpu.memory_space<vmem>> -> memref<1x128xi32, #tpu.memory_space<vmem>>
      %dma_start3A_116 = tpu.memref_squeeze %dma_start3A_115 : memref<1x128xi32, #tpu.memory_space<vmem>> -> memref<128xi32, #tpu.memory_space<vmem>>
      %dma_start3A_117 = arith.constant 0 : i32
      %dma_start3A_118 = arith.constant 0 : i32
      %dma_start3A_119 = tpu.memref_slice %arg11[%dma_start3A_117, %dma_start3A_118] : memref<10112x128xf32, #tpu.memory_space<vmem_shared>> -> memref<10112x128xf32, #tpu.memory_space<vmem_shared>>
      tpu.enqueue_indirect_dma source(%arg10 : memref<128x128xf32, #tpu.memory_space<vmem>>) target(%dma_start3A_119 : memref<10112x128xf32, #tpu.memory_space<vmem_shared>>) offsets(%dma_start3A_116 : memref<128xi32, #tpu.memory_space<vmem>>) semaphore(%arg15 : memref<!tpu.dma_semaphore, #tpu.memory_space<semaphore_mem>>) {add = true}
      %dma_wait3A_120 = arith.constant 2 : i32
      %dma_wait3A_121 = arith.constant 0 : i32
      %dma_wait3A_122 = tpu.memref_slice %arg8[%dma_wait3A_120, %dma_wait3A_121] : memref<8x128xi32, #tpu.memory_space<vmem>> -> memref<1x128xi32, #tpu.memory_space<vmem>>
      %dma_wait3A_123 = tpu.memref_squeeze %dma_wait3A_122 : memref<1x128xi32, #tpu.memory_space<vmem>> -> memref<128xi32, #tpu.memory_space<vmem>>
      %dma_wait3A_124 = arith.constant 0 : i32
      %dma_wait3A_125 = arith.constant 0 : i32
      %dma_wait3A_126 = tpu.memref_slice %arg11[%dma_wait3A_124, %dma_wait3A_125] : memref<10112x128xf32, #tpu.memory_space<vmem_shared>> -> memref<10112x128xf32, #tpu.memory_space<vmem_shared>>
      tpu.wait_indirect_dma semaphore(%arg14 : memref<!tpu.dma_semaphore, #tpu.memory_space<semaphore_mem>>) src(%arg9 : memref<128x128xf32, #tpu.memory_space<vmem>>) dst(%dma_wait3A_126 : memref<10112x128xf32, #tpu.memory_space<vmem_shared>>)
      %dma_start3A_127 = arith.constant 4 : i32
      %dma_start3A_128 = arith.constant 0 : i32
      %dma_start3A_129 = tpu.memref_slice %arg7[%dma_start3A_127, %dma_start3A_128] : memref<8x128xi32, #tpu.memory_space<vmem>> -> memref<1x128xi32, #tpu.memory_space<vmem>>
      %dma_start3A_130 = tpu.memref_squeeze %dma_start3A_129 : memref<1x128xi32, #tpu.memory_space<vmem>> -> memref<128xi32, #tpu.memory_space<vmem>>
      %dma_start3A_131 = arith.constant 0 : i32
      %dma_start3A_132 = arith.constant 0 : i32
      %dma_start3A_133 = tpu.memref_slice %arg2[%dma_start3A_131, %dma_start3A_132] : memref<10000x128xf32, #tpu.memory_space<hbm>> -> memref<10000x128xf32, #tpu.memory_space<hbm>>
      tpu.enqueue_indirect_dma source(%dma_start3A_133 : memref<10000x128xf32, #tpu.memory_space<hbm>>) target(%arg9 : memref<128x128xf32, #tpu.memory_space<vmem>>) offsets(%dma_start3A_130 : memref<128xi32, #tpu.memory_space<vmem>>) semaphore(%arg12 : memref<!tpu.dma_semaphore, #tpu.memory_space<semaphore_mem>>)
      %dma_wait3A_134 = arith.constant 4 : i32
      %dma_wait3A_135 = arith.constant 0 : i32
      %dma_wait3A_136 = tpu.memref_slice %arg7[%dma_wait3A_134, %dma_wait3A_135] : memref<8x128xi32, #tpu.memory_space<vmem>> -> memref<1x128xi32, #tpu.memory_space<vmem>>
      %dma_wait3A_137 = tpu.memref_squeeze %dma_wait3A_136 : memref<1x128xi32, #tpu.memory_space<vmem>> -> memref<128xi32, #tpu.memory_space<vmem>>
      %dma_wait3A_138 = arith.constant 0 : i32
      %dma_wait3A_139 = arith.constant 0 : i32
      %dma_wait3A_140 = tpu.memref_slice %arg2[%dma_wait3A_138, %dma_wait3A_139] : memref<10000x128xf32, #tpu.memory_space<hbm>> -> memref<10000x128xf32, #tpu.memory_space<hbm>>
      tpu.wait_indirect_dma semaphore(%arg12 : memref<!tpu.dma_semaphore, #tpu.memory_space<semaphore_mem>>) src(%dma_wait3A_140 : memref<10000x128xf32, #tpu.memory_space<hbm>>) dst(%arg9 : memref<128x128xf32, #tpu.memory_space<vmem>>)
      %dma_start3A_141 = arith.constant 4 : i32
      %dma_start3A_142 = arith.constant 0 : i32
      %dma_start3A_143 = tpu.memref_slice %arg8[%dma_start3A_141, %dma_start3A_142] : memref<8x128xi32, #tpu.memory_space<vmem>> -> memref<1x128xi32, #tpu.memory_space<vmem>>
      %dma_start3A_144 = tpu.memref_squeeze %dma_start3A_143 : memref<1x128xi32, #tpu.memory_space<vmem>> -> memref<128xi32, #tpu.memory_space<vmem>>
      %dma_start3A_145 = arith.constant 0 : i32
      %dma_start3A_146 = arith.constant 0 : i32
      %dma_start3A_147 = tpu.memref_slice %arg11[%dma_start3A_145, %dma_start3A_146] : memref<10112x128xf32, #tpu.memory_space<vmem_shared>> -> memref<10112x128xf32, #tpu.memory_space<vmem_shared>>
      tpu.enqueue_indirect_dma source(%arg9 : memref<128x128xf32, #tpu.memory_space<vmem>>) target(%dma_start3A_147 : memref<10112x128xf32, #tpu.memory_space<vmem_shared>>) offsets(%dma_start3A_144 : memref<128xi32, #tpu.memory_space<vmem>>) semaphore(%arg14 : memref<!tpu.dma_semaphore, #tpu.memory_space<semaphore_mem>>) {add = true}
      %dma_wait3A_148 = arith.constant 3 : i32
      %dma_wait3A_149 = arith.constant 0 : i32
      %dma_wait3A_150 = tpu.memref_slice %arg8[%dma_wait3A_148, %dma_wait3A_149] : memref<8x128xi32, #tpu.memory_space<vmem>> -> memref<1x128xi32, #tpu.memory_space<vmem>>
      %dma_wait3A_151 = tpu.memref_squeeze %dma_wait3A_150 : memref<1x128xi32, #tpu.memory_space<vmem>> -> memref<128xi32, #tpu.memory_space<vmem>>
      %dma_wait3A_152 = arith.constant 0 : i32
      %dma_wait3A_153 = arith.constant 0 : i32
      %dma_wait3A_154 = tpu.memref_slice %arg11[%dma_wait3A_152, %dma_wait3A_153] : memref<10112x128xf32, #tpu.memory_space<vmem_shared>> -> memref<10112x128xf32, #tpu.memory_space<vmem_shared>>
      tpu.wait_indirect_dma semaphore(%arg15 : memref<!tpu.dma_semaphore, #tpu.memory_space<semaphore_mem>>) src(%arg10 : memref<128x128xf32, #tpu.memory_space<vmem>>) dst(%dma_wait3A_154 : memref<10112x128xf32, #tpu.memory_space<vmem_shared>>)
      %dma_start3A_155 = arith.constant 5 : i32
      %dma_start3A_156 = arith.constant 0 : i32
      %dma_start3A_157 = tpu.memref_slice %arg7[%dma_start3A_155, %dma_start3A_156] : memref<8x128xi32, #tpu.memory_space<vmem>> -> memref<1x128xi32, #tpu.memory_space<vmem>>
      %dma_start3A_158 = tpu.memref_squeeze %dma_start3A_157 : memref<1x128xi32, #tpu.memory_space<vmem>> -> memref<128xi32, #tpu.memory_space<vmem>>
      %dma_start3A_159 = arith.constant 0 : i32
      %dma_start3A_160 = arith.constant 0 : i32
      %dma_start3A_161 = tpu.memref_slice %arg2[%dma_start3A_159, %dma_start3A_160] : memref<10000x128xf32, #tpu.memory_space<hbm>> -> memref<10000x128xf32, #tpu.memory_space<hbm>>
      tpu.enqueue_indirect_dma source(%dma_start3A_161 : memref<10000x128xf32, #tpu.memory_space<hbm>>) target(%arg10 : memref<128x128xf32, #tpu.memory_space<vmem>>) offsets(%dma_start3A_158 : memref<128xi32, #tpu.memory_space<vmem>>) semaphore(%arg13 : memref<!tpu.dma_semaphore, #tpu.memory_space<semaphore_mem>>)
      %dma_wait3A_162 = arith.constant 5 : i32
      %dma_wait3A_163 = arith.constant 0 : i32
      %dma_wait3A_164 = tpu.memref_slice %arg7[%dma_wait3A_162, %dma_wait3A_163] : memref<8x128xi32, #tpu.memory_space<vmem>> -> memref<1x128xi32, #tpu.memory_space<vmem>>
      %dma_wait3A_165 = tpu.memref_squeeze %dma_wait3A_164 : memref<1x128xi32, #tpu.memory_space<vmem>> -> memref<128xi32, #tpu.memory_space<vmem>>
      %dma_wait3A_166 = arith.constant 0 : i32
      %dma_wait3A_167 = arith.constant 0 : i32
      %dma_wait3A_168 = tpu.memref_slice %arg2[%dma_wait3A_166, %dma_wait3A_167] : memref<10000x128xf32, #tpu.memory_space<hbm>> -> memref<10000x128xf32, #tpu.memory_space<hbm>>
      tpu.wait_indirect_dma semaphore(%arg13 : memref<!tpu.dma_semaphore, #tpu.memory_space<semaphore_mem>>) src(%dma_wait3A_168 : memref<10000x128xf32, #tpu.memory_space<hbm>>) dst(%arg10 : memref<128x128xf32, #tpu.memory_space<vmem>>)
      %dma_start3A_169 = arith.constant 5 : i32
      %dma_start3A_170 = arith.constant 0 : i32
      %dma_start3A_171 = tpu.memref_slice %arg8[%dma_start3A_169, %dma_start3A_170] : memref<8x128xi32, #tpu.memory_space<vmem>> -> memref<1x128xi32, #tpu.memory_space<vmem>>
      %dma_start3A_172 = tpu.memref_squeeze %dma_start3A_171 : memref<1x128xi32, #tpu.memory_space<vmem>> -> memref<128xi32, #tpu.memory_space<vmem>>
      %dma_start3A_173 = arith.constant 0 : i32
      %dma_start3A_174 = arith.constant 0 : i32
      %dma_start3A_175 = tpu.memref_slice %arg11[%dma_start3A_173, %dma_start3A_174] : memref<10112x128xf32, #tpu.memory_space<vmem_shared>> -> memref<10112x128xf32, #tpu.memory_space<vmem_shared>>
      tpu.enqueue_indirect_dma source(%arg10 : memref<128x128xf32, #tpu.memory_space<vmem>>) target(%dma_start3A_175 : memref<10112x128xf32, #tpu.memory_space<vmem_shared>>) offsets(%dma_start3A_172 : memref<128xi32, #tpu.memory_space<vmem>>) semaphore(%arg15 : memref<!tpu.dma_semaphore, #tpu.memory_space<semaphore_mem>>) {add = true}
      %dma_wait3A_176 = arith.constant 4 : i32
      %dma_wait3A_177 = arith.constant 0 : i32
      %dma_wait3A_178 = tpu.memref_slice %arg8[%dma_wait3A_176, %dma_wait3A_177] : memref<8x128xi32, #tpu.memory_space<vmem>> -> memref<1x128xi32, #tpu.memory_space<vmem>>
      %dma_wait3A_179 = tpu.memref_squeeze %dma_wait3A_178 : memref<1x128xi32, #tpu.memory_space<vmem>> -> memref<128xi32, #tpu.memory_space<vmem>>
      %dma_wait3A_180 = arith.constant 0 : i32
      %dma_wait3A_181 = arith.constant 0 : i32
      %dma_wait3A_182 = tpu.memref_slice %arg11[%dma_wait3A_180, %dma_wait3A_181] : memref<10112x128xf32, #tpu.memory_space<vmem_shared>> -> memref<10112x128xf32, #tpu.memory_space<vmem_shared>>
      tpu.wait_indirect_dma semaphore(%arg14 : memref<!tpu.dma_semaphore, #tpu.memory_space<semaphore_mem>>) src(%arg9 : memref<128x128xf32, #tpu.memory_space<vmem>>) dst(%dma_wait3A_182 : memref<10112x128xf32, #tpu.memory_space<vmem_shared>>)
      %dma_start3A_183 = arith.constant 6 : i32
      %dma_start3A_184 = arith.constant 0 : i32
      %dma_start3A_185 = tpu.memref_slice %arg7[%dma_start3A_183, %dma_start3A_184] : memref<8x128xi32, #tpu.memory_space<vmem>> -> memref<1x128xi32, #tpu.memory_space<vmem>>
      %dma_start3A_186 = tpu.memref_squeeze %dma_start3A_185 : memref<1x128xi32, #tpu.memory_space<vmem>> -> memref<128xi32, #tpu.memory_space<vmem>>
      %dma_start3A_187 = arith.constant 0 : i32
      %dma_start3A_188 = arith.constant 0 : i32
      %dma_start3A_189 = tpu.memref_slice %arg2[%dma_start3A_187, %dma_start3A_188] : memref<10000x128xf32, #tpu.memory_space<hbm>> -> memref<10000x128xf32, #tpu.memory_space<hbm>>
      tpu.enqueue_indirect_dma source(%dma_start3A_189 : memref<10000x128xf32, #tpu.memory_space<hbm>>) target(%arg9 : memref<128x128xf32, #tpu.memory_space<vmem>>) offsets(%dma_start3A_186 : memref<128xi32, #tpu.memory_space<vmem>>) semaphore(%arg12 : memref<!tpu.dma_semaphore, #tpu.memory_space<semaphore_mem>>)
      %dma_wait3A_190 = arith.constant 6 : i32
      %dma_wait3A_191 = arith.constant 0 : i32
      %dma_wait3A_192 = tpu.memref_slice %arg7[%dma_wait3A_190, %dma_wait3A_191] : memref<8x128xi32, #tpu.memory_space<vmem>> -> memref<1x128xi32, #tpu.memory_space<vmem>>
      %dma_wait3A_193 = tpu.memref_squeeze %dma_wait3A_192 : memref<1x128xi32, #tpu.memory_space<vmem>> -> memref<128xi32, #tpu.memory_space<vmem>>
      %dma_wait3A_194 = arith.constant 0 : i32
      %dma_wait3A_195 = arith.constant 0 : i32
      %dma_wait3A_196 = tpu.memref_slice %arg2[%dma_wait3A_194, %dma_wait3A_195] : memref<10000x128xf32, #tpu.memory_space<hbm>> -> memref<10000x128xf32, #tpu.memory_space<hbm>>
      tpu.wait_indirect_dma semaphore(%arg12 : memref<!tpu.dma_semaphore, #tpu.memory_space<semaphore_mem>>) src(%dma_wait3A_196 : memref<10000x128xf32, #tpu.memory_space<hbm>>) dst(%arg9 : memref<128x128xf32, #tpu.memory_space<vmem>>)
      %dma_start3A_197 = arith.constant 6 : i32
      %dma_start3A_198 = arith.constant 0 : i32
      %dma_start3A_199 = tpu.memref_slice %arg8[%dma_start3A_197, %dma_start3A_198] : memref<8x128xi32, #tpu.memory_space<vmem>> -> memref<1x128xi32, #tpu.memory_space<vmem>>
      %dma_start3A_200 = tpu.memref_squeeze %dma_start3A_199 : memref<1x128xi32, #tpu.memory_space<vmem>> -> memref<128xi32, #tpu.memory_space<vmem>>
      %dma_start3A_201 = arith.constant 0 : i32
      %dma_start3A_202 = arith.constant 0 : i32
      %dma_start3A_203 = tpu.memref_slice %arg11[%dma_start3A_201, %dma_start3A_202] : memref<10112x128xf32, #tpu.memory_space<vmem_shared>> -> memref<10112x128xf32, #tpu.memory_space<vmem_shared>>
      tpu.enqueue_indirect_dma source(%arg9 : memref<128x128xf32, #tpu.memory_space<vmem>>) target(%dma_start3A_203 : memref<10112x128xf32, #tpu.memory_space<vmem_shared>>) offsets(%dma_start3A_200 : memref<128xi32, #tpu.memory_space<vmem>>) semaphore(%arg14 : memref<!tpu.dma_semaphore, #tpu.memory_space<semaphore_mem>>) {add = true}
      %dma_wait3A_204 = arith.constant 5 : i32
      %dma_wait3A_205 = arith.constant 0 : i32
      %dma_wait3A_206 = tpu.memref_slice %arg8[%dma_wait3A_204, %dma_wait3A_205] : memref<8x128xi32, #tpu.memory_space<vmem>> -> memref<1x128xi32, #tpu.memory_space<vmem>>
      %dma_wait3A_207 = tpu.memref_squeeze %dma_wait3A_206 : memref<1x128xi32, #tpu.memory_space<vmem>> -> memref<128xi32, #tpu.memory_space<vmem>>
      %dma_wait3A_208 = arith.constant 0 : i32
      %dma_wait3A_209 = arith.constant 0 : i32
      %dma_wait3A_210 = tpu.memref_slice %arg11[%dma_wait3A_208, %dma_wait3A_209] : memref<10112x128xf32, #tpu.memory_space<vmem_shared>> -> memref<10112x128xf32, #tpu.memory_space<vmem_shared>>
      tpu.wait_indirect_dma semaphore(%arg15 : memref<!tpu.dma_semaphore, #tpu.memory_space<semaphore_mem>>) src(%arg10 : memref<128x128xf32, #tpu.memory_space<vmem>>) dst(%dma_wait3A_210 : memref<10112x128xf32, #tpu.memory_space<vmem_shared>>)
      %dma_start3A_211 = arith.constant 7 : i32
      %dma_start3A_212 = arith.constant 0 : i32
      %dma_start3A_213 = tpu.memref_slice %arg7[%dma_start3A_211, %dma_start3A_212] : memref<8x128xi32, #tpu.memory_space<vmem>> -> memref<1x128xi32, #tpu.memory_space<vmem>>
      %dma_start3A_214 = tpu.memref_squeeze %dma_start3A_213 : memref<1x128xi32, #tpu.memory_space<vmem>> -> memref<128xi32, #tpu.memory_space<vmem>>
      %dma_start3A_215 = arith.constant 0 : i32
      %dma_start3A_216 = arith.constant 0 : i32
      %dma_start3A_217 = tpu.memref_slice %arg2[%dma_start3A_215, %dma_start3A_216] : memref<10000x128xf32, #tpu.memory_space<hbm>> -> memref<10000x128xf32, #tpu.memory_space<hbm>>
      tpu.enqueue_indirect_dma source(%dma_start3A_217 : memref<10000x128xf32, #tpu.memory_space<hbm>>) target(%arg10 : memref<128x128xf32, #tpu.memory_space<vmem>>) offsets(%dma_start3A_214 : memref<128xi32, #tpu.memory_space<vmem>>) semaphore(%arg13 : memref<!tpu.dma_semaphore, #tpu.memory_space<semaphore_mem>>)
      %dma_wait3A_218 = arith.constant 7 : i32
      %dma_wait3A_219 = arith.constant 0 : i32
      %dma_wait3A_220 = tpu.memref_slice %arg7[%dma_wait3A_218, %dma_wait3A_219] : memref<8x128xi32, #tpu.memory_space<vmem>> -> memref<1x128xi32, #tpu.memory_space<vmem>>
      %dma_wait3A_221 = tpu.memref_squeeze %dma_wait3A_220 : memref<1x128xi32, #tpu.memory_space<vmem>> -> memref<128xi32, #tpu.memory_space<vmem>>
      %dma_wait3A_222 = arith.constant 0 : i32
      %dma_wait3A_223 = arith.constant 0 : i32
      %dma_wait3A_224 = tpu.memref_slice %arg2[%dma_wait3A_222, %dma_wait3A_223] : memref<10000x128xf32, #tpu.memory_space<hbm>> -> memref<10000x128xf32, #tpu.memory_space<hbm>>
      tpu.wait_indirect_dma semaphore(%arg13 : memref<!tpu.dma_semaphore, #tpu.memory_space<semaphore_mem>>) src(%dma_wait3A_224 : memref<10000x128xf32, #tpu.memory_space<hbm>>) dst(%arg10 : memref<128x128xf32, #tpu.memory_space<vmem>>)
      %dma_start3A_225 = arith.constant 7 : i32
      %dma_start3A_226 = arith.constant 0 : i32
      %dma_start3A_227 = tpu.memref_slice %arg8[%dma_start3A_225, %dma_start3A_226] : memref<8x128xi32, #tpu.memory_space<vmem>> -> memref<1x128xi32, #tpu.memory_space<vmem>>
      %dma_start3A_228 = tpu.memref_squeeze %dma_start3A_227 : memref<1x128xi32, #tpu.memory_space<vmem>> -> memref<128xi32, #tpu.memory_space<vmem>>
      %dma_start3A_229 = arith.constant 0 : i32
      %dma_start3A_230 = arith.constant 0 : i32
      %dma_start3A_231 = tpu.memref_slice %arg11[%dma_start3A_229, %dma_start3A_230] : memref<10112x128xf32, #tpu.memory_space<vmem_shared>> -> memref<10112x128xf32, #tpu.memory_space<vmem_shared>>
      tpu.enqueue_indirect_dma source(%arg10 : memref<128x128xf32, #tpu.memory_space<vmem>>) target(%dma_start3A_231 : memref<10112x128xf32, #tpu.memory_space<vmem_shared>>) offsets(%dma_start3A_228 : memref<128xi32, #tpu.memory_space<vmem>>) semaphore(%arg15 : memref<!tpu.dma_semaphore, #tpu.memory_space<semaphore_mem>>) {add = true}
      %dma_wait3A_232 = arith.constant 6 : i32
      %dma_wait3A_233 = arith.constant 0 : i32
      %dma_wait3A_234 = tpu.memref_slice %arg8[%dma_wait3A_232, %dma_wait3A_233] : memref<8x128xi32, #tpu.memory_space<vmem>> -> memref<1x128xi32, #tpu.memory_space<vmem>>
      %dma_wait3A_235 = tpu.memref_squeeze %dma_wait3A_234 : memref<1x128xi32, #tpu.memory_space<vmem>> -> memref<128xi32, #tpu.memory_space<vmem>>
      %dma_wait3A_236 = arith.constant 0 : i32
      %dma_wait3A_237 = arith.constant 0 : i32
      %dma_wait3A_238 = tpu.memref_slice %arg11[%dma_wait3A_236, %dma_wait3A_237] : memref<10112x128xf32, #tpu.memory_space<vmem_shared>> -> memref<10112x128xf32, #tpu.memory_space<vmem_shared>>
      tpu.wait_indirect_dma semaphore(%arg14 : memref<!tpu.dma_semaphore, #tpu.memory_space<semaphore_mem>>) src(%arg9 : memref<128x128xf32, #tpu.memory_space<vmem>>) dst(%dma_wait3A_238 : memref<10112x128xf32, #tpu.memory_space<vmem_shared>>)
      %dma_wait3A_239 = arith.constant 7 : i32
      %dma_wait3A_240 = arith.constant 0 : i32
      %dma_wait3A_241 = tpu.memref_slice %arg8[%dma_wait3A_239, %dma_wait3A_240] : memref<8x128xi32, #tpu.memory_space<vmem>> -> memref<1x128xi32, #tpu.memory_space<vmem>>
      %dma_wait3A_242 = tpu.memref_squeeze %dma_wait3A_241 : memref<1x128xi32, #tpu.memory_space<vmem>> -> memref<128xi32, #tpu.memory_space<vmem>>
      %dma_wait3A_243 = arith.constant 0 : i32
      %dma_wait3A_244 = arith.constant 0 : i32
      %dma_wait3A_245 = tpu.memref_slice %arg11[%dma_wait3A_243, %dma_wait3A_244] : memref<10112x128xf32, #tpu.memory_space<vmem_shared>> -> memref<10112x128xf32, #tpu.memory_space<vmem_shared>>
      tpu.wait_indirect_dma semaphore(%arg15 : memref<!tpu.dma_semaphore, #tpu.memory_space<semaphore_mem>>) src(%arg10 : memref<128x128xf32, #tpu.memory_space<vmem>>) dst(%dma_wait3A_245 : memref<10112x128xf32, #tpu.memory_space<vmem_shared>>)
    }
    %scan3A_11 = arith.constant 10 : i32
    %barrier3A_12 = arith.constant 0 : index
    tpu.barrier barrier_id(%barrier3A_12)
    %mul3A_13 = arith.constant 632 : i32
    %mul3A_14 = arith.muli %arg1, %mul3A_13 : i32
    %mul3A_15 = arith.constant 632 : i32
    %mul3A_16 = arith.muli %arg1, %mul3A_15 : i32
    "tpu.region"() ({
      %run_scoped3A = tpu.sem_alloc : memref<!tpu.dma_semaphore, #tpu.memory_space<semaphore_mem>>
      %dma_start3A = arith.constant 0 : i32
      %dma_start3A_17 = tpu.memref_slice %arg6[%arg0, %mul3A_16, %dma_start3A] : memref<2x10112x128xf32, #tpu.memory_space<hbm>> -> memref<1x632x128xf32, #tpu.memory_space<hbm>>
      %dma_start3A_18 = tpu.memref_squeeze %dma_start3A_17 : memref<1x632x128xf32, #tpu.memory_space<hbm>> -> memref<632x128xf32, #tpu.memory_space<hbm>>
      %dma_start3A_19 = arith.constant 0 : i32
      %dma_start3A_20 = tpu.memref_slice %arg11[%mul3A_14, %dma_start3A_19] : memref<10112x128xf32, #tpu.memory_space<vmem_shared>> -> memref<632x128xf32, #tpu.memory_space<vmem_shared>>
      tpu.enqueue_dma source(%dma_start3A_20 : memref<632x128xf32, #tpu.memory_space<vmem_shared>>) target(%dma_start3A_18 : memref<632x128xf32, #tpu.memory_space<hbm>>) target_semaphore(%run_scoped3A : memref<!tpu.dma_semaphore, #tpu.memory_space<semaphore_mem>>)
      %dma_wait3A = arith.constant 0 : i32
      %dma_wait3A_21 = tpu.memref_slice %arg6[%arg0, %mul3A_16, %dma_wait3A] : memref<2x10112x128xf32, #tpu.memory_space<hbm>> -> memref<1x632x128xf32, #tpu.memory_space<hbm>>
      %dma_wait3A_22 = tpu.memref_squeeze %dma_wait3A_21 : memref<1x632x128xf32, #tpu.memory_space<hbm>> -> memref<632x128xf32, #tpu.memory_space<hbm>>
      %dma_wait3A_23 = arith.constant 0 : i32
      %dma_wait3A_24 = tpu.memref_slice %arg11[%mul3A_14, %dma_wait3A_23] : memref<10112x128xf32, #tpu.memory_space<vmem_shared>> -> memref<632x128xf32, #tpu.memory_space<vmem_shared>>
      tpu.wait_dma2 semaphore(%run_scoped3A : memref<!tpu.dma_semaphore, #tpu.memory_space<semaphore_mem>>) src(%dma_wait3A_24 : memref<632x128xf32, #tpu.memory_space<vmem_shared>>) dst(%dma_wait3A_22 : memref<632x128xf32, #tpu.memory_space<hbm>>)
      tpu.yield
    }) : () -> ()
    return
  }
}

#map = affine_map<(d0, d1) -> (0, 0)>
#map1 = affine_map<(d0, d1) -> (0, 0, 0)>
module attributes {stable_mosaic.version = 14 : i64} {
  func.func @k(%arg0: i32, %arg1: i32, %arg2: memref<20000x128xf32, #tpu.memory_space<hbm>>, %arg3: memref<5120x128xi32, #tpu.memory_space<hbm>>, %arg4: memref<2560x128xi32, #tpu.memory_space<hbm>>, %arg5: memref<632x128xf32, #tpu.memory_space<hbm>>, %arg6: memref<2x10112x128xf32, #tpu.memory_space<hbm>>, %arg7: memref<8x128xi32, #tpu.memory_space<vmem>>, %arg8: memref<8x128xi32, #tpu.memory_space<vmem>>, %arg9: memref<128x128xf32, #tpu.memory_space<vmem>>, %arg10: memref<128x128xf32, #tpu.memory_space<vmem>>, %arg11: memref<10112x128xf32, #tpu.memory_space<vmem_shared>>, %arg12: memref<!tpu.dma_semaphore, #tpu.memory_space<semaphore_mem>>, %arg13: memref<!tpu.dma_semaphore, #tpu.memory_space<semaphore_mem>>, %arg14: memref<!tpu.dma_semaphore, #tpu.memory_space<semaphore_mem>>, %arg15: memref<!tpu.dma_semaphore, #tpu.memory_space<semaphore_mem>>) attributes {dimension_semantics = [#tpu.dimension_semantics<core_parallel>, #tpu.dimension_semantics<subcore_parallel>], iteration_bounds = array<i64: 2, 16>, scalar_prefetch = 0 : i64, scratch_operands = 9 : i64, tpu.core_type = #tpu.core_type<sc_vector_subcore>, window_params = [{transform_indices = #map}, {transform_indices = #map}, {transform_indices = #map}, {transform_indices = #map}, {transform_indices = #map1}]} {
    %mul3A = arith.constant 2560 : i32
    %mul3A_0 = arith.muli %arg0, %mul3A : i32
    %mul3A_1 = arith.constant 160 : i32
    %mul3A_2 = arith.muli %arg1, %mul3A_1 : i32
    %add3A = arith.addi %mul3A_0, %mul3A_2 : i32
    %mul3A_3 = arith.constant 160 : i32
    %mul3A_4 = arith.muli %arg1, %mul3A_3 : i32
    %mul3A_5 = arith.constant 632 : i32
    %mul3A_6 = arith.muli %arg1, %mul3A_5 : i32
    "tpu.region"() ({
      %run_scoped3A = tpu.sem_alloc : memref<!tpu.dma_semaphore, #tpu.memory_space<semaphore_mem>>
      %dma_start3A = arith.constant 0 : i32
      %dma_start3A_17 = tpu.memref_slice %arg11[%mul3A_6, %dma_start3A] : memref<10112x128xf32, #tpu.memory_space<vmem_shared>> -> memref<632x128xf32, #tpu.memory_space<vmem_shared>>
      tpu.enqueue_dma source(%arg5 : memref<632x128xf32, #tpu.memory_space<hbm>>) target(%dma_start3A_17 : memref<632x128xf32, #tpu.memory_space<vmem_shared>>) target_semaphore(%run_scoped3A : memref<!tpu.dma_semaphore, #tpu.memory_space<semaphore_mem>>)
      %dma_wait3A = arith.constant 0 : i32
      %dma_wait3A_18 = tpu.memref_slice %arg11[%mul3A_6, %dma_wait3A] : memref<10112x128xf32, #tpu.memory_space<vmem_shared>> -> memref<632x128xf32, #tpu.memory_space<vmem_shared>>
      tpu.wait_dma2 semaphore(%run_scoped3A : memref<!tpu.dma_semaphore, #tpu.memory_space<semaphore_mem>>) src(%arg5 : memref<632x128xf32, #tpu.memory_space<hbm>>) dst(%dma_wait3A_18 : memref<632x128xf32, #tpu.memory_space<vmem_shared>>)
      tpu.yield
    }) : () -> ()
    %barrier3A = arith.constant 0 : index
    tpu.barrier barrier_id(%barrier3A)
    %scan3A = arith.constant 0 : i32
    %scan3A_7 = arith.constant 0 : i32
    %scan3A_8 = arith.constant 20 : i32
    %scan3A_9 = arith.addi %scan3A_7, %scan3A_8 : i32
    %scan3A_10 = arith.constant 1 : i32
    scf.for %scan3A_17 = %scan3A_7 to %scan3A_9 step %scan3A_10  : i32 {
      %mul3A_18 = arith.constant 8 : i32
      %mul3A_19 = arith.muli %scan3A_17, %mul3A_18 : i32
      %add3A_20 = arith.addi %add3A, %mul3A_19 : i32
      "tpu.region"() ({
        %run_scoped3A = tpu.sem_alloc : memref<!tpu.dma_semaphore, #tpu.memory_space<semaphore_mem>>
        %dma_start3A_246 = arith.constant 0 : i32
        %dma_start3A_247 = tpu.memref_slice %arg3[%add3A_20, %dma_start3A_246] : memref<5120x128xi32, #tpu.memory_space<hbm>> -> memref<8x128xi32, #tpu.memory_space<hbm>>
        %dma_start3A_248 = arith.constant 0 : i32
        %dma_start3A_249 = tpu.memref_slice %arg3[%add3A_20, %dma_start3A_248] : memref<5120x128xi32, #tpu.memory_space<hbm>> -> memref<8x128xi32, #tpu.memory_space<hbm>>
        tpu.enqueue_dma source(%dma_start3A_249 : memref<8x128xi32, #tpu.memory_space<hbm>>) target(%arg7 : memref<8x128xi32, #tpu.memory_space<vmem>>) target_semaphore(%run_scoped3A : memref<!tpu.dma_semaphore, #tpu.memory_space<semaphore_mem>>)
        %dma_wait3A_250 = arith.constant 0 : i32
        %dma_wait3A_251 = tpu.memref_slice %arg3[%add3A_20, %dma_wait3A_250] : memref<5120x128xi32, #tpu.memory_space<hbm>> -> memref<8x128xi32, #tpu.memory_space<hbm>>
        %dma_wait3A_252 = arith.constant 0 : i32
        %dma_wait3A_253 = tpu.memref_slice %arg3[%add3A_20, %dma_wait3A_252] : memref<5120x128xi32, #tpu.memory_space<hbm>> -> memref<8x128xi32, #tpu.memory_space<hbm>>
        tpu.wait_dma2 semaphore(%run_scoped3A : memref<!tpu.dma_semaphore, #tpu.memory_space<semaphore_mem>>) src(%dma_wait3A_253 : memref<8x128xi32, #tpu.memory_space<hbm>>) dst(%arg7 : memref<8x128xi32, #tpu.memory_space<vmem>>)
        tpu.yield
      }) : () -> ()
      %mul3A_21 = arith.constant 8 : i32
      %mul3A_22 = arith.muli %scan3A_17, %mul3A_21 : i32
      %add3A_23 = arith.addi %mul3A_4, %mul3A_22 : i32
      "tpu.region"() ({
        %run_scoped3A = tpu.sem_alloc : memref<!tpu.dma_semaphore, #tpu.memory_space<semaphore_mem>>
        %dma_start3A_246 = arith.constant 0 : i32
        %dma_start3A_247 = tpu.memref_slice %arg4[%add3A_23, %dma_start3A_246] : memref<2560x128xi32, #tpu.memory_space<hbm>> -> memref<8x128xi32, #tpu.memory_space<hbm>>
        %dma_start3A_248 = arith.constant 0 : i32
        %dma_start3A_249 = tpu.memref_slice %arg4[%add3A_23, %dma_start3A_248] : memref<2560x128xi32, #tpu.memory_space<hbm>> -> memref<8x128xi32, #tpu.memory_space<hbm>>
        tpu.enqueue_dma source(%dma_start3A_249 : memref<8x128xi32, #tpu.memory_space<hbm>>) target(%arg8 : memref<8x128xi32, #tpu.memory_space<vmem>>) target_semaphore(%run_scoped3A : memref<!tpu.dma_semaphore, #tpu.memory_space<semaphore_mem>>)
        %dma_wait3A_250 = arith.constant 0 : i32
        %dma_wait3A_251 = tpu.memref_slice %arg4[%add3A_23, %dma_wait3A_250] : memref<2560x128xi32, #tpu.memory_space<hbm>> -> memref<8x128xi32, #tpu.memory_space<hbm>>
        %dma_wait3A_252 = arith.constant 0 : i32
        %dma_wait3A_253 = tpu.memref_slice %arg4[%add3A_23, %dma_wait3A_252] : memref<2560x128xi32, #tpu.memory_space<hbm>> -> memref<8x128xi32, #tpu.memory_space<hbm>>
        tpu.wait_dma2 semaphore(%run_scoped3A : memref<!tpu.dma_semaphore, #tpu.memory_space<semaphore_mem>>) src(%dma_wait3A_253 : memref<8x128xi32, #tpu.memory_space<hbm>>) dst(%arg8 : memref<8x128xi32, #tpu.memory_space<vmem>>)
        tpu.yield
      }) : () -> ()
      %dma_start3A = arith.constant 0 : i32
      %dma_start3A_24 = arith.constant 0 : i32
      %dma_start3A_25 = tpu.memref_slice %arg7[%dma_start3A, %dma_start3A_24] : memref<8x128xi32, #tpu.memory_space<vmem>> -> memref<1x128xi32, #tpu.memory_space<vmem>>
      %dma_start3A_26 = tpu.memref_squeeze %dma_start3A_25 : memref<1x128xi32, #tpu.memory_space<vmem>> -> memref<128xi32, #tpu.memory_space<vmem>>
      %dma_start3A_27 = arith.constant 0 : i32
      %dma_start3A_28 = arith.constant 0 : i32
      %dma_start3A_29 = tpu.memref_slice %arg2[%dma_start3A_27, %dma_start3A_28] : memref<20000x128xf32, #tpu.memory_space<hbm>> -> memref<20000x128xf32, #tpu.memory_space<hbm>>
      tpu.enqueue_indirect_dma source(%dma_start3A_29 : memref<20000x128xf32, #tpu.memory_space<hbm>>) target(%arg9 : memref<128x128xf32, #tpu.memory_space<vmem>>) offsets(%dma_start3A_26 : memref<128xi32, #tpu.memory_space<vmem>>) semaphore(%arg12 : memref<!tpu.dma_semaphore, #tpu.memory_space<semaphore_mem>>)
      %dma_wait3A = arith.constant 0 : i32
      %dma_wait3A_30 = arith.constant 0 : i32
      %dma_wait3A_31 = tpu.memref_slice %arg7[%dma_wait3A, %dma_wait3A_30] : memref<8x128xi32, #tpu.memory_space<vmem>> -> memref<1x128xi32, #tpu.memory_space<vmem>>
      %dma_wait3A_32 = tpu.memref_squeeze %dma_wait3A_31 : memref<1x128xi32, #tpu.memory_space<vmem>> -> memref<128xi32, #tpu.memory_space<vmem>>
      %dma_wait3A_33 = arith.constant 0 : i32
      %dma_wait3A_34 = arith.constant 0 : i32
      %dma_wait3A_35 = tpu.memref_slice %arg2[%dma_wait3A_33, %dma_wait3A_34] : memref<20000x128xf32, #tpu.memory_space<hbm>> -> memref<20000x128xf32, #tpu.memory_space<hbm>>
      tpu.wait_indirect_dma semaphore(%arg12 : memref<!tpu.dma_semaphore, #tpu.memory_space<semaphore_mem>>) src(%dma_wait3A_35 : memref<20000x128xf32, #tpu.memory_space<hbm>>) dst(%arg9 : memref<128x128xf32, #tpu.memory_space<vmem>>)
      %dma_start3A_36 = arith.constant 0 : i32
      %dma_start3A_37 = arith.constant 0 : i32
      %dma_start3A_38 = tpu.memref_slice %arg8[%dma_start3A_36, %dma_start3A_37] : memref<8x128xi32, #tpu.memory_space<vmem>> -> memref<1x128xi32, #tpu.memory_space<vmem>>
      %dma_start3A_39 = tpu.memref_squeeze %dma_start3A_38 : memref<1x128xi32, #tpu.memory_space<vmem>> -> memref<128xi32, #tpu.memory_space<vmem>>
      %dma_start3A_40 = arith.constant 0 : i32
      %dma_start3A_41 = arith.constant 0 : i32
      %dma_start3A_42 = tpu.memref_slice %arg11[%dma_start3A_40, %dma_start3A_41] : memref<10112x128xf32, #tpu.memory_space<vmem_shared>> -> memref<10112x128xf32, #tpu.memory_space<vmem_shared>>
      tpu.enqueue_indirect_dma source(%arg9 : memref<128x128xf32, #tpu.memory_space<vmem>>) target(%dma_start3A_42 : memref<10112x128xf32, #tpu.memory_space<vmem_shared>>) offsets(%dma_start3A_39 : memref<128xi32, #tpu.memory_space<vmem>>) semaphore(%arg14 : memref<!tpu.dma_semaphore, #tpu.memory_space<semaphore_mem>>) {add = true}
      %dma_start3A_43 = arith.constant 1 : i32
      %dma_start3A_44 = arith.constant 0 : i32
      %dma_start3A_45 = tpu.memref_slice %arg7[%dma_start3A_43, %dma_start3A_44] : memref<8x128xi32, #tpu.memory_space<vmem>> -> memref<1x128xi32, #tpu.memory_space<vmem>>
      %dma_start3A_46 = tpu.memref_squeeze %dma_start3A_45 : memref<1x128xi32, #tpu.memory_space<vmem>> -> memref<128xi32, #tpu.memory_space<vmem>>
      %dma_start3A_47 = arith.constant 0 : i32
      %dma_start3A_48 = arith.constant 0 : i32
      %dma_start3A_49 = tpu.memref_slice %arg2[%dma_start3A_47, %dma_start3A_48] : memref<20000x128xf32, #tpu.memory_space<hbm>> -> memref<20000x128xf32, #tpu.memory_space<hbm>>
      tpu.enqueue_indirect_dma source(%dma_start3A_49 : memref<20000x128xf32, #tpu.memory_space<hbm>>) target(%arg10 : memref<128x128xf32, #tpu.memory_space<vmem>>) offsets(%dma_start3A_46 : memref<128xi32, #tpu.memory_space<vmem>>) semaphore(%arg13 : memref<!tpu.dma_semaphore, #tpu.memory_space<semaphore_mem>>)
      %dma_wait3A_50 = arith.constant 1 : i32
      %dma_wait3A_51 = arith.constant 0 : i32
      %dma_wait3A_52 = tpu.memref_slice %arg7[%dma_wait3A_50, %dma_wait3A_51] : memref<8x128xi32, #tpu.memory_space<vmem>> -> memref<1x128xi32, #tpu.memory_space<vmem>>
      %dma_wait3A_53 = tpu.memref_squeeze %dma_wait3A_52 : memref<1x128xi32, #tpu.memory_space<vmem>> -> memref<128xi32, #tpu.memory_space<vmem>>
      %dma_wait3A_54 = arith.constant 0 : i32
      %dma_wait3A_55 = arith.constant 0 : i32
      %dma_wait3A_56 = tpu.memref_slice %arg2[%dma_wait3A_54, %dma_wait3A_55] : memref<20000x128xf32, #tpu.memory_space<hbm>> -> memref<20000x128xf32, #tpu.memory_space<hbm>>
      tpu.wait_indirect_dma semaphore(%arg13 : memref<!tpu.dma_semaphore, #tpu.memory_space<semaphore_mem>>) src(%dma_wait3A_56 : memref<20000x128xf32, #tpu.memory_space<hbm>>) dst(%arg10 : memref<128x128xf32, #tpu.memory_space<vmem>>)
      %dma_start3A_57 = arith.constant 1 : i32
      %dma_start3A_58 = arith.constant 0 : i32
      %dma_start3A_59 = tpu.memref_slice %arg8[%dma_start3A_57, %dma_start3A_58] : memref<8x128xi32, #tpu.memory_space<vmem>> -> memref<1x128xi32, #tpu.memory_space<vmem>>
      %dma_start3A_60 = tpu.memref_squeeze %dma_start3A_59 : memref<1x128xi32, #tpu.memory_space<vmem>> -> memref<128xi32, #tpu.memory_space<vmem>>
      %dma_start3A_61 = arith.constant 0 : i32
      %dma_start3A_62 = arith.constant 0 : i32
      %dma_start3A_63 = tpu.memref_slice %arg11[%dma_start3A_61, %dma_start3A_62] : memref<10112x128xf32, #tpu.memory_space<vmem_shared>> -> memref<10112x128xf32, #tpu.memory_space<vmem_shared>>
      tpu.enqueue_indirect_dma source(%arg10 : memref<128x128xf32, #tpu.memory_space<vmem>>) target(%dma_start3A_63 : memref<10112x128xf32, #tpu.memory_space<vmem_shared>>) offsets(%dma_start3A_60 : memref<128xi32, #tpu.memory_space<vmem>>) semaphore(%arg15 : memref<!tpu.dma_semaphore, #tpu.memory_space<semaphore_mem>>) {add = true}
      %dma_wait3A_64 = arith.constant 0 : i32
      %dma_wait3A_65 = arith.constant 0 : i32
      %dma_wait3A_66 = tpu.memref_slice %arg8[%dma_wait3A_64, %dma_wait3A_65] : memref<8x128xi32, #tpu.memory_space<vmem>> -> memref<1x128xi32, #tpu.memory_space<vmem>>
      %dma_wait3A_67 = tpu.memref_squeeze %dma_wait3A_66 : memref<1x128xi32, #tpu.memory_space<vmem>> -> memref<128xi32, #tpu.memory_space<vmem>>
      %dma_wait3A_68 = arith.constant 0 : i32
      %dma_wait3A_69 = arith.constant 0 : i32
      %dma_wait3A_70 = tpu.memref_slice %arg11[%dma_wait3A_68, %dma_wait3A_69] : memref<10112x128xf32, #tpu.memory_space<vmem_shared>> -> memref<10112x128xf32, #tpu.memory_space<vmem_shared>>
      tpu.wait_indirect_dma semaphore(%arg14 : memref<!tpu.dma_semaphore, #tpu.memory_space<semaphore_mem>>) src(%arg9 : memref<128x128xf32, #tpu.memory_space<vmem>>) dst(%dma_wait3A_70 : memref<10112x128xf32, #tpu.memory_space<vmem_shared>>)
      %dma_start3A_71 = arith.constant 2 : i32
      %dma_start3A_72 = arith.constant 0 : i32
      %dma_start3A_73 = tpu.memref_slice %arg7[%dma_start3A_71, %dma_start3A_72] : memref<8x128xi32, #tpu.memory_space<vmem>> -> memref<1x128xi32, #tpu.memory_space<vmem>>
      %dma_start3A_74 = tpu.memref_squeeze %dma_start3A_73 : memref<1x128xi32, #tpu.memory_space<vmem>> -> memref<128xi32, #tpu.memory_space<vmem>>
      %dma_start3A_75 = arith.constant 0 : i32
      %dma_start3A_76 = arith.constant 0 : i32
      %dma_start3A_77 = tpu.memref_slice %arg2[%dma_start3A_75, %dma_start3A_76] : memref<20000x128xf32, #tpu.memory_space<hbm>> -> memref<20000x128xf32, #tpu.memory_space<hbm>>
      tpu.enqueue_indirect_dma source(%dma_start3A_77 : memref<20000x128xf32, #tpu.memory_space<hbm>>) target(%arg9 : memref<128x128xf32, #tpu.memory_space<vmem>>) offsets(%dma_start3A_74 : memref<128xi32, #tpu.memory_space<vmem>>) semaphore(%arg12 : memref<!tpu.dma_semaphore, #tpu.memory_space<semaphore_mem>>)
      %dma_wait3A_78 = arith.constant 2 : i32
      %dma_wait3A_79 = arith.constant 0 : i32
      %dma_wait3A_80 = tpu.memref_slice %arg7[%dma_wait3A_78, %dma_wait3A_79] : memref<8x128xi32, #tpu.memory_space<vmem>> -> memref<1x128xi32, #tpu.memory_space<vmem>>
      %dma_wait3A_81 = tpu.memref_squeeze %dma_wait3A_80 : memref<1x128xi32, #tpu.memory_space<vmem>> -> memref<128xi32, #tpu.memory_space<vmem>>
      %dma_wait3A_82 = arith.constant 0 : i32
      %dma_wait3A_83 = arith.constant 0 : i32
      %dma_wait3A_84 = tpu.memref_slice %arg2[%dma_wait3A_82, %dma_wait3A_83] : memref<20000x128xf32, #tpu.memory_space<hbm>> -> memref<20000x128xf32, #tpu.memory_space<hbm>>
      tpu.wait_indirect_dma semaphore(%arg12 : memref<!tpu.dma_semaphore, #tpu.memory_space<semaphore_mem>>) src(%dma_wait3A_84 : memref<20000x128xf32, #tpu.memory_space<hbm>>) dst(%arg9 : memref<128x128xf32, #tpu.memory_space<vmem>>)
      %dma_start3A_85 = arith.constant 2 : i32
      %dma_start3A_86 = arith.constant 0 : i32
      %dma_start3A_87 = tpu.memref_slice %arg8[%dma_start3A_85, %dma_start3A_86] : memref<8x128xi32, #tpu.memory_space<vmem>> -> memref<1x128xi32, #tpu.memory_space<vmem>>
      %dma_start3A_88 = tpu.memref_squeeze %dma_start3A_87 : memref<1x128xi32, #tpu.memory_space<vmem>> -> memref<128xi32, #tpu.memory_space<vmem>>
      %dma_start3A_89 = arith.constant 0 : i32
      %dma_start3A_90 = arith.constant 0 : i32
      %dma_start3A_91 = tpu.memref_slice %arg11[%dma_start3A_89, %dma_start3A_90] : memref<10112x128xf32, #tpu.memory_space<vmem_shared>> -> memref<10112x128xf32, #tpu.memory_space<vmem_shared>>
      tpu.enqueue_indirect_dma source(%arg9 : memref<128x128xf32, #tpu.memory_space<vmem>>) target(%dma_start3A_91 : memref<10112x128xf32, #tpu.memory_space<vmem_shared>>) offsets(%dma_start3A_88 : memref<128xi32, #tpu.memory_space<vmem>>) semaphore(%arg14 : memref<!tpu.dma_semaphore, #tpu.memory_space<semaphore_mem>>) {add = true}
      %dma_wait3A_92 = arith.constant 1 : i32
      %dma_wait3A_93 = arith.constant 0 : i32
      %dma_wait3A_94 = tpu.memref_slice %arg8[%dma_wait3A_92, %dma_wait3A_93] : memref<8x128xi32, #tpu.memory_space<vmem>> -> memref<1x128xi32, #tpu.memory_space<vmem>>
      %dma_wait3A_95 = tpu.memref_squeeze %dma_wait3A_94 : memref<1x128xi32, #tpu.memory_space<vmem>> -> memref<128xi32, #tpu.memory_space<vmem>>
      %dma_wait3A_96 = arith.constant 0 : i32
      %dma_wait3A_97 = arith.constant 0 : i32
      %dma_wait3A_98 = tpu.memref_slice %arg11[%dma_wait3A_96, %dma_wait3A_97] : memref<10112x128xf32, #tpu.memory_space<vmem_shared>> -> memref<10112x128xf32, #tpu.memory_space<vmem_shared>>
      tpu.wait_indirect_dma semaphore(%arg15 : memref<!tpu.dma_semaphore, #tpu.memory_space<semaphore_mem>>) src(%arg10 : memref<128x128xf32, #tpu.memory_space<vmem>>) dst(%dma_wait3A_98 : memref<10112x128xf32, #tpu.memory_space<vmem_shared>>)
      %dma_start3A_99 = arith.constant 3 : i32
      %dma_start3A_100 = arith.constant 0 : i32
      %dma_start3A_101 = tpu.memref_slice %arg7[%dma_start3A_99, %dma_start3A_100] : memref<8x128xi32, #tpu.memory_space<vmem>> -> memref<1x128xi32, #tpu.memory_space<vmem>>
      %dma_start3A_102 = tpu.memref_squeeze %dma_start3A_101 : memref<1x128xi32, #tpu.memory_space<vmem>> -> memref<128xi32, #tpu.memory_space<vmem>>
      %dma_start3A_103 = arith.constant 0 : i32
      %dma_start3A_104 = arith.constant 0 : i32
      %dma_start3A_105 = tpu.memref_slice %arg2[%dma_start3A_103, %dma_start3A_104] : memref<20000x128xf32, #tpu.memory_space<hbm>> -> memref<20000x128xf32, #tpu.memory_space<hbm>>
      tpu.enqueue_indirect_dma source(%dma_start3A_105 : memref<20000x128xf32, #tpu.memory_space<hbm>>) target(%arg10 : memref<128x128xf32, #tpu.memory_space<vmem>>) offsets(%dma_start3A_102 : memref<128xi32, #tpu.memory_space<vmem>>) semaphore(%arg13 : memref<!tpu.dma_semaphore, #tpu.memory_space<semaphore_mem>>)
      %dma_wait3A_106 = arith.constant 3 : i32
      %dma_wait3A_107 = arith.constant 0 : i32
      %dma_wait3A_108 = tpu.memref_slice %arg7[%dma_wait3A_106, %dma_wait3A_107] : memref<8x128xi32, #tpu.memory_space<vmem>> -> memref<1x128xi32, #tpu.memory_space<vmem>>
      %dma_wait3A_109 = tpu.memref_squeeze %dma_wait3A_108 : memref<1x128xi32, #tpu.memory_space<vmem>> -> memref<128xi32, #tpu.memory_space<vmem>>
      %dma_wait3A_110 = arith.constant 0 : i32
      %dma_wait3A_111 = arith.constant 0 : i32
      %dma_wait3A_112 = tpu.memref_slice %arg2[%dma_wait3A_110, %dma_wait3A_111] : memref<20000x128xf32, #tpu.memory_space<hbm>> -> memref<20000x128xf32, #tpu.memory_space<hbm>>
      tpu.wait_indirect_dma semaphore(%arg13 : memref<!tpu.dma_semaphore, #tpu.memory_space<semaphore_mem>>) src(%dma_wait3A_112 : memref<20000x128xf32, #tpu.memory_space<hbm>>) dst(%arg10 : memref<128x128xf32, #tpu.memory_space<vmem>>)
      %dma_start3A_113 = arith.constant 3 : i32
      %dma_start3A_114 = arith.constant 0 : i32
      %dma_start3A_115 = tpu.memref_slice %arg8[%dma_start3A_113, %dma_start3A_114] : memref<8x128xi32, #tpu.memory_space<vmem>> -> memref<1x128xi32, #tpu.memory_space<vmem>>
      %dma_start3A_116 = tpu.memref_squeeze %dma_start3A_115 : memref<1x128xi32, #tpu.memory_space<vmem>> -> memref<128xi32, #tpu.memory_space<vmem>>
      %dma_start3A_117 = arith.constant 0 : i32
      %dma_start3A_118 = arith.constant 0 : i32
      %dma_start3A_119 = tpu.memref_slice %arg11[%dma_start3A_117, %dma_start3A_118] : memref<10112x128xf32, #tpu.memory_space<vmem_shared>> -> memref<10112x128xf32, #tpu.memory_space<vmem_shared>>
      tpu.enqueue_indirect_dma source(%arg10 : memref<128x128xf32, #tpu.memory_space<vmem>>) target(%dma_start3A_119 : memref<10112x128xf32, #tpu.memory_space<vmem_shared>>) offsets(%dma_start3A_116 : memref<128xi32, #tpu.memory_space<vmem>>) semaphore(%arg15 : memref<!tpu.dma_semaphore, #tpu.memory_space<semaphore_mem>>) {add = true}
      %dma_wait3A_120 = arith.constant 2 : i32
      %dma_wait3A_121 = arith.constant 0 : i32
      %dma_wait3A_122 = tpu.memref_slice %arg8[%dma_wait3A_120, %dma_wait3A_121] : memref<8x128xi32, #tpu.memory_space<vmem>> -> memref<1x128xi32, #tpu.memory_space<vmem>>
      %dma_wait3A_123 = tpu.memref_squeeze %dma_wait3A_122 : memref<1x128xi32, #tpu.memory_space<vmem>> -> memref<128xi32, #tpu.memory_space<vmem>>
      %dma_wait3A_124 = arith.constant 0 : i32
      %dma_wait3A_125 = arith.constant 0 : i32
      %dma_wait3A_126 = tpu.memref_slice %arg11[%dma_wait3A_124, %dma_wait3A_125] : memref<10112x128xf32, #tpu.memory_space<vmem_shared>> -> memref<10112x128xf32, #tpu.memory_space<vmem_shared>>
      tpu.wait_indirect_dma semaphore(%arg14 : memref<!tpu.dma_semaphore, #tpu.memory_space<semaphore_mem>>) src(%arg9 : memref<128x128xf32, #tpu.memory_space<vmem>>) dst(%dma_wait3A_126 : memref<10112x128xf32, #tpu.memory_space<vmem_shared>>)
      %dma_start3A_127 = arith.constant 4 : i32
      %dma_start3A_128 = arith.constant 0 : i32
      %dma_start3A_129 = tpu.memref_slice %arg7[%dma_start3A_127, %dma_start3A_128] : memref<8x128xi32, #tpu.memory_space<vmem>> -> memref<1x128xi32, #tpu.memory_space<vmem>>
      %dma_start3A_130 = tpu.memref_squeeze %dma_start3A_129 : memref<1x128xi32, #tpu.memory_space<vmem>> -> memref<128xi32, #tpu.memory_space<vmem>>
      %dma_start3A_131 = arith.constant 0 : i32
      %dma_start3A_132 = arith.constant 0 : i32
      %dma_start3A_133 = tpu.memref_slice %arg2[%dma_start3A_131, %dma_start3A_132] : memref<20000x128xf32, #tpu.memory_space<hbm>> -> memref<20000x128xf32, #tpu.memory_space<hbm>>
      tpu.enqueue_indirect_dma source(%dma_start3A_133 : memref<20000x128xf32, #tpu.memory_space<hbm>>) target(%arg9 : memref<128x128xf32, #tpu.memory_space<vmem>>) offsets(%dma_start3A_130 : memref<128xi32, #tpu.memory_space<vmem>>) semaphore(%arg12 : memref<!tpu.dma_semaphore, #tpu.memory_space<semaphore_mem>>)
      %dma_wait3A_134 = arith.constant 4 : i32
      %dma_wait3A_135 = arith.constant 0 : i32
      %dma_wait3A_136 = tpu.memref_slice %arg7[%dma_wait3A_134, %dma_wait3A_135] : memref<8x128xi32, #tpu.memory_space<vmem>> -> memref<1x128xi32, #tpu.memory_space<vmem>>
      %dma_wait3A_137 = tpu.memref_squeeze %dma_wait3A_136 : memref<1x128xi32, #tpu.memory_space<vmem>> -> memref<128xi32, #tpu.memory_space<vmem>>
      %dma_wait3A_138 = arith.constant 0 : i32
      %dma_wait3A_139 = arith.constant 0 : i32
      %dma_wait3A_140 = tpu.memref_slice %arg2[%dma_wait3A_138, %dma_wait3A_139] : memref<20000x128xf32, #tpu.memory_space<hbm>> -> memref<20000x128xf32, #tpu.memory_space<hbm>>
      tpu.wait_indirect_dma semaphore(%arg12 : memref<!tpu.dma_semaphore, #tpu.memory_space<semaphore_mem>>) src(%dma_wait3A_140 : memref<20000x128xf32, #tpu.memory_space<hbm>>) dst(%arg9 : memref<128x128xf32, #tpu.memory_space<vmem>>)
      %dma_start3A_141 = arith.constant 4 : i32
      %dma_start3A_142 = arith.constant 0 : i32
      %dma_start3A_143 = tpu.memref_slice %arg8[%dma_start3A_141, %dma_start3A_142] : memref<8x128xi32, #tpu.memory_space<vmem>> -> memref<1x128xi32, #tpu.memory_space<vmem>>
      %dma_start3A_144 = tpu.memref_squeeze %dma_start3A_143 : memref<1x128xi32, #tpu.memory_space<vmem>> -> memref<128xi32, #tpu.memory_space<vmem>>
      %dma_start3A_145 = arith.constant 0 : i32
      %dma_start3A_146 = arith.constant 0 : i32
      %dma_start3A_147 = tpu.memref_slice %arg11[%dma_start3A_145, %dma_start3A_146] : memref<10112x128xf32, #tpu.memory_space<vmem_shared>> -> memref<10112x128xf32, #tpu.memory_space<vmem_shared>>
      tpu.enqueue_indirect_dma source(%arg9 : memref<128x128xf32, #tpu.memory_space<vmem>>) target(%dma_start3A_147 : memref<10112x128xf32, #tpu.memory_space<vmem_shared>>) offsets(%dma_start3A_144 : memref<128xi32, #tpu.memory_space<vmem>>) semaphore(%arg14 : memref<!tpu.dma_semaphore, #tpu.memory_space<semaphore_mem>>) {add = true}
      %dma_wait3A_148 = arith.constant 3 : i32
      %dma_wait3A_149 = arith.constant 0 : i32
      %dma_wait3A_150 = tpu.memref_slice %arg8[%dma_wait3A_148, %dma_wait3A_149] : memref<8x128xi32, #tpu.memory_space<vmem>> -> memref<1x128xi32, #tpu.memory_space<vmem>>
      %dma_wait3A_151 = tpu.memref_squeeze %dma_wait3A_150 : memref<1x128xi32, #tpu.memory_space<vmem>> -> memref<128xi32, #tpu.memory_space<vmem>>
      %dma_wait3A_152 = arith.constant 0 : i32
      %dma_wait3A_153 = arith.constant 0 : i32
      %dma_wait3A_154 = tpu.memref_slice %arg11[%dma_wait3A_152, %dma_wait3A_153] : memref<10112x128xf32, #tpu.memory_space<vmem_shared>> -> memref<10112x128xf32, #tpu.memory_space<vmem_shared>>
      tpu.wait_indirect_dma semaphore(%arg15 : memref<!tpu.dma_semaphore, #tpu.memory_space<semaphore_mem>>) src(%arg10 : memref<128x128xf32, #tpu.memory_space<vmem>>) dst(%dma_wait3A_154 : memref<10112x128xf32, #tpu.memory_space<vmem_shared>>)
      %dma_start3A_155 = arith.constant 5 : i32
      %dma_start3A_156 = arith.constant 0 : i32
      %dma_start3A_157 = tpu.memref_slice %arg7[%dma_start3A_155, %dma_start3A_156] : memref<8x128xi32, #tpu.memory_space<vmem>> -> memref<1x128xi32, #tpu.memory_space<vmem>>
      %dma_start3A_158 = tpu.memref_squeeze %dma_start3A_157 : memref<1x128xi32, #tpu.memory_space<vmem>> -> memref<128xi32, #tpu.memory_space<vmem>>
      %dma_start3A_159 = arith.constant 0 : i32
      %dma_start3A_160 = arith.constant 0 : i32
      %dma_start3A_161 = tpu.memref_slice %arg2[%dma_start3A_159, %dma_start3A_160] : memref<20000x128xf32, #tpu.memory_space<hbm>> -> memref<20000x128xf32, #tpu.memory_space<hbm>>
      tpu.enqueue_indirect_dma source(%dma_start3A_161 : memref<20000x128xf32, #tpu.memory_space<hbm>>) target(%arg10 : memref<128x128xf32, #tpu.memory_space<vmem>>) offsets(%dma_start3A_158 : memref<128xi32, #tpu.memory_space<vmem>>) semaphore(%arg13 : memref<!tpu.dma_semaphore, #tpu.memory_space<semaphore_mem>>)
      %dma_wait3A_162 = arith.constant 5 : i32
      %dma_wait3A_163 = arith.constant 0 : i32
      %dma_wait3A_164 = tpu.memref_slice %arg7[%dma_wait3A_162, %dma_wait3A_163] : memref<8x128xi32, #tpu.memory_space<vmem>> -> memref<1x128xi32, #tpu.memory_space<vmem>>
      %dma_wait3A_165 = tpu.memref_squeeze %dma_wait3A_164 : memref<1x128xi32, #tpu.memory_space<vmem>> -> memref<128xi32, #tpu.memory_space<vmem>>
      %dma_wait3A_166 = arith.constant 0 : i32
      %dma_wait3A_167 = arith.constant 0 : i32
      %dma_wait3A_168 = tpu.memref_slice %arg2[%dma_wait3A_166, %dma_wait3A_167] : memref<20000x128xf32, #tpu.memory_space<hbm>> -> memref<20000x128xf32, #tpu.memory_space<hbm>>
      tpu.wait_indirect_dma semaphore(%arg13 : memref<!tpu.dma_semaphore, #tpu.memory_space<semaphore_mem>>) src(%dma_wait3A_168 : memref<20000x128xf32, #tpu.memory_space<hbm>>) dst(%arg10 : memref<128x128xf32, #tpu.memory_space<vmem>>)
      %dma_start3A_169 = arith.constant 5 : i32
      %dma_start3A_170 = arith.constant 0 : i32
      %dma_start3A_171 = tpu.memref_slice %arg8[%dma_start3A_169, %dma_start3A_170] : memref<8x128xi32, #tpu.memory_space<vmem>> -> memref<1x128xi32, #tpu.memory_space<vmem>>
      %dma_start3A_172 = tpu.memref_squeeze %dma_start3A_171 : memref<1x128xi32, #tpu.memory_space<vmem>> -> memref<128xi32, #tpu.memory_space<vmem>>
      %dma_start3A_173 = arith.constant 0 : i32
      %dma_start3A_174 = arith.constant 0 : i32
      %dma_start3A_175 = tpu.memref_slice %arg11[%dma_start3A_173, %dma_start3A_174] : memref<10112x128xf32, #tpu.memory_space<vmem_shared>> -> memref<10112x128xf32, #tpu.memory_space<vmem_shared>>
      tpu.enqueue_indirect_dma source(%arg10 : memref<128x128xf32, #tpu.memory_space<vmem>>) target(%dma_start3A_175 : memref<10112x128xf32, #tpu.memory_space<vmem_shared>>) offsets(%dma_start3A_172 : memref<128xi32, #tpu.memory_space<vmem>>) semaphore(%arg15 : memref<!tpu.dma_semaphore, #tpu.memory_space<semaphore_mem>>) {add = true}
      %dma_wait3A_176 = arith.constant 4 : i32
      %dma_wait3A_177 = arith.constant 0 : i32
      %dma_wait3A_178 = tpu.memref_slice %arg8[%dma_wait3A_176, %dma_wait3A_177] : memref<8x128xi32, #tpu.memory_space<vmem>> -> memref<1x128xi32, #tpu.memory_space<vmem>>
      %dma_wait3A_179 = tpu.memref_squeeze %dma_wait3A_178 : memref<1x128xi32, #tpu.memory_space<vmem>> -> memref<128xi32, #tpu.memory_space<vmem>>
      %dma_wait3A_180 = arith.constant 0 : i32
      %dma_wait3A_181 = arith.constant 0 : i32
      %dma_wait3A_182 = tpu.memref_slice %arg11[%dma_wait3A_180, %dma_wait3A_181] : memref<10112x128xf32, #tpu.memory_space<vmem_shared>> -> memref<10112x128xf32, #tpu.memory_space<vmem_shared>>
      tpu.wait_indirect_dma semaphore(%arg14 : memref<!tpu.dma_semaphore, #tpu.memory_space<semaphore_mem>>) src(%arg9 : memref<128x128xf32, #tpu.memory_space<vmem>>) dst(%dma_wait3A_182 : memref<10112x128xf32, #tpu.memory_space<vmem_shared>>)
      %dma_start3A_183 = arith.constant 6 : i32
      %dma_start3A_184 = arith.constant 0 : i32
      %dma_start3A_185 = tpu.memref_slice %arg7[%dma_start3A_183, %dma_start3A_184] : memref<8x128xi32, #tpu.memory_space<vmem>> -> memref<1x128xi32, #tpu.memory_space<vmem>>
      %dma_start3A_186 = tpu.memref_squeeze %dma_start3A_185 : memref<1x128xi32, #tpu.memory_space<vmem>> -> memref<128xi32, #tpu.memory_space<vmem>>
      %dma_start3A_187 = arith.constant 0 : i32
      %dma_start3A_188 = arith.constant 0 : i32
      %dma_start3A_189 = tpu.memref_slice %arg2[%dma_start3A_187, %dma_start3A_188] : memref<20000x128xf32, #tpu.memory_space<hbm>> -> memref<20000x128xf32, #tpu.memory_space<hbm>>
      tpu.enqueue_indirect_dma source(%dma_start3A_189 : memref<20000x128xf32, #tpu.memory_space<hbm>>) target(%arg9 : memref<128x128xf32, #tpu.memory_space<vmem>>) offsets(%dma_start3A_186 : memref<128xi32, #tpu.memory_space<vmem>>) semaphore(%arg12 : memref<!tpu.dma_semaphore, #tpu.memory_space<semaphore_mem>>)
      %dma_wait3A_190 = arith.constant 6 : i32
      %dma_wait3A_191 = arith.constant 0 : i32
      %dma_wait3A_192 = tpu.memref_slice %arg7[%dma_wait3A_190, %dma_wait3A_191] : memref<8x128xi32, #tpu.memory_space<vmem>> -> memref<1x128xi32, #tpu.memory_space<vmem>>
      %dma_wait3A_193 = tpu.memref_squeeze %dma_wait3A_192 : memref<1x128xi32, #tpu.memory_space<vmem>> -> memref<128xi32, #tpu.memory_space<vmem>>
      %dma_wait3A_194 = arith.constant 0 : i32
      %dma_wait3A_195 = arith.constant 0 : i32
      %dma_wait3A_196 = tpu.memref_slice %arg2[%dma_wait3A_194, %dma_wait3A_195] : memref<20000x128xf32, #tpu.memory_space<hbm>> -> memref<20000x128xf32, #tpu.memory_space<hbm>>
      tpu.wait_indirect_dma semaphore(%arg12 : memref<!tpu.dma_semaphore, #tpu.memory_space<semaphore_mem>>) src(%dma_wait3A_196 : memref<20000x128xf32, #tpu.memory_space<hbm>>) dst(%arg9 : memref<128x128xf32, #tpu.memory_space<vmem>>)
      %dma_start3A_197 = arith.constant 6 : i32
      %dma_start3A_198 = arith.constant 0 : i32
      %dma_start3A_199 = tpu.memref_slice %arg8[%dma_start3A_197, %dma_start3A_198] : memref<8x128xi32, #tpu.memory_space<vmem>> -> memref<1x128xi32, #tpu.memory_space<vmem>>
      %dma_start3A_200 = tpu.memref_squeeze %dma_start3A_199 : memref<1x128xi32, #tpu.memory_space<vmem>> -> memref<128xi32, #tpu.memory_space<vmem>>
      %dma_start3A_201 = arith.constant 0 : i32
      %dma_start3A_202 = arith.constant 0 : i32
      %dma_start3A_203 = tpu.memref_slice %arg11[%dma_start3A_201, %dma_start3A_202] : memref<10112x128xf32, #tpu.memory_space<vmem_shared>> -> memref<10112x128xf32, #tpu.memory_space<vmem_shared>>
      tpu.enqueue_indirect_dma source(%arg9 : memref<128x128xf32, #tpu.memory_space<vmem>>) target(%dma_start3A_203 : memref<10112x128xf32, #tpu.memory_space<vmem_shared>>) offsets(%dma_start3A_200 : memref<128xi32, #tpu.memory_space<vmem>>) semaphore(%arg14 : memref<!tpu.dma_semaphore, #tpu.memory_space<semaphore_mem>>) {add = true}
      %dma_wait3A_204 = arith.constant 5 : i32
      %dma_wait3A_205 = arith.constant 0 : i32
      %dma_wait3A_206 = tpu.memref_slice %arg8[%dma_wait3A_204, %dma_wait3A_205] : memref<8x128xi32, #tpu.memory_space<vmem>> -> memref<1x128xi32, #tpu.memory_space<vmem>>
      %dma_wait3A_207 = tpu.memref_squeeze %dma_wait3A_206 : memref<1x128xi32, #tpu.memory_space<vmem>> -> memref<128xi32, #tpu.memory_space<vmem>>
      %dma_wait3A_208 = arith.constant 0 : i32
      %dma_wait3A_209 = arith.constant 0 : i32
      %dma_wait3A_210 = tpu.memref_slice %arg11[%dma_wait3A_208, %dma_wait3A_209] : memref<10112x128xf32, #tpu.memory_space<vmem_shared>> -> memref<10112x128xf32, #tpu.memory_space<vmem_shared>>
      tpu.wait_indirect_dma semaphore(%arg15 : memref<!tpu.dma_semaphore, #tpu.memory_space<semaphore_mem>>) src(%arg10 : memref<128x128xf32, #tpu.memory_space<vmem>>) dst(%dma_wait3A_210 : memref<10112x128xf32, #tpu.memory_space<vmem_shared>>)
      %dma_start3A_211 = arith.constant 7 : i32
      %dma_start3A_212 = arith.constant 0 : i32
      %dma_start3A_213 = tpu.memref_slice %arg7[%dma_start3A_211, %dma_start3A_212] : memref<8x128xi32, #tpu.memory_space<vmem>> -> memref<1x128xi32, #tpu.memory_space<vmem>>
      %dma_start3A_214 = tpu.memref_squeeze %dma_start3A_213 : memref<1x128xi32, #tpu.memory_space<vmem>> -> memref<128xi32, #tpu.memory_space<vmem>>
      %dma_start3A_215 = arith.constant 0 : i32
      %dma_start3A_216 = arith.constant 0 : i32
      %dma_start3A_217 = tpu.memref_slice %arg2[%dma_start3A_215, %dma_start3A_216] : memref<20000x128xf32, #tpu.memory_space<hbm>> -> memref<20000x128xf32, #tpu.memory_space<hbm>>
      tpu.enqueue_indirect_dma source(%dma_start3A_217 : memref<20000x128xf32, #tpu.memory_space<hbm>>) target(%arg10 : memref<128x128xf32, #tpu.memory_space<vmem>>) offsets(%dma_start3A_214 : memref<128xi32, #tpu.memory_space<vmem>>) semaphore(%arg13 : memref<!tpu.dma_semaphore, #tpu.memory_space<semaphore_mem>>)
      %dma_wait3A_218 = arith.constant 7 : i32
      %dma_wait3A_219 = arith.constant 0 : i32
      %dma_wait3A_220 = tpu.memref_slice %arg7[%dma_wait3A_218, %dma_wait3A_219] : memref<8x128xi32, #tpu.memory_space<vmem>> -> memref<1x128xi32, #tpu.memory_space<vmem>>
      %dma_wait3A_221 = tpu.memref_squeeze %dma_wait3A_220 : memref<1x128xi32, #tpu.memory_space<vmem>> -> memref<128xi32, #tpu.memory_space<vmem>>
      %dma_wait3A_222 = arith.constant 0 : i32
      %dma_wait3A_223 = arith.constant 0 : i32
      %dma_wait3A_224 = tpu.memref_slice %arg2[%dma_wait3A_222, %dma_wait3A_223] : memref<20000x128xf32, #tpu.memory_space<hbm>> -> memref<20000x128xf32, #tpu.memory_space<hbm>>
      tpu.wait_indirect_dma semaphore(%arg13 : memref<!tpu.dma_semaphore, #tpu.memory_space<semaphore_mem>>) src(%dma_wait3A_224 : memref<20000x128xf32, #tpu.memory_space<hbm>>) dst(%arg10 : memref<128x128xf32, #tpu.memory_space<vmem>>)
      %dma_start3A_225 = arith.constant 7 : i32
      %dma_start3A_226 = arith.constant 0 : i32
      %dma_start3A_227 = tpu.memref_slice %arg8[%dma_start3A_225, %dma_start3A_226] : memref<8x128xi32, #tpu.memory_space<vmem>> -> memref<1x128xi32, #tpu.memory_space<vmem>>
      %dma_start3A_228 = tpu.memref_squeeze %dma_start3A_227 : memref<1x128xi32, #tpu.memory_space<vmem>> -> memref<128xi32, #tpu.memory_space<vmem>>
      %dma_start3A_229 = arith.constant 0 : i32
      %dma_start3A_230 = arith.constant 0 : i32
      %dma_start3A_231 = tpu.memref_slice %arg11[%dma_start3A_229, %dma_start3A_230] : memref<10112x128xf32, #tpu.memory_space<vmem_shared>> -> memref<10112x128xf32, #tpu.memory_space<vmem_shared>>
      tpu.enqueue_indirect_dma source(%arg10 : memref<128x128xf32, #tpu.memory_space<vmem>>) target(%dma_start3A_231 : memref<10112x128xf32, #tpu.memory_space<vmem_shared>>) offsets(%dma_start3A_228 : memref<128xi32, #tpu.memory_space<vmem>>) semaphore(%arg15 : memref<!tpu.dma_semaphore, #tpu.memory_space<semaphore_mem>>) {add = true}
      %dma_wait3A_232 = arith.constant 6 : i32
      %dma_wait3A_233 = arith.constant 0 : i32
      %dma_wait3A_234 = tpu.memref_slice %arg8[%dma_wait3A_232, %dma_wait3A_233] : memref<8x128xi32, #tpu.memory_space<vmem>> -> memref<1x128xi32, #tpu.memory_space<vmem>>
      %dma_wait3A_235 = tpu.memref_squeeze %dma_wait3A_234 : memref<1x128xi32, #tpu.memory_space<vmem>> -> memref<128xi32, #tpu.memory_space<vmem>>
      %dma_wait3A_236 = arith.constant 0 : i32
      %dma_wait3A_237 = arith.constant 0 : i32
      %dma_wait3A_238 = tpu.memref_slice %arg11[%dma_wait3A_236, %dma_wait3A_237] : memref<10112x128xf32, #tpu.memory_space<vmem_shared>> -> memref<10112x128xf32, #tpu.memory_space<vmem_shared>>
      tpu.wait_indirect_dma semaphore(%arg14 : memref<!tpu.dma_semaphore, #tpu.memory_space<semaphore_mem>>) src(%arg9 : memref<128x128xf32, #tpu.memory_space<vmem>>) dst(%dma_wait3A_238 : memref<10112x128xf32, #tpu.memory_space<vmem_shared>>)
      %dma_wait3A_239 = arith.constant 7 : i32
      %dma_wait3A_240 = arith.constant 0 : i32
      %dma_wait3A_241 = tpu.memref_slice %arg8[%dma_wait3A_239, %dma_wait3A_240] : memref<8x128xi32, #tpu.memory_space<vmem>> -> memref<1x128xi32, #tpu.memory_space<vmem>>
      %dma_wait3A_242 = tpu.memref_squeeze %dma_wait3A_241 : memref<1x128xi32, #tpu.memory_space<vmem>> -> memref<128xi32, #tpu.memory_space<vmem>>
      %dma_wait3A_243 = arith.constant 0 : i32
      %dma_wait3A_244 = arith.constant 0 : i32
      %dma_wait3A_245 = tpu.memref_slice %arg11[%dma_wait3A_243, %dma_wait3A_244] : memref<10112x128xf32, #tpu.memory_space<vmem_shared>> -> memref<10112x128xf32, #tpu.memory_space<vmem_shared>>
      tpu.wait_indirect_dma semaphore(%arg15 : memref<!tpu.dma_semaphore, #tpu.memory_space<semaphore_mem>>) src(%arg10 : memref<128x128xf32, #tpu.memory_space<vmem>>) dst(%dma_wait3A_245 : memref<10112x128xf32, #tpu.memory_space<vmem_shared>>)
    }
    %scan3A_11 = arith.constant 20 : i32
    %barrier3A_12 = arith.constant 0 : index
    tpu.barrier barrier_id(%barrier3A_12)
    %mul3A_13 = arith.constant 632 : i32
    %mul3A_14 = arith.muli %arg1, %mul3A_13 : i32
    %mul3A_15 = arith.constant 632 : i32
    %mul3A_16 = arith.muli %arg1, %mul3A_15 : i32
    "tpu.region"() ({
      %run_scoped3A = tpu.sem_alloc : memref<!tpu.dma_semaphore, #tpu.memory_space<semaphore_mem>>
      %dma_start3A = arith.constant 0 : i32
      %dma_start3A_17 = tpu.memref_slice %arg6[%arg0, %mul3A_16, %dma_start3A] : memref<2x10112x128xf32, #tpu.memory_space<hbm>> -> memref<1x632x128xf32, #tpu.memory_space<hbm>>
      %dma_start3A_18 = tpu.memref_squeeze %dma_start3A_17 : memref<1x632x128xf32, #tpu.memory_space<hbm>> -> memref<632x128xf32, #tpu.memory_space<hbm>>
      %dma_start3A_19 = arith.constant 0 : i32
      %dma_start3A_20 = tpu.memref_slice %arg11[%mul3A_14, %dma_start3A_19] : memref<10112x128xf32, #tpu.memory_space<vmem_shared>> -> memref<632x128xf32, #tpu.memory_space<vmem_shared>>
      tpu.enqueue_dma source(%dma_start3A_20 : memref<632x128xf32, #tpu.memory_space<vmem_shared>>) target(%dma_start3A_18 : memref<632x128xf32, #tpu.memory_space<hbm>>) target_semaphore(%run_scoped3A : memref<!tpu.dma_semaphore, #tpu.memory_space<semaphore_mem>>)
      %dma_wait3A = arith.constant 0 : i32
      %dma_wait3A_21 = tpu.memref_slice %arg6[%arg0, %mul3A_16, %dma_wait3A] : memref<2x10112x128xf32, #tpu.memory_space<hbm>> -> memref<1x632x128xf32, #tpu.memory_space<hbm>>
      %dma_wait3A_22 = tpu.memref_squeeze %dma_wait3A_21 : memref<1x632x128xf32, #tpu.memory_space<hbm>> -> memref<632x128xf32, #tpu.memory_space<hbm>>
      %dma_wait3A_23 = arith.constant 0 : i32
      %dma_wait3A_24 = tpu.memref_slice %arg11[%mul3A_14, %dma_wait3A_23] : memref<10112x128xf32, #tpu.memory_space<vmem_shared>> -> memref<632x128xf32, #tpu.memory_space<vmem_shared>>
      tpu.wait_dma2 semaphore(%run_scoped3A : memref<!tpu.dma_semaphore, #tpu.memory_space<semaphore_mem>>) src(%dma_wait3A_24 : memref<632x128xf32, #tpu.memory_space<vmem_shared>>) dst(%dma_wait3A_22 : memref<632x128xf32, #tpu.memory_space<hbm>>)
      tpu.yield
    }) : () -> ()
    return
  }
}

#map = affine_map<(d0, d1) -> (0, 0)>
#map1 = affine_map<(d0, d1) -> (0, 0, 0)>
module attributes {stable_mosaic.version = 14 : i64} {
  func.func @k(%arg0: i32, %arg1: i32, %arg2: memref<10000x128xf32, #tpu.memory_space<hbm>>, %arg3: memref<2560x128xi32, #tpu.memory_space<hbm>>, %arg4: memref<2560x128xi32, #tpu.memory_space<hbm>>, %arg5: memref<632x128xf32, #tpu.memory_space<hbm>>, %arg6: memref<2x10112x128xf32, #tpu.memory_space<hbm>>, %arg7: memref<8x128xi32, #tpu.memory_space<vmem>>, %arg8: memref<8x128xi32, #tpu.memory_space<vmem>>, %arg9: memref<128x128xf32, #tpu.memory_space<vmem>>, %arg10: memref<128x128xf32, #tpu.memory_space<vmem>>, %arg11: memref<10112x128xf32, #tpu.memory_space<vmem_shared>>, %arg12: memref<!tpu.dma_semaphore, #tpu.memory_space<semaphore_mem>>, %arg13: memref<!tpu.dma_semaphore, #tpu.memory_space<semaphore_mem>>, %arg14: memref<!tpu.dma_semaphore, #tpu.memory_space<semaphore_mem>>, %arg15: memref<!tpu.dma_semaphore, #tpu.memory_space<semaphore_mem>>) attributes {dimension_semantics = [#tpu.dimension_semantics<core_parallel>, #tpu.dimension_semantics<subcore_parallel>], iteration_bounds = array<i64: 2, 16>, scalar_prefetch = 0 : i64, scratch_operands = 9 : i64, tpu.core_type = #tpu.core_type<sc_vector_subcore>, window_params = [{transform_indices = #map}, {transform_indices = #map}, {transform_indices = #map}, {transform_indices = #map}, {transform_indices = #map1}]} {
    %mul3A = arith.constant 16 : i32
    %mul3A_0 = arith.muli %arg0, %mul3A : i32
    %add3A = arith.addi %mul3A_0, %arg1 : i32
    %mul3A_1 = arith.constant 80 : i32
    %mul3A_2 = arith.muli %add3A, %mul3A_1 : i32
    %mul3A_3 = arith.constant 80 : i32
    %mul3A_4 = arith.muli %add3A, %mul3A_3 : i32
    %mul3A_5 = arith.constant 632 : i32
    %mul3A_6 = arith.muli %arg1, %mul3A_5 : i32
    "tpu.region"() ({
      %run_scoped3A = tpu.sem_alloc : memref<!tpu.dma_semaphore, #tpu.memory_space<semaphore_mem>>
      %dma_start3A = arith.constant 0 : i32
      %dma_start3A_17 = tpu.memref_slice %arg11[%mul3A_6, %dma_start3A] : memref<10112x128xf32, #tpu.memory_space<vmem_shared>> -> memref<632x128xf32, #tpu.memory_space<vmem_shared>>
      tpu.enqueue_dma source(%arg5 : memref<632x128xf32, #tpu.memory_space<hbm>>) target(%dma_start3A_17 : memref<632x128xf32, #tpu.memory_space<vmem_shared>>) target_semaphore(%run_scoped3A : memref<!tpu.dma_semaphore, #tpu.memory_space<semaphore_mem>>)
      %dma_wait3A = arith.constant 0 : i32
      %dma_wait3A_18 = tpu.memref_slice %arg11[%mul3A_6, %dma_wait3A] : memref<10112x128xf32, #tpu.memory_space<vmem_shared>> -> memref<632x128xf32, #tpu.memory_space<vmem_shared>>
      tpu.wait_dma2 semaphore(%run_scoped3A : memref<!tpu.dma_semaphore, #tpu.memory_space<semaphore_mem>>) src(%arg5 : memref<632x128xf32, #tpu.memory_space<hbm>>) dst(%dma_wait3A_18 : memref<632x128xf32, #tpu.memory_space<vmem_shared>>)
      tpu.yield
    }) : () -> ()
    %barrier3A = arith.constant 0 : index
    tpu.barrier barrier_id(%barrier3A)
    %scan3A = arith.constant 0 : i32
    %scan3A_7 = arith.constant 0 : i32
    %scan3A_8 = arith.constant 10 : i32
    %scan3A_9 = arith.addi %scan3A_7, %scan3A_8 : i32
    %scan3A_10 = arith.constant 1 : i32
    scf.for %scan3A_17 = %scan3A_7 to %scan3A_9 step %scan3A_10  : i32 {
      %mul3A_18 = arith.constant 8 : i32
      %mul3A_19 = arith.muli %scan3A_17, %mul3A_18 : i32
      %add3A_20 = arith.addi %mul3A_2, %mul3A_19 : i32
      "tpu.region"() ({
        %run_scoped3A = tpu.sem_alloc : memref<!tpu.dma_semaphore, #tpu.memory_space<semaphore_mem>>
        %dma_start3A_246 = arith.constant 0 : i32
        %dma_start3A_247 = tpu.memref_slice %arg3[%add3A_20, %dma_start3A_246] : memref<2560x128xi32, #tpu.memory_space<hbm>> -> memref<8x128xi32, #tpu.memory_space<hbm>>
        %dma_start3A_248 = arith.constant 0 : i32
        %dma_start3A_249 = tpu.memref_slice %arg3[%add3A_20, %dma_start3A_248] : memref<2560x128xi32, #tpu.memory_space<hbm>> -> memref<8x128xi32, #tpu.memory_space<hbm>>
        tpu.enqueue_dma source(%dma_start3A_249 : memref<8x128xi32, #tpu.memory_space<hbm>>) target(%arg7 : memref<8x128xi32, #tpu.memory_space<vmem>>) target_semaphore(%run_scoped3A : memref<!tpu.dma_semaphore, #tpu.memory_space<semaphore_mem>>)
        %dma_wait3A_250 = arith.constant 0 : i32
        %dma_wait3A_251 = tpu.memref_slice %arg3[%add3A_20, %dma_wait3A_250] : memref<2560x128xi32, #tpu.memory_space<hbm>> -> memref<8x128xi32, #tpu.memory_space<hbm>>
        %dma_wait3A_252 = arith.constant 0 : i32
        %dma_wait3A_253 = tpu.memref_slice %arg3[%add3A_20, %dma_wait3A_252] : memref<2560x128xi32, #tpu.memory_space<hbm>> -> memref<8x128xi32, #tpu.memory_space<hbm>>
        tpu.wait_dma2 semaphore(%run_scoped3A : memref<!tpu.dma_semaphore, #tpu.memory_space<semaphore_mem>>) src(%dma_wait3A_253 : memref<8x128xi32, #tpu.memory_space<hbm>>) dst(%arg7 : memref<8x128xi32, #tpu.memory_space<vmem>>)
        tpu.yield
      }) : () -> ()
      %mul3A_21 = arith.constant 8 : i32
      %mul3A_22 = arith.muli %scan3A_17, %mul3A_21 : i32
      %add3A_23 = arith.addi %mul3A_4, %mul3A_22 : i32
      "tpu.region"() ({
        %run_scoped3A = tpu.sem_alloc : memref<!tpu.dma_semaphore, #tpu.memory_space<semaphore_mem>>
        %dma_start3A_246 = arith.constant 0 : i32
        %dma_start3A_247 = tpu.memref_slice %arg4[%add3A_23, %dma_start3A_246] : memref<2560x128xi32, #tpu.memory_space<hbm>> -> memref<8x128xi32, #tpu.memory_space<hbm>>
        %dma_start3A_248 = arith.constant 0 : i32
        %dma_start3A_249 = tpu.memref_slice %arg4[%add3A_23, %dma_start3A_248] : memref<2560x128xi32, #tpu.memory_space<hbm>> -> memref<8x128xi32, #tpu.memory_space<hbm>>
        tpu.enqueue_dma source(%dma_start3A_249 : memref<8x128xi32, #tpu.memory_space<hbm>>) target(%arg8 : memref<8x128xi32, #tpu.memory_space<vmem>>) target_semaphore(%run_scoped3A : memref<!tpu.dma_semaphore, #tpu.memory_space<semaphore_mem>>)
        %dma_wait3A_250 = arith.constant 0 : i32
        %dma_wait3A_251 = tpu.memref_slice %arg4[%add3A_23, %dma_wait3A_250] : memref<2560x128xi32, #tpu.memory_space<hbm>> -> memref<8x128xi32, #tpu.memory_space<hbm>>
        %dma_wait3A_252 = arith.constant 0 : i32
        %dma_wait3A_253 = tpu.memref_slice %arg4[%add3A_23, %dma_wait3A_252] : memref<2560x128xi32, #tpu.memory_space<hbm>> -> memref<8x128xi32, #tpu.memory_space<hbm>>
        tpu.wait_dma2 semaphore(%run_scoped3A : memref<!tpu.dma_semaphore, #tpu.memory_space<semaphore_mem>>) src(%dma_wait3A_253 : memref<8x128xi32, #tpu.memory_space<hbm>>) dst(%arg8 : memref<8x128xi32, #tpu.memory_space<vmem>>)
        tpu.yield
      }) : () -> ()
      %dma_start3A = arith.constant 0 : i32
      %dma_start3A_24 = arith.constant 0 : i32
      %dma_start3A_25 = tpu.memref_slice %arg7[%dma_start3A, %dma_start3A_24] : memref<8x128xi32, #tpu.memory_space<vmem>> -> memref<1x128xi32, #tpu.memory_space<vmem>>
      %dma_start3A_26 = tpu.memref_squeeze %dma_start3A_25 : memref<1x128xi32, #tpu.memory_space<vmem>> -> memref<128xi32, #tpu.memory_space<vmem>>
      %dma_start3A_27 = arith.constant 0 : i32
      %dma_start3A_28 = arith.constant 0 : i32
      %dma_start3A_29 = tpu.memref_slice %arg2[%dma_start3A_27, %dma_start3A_28] : memref<10000x128xf32, #tpu.memory_space<hbm>> -> memref<10000x128xf32, #tpu.memory_space<hbm>>
      tpu.enqueue_indirect_dma source(%dma_start3A_29 : memref<10000x128xf32, #tpu.memory_space<hbm>>) target(%arg9 : memref<128x128xf32, #tpu.memory_space<vmem>>) offsets(%dma_start3A_26 : memref<128xi32, #tpu.memory_space<vmem>>) semaphore(%arg12 : memref<!tpu.dma_semaphore, #tpu.memory_space<semaphore_mem>>)
      %dma_wait3A = arith.constant 0 : i32
      %dma_wait3A_30 = arith.constant 0 : i32
      %dma_wait3A_31 = tpu.memref_slice %arg7[%dma_wait3A, %dma_wait3A_30] : memref<8x128xi32, #tpu.memory_space<vmem>> -> memref<1x128xi32, #tpu.memory_space<vmem>>
      %dma_wait3A_32 = tpu.memref_squeeze %dma_wait3A_31 : memref<1x128xi32, #tpu.memory_space<vmem>> -> memref<128xi32, #tpu.memory_space<vmem>>
      %dma_wait3A_33 = arith.constant 0 : i32
      %dma_wait3A_34 = arith.constant 0 : i32
      %dma_wait3A_35 = tpu.memref_slice %arg2[%dma_wait3A_33, %dma_wait3A_34] : memref<10000x128xf32, #tpu.memory_space<hbm>> -> memref<10000x128xf32, #tpu.memory_space<hbm>>
      tpu.wait_indirect_dma semaphore(%arg12 : memref<!tpu.dma_semaphore, #tpu.memory_space<semaphore_mem>>) src(%dma_wait3A_35 : memref<10000x128xf32, #tpu.memory_space<hbm>>) dst(%arg9 : memref<128x128xf32, #tpu.memory_space<vmem>>)
      %dma_start3A_36 = arith.constant 0 : i32
      %dma_start3A_37 = arith.constant 0 : i32
      %dma_start3A_38 = tpu.memref_slice %arg8[%dma_start3A_36, %dma_start3A_37] : memref<8x128xi32, #tpu.memory_space<vmem>> -> memref<1x128xi32, #tpu.memory_space<vmem>>
      %dma_start3A_39 = tpu.memref_squeeze %dma_start3A_38 : memref<1x128xi32, #tpu.memory_space<vmem>> -> memref<128xi32, #tpu.memory_space<vmem>>
      %dma_start3A_40 = arith.constant 0 : i32
      %dma_start3A_41 = arith.constant 0 : i32
      %dma_start3A_42 = tpu.memref_slice %arg11[%dma_start3A_40, %dma_start3A_41] : memref<10112x128xf32, #tpu.memory_space<vmem_shared>> -> memref<10112x128xf32, #tpu.memory_space<vmem_shared>>
      tpu.enqueue_indirect_dma source(%arg9 : memref<128x128xf32, #tpu.memory_space<vmem>>) target(%dma_start3A_42 : memref<10112x128xf32, #tpu.memory_space<vmem_shared>>) offsets(%dma_start3A_39 : memref<128xi32, #tpu.memory_space<vmem>>) semaphore(%arg14 : memref<!tpu.dma_semaphore, #tpu.memory_space<semaphore_mem>>) {add = true}
      %dma_start3A_43 = arith.constant 1 : i32
      %dma_start3A_44 = arith.constant 0 : i32
      %dma_start3A_45 = tpu.memref_slice %arg7[%dma_start3A_43, %dma_start3A_44] : memref<8x128xi32, #tpu.memory_space<vmem>> -> memref<1x128xi32, #tpu.memory_space<vmem>>
      %dma_start3A_46 = tpu.memref_squeeze %dma_start3A_45 : memref<1x128xi32, #tpu.memory_space<vmem>> -> memref<128xi32, #tpu.memory_space<vmem>>
      %dma_start3A_47 = arith.constant 0 : i32
      %dma_start3A_48 = arith.constant 0 : i32
      %dma_start3A_49 = tpu.memref_slice %arg2[%dma_start3A_47, %dma_start3A_48] : memref<10000x128xf32, #tpu.memory_space<hbm>> -> memref<10000x128xf32, #tpu.memory_space<hbm>>
      tpu.enqueue_indirect_dma source(%dma_start3A_49 : memref<10000x128xf32, #tpu.memory_space<hbm>>) target(%arg10 : memref<128x128xf32, #tpu.memory_space<vmem>>) offsets(%dma_start3A_46 : memref<128xi32, #tpu.memory_space<vmem>>) semaphore(%arg13 : memref<!tpu.dma_semaphore, #tpu.memory_space<semaphore_mem>>)
      %dma_wait3A_50 = arith.constant 1 : i32
      %dma_wait3A_51 = arith.constant 0 : i32
      %dma_wait3A_52 = tpu.memref_slice %arg7[%dma_wait3A_50, %dma_wait3A_51] : memref<8x128xi32, #tpu.memory_space<vmem>> -> memref<1x128xi32, #tpu.memory_space<vmem>>
      %dma_wait3A_53 = tpu.memref_squeeze %dma_wait3A_52 : memref<1x128xi32, #tpu.memory_space<vmem>> -> memref<128xi32, #tpu.memory_space<vmem>>
      %dma_wait3A_54 = arith.constant 0 : i32
      %dma_wait3A_55 = arith.constant 0 : i32
      %dma_wait3A_56 = tpu.memref_slice %arg2[%dma_wait3A_54, %dma_wait3A_55] : memref<10000x128xf32, #tpu.memory_space<hbm>> -> memref<10000x128xf32, #tpu.memory_space<hbm>>
      tpu.wait_indirect_dma semaphore(%arg13 : memref<!tpu.dma_semaphore, #tpu.memory_space<semaphore_mem>>) src(%dma_wait3A_56 : memref<10000x128xf32, #tpu.memory_space<hbm>>) dst(%arg10 : memref<128x128xf32, #tpu.memory_space<vmem>>)
      %dma_start3A_57 = arith.constant 1 : i32
      %dma_start3A_58 = arith.constant 0 : i32
      %dma_start3A_59 = tpu.memref_slice %arg8[%dma_start3A_57, %dma_start3A_58] : memref<8x128xi32, #tpu.memory_space<vmem>> -> memref<1x128xi32, #tpu.memory_space<vmem>>
      %dma_start3A_60 = tpu.memref_squeeze %dma_start3A_59 : memref<1x128xi32, #tpu.memory_space<vmem>> -> memref<128xi32, #tpu.memory_space<vmem>>
      %dma_start3A_61 = arith.constant 0 : i32
      %dma_start3A_62 = arith.constant 0 : i32
      %dma_start3A_63 = tpu.memref_slice %arg11[%dma_start3A_61, %dma_start3A_62] : memref<10112x128xf32, #tpu.memory_space<vmem_shared>> -> memref<10112x128xf32, #tpu.memory_space<vmem_shared>>
      tpu.enqueue_indirect_dma source(%arg10 : memref<128x128xf32, #tpu.memory_space<vmem>>) target(%dma_start3A_63 : memref<10112x128xf32, #tpu.memory_space<vmem_shared>>) offsets(%dma_start3A_60 : memref<128xi32, #tpu.memory_space<vmem>>) semaphore(%arg15 : memref<!tpu.dma_semaphore, #tpu.memory_space<semaphore_mem>>) {add = true}
      %dma_wait3A_64 = arith.constant 0 : i32
      %dma_wait3A_65 = arith.constant 0 : i32
      %dma_wait3A_66 = tpu.memref_slice %arg8[%dma_wait3A_64, %dma_wait3A_65] : memref<8x128xi32, #tpu.memory_space<vmem>> -> memref<1x128xi32, #tpu.memory_space<vmem>>
      %dma_wait3A_67 = tpu.memref_squeeze %dma_wait3A_66 : memref<1x128xi32, #tpu.memory_space<vmem>> -> memref<128xi32, #tpu.memory_space<vmem>>
      %dma_wait3A_68 = arith.constant 0 : i32
      %dma_wait3A_69 = arith.constant 0 : i32
      %dma_wait3A_70 = tpu.memref_slice %arg11[%dma_wait3A_68, %dma_wait3A_69] : memref<10112x128xf32, #tpu.memory_space<vmem_shared>> -> memref<10112x128xf32, #tpu.memory_space<vmem_shared>>
      tpu.wait_indirect_dma semaphore(%arg14 : memref<!tpu.dma_semaphore, #tpu.memory_space<semaphore_mem>>) src(%arg9 : memref<128x128xf32, #tpu.memory_space<vmem>>) dst(%dma_wait3A_70 : memref<10112x128xf32, #tpu.memory_space<vmem_shared>>)
      %dma_start3A_71 = arith.constant 2 : i32
      %dma_start3A_72 = arith.constant 0 : i32
      %dma_start3A_73 = tpu.memref_slice %arg7[%dma_start3A_71, %dma_start3A_72] : memref<8x128xi32, #tpu.memory_space<vmem>> -> memref<1x128xi32, #tpu.memory_space<vmem>>
      %dma_start3A_74 = tpu.memref_squeeze %dma_start3A_73 : memref<1x128xi32, #tpu.memory_space<vmem>> -> memref<128xi32, #tpu.memory_space<vmem>>
      %dma_start3A_75 = arith.constant 0 : i32
      %dma_start3A_76 = arith.constant 0 : i32
      %dma_start3A_77 = tpu.memref_slice %arg2[%dma_start3A_75, %dma_start3A_76] : memref<10000x128xf32, #tpu.memory_space<hbm>> -> memref<10000x128xf32, #tpu.memory_space<hbm>>
      tpu.enqueue_indirect_dma source(%dma_start3A_77 : memref<10000x128xf32, #tpu.memory_space<hbm>>) target(%arg9 : memref<128x128xf32, #tpu.memory_space<vmem>>) offsets(%dma_start3A_74 : memref<128xi32, #tpu.memory_space<vmem>>) semaphore(%arg12 : memref<!tpu.dma_semaphore, #tpu.memory_space<semaphore_mem>>)
      %dma_wait3A_78 = arith.constant 2 : i32
      %dma_wait3A_79 = arith.constant 0 : i32
      %dma_wait3A_80 = tpu.memref_slice %arg7[%dma_wait3A_78, %dma_wait3A_79] : memref<8x128xi32, #tpu.memory_space<vmem>> -> memref<1x128xi32, #tpu.memory_space<vmem>>
      %dma_wait3A_81 = tpu.memref_squeeze %dma_wait3A_80 : memref<1x128xi32, #tpu.memory_space<vmem>> -> memref<128xi32, #tpu.memory_space<vmem>>
      %dma_wait3A_82 = arith.constant 0 : i32
      %dma_wait3A_83 = arith.constant 0 : i32
      %dma_wait3A_84 = tpu.memref_slice %arg2[%dma_wait3A_82, %dma_wait3A_83] : memref<10000x128xf32, #tpu.memory_space<hbm>> -> memref<10000x128xf32, #tpu.memory_space<hbm>>
      tpu.wait_indirect_dma semaphore(%arg12 : memref<!tpu.dma_semaphore, #tpu.memory_space<semaphore_mem>>) src(%dma_wait3A_84 : memref<10000x128xf32, #tpu.memory_space<hbm>>) dst(%arg9 : memref<128x128xf32, #tpu.memory_space<vmem>>)
      %dma_start3A_85 = arith.constant 2 : i32
      %dma_start3A_86 = arith.constant 0 : i32
      %dma_start3A_87 = tpu.memref_slice %arg8[%dma_start3A_85, %dma_start3A_86] : memref<8x128xi32, #tpu.memory_space<vmem>> -> memref<1x128xi32, #tpu.memory_space<vmem>>
      %dma_start3A_88 = tpu.memref_squeeze %dma_start3A_87 : memref<1x128xi32, #tpu.memory_space<vmem>> -> memref<128xi32, #tpu.memory_space<vmem>>
      %dma_start3A_89 = arith.constant 0 : i32
      %dma_start3A_90 = arith.constant 0 : i32
      %dma_start3A_91 = tpu.memref_slice %arg11[%dma_start3A_89, %dma_start3A_90] : memref<10112x128xf32, #tpu.memory_space<vmem_shared>> -> memref<10112x128xf32, #tpu.memory_space<vmem_shared>>
      tpu.enqueue_indirect_dma source(%arg9 : memref<128x128xf32, #tpu.memory_space<vmem>>) target(%dma_start3A_91 : memref<10112x128xf32, #tpu.memory_space<vmem_shared>>) offsets(%dma_start3A_88 : memref<128xi32, #tpu.memory_space<vmem>>) semaphore(%arg14 : memref<!tpu.dma_semaphore, #tpu.memory_space<semaphore_mem>>) {add = true}
      %dma_wait3A_92 = arith.constant 1 : i32
      %dma_wait3A_93 = arith.constant 0 : i32
      %dma_wait3A_94 = tpu.memref_slice %arg8[%dma_wait3A_92, %dma_wait3A_93] : memref<8x128xi32, #tpu.memory_space<vmem>> -> memref<1x128xi32, #tpu.memory_space<vmem>>
      %dma_wait3A_95 = tpu.memref_squeeze %dma_wait3A_94 : memref<1x128xi32, #tpu.memory_space<vmem>> -> memref<128xi32, #tpu.memory_space<vmem>>
      %dma_wait3A_96 = arith.constant 0 : i32
      %dma_wait3A_97 = arith.constant 0 : i32
      %dma_wait3A_98 = tpu.memref_slice %arg11[%dma_wait3A_96, %dma_wait3A_97] : memref<10112x128xf32, #tpu.memory_space<vmem_shared>> -> memref<10112x128xf32, #tpu.memory_space<vmem_shared>>
      tpu.wait_indirect_dma semaphore(%arg15 : memref<!tpu.dma_semaphore, #tpu.memory_space<semaphore_mem>>) src(%arg10 : memref<128x128xf32, #tpu.memory_space<vmem>>) dst(%dma_wait3A_98 : memref<10112x128xf32, #tpu.memory_space<vmem_shared>>)
      %dma_start3A_99 = arith.constant 3 : i32
      %dma_start3A_100 = arith.constant 0 : i32
      %dma_start3A_101 = tpu.memref_slice %arg7[%dma_start3A_99, %dma_start3A_100] : memref<8x128xi32, #tpu.memory_space<vmem>> -> memref<1x128xi32, #tpu.memory_space<vmem>>
      %dma_start3A_102 = tpu.memref_squeeze %dma_start3A_101 : memref<1x128xi32, #tpu.memory_space<vmem>> -> memref<128xi32, #tpu.memory_space<vmem>>
      %dma_start3A_103 = arith.constant 0 : i32
      %dma_start3A_104 = arith.constant 0 : i32
      %dma_start3A_105 = tpu.memref_slice %arg2[%dma_start3A_103, %dma_start3A_104] : memref<10000x128xf32, #tpu.memory_space<hbm>> -> memref<10000x128xf32, #tpu.memory_space<hbm>>
      tpu.enqueue_indirect_dma source(%dma_start3A_105 : memref<10000x128xf32, #tpu.memory_space<hbm>>) target(%arg10 : memref<128x128xf32, #tpu.memory_space<vmem>>) offsets(%dma_start3A_102 : memref<128xi32, #tpu.memory_space<vmem>>) semaphore(%arg13 : memref<!tpu.dma_semaphore, #tpu.memory_space<semaphore_mem>>)
      %dma_wait3A_106 = arith.constant 3 : i32
      %dma_wait3A_107 = arith.constant 0 : i32
      %dma_wait3A_108 = tpu.memref_slice %arg7[%dma_wait3A_106, %dma_wait3A_107] : memref<8x128xi32, #tpu.memory_space<vmem>> -> memref<1x128xi32, #tpu.memory_space<vmem>>
      %dma_wait3A_109 = tpu.memref_squeeze %dma_wait3A_108 : memref<1x128xi32, #tpu.memory_space<vmem>> -> memref<128xi32, #tpu.memory_space<vmem>>
      %dma_wait3A_110 = arith.constant 0 : i32
      %dma_wait3A_111 = arith.constant 0 : i32
      %dma_wait3A_112 = tpu.memref_slice %arg2[%dma_wait3A_110, %dma_wait3A_111] : memref<10000x128xf32, #tpu.memory_space<hbm>> -> memref<10000x128xf32, #tpu.memory_space<hbm>>
      tpu.wait_indirect_dma semaphore(%arg13 : memref<!tpu.dma_semaphore, #tpu.memory_space<semaphore_mem>>) src(%dma_wait3A_112 : memref<10000x128xf32, #tpu.memory_space<hbm>>) dst(%arg10 : memref<128x128xf32, #tpu.memory_space<vmem>>)
      %dma_start3A_113 = arith.constant 3 : i32
      %dma_start3A_114 = arith.constant 0 : i32
      %dma_start3A_115 = tpu.memref_slice %arg8[%dma_start3A_113, %dma_start3A_114] : memref<8x128xi32, #tpu.memory_space<vmem>> -> memref<1x128xi32, #tpu.memory_space<vmem>>
      %dma_start3A_116 = tpu.memref_squeeze %dma_start3A_115 : memref<1x128xi32, #tpu.memory_space<vmem>> -> memref<128xi32, #tpu.memory_space<vmem>>
      %dma_start3A_117 = arith.constant 0 : i32
      %dma_start3A_118 = arith.constant 0 : i32
      %dma_start3A_119 = tpu.memref_slice %arg11[%dma_start3A_117, %dma_start3A_118] : memref<10112x128xf32, #tpu.memory_space<vmem_shared>> -> memref<10112x128xf32, #tpu.memory_space<vmem_shared>>
      tpu.enqueue_indirect_dma source(%arg10 : memref<128x128xf32, #tpu.memory_space<vmem>>) target(%dma_start3A_119 : memref<10112x128xf32, #tpu.memory_space<vmem_shared>>) offsets(%dma_start3A_116 : memref<128xi32, #tpu.memory_space<vmem>>) semaphore(%arg15 : memref<!tpu.dma_semaphore, #tpu.memory_space<semaphore_mem>>) {add = true}
      %dma_wait3A_120 = arith.constant 2 : i32
      %dma_wait3A_121 = arith.constant 0 : i32
      %dma_wait3A_122 = tpu.memref_slice %arg8[%dma_wait3A_120, %dma_wait3A_121] : memref<8x128xi32, #tpu.memory_space<vmem>> -> memref<1x128xi32, #tpu.memory_space<vmem>>
      %dma_wait3A_123 = tpu.memref_squeeze %dma_wait3A_122 : memref<1x128xi32, #tpu.memory_space<vmem>> -> memref<128xi32, #tpu.memory_space<vmem>>
      %dma_wait3A_124 = arith.constant 0 : i32
      %dma_wait3A_125 = arith.constant 0 : i32
      %dma_wait3A_126 = tpu.memref_slice %arg11[%dma_wait3A_124, %dma_wait3A_125] : memref<10112x128xf32, #tpu.memory_space<vmem_shared>> -> memref<10112x128xf32, #tpu.memory_space<vmem_shared>>
      tpu.wait_indirect_dma semaphore(%arg14 : memref<!tpu.dma_semaphore, #tpu.memory_space<semaphore_mem>>) src(%arg9 : memref<128x128xf32, #tpu.memory_space<vmem>>) dst(%dma_wait3A_126 : memref<10112x128xf32, #tpu.memory_space<vmem_shared>>)
      %dma_start3A_127 = arith.constant 4 : i32
      %dma_start3A_128 = arith.constant 0 : i32
      %dma_start3A_129 = tpu.memref_slice %arg7[%dma_start3A_127, %dma_start3A_128] : memref<8x128xi32, #tpu.memory_space<vmem>> -> memref<1x128xi32, #tpu.memory_space<vmem>>
      %dma_start3A_130 = tpu.memref_squeeze %dma_start3A_129 : memref<1x128xi32, #tpu.memory_space<vmem>> -> memref<128xi32, #tpu.memory_space<vmem>>
      %dma_start3A_131 = arith.constant 0 : i32
      %dma_start3A_132 = arith.constant 0 : i32
      %dma_start3A_133 = tpu.memref_slice %arg2[%dma_start3A_131, %dma_start3A_132] : memref<10000x128xf32, #tpu.memory_space<hbm>> -> memref<10000x128xf32, #tpu.memory_space<hbm>>
      tpu.enqueue_indirect_dma source(%dma_start3A_133 : memref<10000x128xf32, #tpu.memory_space<hbm>>) target(%arg9 : memref<128x128xf32, #tpu.memory_space<vmem>>) offsets(%dma_start3A_130 : memref<128xi32, #tpu.memory_space<vmem>>) semaphore(%arg12 : memref<!tpu.dma_semaphore, #tpu.memory_space<semaphore_mem>>)
      %dma_wait3A_134 = arith.constant 4 : i32
      %dma_wait3A_135 = arith.constant 0 : i32
      %dma_wait3A_136 = tpu.memref_slice %arg7[%dma_wait3A_134, %dma_wait3A_135] : memref<8x128xi32, #tpu.memory_space<vmem>> -> memref<1x128xi32, #tpu.memory_space<vmem>>
      %dma_wait3A_137 = tpu.memref_squeeze %dma_wait3A_136 : memref<1x128xi32, #tpu.memory_space<vmem>> -> memref<128xi32, #tpu.memory_space<vmem>>
      %dma_wait3A_138 = arith.constant 0 : i32
      %dma_wait3A_139 = arith.constant 0 : i32
      %dma_wait3A_140 = tpu.memref_slice %arg2[%dma_wait3A_138, %dma_wait3A_139] : memref<10000x128xf32, #tpu.memory_space<hbm>> -> memref<10000x128xf32, #tpu.memory_space<hbm>>
      tpu.wait_indirect_dma semaphore(%arg12 : memref<!tpu.dma_semaphore, #tpu.memory_space<semaphore_mem>>) src(%dma_wait3A_140 : memref<10000x128xf32, #tpu.memory_space<hbm>>) dst(%arg9 : memref<128x128xf32, #tpu.memory_space<vmem>>)
      %dma_start3A_141 = arith.constant 4 : i32
      %dma_start3A_142 = arith.constant 0 : i32
      %dma_start3A_143 = tpu.memref_slice %arg8[%dma_start3A_141, %dma_start3A_142] : memref<8x128xi32, #tpu.memory_space<vmem>> -> memref<1x128xi32, #tpu.memory_space<vmem>>
      %dma_start3A_144 = tpu.memref_squeeze %dma_start3A_143 : memref<1x128xi32, #tpu.memory_space<vmem>> -> memref<128xi32, #tpu.memory_space<vmem>>
      %dma_start3A_145 = arith.constant 0 : i32
      %dma_start3A_146 = arith.constant 0 : i32
      %dma_start3A_147 = tpu.memref_slice %arg11[%dma_start3A_145, %dma_start3A_146] : memref<10112x128xf32, #tpu.memory_space<vmem_shared>> -> memref<10112x128xf32, #tpu.memory_space<vmem_shared>>
      tpu.enqueue_indirect_dma source(%arg9 : memref<128x128xf32, #tpu.memory_space<vmem>>) target(%dma_start3A_147 : memref<10112x128xf32, #tpu.memory_space<vmem_shared>>) offsets(%dma_start3A_144 : memref<128xi32, #tpu.memory_space<vmem>>) semaphore(%arg14 : memref<!tpu.dma_semaphore, #tpu.memory_space<semaphore_mem>>) {add = true}
      %dma_wait3A_148 = arith.constant 3 : i32
      %dma_wait3A_149 = arith.constant 0 : i32
      %dma_wait3A_150 = tpu.memref_slice %arg8[%dma_wait3A_148, %dma_wait3A_149] : memref<8x128xi32, #tpu.memory_space<vmem>> -> memref<1x128xi32, #tpu.memory_space<vmem>>
      %dma_wait3A_151 = tpu.memref_squeeze %dma_wait3A_150 : memref<1x128xi32, #tpu.memory_space<vmem>> -> memref<128xi32, #tpu.memory_space<vmem>>
      %dma_wait3A_152 = arith.constant 0 : i32
      %dma_wait3A_153 = arith.constant 0 : i32
      %dma_wait3A_154 = tpu.memref_slice %arg11[%dma_wait3A_152, %dma_wait3A_153] : memref<10112x128xf32, #tpu.memory_space<vmem_shared>> -> memref<10112x128xf32, #tpu.memory_space<vmem_shared>>
      tpu.wait_indirect_dma semaphore(%arg15 : memref<!tpu.dma_semaphore, #tpu.memory_space<semaphore_mem>>) src(%arg10 : memref<128x128xf32, #tpu.memory_space<vmem>>) dst(%dma_wait3A_154 : memref<10112x128xf32, #tpu.memory_space<vmem_shared>>)
      %dma_start3A_155 = arith.constant 5 : i32
      %dma_start3A_156 = arith.constant 0 : i32
      %dma_start3A_157 = tpu.memref_slice %arg7[%dma_start3A_155, %dma_start3A_156] : memref<8x128xi32, #tpu.memory_space<vmem>> -> memref<1x128xi32, #tpu.memory_space<vmem>>
      %dma_start3A_158 = tpu.memref_squeeze %dma_start3A_157 : memref<1x128xi32, #tpu.memory_space<vmem>> -> memref<128xi32, #tpu.memory_space<vmem>>
      %dma_start3A_159 = arith.constant 0 : i32
      %dma_start3A_160 = arith.constant 0 : i32
      %dma_start3A_161 = tpu.memref_slice %arg2[%dma_start3A_159, %dma_start3A_160] : memref<10000x128xf32, #tpu.memory_space<hbm>> -> memref<10000x128xf32, #tpu.memory_space<hbm>>
      tpu.enqueue_indirect_dma source(%dma_start3A_161 : memref<10000x128xf32, #tpu.memory_space<hbm>>) target(%arg10 : memref<128x128xf32, #tpu.memory_space<vmem>>) offsets(%dma_start3A_158 : memref<128xi32, #tpu.memory_space<vmem>>) semaphore(%arg13 : memref<!tpu.dma_semaphore, #tpu.memory_space<semaphore_mem>>)
      %dma_wait3A_162 = arith.constant 5 : i32
      %dma_wait3A_163 = arith.constant 0 : i32
      %dma_wait3A_164 = tpu.memref_slice %arg7[%dma_wait3A_162, %dma_wait3A_163] : memref<8x128xi32, #tpu.memory_space<vmem>> -> memref<1x128xi32, #tpu.memory_space<vmem>>
      %dma_wait3A_165 = tpu.memref_squeeze %dma_wait3A_164 : memref<1x128xi32, #tpu.memory_space<vmem>> -> memref<128xi32, #tpu.memory_space<vmem>>
      %dma_wait3A_166 = arith.constant 0 : i32
      %dma_wait3A_167 = arith.constant 0 : i32
      %dma_wait3A_168 = tpu.memref_slice %arg2[%dma_wait3A_166, %dma_wait3A_167] : memref<10000x128xf32, #tpu.memory_space<hbm>> -> memref<10000x128xf32, #tpu.memory_space<hbm>>
      tpu.wait_indirect_dma semaphore(%arg13 : memref<!tpu.dma_semaphore, #tpu.memory_space<semaphore_mem>>) src(%dma_wait3A_168 : memref<10000x128xf32, #tpu.memory_space<hbm>>) dst(%arg10 : memref<128x128xf32, #tpu.memory_space<vmem>>)
      %dma_start3A_169 = arith.constant 5 : i32
      %dma_start3A_170 = arith.constant 0 : i32
      %dma_start3A_171 = tpu.memref_slice %arg8[%dma_start3A_169, %dma_start3A_170] : memref<8x128xi32, #tpu.memory_space<vmem>> -> memref<1x128xi32, #tpu.memory_space<vmem>>
      %dma_start3A_172 = tpu.memref_squeeze %dma_start3A_171 : memref<1x128xi32, #tpu.memory_space<vmem>> -> memref<128xi32, #tpu.memory_space<vmem>>
      %dma_start3A_173 = arith.constant 0 : i32
      %dma_start3A_174 = arith.constant 0 : i32
      %dma_start3A_175 = tpu.memref_slice %arg11[%dma_start3A_173, %dma_start3A_174] : memref<10112x128xf32, #tpu.memory_space<vmem_shared>> -> memref<10112x128xf32, #tpu.memory_space<vmem_shared>>
      tpu.enqueue_indirect_dma source(%arg10 : memref<128x128xf32, #tpu.memory_space<vmem>>) target(%dma_start3A_175 : memref<10112x128xf32, #tpu.memory_space<vmem_shared>>) offsets(%dma_start3A_172 : memref<128xi32, #tpu.memory_space<vmem>>) semaphore(%arg15 : memref<!tpu.dma_semaphore, #tpu.memory_space<semaphore_mem>>) {add = true}
      %dma_wait3A_176 = arith.constant 4 : i32
      %dma_wait3A_177 = arith.constant 0 : i32
      %dma_wait3A_178 = tpu.memref_slice %arg8[%dma_wait3A_176, %dma_wait3A_177] : memref<8x128xi32, #tpu.memory_space<vmem>> -> memref<1x128xi32, #tpu.memory_space<vmem>>
      %dma_wait3A_179 = tpu.memref_squeeze %dma_wait3A_178 : memref<1x128xi32, #tpu.memory_space<vmem>> -> memref<128xi32, #tpu.memory_space<vmem>>
      %dma_wait3A_180 = arith.constant 0 : i32
      %dma_wait3A_181 = arith.constant 0 : i32
      %dma_wait3A_182 = tpu.memref_slice %arg11[%dma_wait3A_180, %dma_wait3A_181] : memref<10112x128xf32, #tpu.memory_space<vmem_shared>> -> memref<10112x128xf32, #tpu.memory_space<vmem_shared>>
      tpu.wait_indirect_dma semaphore(%arg14 : memref<!tpu.dma_semaphore, #tpu.memory_space<semaphore_mem>>) src(%arg9 : memref<128x128xf32, #tpu.memory_space<vmem>>) dst(%dma_wait3A_182 : memref<10112x128xf32, #tpu.memory_space<vmem_shared>>)
      %dma_start3A_183 = arith.constant 6 : i32
      %dma_start3A_184 = arith.constant 0 : i32
      %dma_start3A_185 = tpu.memref_slice %arg7[%dma_start3A_183, %dma_start3A_184] : memref<8x128xi32, #tpu.memory_space<vmem>> -> memref<1x128xi32, #tpu.memory_space<vmem>>
      %dma_start3A_186 = tpu.memref_squeeze %dma_start3A_185 : memref<1x128xi32, #tpu.memory_space<vmem>> -> memref<128xi32, #tpu.memory_space<vmem>>
      %dma_start3A_187 = arith.constant 0 : i32
      %dma_start3A_188 = arith.constant 0 : i32
      %dma_start3A_189 = tpu.memref_slice %arg2[%dma_start3A_187, %dma_start3A_188] : memref<10000x128xf32, #tpu.memory_space<hbm>> -> memref<10000x128xf32, #tpu.memory_space<hbm>>
      tpu.enqueue_indirect_dma source(%dma_start3A_189 : memref<10000x128xf32, #tpu.memory_space<hbm>>) target(%arg9 : memref<128x128xf32, #tpu.memory_space<vmem>>) offsets(%dma_start3A_186 : memref<128xi32, #tpu.memory_space<vmem>>) semaphore(%arg12 : memref<!tpu.dma_semaphore, #tpu.memory_space<semaphore_mem>>)
      %dma_wait3A_190 = arith.constant 6 : i32
      %dma_wait3A_191 = arith.constant 0 : i32
      %dma_wait3A_192 = tpu.memref_slice %arg7[%dma_wait3A_190, %dma_wait3A_191] : memref<8x128xi32, #tpu.memory_space<vmem>> -> memref<1x128xi32, #tpu.memory_space<vmem>>
      %dma_wait3A_193 = tpu.memref_squeeze %dma_wait3A_192 : memref<1x128xi32, #tpu.memory_space<vmem>> -> memref<128xi32, #tpu.memory_space<vmem>>
      %dma_wait3A_194 = arith.constant 0 : i32
      %dma_wait3A_195 = arith.constant 0 : i32
      %dma_wait3A_196 = tpu.memref_slice %arg2[%dma_wait3A_194, %dma_wait3A_195] : memref<10000x128xf32, #tpu.memory_space<hbm>> -> memref<10000x128xf32, #tpu.memory_space<hbm>>
      tpu.wait_indirect_dma semaphore(%arg12 : memref<!tpu.dma_semaphore, #tpu.memory_space<semaphore_mem>>) src(%dma_wait3A_196 : memref<10000x128xf32, #tpu.memory_space<hbm>>) dst(%arg9 : memref<128x128xf32, #tpu.memory_space<vmem>>)
      %dma_start3A_197 = arith.constant 6 : i32
      %dma_start3A_198 = arith.constant 0 : i32
      %dma_start3A_199 = tpu.memref_slice %arg8[%dma_start3A_197, %dma_start3A_198] : memref<8x128xi32, #tpu.memory_space<vmem>> -> memref<1x128xi32, #tpu.memory_space<vmem>>
      %dma_start3A_200 = tpu.memref_squeeze %dma_start3A_199 : memref<1x128xi32, #tpu.memory_space<vmem>> -> memref<128xi32, #tpu.memory_space<vmem>>
      %dma_start3A_201 = arith.constant 0 : i32
      %dma_start3A_202 = arith.constant 0 : i32
      %dma_start3A_203 = tpu.memref_slice %arg11[%dma_start3A_201, %dma_start3A_202] : memref<10112x128xf32, #tpu.memory_space<vmem_shared>> -> memref<10112x128xf32, #tpu.memory_space<vmem_shared>>
      tpu.enqueue_indirect_dma source(%arg9 : memref<128x128xf32, #tpu.memory_space<vmem>>) target(%dma_start3A_203 : memref<10112x128xf32, #tpu.memory_space<vmem_shared>>) offsets(%dma_start3A_200 : memref<128xi32, #tpu.memory_space<vmem>>) semaphore(%arg14 : memref<!tpu.dma_semaphore, #tpu.memory_space<semaphore_mem>>) {add = true}
      %dma_wait3A_204 = arith.constant 5 : i32
      %dma_wait3A_205 = arith.constant 0 : i32
      %dma_wait3A_206 = tpu.memref_slice %arg8[%dma_wait3A_204, %dma_wait3A_205] : memref<8x128xi32, #tpu.memory_space<vmem>> -> memref<1x128xi32, #tpu.memory_space<vmem>>
      %dma_wait3A_207 = tpu.memref_squeeze %dma_wait3A_206 : memref<1x128xi32, #tpu.memory_space<vmem>> -> memref<128xi32, #tpu.memory_space<vmem>>
      %dma_wait3A_208 = arith.constant 0 : i32
      %dma_wait3A_209 = arith.constant 0 : i32
      %dma_wait3A_210 = tpu.memref_slice %arg11[%dma_wait3A_208, %dma_wait3A_209] : memref<10112x128xf32, #tpu.memory_space<vmem_shared>> -> memref<10112x128xf32, #tpu.memory_space<vmem_shared>>
      tpu.wait_indirect_dma semaphore(%arg15 : memref<!tpu.dma_semaphore, #tpu.memory_space<semaphore_mem>>) src(%arg10 : memref<128x128xf32, #tpu.memory_space<vmem>>) dst(%dma_wait3A_210 : memref<10112x128xf32, #tpu.memory_space<vmem_shared>>)
      %dma_start3A_211 = arith.constant 7 : i32
      %dma_start3A_212 = arith.constant 0 : i32
      %dma_start3A_213 = tpu.memref_slice %arg7[%dma_start3A_211, %dma_start3A_212] : memref<8x128xi32, #tpu.memory_space<vmem>> -> memref<1x128xi32, #tpu.memory_space<vmem>>
      %dma_start3A_214 = tpu.memref_squeeze %dma_start3A_213 : memref<1x128xi32, #tpu.memory_space<vmem>> -> memref<128xi32, #tpu.memory_space<vmem>>
      %dma_start3A_215 = arith.constant 0 : i32
      %dma_start3A_216 = arith.constant 0 : i32
      %dma_start3A_217 = tpu.memref_slice %arg2[%dma_start3A_215, %dma_start3A_216] : memref<10000x128xf32, #tpu.memory_space<hbm>> -> memref<10000x128xf32, #tpu.memory_space<hbm>>
      tpu.enqueue_indirect_dma source(%dma_start3A_217 : memref<10000x128xf32, #tpu.memory_space<hbm>>) target(%arg10 : memref<128x128xf32, #tpu.memory_space<vmem>>) offsets(%dma_start3A_214 : memref<128xi32, #tpu.memory_space<vmem>>) semaphore(%arg13 : memref<!tpu.dma_semaphore, #tpu.memory_space<semaphore_mem>>)
      %dma_wait3A_218 = arith.constant 7 : i32
      %dma_wait3A_219 = arith.constant 0 : i32
      %dma_wait3A_220 = tpu.memref_slice %arg7[%dma_wait3A_218, %dma_wait3A_219] : memref<8x128xi32, #tpu.memory_space<vmem>> -> memref<1x128xi32, #tpu.memory_space<vmem>>
      %dma_wait3A_221 = tpu.memref_squeeze %dma_wait3A_220 : memref<1x128xi32, #tpu.memory_space<vmem>> -> memref<128xi32, #tpu.memory_space<vmem>>
      %dma_wait3A_222 = arith.constant 0 : i32
      %dma_wait3A_223 = arith.constant 0 : i32
      %dma_wait3A_224 = tpu.memref_slice %arg2[%dma_wait3A_222, %dma_wait3A_223] : memref<10000x128xf32, #tpu.memory_space<hbm>> -> memref<10000x128xf32, #tpu.memory_space<hbm>>
      tpu.wait_indirect_dma semaphore(%arg13 : memref<!tpu.dma_semaphore, #tpu.memory_space<semaphore_mem>>) src(%dma_wait3A_224 : memref<10000x128xf32, #tpu.memory_space<hbm>>) dst(%arg10 : memref<128x128xf32, #tpu.memory_space<vmem>>)
      %dma_start3A_225 = arith.constant 7 : i32
      %dma_start3A_226 = arith.constant 0 : i32
      %dma_start3A_227 = tpu.memref_slice %arg8[%dma_start3A_225, %dma_start3A_226] : memref<8x128xi32, #tpu.memory_space<vmem>> -> memref<1x128xi32, #tpu.memory_space<vmem>>
      %dma_start3A_228 = tpu.memref_squeeze %dma_start3A_227 : memref<1x128xi32, #tpu.memory_space<vmem>> -> memref<128xi32, #tpu.memory_space<vmem>>
      %dma_start3A_229 = arith.constant 0 : i32
      %dma_start3A_230 = arith.constant 0 : i32
      %dma_start3A_231 = tpu.memref_slice %arg11[%dma_start3A_229, %dma_start3A_230] : memref<10112x128xf32, #tpu.memory_space<vmem_shared>> -> memref<10112x128xf32, #tpu.memory_space<vmem_shared>>
      tpu.enqueue_indirect_dma source(%arg10 : memref<128x128xf32, #tpu.memory_space<vmem>>) target(%dma_start3A_231 : memref<10112x128xf32, #tpu.memory_space<vmem_shared>>) offsets(%dma_start3A_228 : memref<128xi32, #tpu.memory_space<vmem>>) semaphore(%arg15 : memref<!tpu.dma_semaphore, #tpu.memory_space<semaphore_mem>>) {add = true}
      %dma_wait3A_232 = arith.constant 6 : i32
      %dma_wait3A_233 = arith.constant 0 : i32
      %dma_wait3A_234 = tpu.memref_slice %arg8[%dma_wait3A_232, %dma_wait3A_233] : memref<8x128xi32, #tpu.memory_space<vmem>> -> memref<1x128xi32, #tpu.memory_space<vmem>>
      %dma_wait3A_235 = tpu.memref_squeeze %dma_wait3A_234 : memref<1x128xi32, #tpu.memory_space<vmem>> -> memref<128xi32, #tpu.memory_space<vmem>>
      %dma_wait3A_236 = arith.constant 0 : i32
      %dma_wait3A_237 = arith.constant 0 : i32
      %dma_wait3A_238 = tpu.memref_slice %arg11[%dma_wait3A_236, %dma_wait3A_237] : memref<10112x128xf32, #tpu.memory_space<vmem_shared>> -> memref<10112x128xf32, #tpu.memory_space<vmem_shared>>
      tpu.wait_indirect_dma semaphore(%arg14 : memref<!tpu.dma_semaphore, #tpu.memory_space<semaphore_mem>>) src(%arg9 : memref<128x128xf32, #tpu.memory_space<vmem>>) dst(%dma_wait3A_238 : memref<10112x128xf32, #tpu.memory_space<vmem_shared>>)
      %dma_wait3A_239 = arith.constant 7 : i32
      %dma_wait3A_240 = arith.constant 0 : i32
      %dma_wait3A_241 = tpu.memref_slice %arg8[%dma_wait3A_239, %dma_wait3A_240] : memref<8x128xi32, #tpu.memory_space<vmem>> -> memref<1x128xi32, #tpu.memory_space<vmem>>
      %dma_wait3A_242 = tpu.memref_squeeze %dma_wait3A_241 : memref<1x128xi32, #tpu.memory_space<vmem>> -> memref<128xi32, #tpu.memory_space<vmem>>
      %dma_wait3A_243 = arith.constant 0 : i32
      %dma_wait3A_244 = arith.constant 0 : i32
      %dma_wait3A_245 = tpu.memref_slice %arg11[%dma_wait3A_243, %dma_wait3A_244] : memref<10112x128xf32, #tpu.memory_space<vmem_shared>> -> memref<10112x128xf32, #tpu.memory_space<vmem_shared>>
      tpu.wait_indirect_dma semaphore(%arg15 : memref<!tpu.dma_semaphore, #tpu.memory_space<semaphore_mem>>) src(%arg10 : memref<128x128xf32, #tpu.memory_space<vmem>>) dst(%dma_wait3A_245 : memref<10112x128xf32, #tpu.memory_space<vmem_shared>>)
    }
    %scan3A_11 = arith.constant 10 : i32
    %barrier3A_12 = arith.constant 0 : index
    tpu.barrier barrier_id(%barrier3A_12)
    %mul3A_13 = arith.constant 632 : i32
    %mul3A_14 = arith.muli %arg1, %mul3A_13 : i32
    %mul3A_15 = arith.constant 632 : i32
    %mul3A_16 = arith.muli %arg1, %mul3A_15 : i32
    "tpu.region"() ({
      %run_scoped3A = tpu.sem_alloc : memref<!tpu.dma_semaphore, #tpu.memory_space<semaphore_mem>>
      %dma_start3A = arith.constant 0 : i32
      %dma_start3A_17 = tpu.memref_slice %arg6[%arg0, %mul3A_16, %dma_start3A] : memref<2x10112x128xf32, #tpu.memory_space<hbm>> -> memref<1x632x128xf32, #tpu.memory_space<hbm>>
      %dma_start3A_18 = tpu.memref_squeeze %dma_start3A_17 : memref<1x632x128xf32, #tpu.memory_space<hbm>> -> memref<632x128xf32, #tpu.memory_space<hbm>>
      %dma_start3A_19 = arith.constant 0 : i32
      %dma_start3A_20 = tpu.memref_slice %arg11[%mul3A_14, %dma_start3A_19] : memref<10112x128xf32, #tpu.memory_space<vmem_shared>> -> memref<632x128xf32, #tpu.memory_space<vmem_shared>>
      tpu.enqueue_dma source(%dma_start3A_20 : memref<632x128xf32, #tpu.memory_space<vmem_shared>>) target(%dma_start3A_18 : memref<632x128xf32, #tpu.memory_space<hbm>>) target_semaphore(%run_scoped3A : memref<!tpu.dma_semaphore, #tpu.memory_space<semaphore_mem>>)
      %dma_wait3A = arith.constant 0 : i32
      %dma_wait3A_21 = tpu.memref_slice %arg6[%arg0, %mul3A_16, %dma_wait3A] : memref<2x10112x128xf32, #tpu.memory_space<hbm>> -> memref<1x632x128xf32, #tpu.memory_space<hbm>>
      %dma_wait3A_22 = tpu.memref_squeeze %dma_wait3A_21 : memref<1x632x128xf32, #tpu.memory_space<hbm>> -> memref<632x128xf32, #tpu.memory_space<hbm>>
      %dma_wait3A_23 = arith.constant 0 : i32
      %dma_wait3A_24 = tpu.memref_slice %arg11[%mul3A_14, %dma_wait3A_23] : memref<10112x128xf32, #tpu.memory_space<vmem_shared>> -> memref<632x128xf32, #tpu.memory_space<vmem_shared>>
      tpu.wait_dma2 semaphore(%run_scoped3A : memref<!tpu.dma_semaphore, #tpu.memory_space<semaphore_mem>>) src(%dma_wait3A_24 : memref<632x128xf32, #tpu.memory_space<vmem_shared>>) dst(%dma_wait3A_22 : memref<632x128xf32, #tpu.memory_space<hbm>>)
      tpu.yield
    }) : () -> ()
    return
  }
}

module attributes {stable_mosaic.version = 14 : i64} {
  func.func @body(%arg0: i32, %arg1: memref<1000x128xf32, #tpu.memory_space<vmem>>, %arg2: memref<2x1000x128xf32, #tpu.memory_space<vmem>>, %arg3: memref<1000x1xf32, #tpu.memory_space<vmem>>, %arg4: memref<1000x128xf32, #tpu.memory_space<vmem>>) attributes {dimension_semantics = [#tpu.dimension_semantics<arbitrary>], iteration_bounds = array<i64: 10>, scalar_prefetch = 0 : i64, scratch_operands = 0 : i64, tpu.core_type = #tpu.core_type<tc>, window_params = [{transform_indices = @transform_0, window_bounds = array<i64: 1000, 128>}, {transform_indices = @transform_1, window_bounds = array<i64: 2, 1000, 128>}, {transform_indices = @transform_2, window_bounds = array<i64: 1000, 1>}, {transform_indices = @transform_3, window_bounds = array<i64: 1000, 128>}]} {
    %get3A = arith.constant 0 : index
    %get3A_0 = arith.constant 0 : index
    %get3A_1 = arith.constant 0 : index
    %get3A_2 = vector.load %arg2[%get3A, %get3A_0, %get3A_1] : memref<2x1000x128xf32, #tpu.memory_space<vmem>>, vector<2x1000x128xf32>
    %slice3A = vector.extract_strided_slice %get3A_2 {offsets = [0, 0, 0], sizes = [1, 1000, 1], strides = [1, 1, 1]} : vector<2x1000x128xf32> to vector<1x1000x1xf32>
    %squeeze3A = vector.shape_cast %slice3A : vector<1x1000x1xf32> to vector<1000x1xf32>
    %slice3A_3 = vector.extract_strided_slice %get3A_2 {offsets = [1, 0, 0], sizes = [1, 1000, 1], strides = [1, 1, 1]} : vector<2x1000x128xf32> to vector<1x1000x1xf32>
    %squeeze3A_4 = vector.shape_cast %slice3A_3 : vector<1x1000x1xf32> to vector<1000x1xf32>
    %add3A = arith.addf %squeeze3A, %squeeze3A_4 : vector<1000x1xf32>
    %add3A_5 = arith.constant 1.000000e+00 : f32
    %add3A_6 = vector.broadcast %add3A_5 : f32 to vector<1000x1xf32>
    %add3A_7 = arith.addf %add3A, %add3A_6 : vector<1000x1xf32>
    %rsqrt3A = math.rsqrt %add3A_7 : vector<1000x1xf32>
    %swap3A = arith.constant 0 : index
    %swap3A_8 = arith.constant 0 : index
    %swap3A_9 = vector.load %arg3[%swap3A, %swap3A_8] : memref<1000x1xf32, #tpu.memory_space<vmem>>, vector<1000x1xf32>
    tpu.vector_store %arg3[%swap3A, %swap3A_8], %rsqrt3A {strides = array<i32>} : memref<1000x1xf32, #tpu.memory_space<vmem>>, vector<1000x1xf32>,
    %get3A_10 = arith.constant 0 : index
    %get3A_11 = arith.constant 0 : index
    %get3A_12 = vector.load %arg1[%get3A_10, %get3A_11] : memref<1000x128xf32, #tpu.memory_space<vmem>>, vector<1000x128xf32>
    %mul3A = vector.broadcast %rsqrt3A : vector<1000x1xf32> to vector<1000x128xf32>
    %mul3A_13 = arith.mulf %get3A_12, %mul3A : vector<1000x128xf32>
    %swap3A_14 = arith.constant 0 : index
    %swap3A_15 = arith.constant 0 : index
    %swap3A_16 = vector.load %arg4[%swap3A_14, %swap3A_15] : memref<1000x128xf32, #tpu.memory_space<vmem>>, vector<1000x128xf32>
    tpu.vector_store %arg4[%swap3A_14, %swap3A_15], %mul3A_13 {strides = array<i32>} : memref<1000x128xf32, #tpu.memory_space<vmem>>, vector<1000x128xf32>,
    return
  }
  func.func @transform_0(%arg0: i32) -> (i32, i32) {
    %c0_i32 = arith.constant 0 : i32
    %c0_i32_0 = arith.constant 0 : i32
    return %arg0, %c0_i32 : i32, i32
  }
  func.func @transform_1(%arg0: i32) -> (i32, i32, i32) {
    %c0_i32 = arith.constant 0 : i32
    %c0_i32_0 = arith.constant 0 : i32
    %c0_i32_1 = arith.constant 0 : i32
    return %c0_i32, %arg0, %c0_i32_0 : i32, i32, i32
  }
  func.func @transform_2(%arg0: i32) -> (i32, i32) {
    %c0_i32 = arith.constant 0 : i32
    %c0_i32_0 = arith.constant 0 : i32
    return %arg0, %c0_i32 : i32, i32
  }
  func.func @transform_3(%arg0: i32) -> (i32, i32) {
    %c0_i32 = arith.constant 0 : i32
    %c0_i32_0 = arith.constant 0 : i32
    return %arg0, %c0_i32 : i32, i32
  }
}

module attributes {stable_mosaic.version = 14 : i64} {
  func.func @body(%arg0: i32, %arg1: memref<2x1000x128xf32, #tpu.memory_space<vmem>>, %arg2: memref<1000x128xf32, #tpu.memory_space<vmem>>, %arg3: memref<1000x1xf32, #tpu.memory_space<vmem>>, %arg4: memref<128x256xf32, #tpu.memory_space<vmem>>, %arg5: memref<1x256xf32, #tpu.memory_space<vmem>>, %arg6: memref<1000x256xf32, #tpu.memory_space<vmem>>, %arg7: memref<8x256xf32, #tpu.memory_space<vmem>>, %arg8: memref<8x256xf32, #tpu.memory_space<vmem>>) attributes {dimension_semantics = [#tpu.dimension_semantics<arbitrary>], iteration_bounds = array<i64: 10>, scalar_prefetch = 0 : i64, scratch_operands = 1 : i64, tpu.core_type = #tpu.core_type<tc>, window_params = [{transform_indices = @transform_0, window_bounds = array<i64: 2, 1000, 128>}, {transform_indices = @transform_1, window_bounds = array<i64: 1000, 128>}, {transform_indices = @transform_2, window_bounds = array<i64: 1000, 1>}, {pipeline_mode = #tpu.pipeline_mode<synchronous>, transform_indices = @transform_3, window_bounds = array<i64: 128, 256>}, {pipeline_mode = #tpu.pipeline_mode<synchronous>, transform_indices = @transform_4, window_bounds = array<i64: 1, 256>}, {transform_indices = @transform_5, window_bounds = array<i64: 1000, 256>}, {pipeline_mode = #tpu.pipeline_mode<synchronous>, transform_indices = @transform_6, window_bounds = array<i64: 8, 256>}]} {
    %get3A = arith.constant 0 : index
    %get3A_0 = arith.constant 0 : index
    %get3A_1 = arith.constant 0 : index
    %get3A_2 = vector.load %arg1[%get3A, %get3A_0, %get3A_1] : memref<2x1000x128xf32, #tpu.memory_space<vmem>>, vector<2x1000x128xf32>
    %get3A_3 = arith.constant 0 : index
    %get3A_4 = arith.constant 0 : index
    %get3A_5 = vector.load %arg3[%get3A_3, %get3A_4] : memref<1000x1xf32, #tpu.memory_space<vmem>>, vector<1000x1xf32>
    %slice3A = vector.extract_strided_slice %get3A_2 {offsets = [0, 0, 0], sizes = [1, 1000, 128], strides = [1, 1, 1]} : vector<2x1000x128xf32> to vector<1x1000x128xf32>
    %squeeze3A = vector.shape_cast %slice3A : vector<1x1000x128xf32> to vector<1000x128xf32>
    %slice3A_6 = vector.extract_strided_slice %get3A_2 {offsets = [1, 0, 0], sizes = [1, 1000, 128], strides = [1, 1, 1]} : vector<2x1000x128xf32> to vector<1x1000x128xf32>
    %squeeze3A_7 = vector.shape_cast %slice3A_6 : vector<1x1000x128xf32> to vector<1000x128xf32>
    %add3A = arith.addf %squeeze3A, %squeeze3A_7 : vector<1000x128xf32>
    %get3A_8 = arith.constant 0 : index
    %get3A_9 = arith.constant 0 : index
    %get3A_10 = vector.load %arg2[%get3A_8, %get3A_9] : memref<1000x128xf32, #tpu.memory_space<vmem>>, vector<1000x128xf32>
    %add3A_11 = arith.addf %add3A, %get3A_10 : vector<1000x128xf32>
    %mul3A = vector.broadcast %get3A_5 : vector<1000x1xf32> to vector<1000x128xf32>
    %mul3A_12 = arith.mulf %add3A_11, %mul3A : vector<1000x128xf32>
    %get3A_13 = arith.constant 0 : index
    %get3A_14 = arith.constant 0 : index
    %get3A_15 = vector.load %arg4[%get3A_13, %get3A_14] : memref<128x256xf32, #tpu.memory_space<vmem>>, vector<128x256xf32>
    %dot_general3A = arith.constant dense<0.000000e+00> : vector<1000x256xf32>
    %dot_general3A_16 = tpu.matmul %mul3A_12, %get3A_15, %dot_general3A {dimension_numbers = #tpu.dot_dimension_numbers<[1], [0], [0], [1], [0, 0, 1, 1], [], []>, precision = #tpu.contract_precision<fp32>, transpose_lhs_hint = false} : vector<1000x128xf32>, vector<128x256xf32>, vector<1000x256xf32> -> vector<1000x256xf32>
    %get3A_17 = arith.constant 0 : index
    %get3A_18 = arith.constant 0 : index
    %get3A_19 = vector.load %arg5[%get3A_17, %get3A_18] : memref<1x256xf32, #tpu.memory_space<vmem>>, vector<1x256xf32>
    %add3A_20 = vector.broadcast %get3A_19 : vector<1x256xf32> to vector<1000x256xf32>
    %add3A_21 = arith.addf %dot_general3A_16, %add3A_20 : vector<1000x256xf32>
    %swap3A = arith.constant 0 : index
    %swap3A_22 = arith.constant 0 : index
    %swap3A_23 = vector.load %arg6[%swap3A, %swap3A_22] : memref<1000x256xf32, #tpu.memory_space<vmem>>, vector<1000x256xf32>
    tpu.vector_store %arg6[%swap3A, %swap3A_22], %add3A_21 {strides = array<i32>} : memref<1000x256xf32, #tpu.memory_space<vmem>>, vector<1000x256xf32>,
    %eq3A = arith.constant 0 : i32
    %eq3A_24 = arith.cmpi eq, %arg0, %eq3A : i32
    %convert_element_type3A = arith.extui %eq3A_24 : i1 to i32
    %cond3A = arith.constant 0 : i32
    %cond3A_25 = arith.cmpi ne, %convert_element_type3A, %cond3A : i32
    scf.if %cond3A_25 {
      %broadcast_in_dim3A_50 = arith.constant 0.000000e+00 : f32
      %broadcast_in_dim3A_51 = vector.broadcast %broadcast_in_dim3A_50 : f32 to vector<8x256xf32>
      %swap3A_52 = arith.constant 0 : index
      %swap3A_53 = arith.constant 0 : index
      %swap3A_54 = vector.load %arg8[%swap3A_52, %swap3A_53] : memref<8x256xf32, #tpu.memory_space<vmem>>, vector<8x256xf32>
      tpu.vector_store %arg8[%swap3A_52, %swap3A_53], %broadcast_in_dim3A_51 {strides = array<i32>} : memref<8x256xf32, #tpu.memory_space<vmem>>, vector<8x256xf32>,
    } else {
    }
    %get3A_26 = arith.constant 0 : index
    %get3A_27 = arith.constant 0 : index
    %get3A_28 = vector.load %arg8[%get3A_26, %get3A_27] : memref<8x256xf32, #tpu.memory_space<vmem>>, vector<1x256xf32>
    %reduce_sum3A = arith.constant dense<0.000000e+00> : vector<256xf32>
    %reduce_sum3A_29 = vector.multi_reduction <add>, %add3A_21, %reduce_sum3A [0] : vector<1000x256xf32> to vector<256xf32>
    %broadcast_in_dim3A = vector.shape_cast %reduce_sum3A_29 : vector<256xf32> to vector<1x256xf32>
    %add3A_30 = arith.addf %get3A_28, %broadcast_in_dim3A : vector<1x256xf32>
    %swap3A_31 = arith.constant 0 : index
    %swap3A_32 = arith.constant 0 : index
    %swap3A_33 = vector.load %arg8[%swap3A_31, %swap3A_32] : memref<8x256xf32, #tpu.memory_space<vmem>>, vector<1x256xf32>
    tpu.vector_store %arg8[%swap3A_31, %swap3A_32], %add3A_30 {strides = array<i32>} : memref<8x256xf32, #tpu.memory_space<vmem>>, vector<1x256xf32>,
    %get3A_34 = arith.constant 1 : index
    %get3A_35 = arith.constant 0 : index
    %get3A_36 = vector.load %arg8[%get3A_34, %get3A_35] : memref<8x256xf32, #tpu.memory_space<vmem>>, vector<1x256xf32>
    %mul3A_37 = arith.mulf %add3A_21, %add3A_21 : vector<1000x256xf32>
    %reduce_sum3A_38 = arith.constant dense<0.000000e+00> : vector<256xf32>
    %reduce_sum3A_39 = vector.multi_reduction <add>, %mul3A_37, %reduce_sum3A_38 [0] : vector<1000x256xf32> to vector<256xf32>
    %broadcast_in_dim3A_40 = vector.shape_cast %reduce_sum3A_39 : vector<256xf32> to vector<1x256xf32>
    %add3A_41 = arith.addf %get3A_36, %broadcast_in_dim3A_40 : vector<1x256xf32>
    %swap3A_42 = arith.constant 1 : index
    %swap3A_43 = arith.constant 0 : index
    %swap3A_44 = vector.load %arg8[%swap3A_42, %swap3A_43] : memref<8x256xf32, #tpu.memory_space<vmem>>, vector<1x256xf32>
    tpu.vector_store %arg8[%swap3A_42, %swap3A_43], %add3A_41 {strides = array<i32>} : memref<8x256xf32, #tpu.memory_space<vmem>>, vector<1x256xf32>,
    %eq3A_45 = arith.constant 9 : i32
    %eq3A_46 = arith.cmpi eq, %arg0, %eq3A_45 : i32
    %convert_element_type3A_47 = arith.extui %eq3A_46 : i1 to i32
    %cond3A_48 = arith.constant 0 : i32
    %cond3A_49 = arith.cmpi ne, %convert_element_type3A_47, %cond3A_48 : i32
    scf.if %cond3A_49 {
      %get3A_50 = arith.constant 0 : index
      %get3A_51 = arith.constant 0 : index
      %get3A_52 = vector.load %arg8[%get3A_50, %get3A_51] : memref<8x256xf32, #tpu.memory_space<vmem>>, vector<8x256xf32>
      %swap3A_53 = arith.constant 0 : index
      %swap3A_54 = arith.constant 0 : index
      %swap3A_55 = vector.load %arg7[%swap3A_53, %swap3A_54] : memref<8x256xf32, #tpu.memory_space<vmem>>, vector<8x256xf32>
      tpu.vector_store %arg7[%swap3A_53, %swap3A_54], %get3A_52 {strides = array<i32>} : memref<8x256xf32, #tpu.memory_space<vmem>>, vector<8x256xf32>,
    } else {
    }
    return
  }
  func.func @transform_0(%arg0: i32) -> (i32, i32, i32) {
    %c0_i32 = arith.constant 0 : i32
    %c0_i32_0 = arith.constant 0 : i32
    %c0_i32_1 = arith.constant 0 : i32
    return %c0_i32, %arg0, %c0_i32_0 : i32, i32, i32
  }
  func.func @transform_1(%arg0: i32) -> (i32, i32) {
    %c0_i32 = arith.constant 0 : i32
    %c0_i32_0 = arith.constant 0 : i32
    return %arg0, %c0_i32 : i32, i32
  }
  func.func @transform_2(%arg0: i32) -> (i32, i32) {
    %c0_i32 = arith.constant 0 : i32
    %c0_i32_0 = arith.constant 0 : i32
    return %arg0, %c0_i32 : i32, i32
  }
  func.func @transform_3(%arg0: i32) -> (i32, i32) {
    %c0_i32 = arith.constant 0 : i32
    %c0_i32_0 = arith.constant 0 : i32
    %c0_i32_1 = arith.constant 0 : i32
    return %c0_i32, %c0_i32_0 : i32, i32
  }
  func.func @transform_4(%arg0: i32) -> (i32, i32) {
    %c0_i32 = arith.constant 0 : i32
    %c0_i32_0 = arith.constant 0 : i32
    %c0_i32_1 = arith.constant 0 : i32
    return %c0_i32, %c0_i32_0 : i32, i32
  }
  func.func @transform_5(%arg0: i32) -> (i32, i32) {
    %c0_i32 = arith.constant 0 : i32
    %c0_i32_0 = arith.constant 0 : i32
    return %arg0, %c0_i32 : i32, i32
  }
  func.func @transform_6(%arg0: i32) -> (i32, i32) {
    %c0_i32 = arith.constant 0 : i32
    %c0_i32_0 = arith.constant 0 : i32
    %c0_i32_1 = arith.constant 0 : i32
    return %c0_i32, %c0_i32_0 : i32, i32
  }
}

module attributes {stable_mosaic.version = 14 : i64} {
  func.func @body(%arg0: i32, %arg1: memref<1000x256xf32, #tpu.memory_space<vmem>>, %arg2: memref<8x256xf32, #tpu.memory_space<vmem>>, %arg3: memref<1x256xf32, #tpu.memory_space<vmem>>, %arg4: memref<1x256xf32, #tpu.memory_space<vmem>>, %arg5: memref<1000x1xf32, #tpu.memory_space<vmem>>, %arg6: memref<2x1000x128xf32, #tpu.memory_space<vmem>>) attributes {dimension_semantics = [#tpu.dimension_semantics<arbitrary>], iteration_bounds = array<i64: 10>, scalar_prefetch = 0 : i64, scratch_operands = 0 : i64, tpu.core_type = #tpu.core_type<tc>, window_params = [{transform_indices = @transform_0, window_bounds = array<i64: 1000, 256>}, {pipeline_mode = #tpu.pipeline_mode<synchronous>, transform_indices = @transform_1, window_bounds = array<i64: 8, 256>}, {pipeline_mode = #tpu.pipeline_mode<synchronous>, transform_indices = @transform_2, window_bounds = array<i64: 1, 256>}, {pipeline_mode = #tpu.pipeline_mode<synchronous>, transform_indices = @transform_3, window_bounds = array<i64: 1, 256>}, {transform_indices = @transform_4, window_bounds = array<i64: 1000, 1>}, {transform_indices = @transform_5, window_bounds = array<i64: 2, 1000, 128>}]} {
    %get3A = arith.constant 0 : index
    %get3A_0 = arith.constant 0 : index
    %get3A_1 = vector.load %arg2[%get3A, %get3A_0] : memref<8x256xf32, #tpu.memory_space<vmem>>, vector<8x256xf32>
    %slice3A = vector.extract_strided_slice %get3A_1 {offsets = [0, 0], sizes = [1, 256], strides = [1, 1]} : vector<8x256xf32> to vector<1x256xf32>
    %div3A = arith.constant 1.000000e+04 : f32
    %div3A_2 = vector.broadcast %div3A : f32 to vector<1x256xf32>
    %div3A_3 = arith.divf %slice3A, %div3A_2 : vector<1x256xf32>
    %slice3A_4 = vector.extract_strided_slice %get3A_1 {offsets = [1, 0], sizes = [1, 256], strides = [1, 1]} : vector<8x256xf32> to vector<1x256xf32>
    %div3A_5 = arith.constant 1.000000e+04 : f32
    %div3A_6 = vector.broadcast %div3A_5 : f32 to vector<1x256xf32>
    %div3A_7 = arith.divf %slice3A_4, %div3A_6 : vector<1x256xf32>
    %mul3A = arith.mulf %div3A_3, %div3A_3 : vector<1x256xf32>
    %sub3A = arith.subf %div3A_7, %mul3A : vector<1x256xf32>
    %get3A_8 = arith.constant 0 : index
    %get3A_9 = arith.constant 0 : index
    %get3A_10 = vector.load %arg3[%get3A_8, %get3A_9] : memref<1x256xf32, #tpu.memory_space<vmem>>, vector<1x256xf32>
    %add3A = arith.constant 9.99999974E-6 : f32
    %add3A_11 = vector.broadcast %add3A : f32 to vector<1x256xf32>
    %add3A_12 = arith.addf %sub3A, %add3A_11 : vector<1x256xf32>
    %rsqrt3A = math.rsqrt %add3A_12 : vector<1x256xf32>
    %mul3A_13 = arith.mulf %get3A_10, %rsqrt3A : vector<1x256xf32>
    %get3A_14 = arith.constant 0 : index
    %get3A_15 = arith.constant 0 : index
    %get3A_16 = vector.load %arg4[%get3A_14, %get3A_15] : memref<1x256xf32, #tpu.memory_space<vmem>>, vector<1x256xf32>
    %mul3A_17 = arith.mulf %div3A_3, %mul3A_13 : vector<1x256xf32>
    %sub3A_18 = arith.subf %get3A_16, %mul3A_17 : vector<1x256xf32>
    %get3A_19 = arith.constant 0 : index
    %get3A_20 = arith.constant 0 : index
    %get3A_21 = vector.load %arg1[%get3A_19, %get3A_20] : memref<1000x256xf32, #tpu.memory_space<vmem>>, vector<1000x256xf32>
    %mul3A_22 = vector.broadcast %mul3A_13 : vector<1x256xf32> to vector<1000x256xf32>
    %mul3A_23 = arith.mulf %get3A_21, %mul3A_22 : vector<1000x256xf32>
    %add3A_24 = vector.broadcast %sub3A_18 : vector<1x256xf32> to vector<1000x256xf32>
    %add3A_25 = arith.addf %mul3A_23, %add3A_24 : vector<1000x256xf32>
    %max3A = arith.constant 0.000000e+00 : f32
    %max3A_26 = vector.broadcast %max3A : f32 to vector<1000x256xf32>
    %max3A_27 = arith.maximumf %add3A_25, %max3A_26 : vector<1000x256xf32>
    %get3A_28 = arith.constant 0 : index
    %get3A_29 = arith.constant 0 : index
    %get3A_30 = vector.load %arg5[%get3A_28, %get3A_29] : memref<1000x1xf32, #tpu.memory_space<vmem>>, vector<1000x1xf32>
    %mul3A_31 = vector.broadcast %get3A_30 : vector<1000x1xf32> to vector<1000x256xf32>
    %mul3A_32 = arith.mulf %max3A_27, %mul3A_31 : vector<1000x256xf32>
    %slice3A_33 = vector.extract_strided_slice %mul3A_32 {offsets = [0, 0], sizes = [1000, 128], strides = [1, 1]} : vector<1000x256xf32> to vector<1000x128xf32>
    %slice3A_34 = vector.extract_strided_slice %mul3A_32 {offsets = [0, 128], sizes = [1000, 128], strides = [1, 1]} : vector<1000x256xf32> to vector<1000x128xf32>
    %stack3A = vector.shape_cast %slice3A_33 : vector<1000x128xf32> to vector<1x1000x128xf32>
    %stack3A_35 = vector.shape_cast %slice3A_34 : vector<1000x128xf32> to vector<1x1000x128xf32>
    %stack3A_36 = tpu.concatenate %stack3A, %stack3A_35 in 0 : vector<1x1000x128xf32>, vector<1x1000x128xf32> -> vector<2x1000x128xf32>
    %swap3A = arith.constant 0 : index
    %swap3A_37 = arith.constant 0 : index
    %swap3A_38 = arith.constant 0 : index
    %swap3A_39 = vector.load %arg6[%swap3A, %swap3A_37, %swap3A_38] : memref<2x1000x128xf32, #tpu.memory_space<vmem>>, vector<2x1000x128xf32>
    tpu.vector_store %arg6[%swap3A, %swap3A_37, %swap3A_38], %stack3A_36 {strides = array<i32>} : memref<2x1000x128xf32, #tpu.memory_space<vmem>>, vector<2x1000x128xf32>,
    return
  }
  func.func @transform_0(%arg0: i32) -> (i32, i32) {
    %c0_i32 = arith.constant 0 : i32
    %c0_i32_0 = arith.constant 0 : i32
    return %arg0, %c0_i32 : i32, i32
  }
  func.func @transform_1(%arg0: i32) -> (i32, i32) {
    %c0_i32 = arith.constant 0 : i32
    %c0_i32_0 = arith.constant 0 : i32
    %c0_i32_1 = arith.constant 0 : i32
    return %c0_i32, %c0_i32_0 : i32, i32
  }
  func.func @transform_2(%arg0: i32) -> (i32, i32) {
    %c0_i32 = arith.constant 0 : i32
    %c0_i32_0 = arith.constant 0 : i32
    %c0_i32_1 = arith.constant 0 : i32
    return %c0_i32, %c0_i32_0 : i32, i32
  }
  func.func @transform_3(%arg0: i32) -> (i32, i32) {
    %c0_i32 = arith.constant 0 : i32
    %c0_i32_0 = arith.constant 0 : i32
    %c0_i32_1 = arith.constant 0 : i32
    return %c0_i32, %c0_i32_0 : i32, i32
  }
  func.func @transform_4(%arg0: i32) -> (i32, i32) {
    %c0_i32 = arith.constant 0 : i32
    %c0_i32_0 = arith.constant 0 : i32
    return %arg0, %c0_i32 : i32, i32
  }
  func.func @transform_5(%arg0: i32) -> (i32, i32, i32) {
    %c0_i32 = arith.constant 0 : i32
    %c0_i32_0 = arith.constant 0 : i32
    %c0_i32_1 = arith.constant 0 : i32
    return %c0_i32, %arg0, %c0_i32_0 : i32, i32, i32
  }
}

module attributes {stable_mosaic.version = 14 : i64} {
  func.func @body(%arg0: i32, %arg1: memref<2x1000x128xf32, #tpu.memory_space<vmem>>, %arg2: memref<2x1000x128xf32, #tpu.memory_space<vmem>>, %arg3: memref<1000x1xf32, #tpu.memory_space<vmem>>, %arg4: memref<256x256xf32, #tpu.memory_space<vmem>>, %arg5: memref<1x256xf32, #tpu.memory_space<vmem>>, %arg6: memref<1000x256xf32, #tpu.memory_space<vmem>>, %arg7: memref<8x256xf32, #tpu.memory_space<vmem>>, %arg8: memref<8x256xf32, #tpu.memory_space<vmem>>) attributes {dimension_semantics = [#tpu.dimension_semantics<arbitrary>], iteration_bounds = array<i64: 10>, scalar_prefetch = 0 : i64, scratch_operands = 1 : i64, tpu.core_type = #tpu.core_type<tc>, window_params = [{transform_indices = @transform_0, window_bounds = array<i64: 2, 1000, 128>}, {transform_indices = @transform_1, window_bounds = array<i64: 2, 1000, 128>}, {transform_indices = @transform_2, window_bounds = array<i64: 1000, 1>}, {pipeline_mode = #tpu.pipeline_mode<synchronous>, transform_indices = @transform_3, window_bounds = array<i64: 256, 256>}, {pipeline_mode = #tpu.pipeline_mode<synchronous>, transform_indices = @transform_4, window_bounds = array<i64: 1, 256>}, {transform_indices = @transform_5, window_bounds = array<i64: 1000, 256>}, {pipeline_mode = #tpu.pipeline_mode<synchronous>, transform_indices = @transform_6, window_bounds = array<i64: 8, 256>}]} {
    %get3A = arith.constant 0 : index
    %get3A_0 = arith.constant 0 : index
    %get3A_1 = arith.constant 0 : index
    %get3A_2 = vector.load %arg1[%get3A, %get3A_0, %get3A_1] : memref<2x1000x128xf32, #tpu.memory_space<vmem>>, vector<2x1000x128xf32>
    %get3A_3 = arith.constant 0 : index
    %get3A_4 = arith.constant 0 : index
    %get3A_5 = vector.load %arg3[%get3A_3, %get3A_4] : memref<1000x1xf32, #tpu.memory_space<vmem>>, vector<1000x1xf32>
    %get3A_6 = arith.constant 0 : index
    %get3A_7 = arith.constant 0 : index
    %get3A_8 = arith.constant 0 : index
    %get3A_9 = vector.load %arg2[%get3A_6, %get3A_7, %get3A_8] : memref<2x1000x128xf32, #tpu.memory_space<vmem>>, vector<2x1000x128xf32>
    %slice3A = vector.extract_strided_slice %get3A_2 {offsets = [0, 0, 0], sizes = [1, 1000, 128], strides = [1, 1, 1]} : vector<2x1000x128xf32> to vector<1x1000x128xf32>
    %squeeze3A = vector.shape_cast %slice3A : vector<1x1000x128xf32> to vector<1000x128xf32>
    %slice3A_10 = vector.extract_strided_slice %get3A_9 {offsets = [0, 0, 0], sizes = [1, 1000, 128], strides = [1, 1, 1]} : vector<2x1000x128xf32> to vector<1x1000x128xf32>
    %squeeze3A_11 = vector.shape_cast %slice3A_10 : vector<1x1000x128xf32> to vector<1000x128xf32>
    %add3A = arith.addf %squeeze3A, %squeeze3A_11 : vector<1000x128xf32>
    %mul3A = vector.broadcast %get3A_5 : vector<1000x1xf32> to vector<1000x128xf32>
    %mul3A_12 = arith.mulf %add3A, %mul3A : vector<1000x128xf32>
    %slice3A_13 = vector.extract_strided_slice %get3A_2 {offsets = [1, 0, 0], sizes = [1, 1000, 128], strides = [1, 1, 1]} : vector<2x1000x128xf32> to vector<1x1000x128xf32>
    %squeeze3A_14 = vector.shape_cast %slice3A_13 : vector<1x1000x128xf32> to vector<1000x128xf32>
    %slice3A_15 = vector.extract_strided_slice %get3A_9 {offsets = [1, 0, 0], sizes = [1, 1000, 128], strides = [1, 1, 1]} : vector<2x1000x128xf32> to vector<1x1000x128xf32>
    %squeeze3A_16 = vector.shape_cast %slice3A_15 : vector<1x1000x128xf32> to vector<1000x128xf32>
    %add3A_17 = arith.addf %squeeze3A_14, %squeeze3A_16 : vector<1000x128xf32>
    %mul3A_18 = vector.broadcast %get3A_5 : vector<1000x1xf32> to vector<1000x128xf32>
    %mul3A_19 = arith.mulf %add3A_17, %mul3A_18 : vector<1000x128xf32>
    %concatenate3A = tpu.concatenate %mul3A_12, %mul3A_19 in 1 : vector<1000x128xf32>, vector<1000x128xf32> -> vector<1000x256xf32>
    %get3A_20 = arith.constant 0 : index
    %get3A_21 = arith.constant 0 : index
    %get3A_22 = vector.load %arg4[%get3A_20, %get3A_21] : memref<256x256xf32, #tpu.memory_space<vmem>>, vector<256x256xf32>
    %dot_general3A = arith.constant dense<0.000000e+00> : vector<1000x256xf32>
    %dot_general3A_23 = tpu.matmul %concatenate3A, %get3A_22, %dot_general3A {dimension_numbers = #tpu.dot_dimension_numbers<[1], [0], [0], [1], [0, 0, 1, 1], [], []>, precision = #tpu.contract_precision<fp32>, transpose_lhs_hint = false} : vector<1000x256xf32>, vector<256x256xf32>, vector<1000x256xf32> -> vector<1000x256xf32>
    %get3A_24 = arith.constant 0 : index
    %get3A_25 = arith.constant 0 : index
    %get3A_26 = vector.load %arg5[%get3A_24, %get3A_25] : memref<1x256xf32, #tpu.memory_space<vmem>>, vector<1x256xf32>
    %add3A_27 = vector.broadcast %get3A_26 : vector<1x256xf32> to vector<1000x256xf32>
    %add3A_28 = arith.addf %dot_general3A_23, %add3A_27 : vector<1000x256xf32>
    %swap3A = arith.constant 0 : index
    %swap3A_29 = arith.constant 0 : index
    %swap3A_30 = vector.load %arg6[%swap3A, %swap3A_29] : memref<1000x256xf32, #tpu.memory_space<vmem>>, vector<1000x256xf32>
    tpu.vector_store %arg6[%swap3A, %swap3A_29], %add3A_28 {strides = array<i32>} : memref<1000x256xf32, #tpu.memory_space<vmem>>, vector<1000x256xf32>,
    %eq3A = arith.constant 0 : i32
    %eq3A_31 = arith.cmpi eq, %arg0, %eq3A : i32
    %convert_element_type3A = arith.extui %eq3A_31 : i1 to i32
    %cond3A = arith.constant 0 : i32
    %cond3A_32 = arith.cmpi ne, %convert_element_type3A, %cond3A : i32
    scf.if %cond3A_32 {
      %broadcast_in_dim3A_57 = arith.constant 0.000000e+00 : f32
      %broadcast_in_dim3A_58 = vector.broadcast %broadcast_in_dim3A_57 : f32 to vector<8x256xf32>
      %swap3A_59 = arith.constant 0 : index
      %swap3A_60 = arith.constant 0 : index
      %swap3A_61 = vector.load %arg8[%swap3A_59, %swap3A_60] : memref<8x256xf32, #tpu.memory_space<vmem>>, vector<8x256xf32>
      tpu.vector_store %arg8[%swap3A_59, %swap3A_60], %broadcast_in_dim3A_58 {strides = array<i32>} : memref<8x256xf32, #tpu.memory_space<vmem>>, vector<8x256xf32>,
    } else {
    }
    %get3A_33 = arith.constant 0 : index
    %get3A_34 = arith.constant 0 : index
    %get3A_35 = vector.load %arg8[%get3A_33, %get3A_34] : memref<8x256xf32, #tpu.memory_space<vmem>>, vector<1x256xf32>
    %reduce_sum3A = arith.constant dense<0.000000e+00> : vector<256xf32>
    %reduce_sum3A_36 = vector.multi_reduction <add>, %add3A_28, %reduce_sum3A [0] : vector<1000x256xf32> to vector<256xf32>
    %broadcast_in_dim3A = vector.shape_cast %reduce_sum3A_36 : vector<256xf32> to vector<1x256xf32>
    %add3A_37 = arith.addf %get3A_35, %broadcast_in_dim3A : vector<1x256xf32>
    %swap3A_38 = arith.constant 0 : index
    %swap3A_39 = arith.constant 0 : index
    %swap3A_40 = vector.load %arg8[%swap3A_38, %swap3A_39] : memref<8x256xf32, #tpu.memory_space<vmem>>, vector<1x256xf32>
    tpu.vector_store %arg8[%swap3A_38, %swap3A_39], %add3A_37 {strides = array<i32>} : memref<8x256xf32, #tpu.memory_space<vmem>>, vector<1x256xf32>,
    %get3A_41 = arith.constant 1 : index
    %get3A_42 = arith.constant 0 : index
    %get3A_43 = vector.load %arg8[%get3A_41, %get3A_42] : memref<8x256xf32, #tpu.memory_space<vmem>>, vector<1x256xf32>
    %mul3A_44 = arith.mulf %add3A_28, %add3A_28 : vector<1000x256xf32>
    %reduce_sum3A_45 = arith.constant dense<0.000000e+00> : vector<256xf32>
    %reduce_sum3A_46 = vector.multi_reduction <add>, %mul3A_44, %reduce_sum3A_45 [0] : vector<1000x256xf32> to vector<256xf32>
    %broadcast_in_dim3A_47 = vector.shape_cast %reduce_sum3A_46 : vector<256xf32> to vector<1x256xf32>
    %add3A_48 = arith.addf %get3A_43, %broadcast_in_dim3A_47 : vector<1x256xf32>
    %swap3A_49 = arith.constant 1 : index
    %swap3A_50 = arith.constant 0 : index
    %swap3A_51 = vector.load %arg8[%swap3A_49, %swap3A_50] : memref<8x256xf32, #tpu.memory_space<vmem>>, vector<1x256xf32>
    tpu.vector_store %arg8[%swap3A_49, %swap3A_50], %add3A_48 {strides = array<i32>} : memref<8x256xf32, #tpu.memory_space<vmem>>, vector<1x256xf32>,
    %eq3A_52 = arith.constant 9 : i32
    %eq3A_53 = arith.cmpi eq, %arg0, %eq3A_52 : i32
    %convert_element_type3A_54 = arith.extui %eq3A_53 : i1 to i32
    %cond3A_55 = arith.constant 0 : i32
    %cond3A_56 = arith.cmpi ne, %convert_element_type3A_54, %cond3A_55 : i32
    scf.if %cond3A_56 {
      %get3A_57 = arith.constant 0 : index
      %get3A_58 = arith.constant 0 : index
      %get3A_59 = vector.load %arg8[%get3A_57, %get3A_58] : memref<8x256xf32, #tpu.memory_space<vmem>>, vector<8x256xf32>
      %swap3A_60 = arith.constant 0 : index
      %swap3A_61 = arith.constant 0 : index
      %swap3A_62 = vector.load %arg7[%swap3A_60, %swap3A_61] : memref<8x256xf32, #tpu.memory_space<vmem>>, vector<8x256xf32>
      tpu.vector_store %arg7[%swap3A_60, %swap3A_61], %get3A_59 {strides = array<i32>} : memref<8x256xf32, #tpu.memory_space<vmem>>, vector<8x256xf32>,
    } else {
    }
    return
  }
  func.func @transform_0(%arg0: i32) -> (i32, i32, i32) {
    %c0_i32 = arith.constant 0 : i32
    %c0_i32_0 = arith.constant 0 : i32
    %c0_i32_1 = arith.constant 0 : i32
    return %c0_i32, %arg0, %c0_i32_0 : i32, i32, i32
  }
  func.func @transform_1(%arg0: i32) -> (i32, i32, i32) {
    %c0_i32 = arith.constant 0 : i32
    %c0_i32_0 = arith.constant 0 : i32
    %c0_i32_1 = arith.constant 0 : i32
    return %c0_i32, %arg0, %c0_i32_0 : i32, i32, i32
  }
  func.func @transform_2(%arg0: i32) -> (i32, i32) {
    %c0_i32 = arith.constant 0 : i32
    %c0_i32_0 = arith.constant 0 : i32
    return %arg0, %c0_i32 : i32, i32
  }
  func.func @transform_3(%arg0: i32) -> (i32, i32) {
    %c0_i32 = arith.constant 0 : i32
    %c0_i32_0 = arith.constant 0 : i32
    %c0_i32_1 = arith.constant 0 : i32
    return %c0_i32, %c0_i32_0 : i32, i32
  }
  func.func @transform_4(%arg0: i32) -> (i32, i32) {
    %c0_i32 = arith.constant 0 : i32
    %c0_i32_0 = arith.constant 0 : i32
    %c0_i32_1 = arith.constant 0 : i32
    return %c0_i32, %c0_i32_0 : i32, i32
  }
  func.func @transform_5(%arg0: i32) -> (i32, i32) {
    %c0_i32 = arith.constant 0 : i32
    %c0_i32_0 = arith.constant 0 : i32
    return %arg0, %c0_i32 : i32, i32
  }
  func.func @transform_6(%arg0: i32) -> (i32, i32) {
    %c0_i32 = arith.constant 0 : i32
    %c0_i32_0 = arith.constant 0 : i32
    %c0_i32_1 = arith.constant 0 : i32
    return %c0_i32, %c0_i32_0 : i32, i32
  }
}

module attributes {stable_mosaic.version = 14 : i64} {
  func.func @body(%arg0: i32, %arg1: memref<1000x256xf32, #tpu.memory_space<vmem>>, %arg2: memref<8x256xf32, #tpu.memory_space<vmem>>, %arg3: memref<1x256xf32, #tpu.memory_space<vmem>>, %arg4: memref<1x256xf32, #tpu.memory_space<vmem>>, %arg5: memref<1000x1xf32, #tpu.memory_space<vmem>>, %arg6: memref<256x128xf32, #tpu.memory_space<vmem>>, %arg7: memref<1000x128xf32, #tpu.memory_space<vmem>>) attributes {dimension_semantics = [#tpu.dimension_semantics<arbitrary>], iteration_bounds = array<i64: 10>, scalar_prefetch = 0 : i64, scratch_operands = 0 : i64, tpu.core_type = #tpu.core_type<tc>, window_params = [{transform_indices = @transform_0, window_bounds = array<i64: 1000, 256>}, {pipeline_mode = #tpu.pipeline_mode<synchronous>, transform_indices = @transform_1, window_bounds = array<i64: 8, 256>}, {pipeline_mode = #tpu.pipeline_mode<synchronous>, transform_indices = @transform_2, window_bounds = array<i64: 1, 256>}, {pipeline_mode = #tpu.pipeline_mode<synchronous>, transform_indices = @transform_3, window_bounds = array<i64: 1, 256>}, {transform_indices = @transform_4, window_bounds = array<i64: 1000, 1>}, {pipeline_mode = #tpu.pipeline_mode<synchronous>, transform_indices = @transform_5, window_bounds = array<i64: 256, 128>}, {transform_indices = @transform_6, window_bounds = array<i64: 1000, 128>}]} {
    %get3A = arith.constant 0 : index
    %get3A_0 = arith.constant 0 : index
    %get3A_1 = vector.load %arg2[%get3A, %get3A_0] : memref<8x256xf32, #tpu.memory_space<vmem>>, vector<8x256xf32>
    %slice3A = vector.extract_strided_slice %get3A_1 {offsets = [0, 0], sizes = [1, 256], strides = [1, 1]} : vector<8x256xf32> to vector<1x256xf32>
    %div3A = arith.constant 1.000000e+04 : f32
    %div3A_2 = vector.broadcast %div3A : f32 to vector<1x256xf32>
    %div3A_3 = arith.divf %slice3A, %div3A_2 : vector<1x256xf32>
    %slice3A_4 = vector.extract_strided_slice %get3A_1 {offsets = [1, 0], sizes = [1, 256], strides = [1, 1]} : vector<8x256xf32> to vector<1x256xf32>
    %div3A_5 = arith.constant 1.000000e+04 : f32
    %div3A_6 = vector.broadcast %div3A_5 : f32 to vector<1x256xf32>
    %div3A_7 = arith.divf %slice3A_4, %div3A_6 : vector<1x256xf32>
    %mul3A = arith.mulf %div3A_3, %div3A_3 : vector<1x256xf32>
    %sub3A = arith.subf %div3A_7, %mul3A : vector<1x256xf32>
    %get3A_8 = arith.constant 0 : index
    %get3A_9 = arith.constant 0 : index
    %get3A_10 = vector.load %arg3[%get3A_8, %get3A_9] : memref<1x256xf32, #tpu.memory_space<vmem>>, vector<1x256xf32>
    %add3A = arith.constant 9.99999974E-6 : f32
    %add3A_11 = vector.broadcast %add3A : f32 to vector<1x256xf32>
    %add3A_12 = arith.addf %sub3A, %add3A_11 : vector<1x256xf32>
    %rsqrt3A = math.rsqrt %add3A_12 : vector<1x256xf32>
    %mul3A_13 = arith.mulf %get3A_10, %rsqrt3A : vector<1x256xf32>
    %get3A_14 = arith.constant 0 : index
    %get3A_15 = arith.constant 0 : index
    %get3A_16 = vector.load %arg4[%get3A_14, %get3A_15] : memref<1x256xf32, #tpu.memory_space<vmem>>, vector<1x256xf32>
    %mul3A_17 = arith.mulf %div3A_3, %mul3A_13 : vector<1x256xf32>
    %sub3A_18 = arith.subf %get3A_16, %mul3A_17 : vector<1x256xf32>
    %get3A_19 = arith.constant 0 : index
    %get3A_20 = arith.constant 0 : index
    %get3A_21 = vector.load %arg1[%get3A_19, %get3A_20] : memref<1000x256xf32, #tpu.memory_space<vmem>>, vector<1000x256xf32>
    %mul3A_22 = vector.broadcast %mul3A_13 : vector<1x256xf32> to vector<1000x256xf32>
    %mul3A_23 = arith.mulf %get3A_21, %mul3A_22 : vector<1000x256xf32>
    %add3A_24 = vector.broadcast %sub3A_18 : vector<1x256xf32> to vector<1000x256xf32>
    %add3A_25 = arith.addf %mul3A_23, %add3A_24 : vector<1000x256xf32>
    %max3A = arith.constant 0.000000e+00 : f32
    %max3A_26 = vector.broadcast %max3A : f32 to vector<1000x256xf32>
    %max3A_27 = arith.maximumf %add3A_25, %max3A_26 : vector<1000x256xf32>
    %get3A_28 = arith.constant 0 : index
    %get3A_29 = arith.constant 0 : index
    %get3A_30 = vector.load %arg6[%get3A_28, %get3A_29] : memref<256x128xf32, #tpu.memory_space<vmem>>, vector<256x128xf32>
    %dot_general3A = arith.constant dense<0.000000e+00> : vector<1000x128xf32>
    %dot_general3A_31 = tpu.matmul %max3A_27, %get3A_30, %dot_general3A {dimension_numbers = #tpu.dot_dimension_numbers<[1], [0], [0], [1], [0, 0, 1, 1], [], []>, precision = #tpu.contract_precision<fp32>, transpose_lhs_hint = false} : vector<1000x256xf32>, vector<256x128xf32>, vector<1000x128xf32> -> vector<1000x128xf32>
    %get3A_32 = arith.constant 0 : index
    %get3A_33 = arith.constant 0 : index
    %get3A_34 = vector.load %arg5[%get3A_32, %get3A_33] : memref<1000x1xf32, #tpu.memory_space<vmem>>, vector<1000x1xf32>
    %mul3A_35 = vector.broadcast %get3A_34 : vector<1000x1xf32> to vector<1000x128xf32>
    %mul3A_36 = arith.mulf %dot_general3A_31, %mul3A_35 : vector<1000x128xf32>
    %swap3A = arith.constant 0 : index
    %swap3A_37 = arith.constant 0 : index
    %swap3A_38 = vector.load %arg7[%swap3A, %swap3A_37] : memref<1000x128xf32, #tpu.memory_space<vmem>>, vector<1000x128xf32>
    tpu.vector_store %arg7[%swap3A, %swap3A_37], %mul3A_36 {strides = array<i32>} : memref<1000x128xf32, #tpu.memory_space<vmem>>, vector<1000x128xf32>,
    return
  }
  func.func @transform_0(%arg0: i32) -> (i32, i32) {
    %c0_i32 = arith.constant 0 : i32
    %c0_i32_0 = arith.constant 0 : i32
    return %arg0, %c0_i32 : i32, i32
  }
  func.func @transform_1(%arg0: i32) -> (i32, i32) {
    %c0_i32 = arith.constant 0 : i32
    %c0_i32_0 = arith.constant 0 : i32
    %c0_i32_1 = arith.constant 0 : i32
    return %c0_i32, %c0_i32_0 : i32, i32
  }
  func.func @transform_2(%arg0: i32) -> (i32, i32) {
    %c0_i32 = arith.constant 0 : i32
    %c0_i32_0 = arith.constant 0 : i32
    %c0_i32_1 = arith.constant 0 : i32
    return %c0_i32, %c0_i32_0 : i32, i32
  }
  func.func @transform_3(%arg0: i32) -> (i32, i32) {
    %c0_i32 = arith.constant 0 : i32
    %c0_i32_0 = arith.constant 0 : i32
    %c0_i32_1 = arith.constant 0 : i32
    return %c0_i32, %c0_i32_0 : i32, i32
  }
  func.func @transform_4(%arg0: i32) -> (i32, i32) {
    %c0_i32 = arith.constant 0 : i32
    %c0_i32_0 = arith.constant 0 : i32
    return %arg0, %c0_i32 : i32, i32
  }
  func.func @transform_5(%arg0: i32) -> (i32, i32) {
    %c0_i32 = arith.constant 0 : i32
    %c0_i32_0 = arith.constant 0 : i32
    %c0_i32_1 = arith.constant 0 : i32
    return %c0_i32, %c0_i32_0 : i32, i32
  }
  func.func @transform_6(%arg0: i32) -> (i32, i32) {
    %c0_i32 = arith.constant 0 : i32
    %c0_i32_0 = arith.constant 0 : i32
    return %arg0, %c0_i32 : i32, i32
  }
}

module attributes {stable_mosaic.version = 14 : i64} {
  func.func @body(%arg0: i32, %arg1: memref<2x1000x128xf32, #tpu.memory_space<vmem>>, %arg2: memref<1000x128xf32, #tpu.memory_space<vmem>>, %arg3: memref<1000x1xf32, #tpu.memory_space<vmem>>, %arg4: memref<1x128xf32, #tpu.memory_space<vmem>>, %arg5: memref<1x1x1000xi32, #tpu.memory_space<vmem>>, %arg6: memref<64x128xf32, #tpu.memory_space<vmem>>, %arg7: memref<64x1xf32, #tpu.memory_space<vmem>>, %arg8: memref<8x128xf32, #tpu.memory_space<vmem>>, %arg9: memref<64x128xf32, #tpu.memory_space<vmem>>, %arg10: memref<64x1xf32, #tpu.memory_space<vmem>>, %arg11: memref<8x128xf32, #tpu.memory_space<vmem>>) attributes {dimension_semantics = [#tpu.dimension_semantics<arbitrary>], iteration_bounds = array<i64: 10>, scalar_prefetch = 0 : i64, scratch_operands = 3 : i64, tpu.core_type = #tpu.core_type<tc>, window_params = [{transform_indices = @transform_0, window_bounds = array<i64: 2, 1000, 128>}, {transform_indices = @transform_1, window_bounds = array<i64: 1000, 128>}, {transform_indices = @transform_2, window_bounds = array<i64: 1000, 1>}, {pipeline_mode = #tpu.pipeline_mode<synchronous>, transform_indices = @transform_3, window_bounds = array<i64: 1, 128>}, {transform_indices = @transform_4, window_bounds = array<i64: 1, 1, 1000>}, {pipeline_mode = #tpu.pipeline_mode<synchronous>, transform_indices = @transform_5, window_bounds = array<i64: 64, 128>}, {pipeline_mode = #tpu.pipeline_mode<synchronous>, transform_indices = @transform_6, window_bounds = array<i64: 64, 1>}, {pipeline_mode = #tpu.pipeline_mode<synchronous>, transform_indices = @transform_7, window_bounds = array<i64: 8, 128>}]} {
    %eq3A = arith.constant 0 : i32
    %eq3A_0 = arith.cmpi eq, %arg0, %eq3A : i32
    %convert_element_type3A = arith.extui %eq3A_0 : i1 to i32
    %cond3A = arith.constant 0 : i32
    %cond3A_1 = arith.cmpi ne, %convert_element_type3A, %cond3A : i32
    scf.if %cond3A_1 {
      %broadcast_in_dim3A_71 = arith.constant 0.000000e+00 : f32
      %broadcast_in_dim3A_72 = vector.broadcast %broadcast_in_dim3A_71 : f32 to vector<64x128xf32>
      %swap3A_73 = arith.constant 0 : index
      %swap3A_74 = arith.constant 0 : index
      %swap3A_75 = vector.load %arg9[%swap3A_73, %swap3A_74] : memref<64x128xf32, #tpu.memory_space<vmem>>, vector<64x128xf32>
      tpu.vector_store %arg9[%swap3A_73, %swap3A_74], %broadcast_in_dim3A_72 {strides = array<i32>} : memref<64x128xf32, #tpu.memory_space<vmem>>, vector<64x128xf32>,
      %broadcast_in_dim3A_76 = arith.constant 0.000000e+00 : f32
      %broadcast_in_dim3A_77 = vector.broadcast %broadcast_in_dim3A_76 : f32 to vector<64x1xf32>
      %swap3A_78 = arith.constant 0 : index
      %swap3A_79 = arith.constant 0 : index
      %swap3A_80 = vector.load %arg10[%swap3A_78, %swap3A_79] : memref<64x1xf32, #tpu.memory_space<vmem>>, vector<64x1xf32>
      tpu.vector_store %arg10[%swap3A_78, %swap3A_79], %broadcast_in_dim3A_77 {strides = array<i32>} : memref<64x1xf32, #tpu.memory_space<vmem>>, vector<64x1xf32>,
      %broadcast_in_dim3A_81 = arith.constant 0.000000e+00 : f32
      %broadcast_in_dim3A_82 = vector.broadcast %broadcast_in_dim3A_81 : f32 to vector<8x128xf32>
      %swap3A_83 = arith.constant 0 : index
      %swap3A_84 = arith.constant 0 : index
      %swap3A_85 = vector.load %arg11[%swap3A_83, %swap3A_84] : memref<8x128xf32, #tpu.memory_space<vmem>>, vector<8x128xf32>
      tpu.vector_store %arg11[%swap3A_83, %swap3A_84], %broadcast_in_dim3A_82 {strides = array<i32>} : memref<8x128xf32, #tpu.memory_space<vmem>>, vector<8x128xf32>,
    } else {
    }
    %get3A = arith.constant 0 : index
    %get3A_2 = arith.constant 0 : index
    %get3A_3 = arith.constant 0 : index
    %get3A_4 = vector.load %arg1[%get3A, %get3A_2, %get3A_3] : memref<2x1000x128xf32, #tpu.memory_space<vmem>>, vector<2x1000x128xf32>
    %slice3A = vector.extract_strided_slice %get3A_4 {offsets = [0, 0, 0], sizes = [1, 1000, 128], strides = [1, 1, 1]} : vector<2x1000x128xf32> to vector<1x1000x128xf32>
    %squeeze3A = vector.shape_cast %slice3A : vector<1x1000x128xf32> to vector<1000x128xf32>
    %slice3A_5 = vector.extract_strided_slice %get3A_4 {offsets = [1, 0, 0], sizes = [1, 1000, 128], strides = [1, 1, 1]} : vector<2x1000x128xf32> to vector<1x1000x128xf32>
    %squeeze3A_6 = vector.shape_cast %slice3A_5 : vector<1x1000x128xf32> to vector<1000x128xf32>
    %add3A = arith.addf %squeeze3A, %squeeze3A_6 : vector<1000x128xf32>
    %get3A_7 = arith.constant 0 : index
    %get3A_8 = arith.constant 0 : index
    %get3A_9 = vector.load %arg2[%get3A_7, %get3A_8] : memref<1000x128xf32, #tpu.memory_space<vmem>>, vector<1000x128xf32>
    %add3A_10 = arith.addf %add3A, %get3A_9 : vector<1000x128xf32>
    %get3A_11 = arith.constant 0 : index
    %get3A_12 = arith.constant 0 : index
    %get3A_13 = vector.load %arg3[%get3A_11, %get3A_12] : memref<1000x1xf32, #tpu.memory_space<vmem>>, vector<1000x1xf32>
    %mul3A = vector.broadcast %get3A_13 : vector<1000x1xf32> to vector<1000x128xf32>
    %mul3A_14 = arith.mulf %add3A_10, %mul3A : vector<1000x128xf32>
    %get3A_15 = arith.constant 0 : index
    %get3A_16 = arith.constant 0 : index
    %get3A_17 = vector.load %arg4[%get3A_15, %get3A_16] : memref<1x128xf32, #tpu.memory_space<vmem>>, vector<1x128xf32>
    %add3A_18 = vector.broadcast %get3A_17 : vector<1x128xf32> to vector<1000x128xf32>
    %add3A_19 = arith.addf %mul3A_14, %add3A_18 : vector<1000x128xf32>
    %get3A_20 = arith.constant 0 : index
    %get3A_21 = arith.constant 0 : index
    %get3A_22 = vector.load %arg11[%get3A_20, %get3A_21] : memref<8x128xf32, #tpu.memory_space<vmem>>, vector<1x128xf32>
    %reduce_sum3A = arith.constant dense<0.000000e+00> : vector<128xf32>
    %reduce_sum3A_23 = vector.multi_reduction <add>, %add3A_19, %reduce_sum3A [0] : vector<1000x128xf32> to vector<128xf32>
    %broadcast_in_dim3A = vector.shape_cast %reduce_sum3A_23 : vector<128xf32> to vector<1x128xf32>
    %add3A_24 = arith.addf %get3A_22, %broadcast_in_dim3A : vector<1x128xf32>
    %swap3A = arith.constant 0 : index
    %swap3A_25 = arith.constant 0 : index
    %swap3A_26 = vector.load %arg11[%swap3A, %swap3A_25] : memref<8x128xf32, #tpu.memory_space<vmem>>, vector<1x128xf32>
    tpu.vector_store %arg11[%swap3A, %swap3A_25], %add3A_24 {strides = array<i32>} : memref<8x128xf32, #tpu.memory_space<vmem>>, vector<1x128xf32>,
    %get3A_27 = arith.constant 1 : index
    %get3A_28 = arith.constant 0 : index
    %get3A_29 = vector.load %arg11[%get3A_27, %get3A_28] : memref<8x128xf32, #tpu.memory_space<vmem>>, vector<1x128xf32>
    %mul3A_30 = arith.mulf %add3A_19, %add3A_19 : vector<1000x128xf32>
    %reduce_sum3A_31 = arith.constant dense<0.000000e+00> : vector<128xf32>
    %reduce_sum3A_32 = vector.multi_reduction <add>, %mul3A_30, %reduce_sum3A_31 [0] : vector<1000x128xf32> to vector<128xf32>
    %broadcast_in_dim3A_33 = vector.shape_cast %reduce_sum3A_32 : vector<128xf32> to vector<1x128xf32>
    %add3A_34 = arith.addf %get3A_29, %broadcast_in_dim3A_33 : vector<1x128xf32>
    %swap3A_35 = arith.constant 1 : index
    %swap3A_36 = arith.constant 0 : index
    %swap3A_37 = vector.load %arg11[%swap3A_35, %swap3A_36] : memref<8x128xf32, #tpu.memory_space<vmem>>, vector<1x128xf32>
    tpu.vector_store %arg11[%swap3A_35, %swap3A_36], %add3A_34 {strides = array<i32>} : memref<8x128xf32, #tpu.memory_space<vmem>>, vector<1x128xf32>,
    %get3A_38 = arith.constant 0 : index
    %get3A_39 = arith.constant 0 : index
    %get3A_40 = arith.constant 0 : index
    %get3A_41 = vector.load %arg5[%get3A_38, %get3A_39, %get3A_40] : memref<1x1x1000xi32, #tpu.memory_space<vmem>>, vector<1x1x1000xi32>
    %get3A_42 = vector.shape_cast %get3A_41 : vector<1x1x1000xi32> to vector<1x1000xi32>
    %iota3A = tpu.iota {dimensions = array<i32: 0>} : vector<64x1000xi32>
    %broadcast_in_dim3A_43 = vector.shape_cast %get3A_42 : vector<1x1000xi32> to vector<1x1000xi32>
    %broadcast_in_dim3A_44 = vector.broadcast %broadcast_in_dim3A_43 : vector<1x1000xi32> to vector<64x1000xi32>
    %eq3A_45 = arith.cmpi eq, %iota3A, %broadcast_in_dim3A_44 : vector<64x1000xi32>
    %convert_element_type3A_46 = arith.extui %eq3A_45 : vector<64x1000xi1> to vector<64x1000xi32>
    %convert_element_type3A_47 = arith.sitofp %convert_element_type3A_46 : vector<64x1000xi32> to vector<64x1000xf32>
    %get3A_48 = arith.constant 0 : index
    %get3A_49 = arith.constant 0 : index
    %get3A_50 = vector.load %arg9[%get3A_48, %get3A_49] : memref<64x128xf32, #tpu.memory_space<vmem>>, vector<64x128xf32>
    %dot_general3A = arith.constant dense<0.000000e+00> : vector<64x128xf32>
    %dot_general3A_51 = tpu.matmul %convert_element_type3A_47, %add3A_19, %dot_general3A {dimension_numbers = #tpu.dot_dimension_numbers<[1], [0], [0], [1], [0, 0, 1, 1], [], []>, precision = #tpu.contract_precision<fp32>, transpose_lhs_hint = false} : vector<64x1000xf32>, vector<1000x128xf32>, vector<64x128xf32> -> vector<64x128xf32>
    %add3A_52 = arith.addf %get3A_50, %dot_general3A_51 : vector<64x128xf32>
    %swap3A_53 = arith.constant 0 : index
    %swap3A_54 = arith.constant 0 : index
    %swap3A_55 = vector.load %arg9[%swap3A_53, %swap3A_54] : memref<64x128xf32, #tpu.memory_space<vmem>>, vector<64x128xf32>
    tpu.vector_store %arg9[%swap3A_53, %swap3A_54], %add3A_52 {strides = array<i32>} : memref<64x128xf32, #tpu.memory_space<vmem>>, vector<64x128xf32>,
    %get3A_56 = arith.constant 0 : index
    %get3A_57 = arith.constant 0 : index
    %get3A_58 = vector.load %arg10[%get3A_56, %get3A_57] : memref<64x1xf32, #tpu.memory_space<vmem>>, vector<64x1xf32>
    %reduce_sum3A_59 = arith.constant dense<0.000000e+00> : vector<64xf32>
    %reduce_sum3A_60 = vector.multi_reduction <add>, %convert_element_type3A_47, %reduce_sum3A_59 [1] : vector<64x1000xf32> to vector<64xf32>
    %broadcast_in_dim3A_61 = vector.shape_cast %reduce_sum3A_60 : vector<64xf32> to vector<64x1xf32>
    %add3A_62 = arith.addf %get3A_58, %broadcast_in_dim3A_61 : vector<64x1xf32>
    %swap3A_63 = arith.constant 0 : index
    %swap3A_64 = arith.constant 0 : index
    %swap3A_65 = vector.load %arg10[%swap3A_63, %swap3A_64] : memref<64x1xf32, #tpu.memory_space<vmem>>, vector<64x1xf32>
    tpu.vector_store %arg10[%swap3A_63, %swap3A_64], %add3A_62 {strides = array<i32>} : memref<64x1xf32, #tpu.memory_space<vmem>>, vector<64x1xf32>,
    %eq3A_66 = arith.constant 9 : i32
    %eq3A_67 = arith.cmpi eq, %arg0, %eq3A_66 : i32
    %convert_element_type3A_68 = arith.extui %eq3A_67 : i1 to i32
    %cond3A_69 = arith.constant 0 : i32
    %cond3A_70 = arith.cmpi ne, %convert_element_type3A_68, %cond3A_69 : i32
    scf.if %cond3A_70 {
      %get3A_71 = arith.constant 0 : index
      %get3A_72 = arith.constant 0 : index
      %get3A_73 = vector.load %arg9[%get3A_71, %get3A_72] : memref<64x128xf32, #tpu.memory_space<vmem>>, vector<64x128xf32>
      %swap3A_74 = arith.constant 0 : index
      %swap3A_75 = arith.constant 0 : index
      %swap3A_76 = vector.load %arg6[%swap3A_74, %swap3A_75] : memref<64x128xf32, #tpu.memory_space<vmem>>, vector<64x128xf32>
      tpu.vector_store %arg6[%swap3A_74, %swap3A_75], %get3A_73 {strides = array<i32>} : memref<64x128xf32, #tpu.memory_space<vmem>>, vector<64x128xf32>,
      %get3A_77 = arith.constant 0 : index
      %get3A_78 = arith.constant 0 : index
      %get3A_79 = vector.load %arg10[%get3A_77, %get3A_78] : memref<64x1xf32, #tpu.memory_space<vmem>>, vector<64x1xf32>
      %swap3A_80 = arith.constant 0 : index
      %swap3A_81 = arith.constant 0 : index
      %swap3A_82 = vector.load %arg7[%swap3A_80, %swap3A_81] : memref<64x1xf32, #tpu.memory_space<vmem>>, vector<64x1xf32>
      tpu.vector_store %arg7[%swap3A_80, %swap3A_81], %get3A_79 {strides = array<i32>} : memref<64x1xf32, #tpu.memory_space<vmem>>, vector<64x1xf32>,
      %get3A_83 = arith.constant 0 : index
      %get3A_84 = arith.constant 0 : index
      %get3A_85 = vector.load %arg11[%get3A_83, %get3A_84] : memref<8x128xf32, #tpu.memory_space<vmem>>, vector<8x128xf32>
      %swap3A_86 = arith.constant 0 : index
      %swap3A_87 = arith.constant 0 : index
      %swap3A_88 = vector.load %arg8[%swap3A_86, %swap3A_87] : memref<8x128xf32, #tpu.memory_space<vmem>>, vector<8x128xf32>
      tpu.vector_store %arg8[%swap3A_86, %swap3A_87], %get3A_85 {strides = array<i32>} : memref<8x128xf32, #tpu.memory_space<vmem>>, vector<8x128xf32>,
    } else {
    }
    return
  }
  func.func @transform_0(%arg0: i32) -> (i32, i32, i32) {
    %c0_i32 = arith.constant 0 : i32
    %c0_i32_0 = arith.constant 0 : i32
    %c0_i32_1 = arith.constant 0 : i32
    return %c0_i32, %arg0, %c0_i32_0 : i32, i32, i32
  }
  func.func @transform_1(%arg0: i32) -> (i32, i32) {
    %c0_i32 = arith.constant 0 : i32
    %c0_i32_0 = arith.constant 0 : i32
    return %arg0, %c0_i32 : i32, i32
  }
  func.func @transform_2(%arg0: i32) -> (i32, i32) {
    %c0_i32 = arith.constant 0 : i32
    %c0_i32_0 = arith.constant 0 : i32
    return %arg0, %c0_i32 : i32, i32
  }
  func.func @transform_3(%arg0: i32) -> (i32, i32) {
    %c0_i32 = arith.constant 0 : i32
    %c0_i32_0 = arith.constant 0 : i32
    %c0_i32_1 = arith.constant 0 : i32
    return %c0_i32, %c0_i32_0 : i32, i32
  }
  func.func @transform_4(%arg0: i32) -> (i32, i32, i32) {
    %c0_i32 = arith.constant 0 : i32
    %c0_i32_0 = arith.constant 0 : i32
    %c0_i32_1 = arith.constant 0 : i32
    return %arg0, %c0_i32, %c0_i32_0 : i32, i32, i32
  }
  func.func @transform_5(%arg0: i32) -> (i32, i32) {
    %c0_i32 = arith.constant 0 : i32
    %c0_i32_0 = arith.constant 0 : i32
    %c0_i32_1 = arith.constant 0 : i32
    return %c0_i32, %c0_i32_0 : i32, i32
  }
  func.func @transform_6(%arg0: i32) -> (i32, i32) {
    %c0_i32 = arith.constant 0 : i32
    %c0_i32_0 = arith.constant 0 : i32
    %c0_i32_1 = arith.constant 0 : i32
    return %c0_i32, %c0_i32_0 : i32, i32
  }
  func.func @transform_7(%arg0: i32) -> (i32, i32) {
    %c0_i32 = arith.constant 0 : i32
    %c0_i32_0 = arith.constant 0 : i32
    %c0_i32_1 = arith.constant 0 : i32
    return %c0_i32, %c0_i32_0 : i32, i32
  }
}

module attributes {stable_mosaic.version = 14 : i64} {
  func.func @body(%arg0: memref<64x128xf32, #tpu.memory_space<vmem>>, %arg1: memref<64x1xf32, #tpu.memory_space<vmem>>, %arg2: memref<8x128xf32, #tpu.memory_space<vmem>>, %arg3: memref<1x128xf32, #tpu.memory_space<vmem>>, %arg4: memref<1x128xf32, #tpu.memory_space<vmem>>, %arg5: memref<128x512xf32, #tpu.memory_space<vmem>>, %arg6: memref<1x512xf32, #tpu.memory_space<vmem>>, %arg7: memref<512x512xf32, #tpu.memory_space<vmem>>, %arg8: memref<1x512xf32, #tpu.memory_space<vmem>>, %arg9: memref<512x512xf32, #tpu.memory_space<vmem>>, %arg10: memref<1x512xf32, #tpu.memory_space<vmem>>, %arg11: memref<512x128xf32, #tpu.memory_space<vmem>>, %arg12: memref<1x128xf32, #tpu.memory_space<vmem>>, %arg13: memref<64x128xf32, #tpu.memory_space<vmem>>) attributes {dimension_semantics = [], scalar_prefetch = 0 : i64, scratch_operands = 0 : i64, tpu.core_type = #tpu.core_type<tc>} {
    %get3A = arith.constant 0 : index
    %get3A_0 = arith.constant 0 : index
    %get3A_1 = vector.load %arg2[%get3A, %get3A_0] : memref<8x128xf32, #tpu.memory_space<vmem>>, vector<8x128xf32>
    %slice3A = vector.extract_strided_slice %get3A_1 {offsets = [0, 0], sizes = [1, 128], strides = [1, 1]} : vector<8x128xf32> to vector<1x128xf32>
    %div3A = arith.constant 1.000000e+04 : f32
    %div3A_2 = vector.broadcast %div3A : f32 to vector<1x128xf32>
    %div3A_3 = arith.divf %slice3A, %div3A_2 : vector<1x128xf32>
    %slice3A_4 = vector.extract_strided_slice %get3A_1 {offsets = [1, 0], sizes = [1, 128], strides = [1, 1]} : vector<8x128xf32> to vector<1x128xf32>
    %div3A_5 = arith.constant 1.000000e+04 : f32
    %div3A_6 = vector.broadcast %div3A_5 : f32 to vector<1x128xf32>
    %div3A_7 = arith.divf %slice3A_4, %div3A_6 : vector<1x128xf32>
    %mul3A = arith.mulf %div3A_3, %div3A_3 : vector<1x128xf32>
    %sub3A = arith.subf %div3A_7, %mul3A : vector<1x128xf32>
    %get3A_8 = arith.constant 0 : index
    %get3A_9 = arith.constant 0 : index
    %get3A_10 = vector.load %arg3[%get3A_8, %get3A_9] : memref<1x128xf32, #tpu.memory_space<vmem>>, vector<1x128xf32>
    %add3A = arith.constant 9.99999974E-6 : f32
    %add3A_11 = vector.broadcast %add3A : f32 to vector<1x128xf32>
    %add3A_12 = arith.addf %sub3A, %add3A_11 : vector<1x128xf32>
    %rsqrt3A = math.rsqrt %add3A_12 : vector<1x128xf32>
    %mul3A_13 = arith.mulf %get3A_10, %rsqrt3A : vector<1x128xf32>
    %get3A_14 = arith.constant 0 : index
    %get3A_15 = arith.constant 0 : index
    %get3A_16 = vector.load %arg4[%get3A_14, %get3A_15] : memref<1x128xf32, #tpu.memory_space<vmem>>, vector<1x128xf32>
    %mul3A_17 = arith.mulf %div3A_3, %mul3A_13 : vector<1x128xf32>
    %sub3A_18 = arith.subf %get3A_16, %mul3A_17 : vector<1x128xf32>
    %get3A_19 = arith.constant 0 : index
    %get3A_20 = arith.constant 0 : index
    %get3A_21 = vector.load %arg0[%get3A_19, %get3A_20] : memref<64x128xf32, #tpu.memory_space<vmem>>, vector<64x128xf32>
    %get3A_22 = arith.constant 0 : index
    %get3A_23 = arith.constant 0 : index
    %get3A_24 = vector.load %arg1[%get3A_22, %get3A_23] : memref<64x1xf32, #tpu.memory_space<vmem>>, vector<64x1xf32>
    %max3A = arith.constant 1.000000e+00 : f32
    %max3A_25 = vector.broadcast %max3A : f32 to vector<64x1xf32>
    %max3A_26 = arith.maximumf %get3A_24, %max3A_25 : vector<64x1xf32>
    %div3A_27 = vector.broadcast %max3A_26 : vector<64x1xf32> to vector<64x128xf32>
    %div3A_28 = arith.divf %get3A_21, %div3A_27 : vector<64x128xf32>
    %mul3A_29 = vector.broadcast %mul3A_13 : vector<1x128xf32> to vector<64x128xf32>
    %mul3A_30 = arith.mulf %div3A_28, %mul3A_29 : vector<64x128xf32>
    %add3A_31 = vector.broadcast %sub3A_18 : vector<1x128xf32> to vector<64x128xf32>
    %add3A_32 = arith.addf %mul3A_30, %add3A_31 : vector<64x128xf32>
    %get3A_33 = arith.constant 0 : index
    %get3A_34 = arith.constant 0 : index
    %get3A_35 = vector.load %arg5[%get3A_33, %get3A_34] : memref<128x512xf32, #tpu.memory_space<vmem>>, vector<128x512xf32>
    %dot_general3A = arith.constant dense<0.000000e+00> : vector<64x512xf32>
    %dot_general3A_36 = tpu.matmul %add3A_32, %get3A_35, %dot_general3A {dimension_numbers = #tpu.dot_dimension_numbers<[1], [0], [0], [1], [0, 0, 1, 1], [], []>, precision = #tpu.contract_precision<fp32>, transpose_lhs_hint = false} : vector<64x128xf32>, vector<128x512xf32>, vector<64x512xf32> -> vector<64x512xf32>
    %get3A_37 = arith.constant 0 : index
    %get3A_38 = arith.constant 0 : index
    %get3A_39 = vector.load %arg6[%get3A_37, %get3A_38] : memref<1x512xf32, #tpu.memory_space<vmem>>, vector<1x512xf32>
    %add3A_40 = vector.broadcast %get3A_39 : vector<1x512xf32> to vector<64x512xf32>
    %add3A_41 = arith.addf %dot_general3A_36, %add3A_40 : vector<64x512xf32>
    %max3A_42 = arith.constant 0.000000e+00 : f32
    %max3A_43 = vector.broadcast %max3A_42 : f32 to vector<64x512xf32>
    %max3A_44 = arith.maximumf %add3A_41, %max3A_43 : vector<64x512xf32>
    %get3A_45 = arith.constant 0 : index
    %get3A_46 = arith.constant 0 : index
    %get3A_47 = vector.load %arg7[%get3A_45, %get3A_46] : memref<512x512xf32, #tpu.memory_space<vmem>>, vector<512x512xf32>
    %dot_general3A_48 = arith.constant dense<0.000000e+00> : vector<64x512xf32>
    %dot_general3A_49 = tpu.matmul %max3A_44, %get3A_47, %dot_general3A_48 {dimension_numbers = #tpu.dot_dimension_numbers<[1], [0], [0], [1], [0, 0, 1, 1], [], []>, precision = #tpu.contract_precision<fp32>, transpose_lhs_hint = false} : vector<64x512xf32>, vector<512x512xf32>, vector<64x512xf32> -> vector<64x512xf32>
    %get3A_50 = arith.constant 0 : index
    %get3A_51 = arith.constant 0 : index
    %get3A_52 = vector.load %arg8[%get3A_50, %get3A_51] : memref<1x512xf32, #tpu.memory_space<vmem>>, vector<1x512xf32>
    %add3A_53 = vector.broadcast %get3A_52 : vector<1x512xf32> to vector<64x512xf32>
    %add3A_54 = arith.addf %dot_general3A_49, %add3A_53 : vector<64x512xf32>
    %max3A_55 = arith.constant 0.000000e+00 : f32
    %max3A_56 = vector.broadcast %max3A_55 : f32 to vector<64x512xf32>
    %max3A_57 = arith.maximumf %add3A_54, %max3A_56 : vector<64x512xf32>
    %get3A_58 = arith.constant 0 : index
    %get3A_59 = arith.constant 0 : index
    %get3A_60 = vector.load %arg9[%get3A_58, %get3A_59] : memref<512x512xf32, #tpu.memory_space<vmem>>, vector<512x512xf32>
    %dot_general3A_61 = arith.constant dense<0.000000e+00> : vector<64x512xf32>
    %dot_general3A_62 = tpu.matmul %max3A_57, %get3A_60, %dot_general3A_61 {dimension_numbers = #tpu.dot_dimension_numbers<[1], [0], [0], [1], [0, 0, 1, 1], [], []>, precision = #tpu.contract_precision<fp32>, transpose_lhs_hint = false} : vector<64x512xf32>, vector<512x512xf32>, vector<64x512xf32> -> vector<64x512xf32>
    %get3A_63 = arith.constant 0 : index
    %get3A_64 = arith.constant 0 : index
    %get3A_65 = vector.load %arg10[%get3A_63, %get3A_64] : memref<1x512xf32, #tpu.memory_space<vmem>>, vector<1x512xf32>
    %add3A_66 = vector.broadcast %get3A_65 : vector<1x512xf32> to vector<64x512xf32>
    %add3A_67 = arith.addf %dot_general3A_62, %add3A_66 : vector<64x512xf32>
    %max3A_68 = arith.constant 0.000000e+00 : f32
    %max3A_69 = vector.broadcast %max3A_68 : f32 to vector<64x512xf32>
    %max3A_70 = arith.maximumf %add3A_67, %max3A_69 : vector<64x512xf32>
    %get3A_71 = arith.constant 0 : index
    %get3A_72 = arith.constant 0 : index
    %get3A_73 = vector.load %arg11[%get3A_71, %get3A_72] : memref<512x128xf32, #tpu.memory_space<vmem>>, vector<512x128xf32>
    %dot_general3A_74 = arith.constant dense<0.000000e+00> : vector<64x128xf32>
    %dot_general3A_75 = tpu.matmul %max3A_70, %get3A_73, %dot_general3A_74 {dimension_numbers = #tpu.dot_dimension_numbers<[1], [0], [0], [1], [0, 0, 1, 1], [], []>, precision = #tpu.contract_precision<fp32>, transpose_lhs_hint = false} : vector<64x512xf32>, vector<512x128xf32>, vector<64x128xf32> -> vector<64x128xf32>
    %get3A_76 = arith.constant 0 : index
    %get3A_77 = arith.constant 0 : index
    %get3A_78 = vector.load %arg12[%get3A_76, %get3A_77] : memref<1x128xf32, #tpu.memory_space<vmem>>, vector<1x128xf32>
    %add3A_79 = vector.broadcast %get3A_78 : vector<1x128xf32> to vector<64x128xf32>
    %add3A_80 = arith.addf %dot_general3A_75, %add3A_79 : vector<64x128xf32>
    %swap3A = arith.constant 0 : index
    %swap3A_81 = arith.constant 0 : index
    %swap3A_82 = vector.load %arg13[%swap3A, %swap3A_81] : memref<64x128xf32, #tpu.memory_space<vmem>>, vector<64x128xf32>
    tpu.vector_store %arg13[%swap3A, %swap3A_81], %add3A_80 {strides = array<i32>} : memref<64x128xf32, #tpu.memory_space<vmem>>, vector<64x128xf32>,
    return
  }
}

</mosaic_0001>

<sc_bundles>
// kernel: kernel.13.cloned.1.call-start
scs
__scs_entry_jumppad:
0x0: {  	(pc) =	sbr.rel $0x88, $3  }
0x1: {  	(tag) =	ssettag $0x0;
	lr =	simm.s32 $0x1  }
0x2: {  	[smem:$0x3F8A] =	sst lr;
	_ =	strace $0xD0000000  }
0x3: {  	_ = 	snop  }
0x4: {  	_ = 	snop  }
0x5: {  	_ = 	snop  }
0x6: {  	_ = 	snop  }
0x7: {  	_ = 	snop  }
__scs_overlays_trampoline_lowered:
0x8: {  	[smem:$0x3F99] =	sst s0  }
0x9: {  	[smem:$0x3F9A] =	sst s1  }
0xa: {  	[smem:$0x3F9B] =	sst s2  }
0xb: {  	[smem:$0x3F9C] =	sst s3  }
0xc: {  	[smem:$0x3F9D] =	sst s4  }
0xd: {  	[smem:$0x3F9E] =	sst s5  }
0xe: {  	[smem:$0x3F9F] =	sst s6  }
0xf: {  	[smem:$0x3FA0] =	sst s7  }
0x10: {  	[smem:$0x3FA1] =	sst s8  }
0x11: {  	[smem:$0x3FA2] =	sst s9;
	s0 =	simm.s32 @!p0 $0x0  }
0x12: {  	s1 =	sld [smem:$0x3F88];
	s0 =	simm.s32 @p0 $0x1  }
0x13: {  	[smem:$0x3FA3] =	sst s0;
	s0 =	simm.s32 @!p1 $0x0  }
0x14: {  	s2 =	sld [smem:$0x3F87];
	s0 =	simm.s32 @p1 $0x1  }
0x15: {  	[smem:$0x3FA4] =	sst s0;
	s0 =	simm.s32 @!p2 $0x0  }
0x16: {  	s3 =	sld [smem:$0x3FDB];
	s0 =	simm.s32 @p2 $0x1  }
0x17: {  	s4 =	simm.s32 $0x1BF5;
	[smem:$0x3FA6] =	sst s0  }
0x18: {  	s0 =	sld [smem:$0x3F89];
	_ =	swait.ge [sflag:s4], $0x0  }
0x19: {  	s7 =	sld [smem:$0x3F8A]  }
0x1a: {  	s8 =	sadd.s32 $0xFFFFE003, lr  }
0x1b: {  	s9 =	sadd.s32 $0xFFFFFEF7, lr;
	s5 =	simm.s32 $0xFFFFFFFF;
	p2 =	slt.u32 s8, $0xFFFFF086  }
0x1c: {  	p1 =	slt.u32 s9, $0xF7A;
	s5 =	simm.s32 @!p2 $0x0  }
0x1d: {  	s5 =	simm.s32 @p1 $0x1;
	p0 =	seq.s32 s7, s2  }
0x1e: {  	s7 =	smul.u32 @!p0 $0xF7A, s2;
	p2 =	seq.s32 @!p0 s5, $0x0  }
0x1f: {  	s9 =	smul.u32 $0xF7A, s1;
	s8 =	simm.s32 @!p0 $0x1BF5;
	p2 =	por !p2, p0  }
0x20: {  	[sflag:s8] =	ssyncset.s32 @!p0 $0xFFFFF086;
	s6 =	sadd.s32 @!p0 s3, s7;
	s7 =	simm.s32 @!p0 $0x108  }
0x21: {  	s3 =	sadd.s32 s3, s9;
	s6 =	sadd.s32 @!p0 $0x88, s6;
	s7 =	simm.s32 @p2 $0x1082  }
0x22: {  	[simem:s7], [sflag:s8] =	dma.local @!p0 [hbm:s6], $0xF7A  }
0x23: {  	s9 =	sor.u32 $0xD0000000, s2;
	s6 =	simm.s32 $0x108;
	_ =	swait.ge @!p0 [sflag:s8], $0x0  }
0x24: {  	s3 =	sadd.s32 $0x88, s3;
	s6 =	simm.s32 @!p1 $0x1082;
	[sflag:s4] =	ssyncset.s32 $0xFFFFF086  }
0x25: {  	[simem:s6], [sflag:s4] =	dma.local [hbm:s3], $0xF7A  }
0x26: {  	[smem:$0x3F8A] =	sst s1;
	(tag) =	ssettag s2;
	_ =	strace s9  }
0x27: {  	s1 =	sld [smem:$0x3F9A]  }
0x28: {  	s2 =	sld [smem:$0x3F9B]  }
0x29: {  	s4 =	sld [smem:$0x3F9D]  }
0x2a: {  	p0 =	seq.s32 s5, $0x0;
	s5 =	sld [smem:$0x3F9E]  }
0x2b: {  	s6 =	sld [smem:$0x3F9F]  }
0x2c: {  	s7 =	sld [smem:$0x3FA0]  }
0x2d: {  	s3 =	simm.s32 $0x108;
	s8 =	sld [smem:$0x3FA1]  }
0x2e: {  	s3 =	simm.s32 @!p0 $0x1082;
	s9 =	sld [smem:$0x3FA2]  }
0x2f: {  	lr =	sadd.s32 s0, s3;
	s0 =	sld [smem:$0x3F99]  }
0x30: {  	s3 =	sld [smem:$0x3F9C]  }
0x31: {  	[smem:$0x3FA5] =	sst s10  }
0x32: {  	s10 =	sld [smem:$0x3FA3];
	_ =	sdelay $0x3  }
0x33: {  	p0 =	seq.s32 s10, $0x1;
	s10 =	sld [smem:$0x3FA5];
	_ =	sdelay $0x3  }
0x34: {  	[smem:$0x3FA5] =	sst s10  }
0x35: {  	s10 =	sld [smem:$0x3FA4];
	_ =	sdelay $0x3  }
0x36: {  	p1 =	seq.s32 s10, $0x1;
	s10 =	sld [smem:$0x3FA5];
	_ =	sdelay $0x3  }
0x37: {  	[smem:$0x3FA5] =	sst s10  }
0x38: {  	s10 =	sld [smem:$0x3FA6]  }
0x39: {  	_ = 	snop;
	(pc) =	sbr.ind lr, $3  }
0x3a: {  	_ = 	snop  }
0x3b: {  	_ = 	snop  }
0x3c: {  	p2 =	seq.s32 s10, $0x1;
	s10 =	sld [smem:$0x3FA5]  }
0x3d: {  	_ =	shalt  }
0x3e: {  	_ =	shalt  }
0x3f: {  	_ =	shalt  }
0x40: {  	_ =	shalt  }
0x41: {  	_ =	shalt  }
0x42: {  	_ =	shalt  }
0x43: {  	_ =	shalt  }
0x44: {  	_ =	shalt  }
0x45: {  	_ =	shalt  }
0x46: {  	_ =	shalt  }
0x47: {  	_ =	shalt  }
0x48: {  	_ =	shalt  }
0x49: {  	_ =	shalt  }
0x4a: {  	_ =	shalt  }
0x4b: {  	_ =	shalt  }
0x4c: {  	_ =	shalt  }
0x4d: {  	_ =	shalt  }
0x4e: {  	_ =	shalt  }
0x4f: {  	_ =	shalt  }
0x50: {  	_ =	shalt  }
0x51: {  	_ =	shalt  }
0x52: {  	_ =	shalt  }
0x53: {  	_ =	shalt  }
0x54: {  	_ =	shalt  }
0x55: {  	_ =	shalt  }
0x56: {  	_ =	shalt  }
0x57: {  	_ =	shalt  }
0x58: {  	_ =	shalt  }
0x59: {  	_ =	shalt  }
0x5a: {  	_ =	shalt  }
0x5b: {  	_ =	shalt  }
0x5c: {  	_ =	shalt  }
0x5d: {  	_ =	shalt  }
0x5e: {  	_ =	shalt  }
0x5f: {  	_ =	shalt  }
0x60: {  	_ =	shalt  }
0x61: {  	_ =	shalt  }
0x62: {  	_ =	shalt  }
0x63: {  	_ =	shalt  }
0x64: {  	_ =	shalt  }
0x65: {  	_ =	shalt  }
0x66: {  	_ =	shalt  }
0x67: {  	_ =	shalt  }
0x68: {  	_ =	shalt  }
0x69: {  	_ =	shalt  }
0x6a: {  	_ =	shalt  }
0x6b: {  	_ =	shalt  }
0x6c: {  	_ =	shalt  }
0x6d: {  	_ =	shalt  }
0x6e: {  	_ =	shalt  }
0x6f: {  	_ =	shalt  }
0x70: {  	_ =	shalt  }
0x71: {  	_ =	shalt  }
0x72: {  	_ =	shalt  }
0x73: {  	_ =	shalt  }
0x74: {  	_ =	shalt  }
0x75: {  	_ =	shalt  }
0x76: {  	_ =	shalt  }
0x77: {  	_ =	shalt  }
0x78: {  	_ =	shalt  }
0x79: {  	_ =	shalt  }
0x7a: {  	_ =	shalt  }
0x7b: {  	_ =	shalt  }
0x7c: {  	_ =	shalt  }
0x7d: {  	_ =	shalt  }
0x7e: {  	_ =	shalt  }
0x7f: {  	_ =	shalt  }
0x80: {  	_ =	shalt  }
0x81: {  	_ =	shalt  }
0x82: {  	_ =	shalt  }
0x83: {  	_ =	shalt  }
0x84: {  	_ =	shalt  }
0x85: {  	_ =	shalt  }
0x86: {  	_ =	shalt  }
0x87: {  	_ =	shalt  }
.Lfunc_end0:
.L_simem_size_0:
called_computation_lowered:
.L_overlay_start_0:
0x88: {  	s2 =	sld [smem:$0x3FD9]  }
0x89: {  	s3 =	sld [smem:$0x3FFE];
	_ =	sdelay $0x1  }
0x8a: {  	s1 =	srdreg.scid  }
0x8b: {  	s0 =	sand.u32 $0x1, s1  }
0x8c: {  	s16 =	sshll.u32 s0, $0xA;
	s2 =	sadd.s32 s3, s2  }
0x8d: {  	s2 =	sadd.s32 s2, s16  }
0x8e: {  	[smem:$0x3FB1] =	sst s2  }
0x8f: {  	_ = 	snop  }
0x90: {  	(tm) =	ssettm $0x1  }
0x91: {  	s17 =	sld [smem:$0x3FFB];
	_ =	sdelay $0x3  }
0x92: {  	_ =	strace s17  }
0x93: {  	s2 =	sld [smem:$0x3FFC];
	_ =	sdelay $0x3  }
0x94: {  	_ =	strace s2  }
0x95: {  	s2 =	sld [smem:$0x3FFD];
	_ =	sdelay $0x3  }
0x96: {  	_ =	strace s2  }
0x97: {  	_ =	strace $0x8FFFFFFF  }
0x98: {  	s18 =	sld [smem:$0x3FDB];
	_ =	sdelay $0x1  }
0x99: {  	s19 =	simm.s32 $_scs_section_size  }
0x9a: {  	s4 =	simm.s32 $_size__tile_overlayer_lowered;
	s5 =	simm.s32 $_tile_overlayer_lowered  }
0x9b: {  	s22 =	simm.s32 $0x1BFF;
	s21 =	sshll.u32 s5, $0x1;
	s2 =	sadd.s32 s19, s18  }
0x9c: {  	s6 =	simm.s32 $0x0;
	s20 =	sshll.u32 s4, $0x1;
	s4 =	sadd.s32 s21, s2  }
0x9d: {  	[timem:s6], [sflag:s22] =	dma.local [hbm:s4], s20  }
0x9e: {  	_ =	swait.ge [sflag:s22], s20  }
0x9f: {  	s3 =	ssub.s32 $0x0, s20;
	[sflag:s22] =	ssyncset.done $0x0  }
0xa0: {  	[sflag:s22] =	ssyncadd.s32 s3;
	_ =	sdelay $0x1  }
0xa1: {  	s23 =	simm.s32 $0x1B8B  }
0xa2: {  	_ =	swait.ge [sflag:s23], $0x1  }
0xa3: {  	[sflag:s23] =	ssyncset.done $0x0  }
0xa4: {  	s25 =	simm.s32 $0x1B8E;
	s24 =	sld [smem:$0x3FFE];
	[sflag:s23] =	ssyncadd.s32 $0xFFFFFFFF  }
0xa5: {  	s26 =	simm.s32 $execute0_lowered;
	[smem:$0x3FD2] =	sst s25  }
0xa6: {  	s4 =	sshll.u32 s26, $0x1;
	_ =	strace $0x80000046;
	[dreg:$0x1] =	wrdreg $0xFFFFFFFF  }
0xa7: {  	s28 =	simm.s32 $_size_execute0_lowered;
	s2 =	sadd.s32 s2, s4;
	[dreg:$0x0] =	wrdreg $0x0  }
0xa8: {  	s4 =	sshll.u32 s28, $0x1;
	[dreg:$0x2] =	wrdreg s2  }
0xa9: {  	[dreg:$0x3] =	wrdreg s4  }
0xaa: {  	[dreg:$0x4] =	wrdreg $0xC0  }
0xab: {  	_ =	task [dreg:s6], $0x5FFFF  }
0xac: {  	[dreg:$0x1] =	wrdreg $0xFFFFFFFF  }
0xad: {  	[dreg:$0x0] =	wrdreg $0x60  }
0xae: {  	[dreg:$0x2] =	wrdreg s24  }
0xaf: {  	[dreg:$0x3] =	wrdreg $0x44000  }
0xb0: {  	[dreg:$0x4] =	wrdreg $0x9  }
0xb1: {  	_ =	task.clear_ibuf [dreg:s6], $0x5FFFF;
	_ =	strace $0x90000046  }
0xb2: {  	s29 =	simm.s32 $0x9;
	_ =	strace $0x80000048  }
0xb3: {  	_ =	swait.ge [sflag:s29], $0x1  }
0xb4: {  	[sflag:s29] =	ssyncadd.s32 $0xFFFFFFFF  }
0xb5: {  	_ =	strace $0x90000048  }
0xb6: {  	_ =	sfence  }
0xb7: {  	s30 =	sld [smem:$0x0];
	_ =	sdelay $0x2  }
0xb8: {  	s31 =	sshll.u32 s1, $0xD;
	s1 =	sshrl.u32 s1, $0x2  }
0xb9: {  	s3 =	sand.u32 $0x4000, s31;
	s1 =	sadd.s32 s1, s30  }
0xba: {  	s0 =	sor.u32 s3, s0;
	s1 =	sshll.u32 s1, $0x11  }
0xbb: {  	s0 =	sor.u32 s1, s0  }
0xbc: {  	s0 =	sadd.s32 $0x8F2B, s0  }
0xbd: {  	[sflag:s0] =	ssyncadd.remote.s32 $0x1  }
0xbe: {  	_ =	sfence.sel $0xFFFF  }
0xbf: {  	[dreg:$0x0] =	wrdreg $0xFFFFFFFF;
	(pc) =	sbr.abs _section_cstart, $3  }
0xc0: {  	[dreg:$0x1] =	wrdreg $0xFFFFFFFF  }
0xc1: {  	_ =	task.clear_ibuf [dreg:s6], $0x2FFFF;
	_ =	strace $0x9FFFFFFF  }
0xc2: {  	(tm) =	ssettm $0x7FFFFFFF  }
0xc3: {  	_ =	shalt  }
tec
execute0_lowered:
.L_overlay_start_1:
0x0: {  	(tag) =	ssettag $0x1  }
0x1: {  	s6 =	rddreg [dreg:$0x0]  }
0x2: {  	s0 =	srdreg.scid;
	s1 =	rddreg [dreg:$0x1];
	s3 =	simm.s32 $0x0  }
0x3: {  	s2 =	stileid.u32;
	s14 =	simm.s32 $0x100;
	s15 =	simm.s32 $0x180  }
0x4: {  	s16 =	simm.s32 $0x1;
	s17 =	simm.s32 $0x200;
	s8 =	smul.u32 $0x13C00, s2  }
0x5: {  	s18 =	simm.s32 $0x280;
	s19 =	simm.s32 $0x300;
	s10 =	smul.u32 $0x4F000, s2  }
0x6: {  	s20 =	simm.s32 $0x380;
	s7 =	sand.u32 $0x1, s0;
	s12 =	smul.u32 $0x500, s2  }
0x7: {  	s21 =	simm.s32 $0x0;
	s0 =	rddreg [dreg:$0x2];
	s4 =	smul.u32 $0x5000, s7  }
0x8: {  	[smem:$0x7FF] =	sst s3;
	s5 =	smul.u32 $0x13C000, s7;
	s7 =	ssub.s32 $0x2, s7  }
0x9: {  	s31 =	sshll.u32 s2, $0x6;
	_ =	strace $0x80000047;
	s11 =	sshrl.u32 s7, $0x1  }
0xa: {  	s10 =	sshrl.u32 s10, $0x2;
	s9 =	sadd.s32 s4, s6;
	s4 =	sadd.s32 $0x11A00, s6  }
0xb: {  	s8 =	sadd.s32 s8, s5;
	s5 =	sadd.s32 $0xF200, s6;
	s7 =	ssub.s32 s7, s11  }
0xc: {  	s13 =	sadd.s32 s10, s1;
	s10 =	simm.s32 $0x2;
	s11 =	sor.u32 $0x1C02, s31  }
0xd: {  	s8 =	sshrl.u32 s8, $0x3;
	s7 =	smax.u32 s7, $0x1;
	s30 =	sadd.s32 s12, s9  }
0xe: {  	s9 =	simm.s32 $0x400;
	s12 =	sshrl.u32 s13, $0x3;
	s6 =	sadd.s32 s8, s6  }
0xf: {  	s13 =	simm.s32 $0x80;
	s8 =	sadd.s32 $0x5200, s30;
	s6 =	sadd.s32 $0x12200, s6  }
.LBB2_1:
0x10: {  	[tilespmem:s9], [sflag:$0x2] =	stream.linear.gather [hbm4b:s4+s3], $0x4000, $0x38;
	[tilespmem:$0x18000] =	vst v63  }
0x11: {  	_ =	swait.ge [sflag:s10], $0x4000  }
0x12: {  	[sflag:s10] =	ssyncset.done $0x0  }
0x13: {  	[sflag:s10] =	ssyncadd.s32 $0xFFFFC000  }
0x14: {  	[spmem:s12], [sflag:s11] =	dma.local [hbm:s5], $0x2780  }
0x15: {  	_ =	swait.ge [sflag:s10], $0x2780  }
0x16: {  	[sflag:s10] =	ssyncset.done $0x0  }
0x17: {  	[sflag:s10] =	ssyncadd.s32 $0xFFFFD880  }
0x18: {  	s22 =	sadd.s32 $0x0, s8;
	[bflag:$0x0] =	sbarrier.arrive $0xFFFF  }
0x19: {  	[tilespmem:s3], [sflag:$0x2] =	stream.linear.gather [hbm4b:s22+s3], $0x400, $0x38;
	[tilespmem:$0x18000] =	vst v63  }
0x1a: {  	_ =	swait.ge [sflag:s10], $0x400  }
0x1b: {  	[sflag:s10] =	ssyncset.done $0x0  }
0x1c: {  	[sflag:s10] =	ssyncadd.s32 $0xFFFFFC00  }
0x1d: {  	[spmem:s1] =	stream.indirect.scatter.add.f32 [tilespmem:s9], [sflag:$0x1], $0x80, s3, s13, $0xb8;
	[tilespmem:$0x18000] =	vst v63  }
0x1e: {  	_ = 	snop  }
0x1f: {  	[spmem:s1] =	stream.indirect.scatter.add.f32 [tilespmem:s9], [sflag:$0x1], $0x80, s13, s13, $0xb8;
	[tilespmem:$0x18000] =	vst v63  }
0x20: {  	_ = 	snop  }
0x21: {  	[spmem:s1] =	stream.indirect.scatter.add.f32 [tilespmem:s9], [sflag:$0x1], $0x80, s14, s13, $0xb8;
	[tilespmem:$0x18000] =	vst v63  }
0x22: {  	_ = 	snop  }
0x23: {  	[spmem:s1] =	stream.indirect.scatter.add.f32 [tilespmem:s9], [sflag:$0x1], $0x80, s15, s13, $0xb8;
	[tilespmem:$0x18000] =	vst v63  }
0x24: {  	_ =	swait.ge [sflag:s16], $0x4000  }
0x25: {  	[sflag:s16] =	ssyncset.done $0x0  }
0x26: {  	[sflag:s16] =	ssyncadd.s32 $0xFFFFC000  }
0x27: {  	[spmem:s1] =	stream.indirect.scatter.add.f32 [tilespmem:s9], [sflag:$0x1], $0x80, s17, s13, $0xb8;
	[tilespmem:$0x18000] =	vst v63  }
0x28: {  	_ =	swait.ge [sflag:s16], $0x4000  }
0x29: {  	[sflag:s16] =	ssyncset.done $0x0  }
0x2a: {  	[sflag:s16] =	ssyncadd.s32 $0xFFFFC000  }
0x2b: {  	[spmem:s1] =	stream.indirect.scatter.add.f32 [tilespmem:s9], [sflag:$0x1], $0x80, s18, s13, $0xb8;
	[tilespmem:$0x18000] =	vst v63  }
0x2c: {  	_ =	swait.ge [sflag:s16], $0x4000  }
0x2d: {  	[sflag:s16] =	ssyncset.done $0x0  }
0x2e: {  	[sflag:s16] =	ssyncadd.s32 $0xFFFFC000  }
0x2f: {  	[spmem:s1] =	stream.indirect.scatter.add.f32 [tilespmem:s9], [sflag:$0x1], $0x80, s19, s13, $0xb8;
	[tilespmem:$0x18000] =	vst v63  }
0x30: {  	_ =	swait.ge [sflag:s16], $0x4000  }
0x31: {  	[sflag:s16] =	ssyncset.done $0x0  }
0x32: {  	[sflag:s16] =	ssyncadd.s32 $0xFFFFC000  }
0x33: {  	[spmem:s1] =	stream.indirect.scatter.add.f32 [tilespmem:s9], [sflag:$0x1], $0x80, s20, s13, $0xb8;
	[tilespmem:$0x18000] =	vst v63  }
0x34: {  	_ =	swait.ge [sflag:s16], $0x4000  }
0x35: {  	[sflag:s16] =	ssyncset.done $0x0  }
0x36: {  	[sflag:s16] =	ssyncadd.s32 $0xFFFFC000  }
0x37: {  	_ =	swait.ge [sflag:s16], $0x4000  }
0x38: {  	[sflag:s16] =	ssyncset.done $0x0  }
0x39: {  	[sflag:s16] =	ssyncadd.s32 $0xFFFFC000  }
0x3a: {  	_ =	swait.ge [sflag:s16], $0x4000  }
0x3b: {  	[sflag:s16] =	ssyncset.done $0x0  }
0x3c: {  	[sflag:s16] =	ssyncadd.s32 $0xFFFFC000  }
0x3d: {  	_ =	swait.ge [sflag:s16], $0x4000  }
0x3e: {  	s24 =	simm.s32 $0x100;
	s22 =	simm.s32 $0x80;
	[sflag:s16] =	ssyncset.done $0x0  }
.LBB2_2:
0x3f: {  	s25 =	sadd.s32 s22, s8  }
0x40: {  	[sflag:s16] =	ssyncadd.s32 $0xFFFFC000;
	s22 =	smov.u32 s24;
	s23 =	sadd.s32 $0x80, s24  }
0x41: {  	[tilespmem:s3], [sflag:$0x2] =	stream.linear.gather [hbm4b:s25+s3], $0x400, $0x38;
	[tilespmem:$0x18000] =	vst v63  }
0x42: {  	p0 =	sne.s32 s24, $0x480;
	_ =	swait.ge [sflag:s10], $0x400  }
0x43: {  	[sflag:s10] =	ssyncset.done $0x0  }
0x44: {  	[sflag:s10] =	ssyncadd.s32 $0xFFFFFC00  }
0x45: {  	[spmem:s1] =	stream.indirect.scatter.add.f32 [tilespmem:s9], [sflag:$0x1], $0x80, s3, s13, $0xb8;
	[tilespmem:$0x18000] =	vst v63  }
0x46: {  	_ = 	snop  }
0x47: {  	[spmem:s1] =	stream.indirect.scatter.add.f32 [tilespmem:s9], [sflag:$0x1], $0x80, s13, s13, $0xb8;
	[tilespmem:$0x18000] =	vst v63  }
0x48: {  	_ = 	snop  }
0x49: {  	[spmem:s1] =	stream.indirect.scatter.add.f32 [tilespmem:s9], [sflag:$0x1], $0x80, s14, s13, $0xb8;
	[tilespmem:$0x18000] =	vst v63  }
0x4a: {  	_ = 	snop  }
0x4b: {  	[spmem:s1] =	stream.indirect.scatter.add.f32 [tilespmem:s9], [sflag:$0x1], $0x80, s15, s13, $0xb8;
	[tilespmem:$0x18000] =	vst v63  }
0x4c: {  	_ =	swait.ge [sflag:s16], $0x4000  }
0x4d: {  	[sflag:s16] =	ssyncset.done $0x0  }
0x4e: {  	[sflag:s16] =	ssyncadd.s32 $0xFFFFC000  }
0x4f: {  	[spmem:s1] =	stream.indirect.scatter.add.f32 [tilespmem:s9], [sflag:$0x1], $0x80, s17, s13, $0xb8;
	[tilespmem:$0x18000] =	vst v63  }
0x50: {  	_ =	swait.ge [sflag:s16], $0x4000  }
0x51: {  	[sflag:s16] =	ssyncset.done $0x0  }
0x52: {  	[sflag:s16] =	ssyncadd.s32 $0xFFFFC000  }
0x53: {  	[spmem:s1] =	stream.indirect.scatter.add.f32 [tilespmem:s9], [sflag:$0x1], $0x80, s18, s13, $0xb8;
	[tilespmem:$0x18000] =	vst v63  }
0x54: {  	_ =	swait.ge [sflag:s16], $0x4000  }
0x55: {  	[sflag:s16] =	ssyncset.done $0x0  }
0x56: {  	[sflag:s16] =	ssyncadd.s32 $0xFFFFC000  }
0x57: {  	[spmem:s1] =	stream.indirect.scatter.add.f32 [tilespmem:s9], [sflag:$0x1], $0x80, s19, s13, $0xb8;
	[tilespmem:$0x18000] =	vst v63  }
0x58: {  	_ =	swait.ge [sflag:s16], $0x4000  }
0x59: {  	[sflag:s16] =	ssyncset.done $0x0  }
0x5a: {  	[sflag:s16] =	ssyncadd.s32 $0xFFFFC000  }
0x5b: {  	[spmem:s1] =	stream.indirect.scatter.add.f32 [tilespmem:s9], [sflag:$0x1], $0x80, s20, s13, $0xb8;
	[tilespmem:$0x18000] =	vst v63  }
0x5c: {  	_ =	swait.ge [sflag:s16], $0x4000  }
0x5d: {  	[sflag:s16] =	ssyncset.done $0x0  }
0x5e: {  	[sflag:s16] =	ssyncadd.s32 $0xFFFFC000  }
0x5f: {  	_ =	swait.ge [sflag:s16], $0x4000  }
0x60: {  	[sflag:s16] =	ssyncset.done $0x0  }
0x61: {  	[sflag:s16] =	ssyncadd.s32 $0xFFFFC000  }
.Ltmp0:
0x62: {  	_ =	swait.ge [sflag:s16], $0x4000;
	(pc) =	sbr.rel @p0 .LBB2_2-.Ltmp0, $4  }
0x63: {  	[sflag:s16] =	ssyncset.done $0x0  }
0x64: {  	[sflag:s16] =	ssyncadd.s32 $0xFFFFC000  }
0x65: {  	_ =	swait.ge [sflag:s16], $0x4000  }
0x66: {  	s24 =	smov.u32 s23;
	[sflag:s16] =	ssyncset.done $0x0  }
0x67: {  	s22 =	sadd.s32 s22, s8;
	[sflag:s16] =	ssyncadd.s32 $0xFFFFC000  }
0x68: {  	[tilespmem:s3], [sflag:$0x2] =	stream.linear.gather [hbm4b:s22+s3], $0x400, $0x38;
	[tilespmem:$0x18000] =	vst v63  }
0x69: {  	_ =	swait.ge [sflag:s10], $0x400  }
0x6a: {  	[sflag:s10] =	ssyncset.done $0x0  }
0x6b: {  	[sflag:s10] =	ssyncadd.s32 $0xFFFFFC00  }
0x6c: {  	[spmem:s1] =	stream.indirect.scatter.add.f32 [tilespmem:s9], [sflag:$0x1], $0x80, s3, s13, $0xb8;
	[tilespmem:$0x18000] =	vst v63  }
0x6d: {  	_ = 	snop  }
0x6e: {  	[spmem:s1] =	stream.indirect.scatter.add.f32 [tilespmem:s9], [sflag:$0x1], $0x80, s13, s13, $0xb8;
	[tilespmem:$0x18000] =	vst v63  }
0x6f: {  	_ = 	snop  }
0x70: {  	[spmem:s1] =	stream.indirect.scatter.add.f32 [tilespmem:s9], [sflag:$0x1], $0x80, s14, s13, $0xb8;
	[tilespmem:$0x18000] =	vst v63  }
0x71: {  	_ = 	snop  }
0x72: {  	[spmem:s1] =	stream.indirect.scatter.add.f32 [tilespmem:s9], [sflag:$0x1], $0x80, s15, s13, $0xb8;
	[tilespmem:$0x18000] =	vst v63  }
0x73: {  	_ =	swait.ge [sflag:s16], $0x4000  }
0x74: {  	[sflag:s16] =	ssyncset.done $0x0  }
0x75: {  	[sflag:s16] =	ssyncadd.s32 $0xFFFFC000  }
0x76: {  	[spmem:s1] =	stream.indirect.scatter.add.f32 [tilespmem:s9], [sflag:$0x1], $0x80, s17, s13, $0xb8;
	[tilespmem:$0x18000] =	vst v63  }
0x77: {  	_ =	swait.ge [sflag:s16], $0x4000  }
0x78: {  	[sflag:s16] =	ssyncset.done $0x0  }
0x79: {  	[sflag:s16] =	ssyncadd.s32 $0xFFFFC000  }
0x7a: {  	[spmem:s1] =	stream.indirect.scatter.add.f32 [tilespmem:s9], [sflag:$0x1], $0x80, s18, s13, $0xb8;
	[tilespmem:$0x18000] =	vst v63  }
0x7b: {  	_ =	swait.ge [sflag:s16], $0x4000  }
0x7c: {  	[sflag:s16] =	ssyncset.done $0x0  }
0x7d: {  	[sflag:s16] =	ssyncadd.s32 $0xFFFFC000  }
0x7e: {  	[spmem:s1] =	stream.indirect.scatter.add.f32 [tilespmem:s9], [sflag:$0x1], $0x80, s19, s13, $0xb8;
	[tilespmem:$0x18000] =	vst v63  }
0x7f: {  	_ =	swait.ge [sflag:s16], $0x4000  }
0x80: {  	[sflag:s16] =	ssyncset.done $0x0  }
0x81: {  	[sflag:s16] =	ssyncadd.s32 $0xFFFFC000  }
0x82: {  	[spmem:s1] =	stream.indirect.scatter.add.f32 [tilespmem:s9], [sflag:$0x1], $0x80, s20, s13, $0xb8;
	[tilespmem:$0x18000] =	vst v63  }
0x83: {  	_ =	swait.ge [sflag:s16], $0x4000  }
0x84: {  	[sflag:s16] =	ssyncset.done $0x0  }
0x85: {  	[sflag:s16] =	ssyncadd.s32 $0xFFFFC000  }
0x86: {  	_ =	swait.ge [sflag:s16], $0x4000  }
0x87: {  	[sflag:s16] =	ssyncset.done $0x0  }
0x88: {  	[sflag:s16] =	ssyncadd.s32 $0xFFFFC000  }
0x89: {  	_ =	swait.ge [sflag:s16], $0x4000  }
0x8a: {  	[sflag:s16] =	ssyncset.done $0x0  }
0x8b: {  	[sflag:s16] =	ssyncadd.s32 $0xFFFFC000  }
0x8c: {  	_ =	swait.ge [sflag:s16], $0x4000  }
0x8d: {  	s21 =	sadd.s32 $0x1, s21;
	[sflag:s16] =	ssyncset.done $0x0  }
0x8e: {  	p0 =	sne.s32 s21, s7;
	[sflag:s16] =	ssyncadd.s32 $0xFFFFC000  }
.Ltmp1:
0x8f: {  	[bflag:$0x0] =	sbarrier.arrive $0xFFFF;
	(pc) =	sbr.rel @p0 .LBB2_1-.Ltmp1, $4  }
0x90: {  	[hbm:s6], [sflag:s11] =	dma.local [spmem:s12], $0x2780  }
0x91: {  	_ =	swait.ge [sflag:s10], $0x2780  }
0x92: {  	[sflag:s10] =	ssyncset.done $0x0  }
0x93: {  	[sflag:s10] =	ssyncadd.s32 $0xFFFFD880  }
0x94: {  	_ =	sfence.sel $0x180000  }
0x95: {  	[bflag:$0x0] =	sbarrier.arrive $0xFFFF  }
0x96: {  	p0 =	sne.s32 s2, $0x0;
	_ =	strace $0x90000047  }
0x97: {  	s0 =	sadd.s32 @!p0 $0x100000, s0;
	[bflag:$0x2] =	sbarrier.arrive $0xFFFF  }
0x98: {  	[sflag:s0] =	ssyncadd.tile.s32 @!p0 $0x1;
	_ =	shalt  }
.Lfunc_end2:
_tile_overlayer_lowered:
.L_overlay_start_2:
0x99: {  	(tag) =	ssettag $0x2  }
0x9a: {  	s0 =	rddreg [dreg:$0x0];
	s2 =	stileid.u32  }
0x9b: {  	s1 =	rddreg [dreg:$0x1];
	p0 =	sne.s32 s2, $0x0  }
0x9c: {  	s3 =	rddreg [dreg:$0x2];
	[bflag:$0x3] =	sbarrier.arrive $0xFFFF;
	s2 =	simm.s32 @!p0 $0x1C02  }
0x9d: {  	[timem:s3], [sflag:s2] =	dma.local @!p0 [hbm:s0], s1  }
0x9e: {  	s0 =	simm.s32 @!p0 $0x2  }
0x9f: {  	_ =	swait.ge @!p0 [sflag:s0], s1  }
0xa0: {  	s1 =	ssub.s32 @!p0 $0x0, s1;
	[sflag:s0] =	ssyncset.done @!p0 $0x0  }
0xa1: {  	[sflag:s0] =	ssyncadd.s32 @!p0 s1  }
0xa2: {  	[bflag:$0x3] =	sbarrier.arrive $0xFFFF  }
0xa3: {  	_ =	shalt  }

// kernel: kernel.16.cloned.1.call-start
scs
__scs_entry_jumppad:
0x0: {  	(pc) =	sbr.rel $0x88, $3  }
0x1: {  	(tag) =	ssettag $0x0;
	lr =	simm.s32 $0x1  }
0x2: {  	[smem:$0x3F8A] =	sst lr;
	_ =	strace $0xD0000000  }
0x3: {  	_ = 	snop  }
0x4: {  	_ = 	snop  }
0x5: {  	_ = 	snop  }
0x6: {  	_ = 	snop  }
0x7: {  	_ = 	snop  }
__scs_overlays_trampoline_lowered:
0x8: {  	[smem:$0x3F99] =	sst s0  }
0x9: {  	[smem:$0x3F9A] =	sst s1  }
0xa: {  	[smem:$0x3F9B] =	sst s2  }
0xb: {  	[smem:$0x3F9C] =	sst s3  }
0xc: {  	[smem:$0x3F9D] =	sst s4  }
0xd: {  	[smem:$0x3F9E] =	sst s5  }
0xe: {  	[smem:$0x3F9F] =	sst s6  }
0xf: {  	[smem:$0x3FA0] =	sst s7  }
0x10: {  	[smem:$0x3FA1] =	sst s8  }
0x11: {  	[smem:$0x3FA2] =	sst s9;
	s0 =	simm.s32 @!p0 $0x0  }
0x12: {  	s1 =	sld [smem:$0x3F88];
	s0 =	simm.s32 @p0 $0x1  }
0x13: {  	[smem:$0x3FA3] =	sst s0;
	s0 =	simm.s32 @!p1 $0x0  }
0x14: {  	s2 =	sld [smem:$0x3F87];
	s0 =	simm.s32 @p1 $0x1  }
0x15: {  	[smem:$0x3FA4] =	sst s0;
	s0 =	simm.s32 @!p2 $0x0  }
0x16: {  	s3 =	sld [smem:$0x3FDB];
	s0 =	simm.s32 @p2 $0x1  }
0x17: {  	s4 =	simm.s32 $0x1BF5;
	[smem:$0x3FA6] =	sst s0  }
0x18: {  	s0 =	sld [smem:$0x3F89];
	_ =	swait.ge [sflag:s4], $0x0  }
0x19: {  	s7 =	sld [smem:$0x3F8A]  }
0x1a: {  	s8 =	sadd.s32 $0xFFFFE003, lr  }
0x1b: {  	s9 =	sadd.s32 $0xFFFFFEF7, lr;
	s5 =	simm.s32 $0xFFFFFFFF;
	p2 =	slt.u32 s8, $0xFFFFF086  }
0x1c: {  	p1 =	slt.u32 s9, $0xF7A;
	s5 =	simm.s32 @!p2 $0x0  }
0x1d: {  	s5 =	simm.s32 @p1 $0x1;
	p0 =	seq.s32 s7, s2  }
0x1e: {  	s7 =	smul.u32 @!p0 $0xF7A, s2;
	p2 =	seq.s32 @!p0 s5, $0x0  }
0x1f: {  	s9 =	smul.u32 $0xF7A, s1;
	s8 =	simm.s32 @!p0 $0x1BF5;
	p2 =	por !p2, p0  }
0x20: {  	[sflag:s8] =	ssyncset.s32 @!p0 $0xFFFFF086;
	s6 =	sadd.s32 @!p0 s3, s7;
	s7 =	simm.s32 @!p0 $0x108  }
0x21: {  	s3 =	sadd.s32 s3, s9;
	s6 =	sadd.s32 @!p0 $0x88, s6;
	s7 =	simm.s32 @p2 $0x1082  }
0x22: {  	[simem:s7], [sflag:s8] =	dma.local @!p0 [hbm:s6], $0xF7A  }
0x23: {  	s9 =	sor.u32 $0xD0000000, s2;
	s6 =	simm.s32 $0x108;
	_ =	swait.ge @!p0 [sflag:s8], $0x0  }
0x24: {  	s3 =	sadd.s32 $0x88, s3;
	s6 =	simm.s32 @!p1 $0x1082;
	[sflag:s4] =	ssyncset.s32 $0xFFFFF086  }
0x25: {  	[simem:s6], [sflag:s4] =	dma.local [hbm:s3], $0xF7A  }
0x26: {  	[smem:$0x3F8A] =	sst s1;
	(tag) =	ssettag s2;
	_ =	strace s9  }
0x27: {  	s1 =	sld [smem:$0x3F9A]  }
0x28: {  	s2 =	sld [smem:$0x3F9B]  }
0x29: {  	s4 =	sld [smem:$0x3F9D]  }
0x2a: {  	p0 =	seq.s32 s5, $0x0;
	s5 =	sld [smem:$0x3F9E]  }
0x2b: {  	s6 =	sld [smem:$0x3F9F]  }
0x2c: {  	s7 =	sld [smem:$0x3FA0]  }
0x2d: {  	s3 =	simm.s32 $0x108;
	s8 =	sld [smem:$0x3FA1]  }
0x2e: {  	s3 =	simm.s32 @!p0 $0x1082;
	s9 =	sld [smem:$0x3FA2]  }
0x2f: {  	lr =	sadd.s32 s0, s3;
	s0 =	sld [smem:$0x3F99]  }
0x30: {  	s3 =	sld [smem:$0x3F9C]  }
0x31: {  	[smem:$0x3FA5] =	sst s10  }
0x32: {  	s10 =	sld [smem:$0x3FA3];
	_ =	sdelay $0x3  }
0x33: {  	p0 =	seq.s32 s10, $0x1;
	s10 =	sld [smem:$0x3FA5];
	_ =	sdelay $0x3  }
0x34: {  	[smem:$0x3FA5] =	sst s10  }
0x35: {  	s10 =	sld [smem:$0x3FA4];
	_ =	sdelay $0x3  }
0x36: {  	p1 =	seq.s32 s10, $0x1;
	s10 =	sld [smem:$0x3FA5];
	_ =	sdelay $0x3  }
0x37: {  	[smem:$0x3FA5] =	sst s10  }
0x38: {  	s10 =	sld [smem:$0x3FA6]  }
0x39: {  	_ = 	snop;
	(pc) =	sbr.ind lr, $3  }
0x3a: {  	_ = 	snop  }
0x3b: {  	_ = 	snop  }
0x3c: {  	p2 =	seq.s32 s10, $0x1;
	s10 =	sld [smem:$0x3FA5]  }
0x3d: {  	_ =	shalt  }
0x3e: {  	_ =	shalt  }
0x3f: {  	_ =	shalt  }
0x40: {  	_ =	shalt  }
0x41: {  	_ =	shalt  }
0x42: {  	_ =	shalt  }
0x43: {  	_ =	shalt  }
0x44: {  	_ =	shalt  }
0x45: {  	_ =	shalt  }
0x46: {  	_ =	shalt  }
0x47: {  	_ =	shalt  }
0x48: {  	_ =	shalt  }
0x49: {  	_ =	shalt  }
0x4a: {  	_ =	shalt  }
0x4b: {  	_ =	shalt  }
0x4c: {  	_ =	shalt  }
0x4d: {  	_ =	shalt  }
0x4e: {  	_ =	shalt  }
0x4f: {  	_ =	shalt  }
0x50: {  	_ =	shalt  }
0x51: {  	_ =	shalt  }
0x52: {  	_ =	shalt  }
0x53: {  	_ =	shalt  }
0x54: {  	_ =	shalt  }
0x55: {  	_ =	shalt  }
0x56: {  	_ =	shalt  }
0x57: {  	_ =	shalt  }
0x58: {  	_ =	shalt  }
0x59: {  	_ =	shalt  }
0x5a: {  	_ =	shalt  }
0x5b: {  	_ =	shalt  }
0x5c: {  	_ =	shalt  }
0x5d: {  	_ =	shalt  }
0x5e: {  	_ =	shalt  }
0x5f: {  	_ =	shalt  }
0x60: {  	_ =	shalt  }
0x61: {  	_ =	shalt  }
0x62: {  	_ =	shalt  }
0x63: {  	_ =	shalt  }
0x64: {  	_ =	shalt  }
0x65: {  	_ =	shalt  }
0x66: {  	_ =	shalt  }
0x67: {  	_ =	shalt  }
0x68: {  	_ =	shalt  }
0x69: {  	_ =	shalt  }
0x6a: {  	_ =	shalt  }
0x6b: {  	_ =	shalt  }
0x6c: {  	_ =	shalt  }
0x6d: {  	_ =	shalt  }
0x6e: {  	_ =	shalt  }
0x6f: {  	_ =	shalt  }
0x70: {  	_ =	shalt  }
0x71: {  	_ =	shalt  }
0x72: {  	_ =	shalt  }
0x73: {  	_ =	shalt  }
0x74: {  	_ =	shalt  }
0x75: {  	_ =	shalt  }
0x76: {  	_ =	shalt  }
0x77: {  	_ =	shalt  }
0x78: {  	_ =	shalt  }
0x79: {  	_ =	shalt  }
0x7a: {  	_ =	shalt  }
0x7b: {  	_ =	shalt  }
0x7c: {  	_ =	shalt  }
0x7d: {  	_ =	shalt  }
0x7e: {  	_ =	shalt  }
0x7f: {  	_ =	shalt  }
0x80: {  	_ =	shalt  }
0x81: {  	_ =	shalt  }
0x82: {  	_ =	shalt  }
0x83: {  	_ =	shalt  }
0x84: {  	_ =	shalt  }
0x85: {  	_ =	shalt  }
0x86: {  	_ =	shalt  }
0x87: {  	_ =	shalt  }
.Lfunc_end0:
.L_simem_size_0:
called_computation.1_lowered:
.L_overlay_start_0:
0x88: {  	s2 =	sld [smem:$0x3FD9]  }
0x89: {  	s3 =	sld [smem:$0x3FFE];
	_ =	sdelay $0x1  }
0x8a: {  	s1 =	srdreg.scid  }
0x8b: {  	s0 =	sand.u32 $0x1, s1  }
0x8c: {  	s16 =	sshll.u32 s0, $0xA;
	s2 =	sadd.s32 s3, s2  }
0x8d: {  	s2 =	sadd.s32 s2, s16  }
0x8e: {  	[smem:$0x3FB1] =	sst s2  }
0x8f: {  	_ = 	snop  }
0x90: {  	(tm) =	ssettm $0x1  }
0x91: {  	s17 =	sld [smem:$0x3FFB];
	_ =	sdelay $0x3  }
0x92: {  	_ =	strace s17  }
0x93: {  	s2 =	sld [smem:$0x3FFC];
	_ =	sdelay $0x3  }
0x94: {  	_ =	strace s2  }
0x95: {  	s2 =	sld [smem:$0x3FFD];
	_ =	sdelay $0x3  }
0x96: {  	_ =	strace s2  }
0x97: {  	_ =	strace $0x8FFFFFFF  }
0x98: {  	s18 =	sld [smem:$0x3FDB];
	_ =	sdelay $0x1  }
0x99: {  	s19 =	simm.s32 $_scs_section_size  }
0x9a: {  	s4 =	simm.s32 $_size__tile_overlayer_lowered;
	s5 =	simm.s32 $_tile_overlayer_lowered  }
0x9b: {  	s22 =	simm.s32 $0x1BFF;
	s21 =	sshll.u32 s5, $0x1;
	s2 =	sadd.s32 s19, s18  }
0x9c: {  	s6 =	simm.s32 $0x0;
	s20 =	sshll.u32 s4, $0x1;
	s4 =	sadd.s32 s21, s2  }
0x9d: {  	[timem:s6], [sflag:s22] =	dma.local [hbm:s4], s20  }
0x9e: {  	_ =	swait.ge [sflag:s22], s20  }
0x9f: {  	s3 =	ssub.s32 $0x0, s20;
	[sflag:s22] =	ssyncset.done $0x0  }
0xa0: {  	[sflag:s22] =	ssyncadd.s32 s3;
	_ =	sdelay $0x1  }
0xa1: {  	s23 =	simm.s32 $0x1B8B  }
0xa2: {  	_ =	swait.ge [sflag:s23], $0x1  }
0xa3: {  	[sflag:s23] =	ssyncset.done $0x0  }
0xa4: {  	s25 =	simm.s32 $0x1B8E;
	s24 =	sld [smem:$0x3FFE];
	[sflag:s23] =	ssyncadd.s32 $0xFFFFFFFF  }
0xa5: {  	s26 =	simm.s32 $execute0_lowered;
	[smem:$0x3FD2] =	sst s25  }
0xa6: {  	s4 =	sshll.u32 s26, $0x1;
	_ =	strace $0x80000049;
	[dreg:$0x1] =	wrdreg $0xFFFFFFFF  }
0xa7: {  	s28 =	simm.s32 $_size_execute0_lowered;
	s2 =	sadd.s32 s2, s4;
	[dreg:$0x0] =	wrdreg $0x0  }
0xa8: {  	s4 =	sshll.u32 s28, $0x1;
	[dreg:$0x2] =	wrdreg s2  }
0xa9: {  	[dreg:$0x3] =	wrdreg s4  }
0xaa: {  	[dreg:$0x4] =	wrdreg $0xC0  }
0xab: {  	_ =	task [dreg:s6], $0x5FFFF  }
0xac: {  	[dreg:$0x1] =	wrdreg $0xFFFFFFFF  }
0xad: {  	[dreg:$0x0] =	wrdreg $0x60  }
0xae: {  	[dreg:$0x2] =	wrdreg s24  }
0xaf: {  	[dreg:$0x3] =	wrdreg $0x88000  }
0xb0: {  	[dreg:$0x4] =	wrdreg $0x9  }
0xb1: {  	_ =	task.clear_ibuf [dreg:s6], $0x5FFFF;
	_ =	strace $0x90000049  }
0xb2: {  	s29 =	simm.s32 $0x9;
	_ =	strace $0x8000004B  }
0xb3: {  	_ =	swait.ge [sflag:s29], $0x1  }
0xb4: {  	[sflag:s29] =	ssyncadd.s32 $0xFFFFFFFF  }
0xb5: {  	_ =	strace $0x9000004B  }
0xb6: {  	_ =	sfence  }
0xb7: {  	s30 =	sld [smem:$0x0];
	_ =	sdelay $0x2  }
0xb8: {  	s31 =	sshll.u32 s1, $0xD;
	s1 =	sshrl.u32 s1, $0x2  }
0xb9: {  	s3 =	sand.u32 $0x4000, s31;
	s1 =	sadd.s32 s1, s30  }
0xba: {  	s0 =	sor.u32 s3, s0;
	s1 =	sshll.u32 s1, $0x11  }
0xbb: {  	s0 =	sor.u32 s1, s0  }
0xbc: {  	s0 =	sadd.s32 $0x8F2B, s0  }
0xbd: {  	[sflag:s0] =	ssyncadd.remote.s32 $0x1  }
0xbe: {  	_ =	sfence.sel $0xFFFF  }
0xbf: {  	[dreg:$0x0] =	wrdreg $0xFFFFFFFF;
	(pc) =	sbr.abs _section_cstart, $3  }
0xc0: {  	[dreg:$0x1] =	wrdreg $0xFFFFFFFF  }
0xc1: {  	_ =	task.clear_ibuf [dreg:s6], $0x2FFFF;
	_ =	strace $0x9FFFFFFF  }
0xc2: {  	(tm) =	ssettm $0x7FFFFFFF  }
0xc3: {  	_ =	shalt  }
tec
execute0_lowered:
.L_overlay_start_1:
0x0: {  	(tag) =	ssettag $0x1  }
0x1: {  	s0 =	rddreg [dreg:$0x0]  }
0x2: {  	s1 =	rddreg [dreg:$0x1];
	s2 =	srdreg.scid;
	s3 =	simm.s32 $0x0  }
0x3: {  	s10 =	stileid.u32;
	s11 =	simm.s32 $0x5;
	s12 =	simm.s32 $0x400  }
0x4: {  	s13 =	simm.s32 $0x80;
	s14 =	simm.s32 $0x800;
	s15 =	simm.s32 $0x1  }
0x5: {  	s16 =	simm.s32 $0x4800;
	s17 =	simm.s32 $0x2;
	s18 =	simm.s32 $0x480  }
0x6: {  	s19 =	simm.s32 $0x3;
	s20 =	simm.s32 $0x100;
	s21 =	simm.s32 $0x500  }
0x7: {  	s28 =	simm.s32 $0x280;
	s29 =	simm.s32 $0x680;
	s7 =	smul.u32 $0x13C00, s10  }
0x8: {  	s30 =	simm.s32 $0x300;
	s31 =	simm.s32 $0x700;
	s22 =	smul.u32 $0x4F000, s10  }
0x9: {  	s2 =	sand.u32 $0x1, s2;
	[smem:$0x7FF] =	sst s3;
	s9 =	smul.u32 $0x500, s10  }
0xa: {  	s4 =	sadd.s32 $0x11A00, s0;
	s8 =	sadd.s32 $0xF200, s0;
	s5 =	smul.u32 $0x5000, s2  }
0xb: {  	s25 =	sshll.u32 s10, $0x6;
	s6 =	smul.u32 $0x13C000, s2;
	_ =	strace $0x8000004A  }
0xc: {  	[dreg:$0x4] =	wrdreg s8;
	s2 =	ssub.s32 $0x2, s2;
	s8 =	simm.s32 $0x0  }
0xd: {  	s23 =	sshrl.u32 s2, $0x1;
	s24 =	sshrl.u32 s22, $0x2;
	s22 =	simm.s32 $0x4  }
0xe: {  	s5 =	sadd.s32 s5, s0;
	s6 =	sadd.s32 s7, s6;
	s2 =	ssub.s32 s2, s23  }
0xf: {  	s7 =	sor.u32 $0x1C05, s25;
	s23 =	simm.s32 $0x180;
	s25 =	simm.s32 $0x200  }
0x10: {  	s6 =	sshrl.u32 s6, $0x3;
	s5 =	sadd.s32 s9, s5;
	s2 =	smax.u32 s2, $0x1  }
0x11: {  	[dreg:$0x5] =	wrdreg s7;
	s0 =	sadd.s32 s6, s0;
	s6 =	sadd.s32 s24, s1  }
0x12: {  	s26 =	sadd.s32 $0x5200, s5;
	[dreg:$0x7] =	wrdreg s2;
	s9 =	sadd.s32 $0x61200, s5  }
0x13: {  	s24 =	simm.s32 $0x580;
	s0 =	sadd.s32 $0x6B200, s0;
	[dreg:$0x3] =	wrdreg s26  }
0x14: {  	s2 =	simm.s32 $0x780;
	s6 =	sshrl.u32 s6, $0x3;
	[dreg:$0x6] =	wrdreg s0  }
0x15: {  	s26 =	simm.s32 $0x600;
	s0 =	simm.s32 $0x380;
	[dreg:$0x8] =	wrdreg s6  }
.LBB2_1:
0x16: {  	[dreg:$0x9] =	wrdreg s8  }
0x17: {  	s5 =	rddreg [dreg:$0x4]  }
0x18: {  	[spmem:s6], [sflag:s7] =	dma.local [hbm:s5], $0x2780  }
0x19: {  	_ =	swait.ge [sflag:s11], $0x2780  }
0x1a: {  	[sflag:s11] =	ssyncset.done $0x0  }
0x1b: {  	[sflag:s11] =	ssyncadd.s32 $0xFFFFD880  }
0x1c: {  	s8 =	sadd.s32 $0x0, s9;
	[bflag:$0x0] =	sbarrier.arrive $0xFFFF  }
0x1d: {  	[tilespmem:s3], [sflag:$0x5] =	stream.linear.gather [hbm4b:s8+s3], $0x400, $0x38;
	[tilespmem:$0x1C400] =	vst v63  }
0x1e: {  	_ =	swait.ge [sflag:s11], $0x400  }
0x1f: {  	s10 =	rddreg [dreg:$0x3];
	[sflag:s11] =	ssyncset.done $0x0  }
0x20: {  	[sflag:s11] =	ssyncadd.s32 $0xFFFFFC00;
	s6 =	sadd.s32 $0x0, s10  }
0x21: {  	[tilespmem:s12], [sflag:$0x5] =	stream.linear.gather [hbm4b:s6+s3], $0x400, $0x38;
	[tilespmem:$0x1C400] =	vst v63  }
0x22: {  	_ =	swait.ge [sflag:s11], $0x400  }
0x23: {  	[sflag:s11] =	ssyncset.done $0x0  }
0x24: {  	[sflag:s11] =	ssyncadd.s32 $0xFFFFFC00  }
0x25: {  	[tilespmem:s14], [sflag:$0x1] =	stream.indirect.gather [hbm4b:s4+s13], $0x80, s3, s13, $0xb8;
	[tilespmem:$0x1C400] =	vst v63  }
0x26: {  	_ =	swait.ge [sflag:s15], $0x4000  }
0x27: {  	[sflag:s15] =	ssyncset.done $0x0  }
0x28: {  	[sflag:s15] =	ssyncadd.s32 $0xFFFFC000  }
0x29: {  	[spmem:s1] =	stream.indirect.scatter.add.f32 [tilespmem:s14], [sflag:$0x3], $0x80, s12, s13, $0xb8;
	[tilespmem:$0x1C400] =	vst v63  }
0x2a: {  	_ = 	snop  }
0x2b: {  	[tilespmem:s16], [sflag:$0x2] =	stream.indirect.gather [hbm4b:s4+s13], $0x80, s13, s13, $0xb8;
	[tilespmem:$0x1C400] =	vst v63  }
0x2c: {  	_ =	swait.ge [sflag:s17], $0x4000  }
0x2d: {  	[sflag:s17] =	ssyncset.done $0x0  }
0x2e: {  	[sflag:s17] =	ssyncadd.s32 $0xFFFFC000  }
0x2f: {  	[spmem:s1] =	stream.indirect.scatter.add.f32 [tilespmem:s16], [sflag:$0x4], $0x80, s18, s13, $0xb8;
	[tilespmem:$0x1C400] =	vst v63  }
0x30: {  	_ =	swait.ge [sflag:s19], $0x4000  }
0x31: {  	[sflag:s19] =	ssyncset.done $0x0  }
0x32: {  	[sflag:s19] =	ssyncadd.s32 $0xFFFFC000  }
0x33: {  	[tilespmem:s14], [sflag:$0x1] =	stream.indirect.gather [hbm4b:s4+s13], $0x80, s20, s13, $0xb8;
	[tilespmem:$0x1C400] =	vst v63  }
0x34: {  	_ =	swait.ge [sflag:s15], $0x4000  }
0x35: {  	[sflag:s15] =	ssyncset.done $0x0  }
0x36: {  	[sflag:s15] =	ssyncadd.s32 $0xFFFFC000  }
0x37: {  	[spmem:s1] =	stream.indirect.scatter.add.f32 [tilespmem:s14], [sflag:$0x3], $0x80, s21, s13, $0xb8;
	[tilespmem:$0x1C400] =	vst v63  }
0x38: {  	_ =	swait.ge [sflag:s22], $0x4000  }
0x39: {  	[sflag:s22] =	ssyncset.done $0x0  }
0x3a: {  	[sflag:s22] =	ssyncadd.s32 $0xFFFFC000  }
0x3b: {  	[tilespmem:s16], [sflag:$0x2] =	stream.indirect.gather [hbm4b:s4+s13], $0x80, s23, s13, $0xb8;
	[tilespmem:$0x1C400] =	vst v63  }
0x3c: {  	_ =	swait.ge [sflag:s17], $0x4000  }
0x3d: {  	[sflag:s17] =	ssyncset.done $0x0  }
0x3e: {  	[sflag:s17] =	ssyncadd.s32 $0xFFFFC000  }
0x3f: {  	[spmem:s1] =	stream.indirect.scatter.add.f32 [tilespmem:s16], [sflag:$0x4], $0x80, s24, s13, $0xb8;
	[tilespmem:$0x1C400] =	vst v63  }
0x40: {  	_ =	swait.ge [sflag:s19], $0x4000  }
0x41: {  	[sflag:s19] =	ssyncset.done $0x0  }
0x42: {  	[sflag:s19] =	ssyncadd.s32 $0xFFFFC000  }
0x43: {  	[tilespmem:s14], [sflag:$0x1] =	stream.indirect.gather [hbm4b:s4+s13], $0x80, s25, s13, $0xb8;
	[tilespmem:$0x1C400] =	vst v63  }
0x44: {  	_ =	swait.ge [sflag:s15], $0x4000  }
0x45: {  	[sflag:s15] =	ssyncset.done $0x0  }
0x46: {  	[sflag:s15] =	ssyncadd.s32 $0xFFFFC000  }
0x47: {  	[spmem:s1] =	stream.indirect.scatter.add.f32 [tilespmem:s14], [sflag:$0x3], $0x80, s26, s13, $0xb8;
	[tilespmem:$0x1C400] =	vst v63  }
0x48: {  	_ =	swait.ge [sflag:s22], $0x4000  }
0x49: {  	[sflag:s22] =	ssyncset.done $0x0  }
0x4a: {  	[sflag:s22] =	ssyncadd.s32 $0xFFFFC000  }
0x4b: {  	[tilespmem:s16], [sflag:$0x2] =	stream.indirect.gather [hbm4b:s4+s13], $0x80, s28, s13, $0xb8;
	[tilespmem:$0x1C400] =	vst v63  }
0x4c: {  	_ =	swait.ge [sflag:s17], $0x4000  }
0x4d: {  	[sflag:s17] =	ssyncset.done $0x0  }
0x4e: {  	[sflag:s17] =	ssyncadd.s32 $0xFFFFC000  }
0x4f: {  	[spmem:s1] =	stream.indirect.scatter.add.f32 [tilespmem:s16], [sflag:$0x4], $0x80, s29, s13, $0xb8;
	[tilespmem:$0x1C400] =	vst v63  }
0x50: {  	_ =	swait.ge [sflag:s19], $0x4000  }
0x51: {  	[sflag:s19] =	ssyncset.done $0x0  }
0x52: {  	[sflag:s19] =	ssyncadd.s32 $0xFFFFC000  }
0x53: {  	[tilespmem:s14], [sflag:$0x1] =	stream.indirect.gather [hbm4b:s4+s13], $0x80, s30, s13, $0xb8;
	[tilespmem:$0x1C400] =	vst v63  }
0x54: {  	_ =	swait.ge [sflag:s15], $0x4000  }
0x55: {  	[sflag:s15] =	ssyncset.done $0x0  }
0x56: {  	[sflag:s15] =	ssyncadd.s32 $0xFFFFC000  }
0x57: {  	[spmem:s1] =	stream.indirect.scatter.add.f32 [tilespmem:s14], [sflag:$0x3], $0x80, s31, s13, $0xb8;
	[tilespmem:$0x1C400] =	vst v63  }
0x58: {  	_ =	swait.ge [sflag:s22], $0x4000  }
0x59: {  	[sflag:s22] =	ssyncset.done $0x0  }
0x5a: {  	[sflag:s22] =	ssyncadd.s32 $0xFFFFC000  }
0x5b: {  	[tilespmem:s16], [sflag:$0x2] =	stream.indirect.gather [hbm4b:s4+s13], $0x80, s0, s13, $0xb8;
	[tilespmem:$0x1C400] =	vst v63  }
0x5c: {  	_ =	swait.ge [sflag:s17], $0x4000  }
0x5d: {  	[sflag:s17] =	ssyncset.done $0x0  }
0x5e: {  	[sflag:s17] =	ssyncadd.s32 $0xFFFFC000  }
0x5f: {  	[spmem:s1] =	stream.indirect.scatter.add.f32 [tilespmem:s16], [sflag:$0x4], $0x80, s2, s13, $0xb8;
	[tilespmem:$0x1C400] =	vst v63  }
0x60: {  	_ =	swait.ge [sflag:s19], $0x4000  }
0x61: {  	[sflag:s19] =	ssyncset.done $0x0  }
0x62: {  	[sflag:s19] =	ssyncadd.s32 $0xFFFFC000  }
0x63: {  	_ =	swait.ge [sflag:s22], $0x4000  }
0x64: {  	s7 =	simm.s32 $0x80;
	s8 =	simm.s32 $0x100;
	[sflag:s22] =	ssyncset.done $0x0  }
.LBB2_2:
0x65: {  	s10 =	sadd.s32 s7, s9;
	[sflag:s22] =	ssyncadd.s32 $0xFFFFC000  }
0x66: {  	[tilespmem:s3], [sflag:$0x5] =	stream.linear.gather [hbm4b:s10+s3], $0x400, $0x38;
	[tilespmem:$0x1C400] =	vst v63  }
0x67: {  	s5 =	smov.u32 s8;
	_ =	swait.ge [sflag:s11], $0x400  }
0x68: {  	s6 =	sadd.s32 $0x80, s8;
	s10 =	rddreg [dreg:$0x3];
	[sflag:s11] =	ssyncset.done $0x0  }
0x69: {  	p0 =	sne.s32 s8, $0x480;
	[sflag:s11] =	ssyncadd.s32 $0xFFFFFC00;
	s8 =	sadd.s32 s7, s10  }
0x6a: {  	[tilespmem:s12], [sflag:$0x5] =	stream.linear.gather [hbm4b:s8+s3], $0x400, $0x38;
	[tilespmem:$0x1C400] =	vst v63  }
0x6b: {  	_ =	swait.ge [sflag:s11], $0x400  }
0x6c: {  	[sflag:s11] =	ssyncset.done $0x0  }
0x6d: {  	[sflag:s11] =	ssyncadd.s32 $0xFFFFFC00  }
0x6e: {  	[tilespmem:s14], [sflag:$0x1] =	stream.indirect.gather [hbm4b:s4+s13], $0x80, s3, s13, $0xb8;
	[tilespmem:$0x1C400] =	vst v63  }
0x6f: {  	_ =	swait.ge [sflag:s15], $0x4000  }
0x70: {  	[sflag:s15] =	ssyncset.done $0x0  }
0x71: {  	[sflag:s15] =	ssyncadd.s32 $0xFFFFC000  }
0x72: {  	[spmem:s1] =	stream.indirect.scatter.add.f32 [tilespmem:s14], [sflag:$0x3], $0x80, s12, s13, $0xb8;
	[tilespmem:$0x1C400] =	vst v63  }
0x73: {  	_ = 	snop  }
0x74: {  	[tilespmem:s16], [sflag:$0x2] =	stream.indirect.gather [hbm4b:s4+s13], $0x80, s13, s13, $0xb8;
	[tilespmem:$0x1C400] =	vst v63  }
0x75: {  	_ =	swait.ge [sflag:s17], $0x4000  }
0x76: {  	[sflag:s17] =	ssyncset.done $0x0  }
0x77: {  	[sflag:s17] =	ssyncadd.s32 $0xFFFFC000  }
0x78: {  	[spmem:s1] =	stream.indirect.scatter.add.f32 [tilespmem:s16], [sflag:$0x4], $0x80, s18, s13, $0xb8;
	[tilespmem:$0x1C400] =	vst v63  }
0x79: {  	_ =	swait.ge [sflag:s19], $0x4000  }
0x7a: {  	[sflag:s19] =	ssyncset.done $0x0  }
0x7b: {  	[sflag:s19] =	ssyncadd.s32 $0xFFFFC000  }
0x7c: {  	[tilespmem:s14], [sflag:$0x1] =	stream.indirect.gather [hbm4b:s4+s13], $0x80, s20, s13, $0xb8;
	[tilespmem:$0x1C400] =	vst v63  }
0x7d: {  	_ =	swait.ge [sflag:s15], $0x4000  }
0x7e: {  	[sflag:s15] =	ssyncset.done $0x0  }
0x7f: {  	[sflag:s15] =	ssyncadd.s32 $0xFFFFC000  }
0x80: {  	[spmem:s1] =	stream.indirect.scatter.add.f32 [tilespmem:s14], [sflag:$0x3], $0x80, s21, s13, $0xb8;
	[tilespmem:$0x1C400] =	vst v63  }
0x81: {  	_ =	swait.ge [sflag:s22], $0x4000  }
0x82: {  	[sflag:s22] =	ssyncset.done $0x0  }
0x83: {  	[sflag:s22] =	ssyncadd.s32 $0xFFFFC000  }
0x84: {  	[tilespmem:s16], [sflag:$0x2] =	stream.indirect.gather [hbm4b:s4+s13], $0x80, s23, s13, $0xb8;
	[tilespmem:$0x1C400] =	vst v63  }
0x85: {  	_ =	swait.ge [sflag:s17], $0x4000  }
0x86: {  	[sflag:s17] =	ssyncset.done $0x0  }
0x87: {  	[sflag:s17] =	ssyncadd.s32 $0xFFFFC000  }
0x88: {  	[spmem:s1] =	stream.indirect.scatter.add.f32 [tilespmem:s16], [sflag:$0x4], $0x80, s24, s13, $0xb8;
	[tilespmem:$0x1C400] =	vst v63  }
0x89: {  	_ =	swait.ge [sflag:s19], $0x4000  }
0x8a: {  	[sflag:s19] =	ssyncset.done $0x0  }
0x8b: {  	[sflag:s19] =	ssyncadd.s32 $0xFFFFC000  }
0x8c: {  	[tilespmem:s14], [sflag:$0x1] =	stream.indirect.gather [hbm4b:s4+s13], $0x80, s25, s13, $0xb8;
	[tilespmem:$0x1C400] =	vst v63  }
0x8d: {  	_ =	swait.ge [sflag:s15], $0x4000  }
0x8e: {  	[sflag:s15] =	ssyncset.done $0x0  }
0x8f: {  	[sflag:s15] =	ssyncadd.s32 $0xFFFFC000  }
0x90: {  	[spmem:s1] =	stream.indirect.scatter.add.f32 [tilespmem:s14], [sflag:$0x3], $0x80, s26, s13, $0xb8;
	[tilespmem:$0x1C400] =	vst v63  }
0x91: {  	_ =	swait.ge [sflag:s22], $0x4000  }
0x92: {  	[sflag:s22] =	ssyncset.done $0x0  }
0x93: {  	[sflag:s22] =	ssyncadd.s32 $0xFFFFC000  }
0x94: {  	[tilespmem:s16], [sflag:$0x2] =	stream.indirect.gather [hbm4b:s4+s13], $0x80, s28, s13, $0xb8;
	[tilespmem:$0x1C400] =	vst v63  }
0x95: {  	_ =	swait.ge [sflag:s17], $0x4000  }
0x96: {  	[sflag:s17] =	ssyncset.done $0x0  }
0x97: {  	[sflag:s17] =	ssyncadd.s32 $0xFFFFC000  }
0x98: {  	[spmem:s1] =	stream.indirect.scatter.add.f32 [tilespmem:s16], [sflag:$0x4], $0x80, s29, s13, $0xb8;
	[tilespmem:$0x1C400] =	vst v63  }
0x99: {  	_ =	swait.ge [sflag:s19], $0x4000  }
0x9a: {  	[sflag:s19] =	ssyncset.done $0x0  }
0x9b: {  	[sflag:s19] =	ssyncadd.s32 $0xFFFFC000  }
0x9c: {  	[tilespmem:s14], [sflag:$0x1] =	stream.indirect.gather [hbm4b:s4+s13], $0x80, s30, s13, $0xb8;
	[tilespmem:$0x1C400] =	vst v63  }
0x9d: {  	_ =	swait.ge [sflag:s15], $0x4000  }
0x9e: {  	[sflag:s15] =	ssyncset.done $0x0  }
0x9f: {  	[sflag:s15] =	ssyncadd.s32 $0xFFFFC000  }
0xa0: {  	[spmem:s1] =	stream.indirect.scatter.add.f32 [tilespmem:s14], [sflag:$0x3], $0x80, s31, s13, $0xb8;
	[tilespmem:$0x1C400] =	vst v63  }
0xa1: {  	_ =	swait.ge [sflag:s22], $0x4000  }
0xa2: {  	[sflag:s22] =	ssyncset.done $0x0  }
0xa3: {  	[sflag:s22] =	ssyncadd.s32 $0xFFFFC000  }
0xa4: {  	[tilespmem:s16], [sflag:$0x2] =	stream.indirect.gather [hbm4b:s4+s13], $0x80, s0, s13, $0xb8;
	[tilespmem:$0x1C400] =	vst v63  }
0xa5: {  	_ =	swait.ge [sflag:s17], $0x4000  }
0xa6: {  	[sflag:s17] =	ssyncset.done $0x0  }
0xa7: {  	[sflag:s17] =	ssyncadd.s32 $0xFFFFC000  }
0xa8: {  	[spmem:s1] =	stream.indirect.scatter.add.f32 [tilespmem:s16], [sflag:$0x4], $0x80, s2, s13, $0xb8;
	[tilespmem:$0x1C400] =	vst v63  }
.Ltmp0:
0xa9: {  	_ =	swait.ge [sflag:s19], $0x4000;
	(pc) =	sbr.rel @p0 .LBB2_2-.Ltmp0, $4  }
0xaa: {  	[sflag:s19] =	ssyncset.done $0x0  }
0xab: {  	[sflag:s19] =	ssyncadd.s32 $0xFFFFC000  }
0xac: {  	_ =	swait.ge [sflag:s22], $0x4000  }
0xad: {  	s7 =	smov.u32 s5;
	s8 =	smov.u32 s6;
	[sflag:s22] =	ssyncset.done $0x0  }
0xae: {  	s5 =	sadd.s32 s7, s9;
	[sflag:s22] =	ssyncadd.s32 $0xFFFFC000  }
0xaf: {  	[tilespmem:s3], [sflag:$0x5] =	stream.linear.gather [hbm4b:s5+s3], $0x400, $0x38;
	[tilespmem:$0x1C400] =	vst v63  }
0xb0: {  	_ =	swait.ge [sflag:s11], $0x400  }
0xb1: {  	s6 =	rddreg [dreg:$0x3];
	[sflag:s11] =	ssyncset.done $0x0  }
0xb2: {  	s5 =	sadd.s32 s7, s6;
	[sflag:s11] =	ssyncadd.s32 $0xFFFFFC00  }
0xb3: {  	[tilespmem:s12], [sflag:$0x5] =	stream.linear.gather [hbm4b:s5+s3], $0x400, $0x38;
	[tilespmem:$0x1C400] =	vst v63  }
0xb4: {  	_ =	swait.ge [sflag:s11], $0x400  }
0xb5: {  	[sflag:s11] =	ssyncset.done $0x0  }
0xb6: {  	[sflag:s11] =	ssyncadd.s32 $0xFFFFFC00  }
0xb7: {  	[tilespmem:s14], [sflag:$0x1] =	stream.indirect.gather [hbm4b:s4+s13], $0x80, s3, s13, $0xb8;
	[tilespmem:$0x1C400] =	vst v63  }
0xb8: {  	_ =	swait.ge [sflag:s15], $0x4000  }
0xb9: {  	[sflag:s15] =	ssyncset.done $0x0  }
0xba: {  	[sflag:s15] =	ssyncadd.s32 $0xFFFFC000  }
0xbb: {  	[spmem:s1] =	stream.indirect.scatter.add.f32 [tilespmem:s14], [sflag:$0x3], $0x80, s12, s13, $0xb8;
	[tilespmem:$0x1C400] =	vst v63  }
0xbc: {  	_ = 	snop  }
0xbd: {  	[tilespmem:s16], [sflag:$0x2] =	stream.indirect.gather [hbm4b:s4+s13], $0x80, s13, s13, $0xb8;
	[tilespmem:$0x1C400] =	vst v63  }
0xbe: {  	_ =	swait.ge [sflag:s17], $0x4000  }
0xbf: {  	[sflag:s17] =	ssyncset.done $0x0  }
0xc0: {  	[sflag:s17] =	ssyncadd.s32 $0xFFFFC000  }
0xc1: {  	[spmem:s1] =	stream.indirect.scatter.add.f32 [tilespmem:s16], [sflag:$0x4], $0x80, s18, s13, $0xb8;
	[tilespmem:$0x1C400] =	vst v63  }
0xc2: {  	_ =	swait.ge [sflag:s19], $0x4000  }
0xc3: {  	[sflag:s19] =	ssyncset.done $0x0  }
0xc4: {  	[sflag:s19] =	ssyncadd.s32 $0xFFFFC000  }
0xc5: {  	[tilespmem:s14], [sflag:$0x1] =	stream.indirect.gather [hbm4b:s4+s13], $0x80, s20, s13, $0xb8;
	[tilespmem:$0x1C400] =	vst v63  }
0xc6: {  	_ =	swait.ge [sflag:s15], $0x4000  }
0xc7: {  	[sflag:s15] =	ssyncset.done $0x0  }
0xc8: {  	[sflag:s15] =	ssyncadd.s32 $0xFFFFC000  }
0xc9: {  	[spmem:s1] =	stream.indirect.scatter.add.f32 [tilespmem:s14], [sflag:$0x3], $0x80, s21, s13, $0xb8;
	[tilespmem:$0x1C400] =	vst v63  }
0xca: {  	_ =	swait.ge [sflag:s22], $0x4000  }
0xcb: {  	[sflag:s22] =	ssyncset.done $0x0  }
0xcc: {  	[sflag:s22] =	ssyncadd.s32 $0xFFFFC000  }
0xcd: {  	[tilespmem:s16], [sflag:$0x2] =	stream.indirect.gather [hbm4b:s4+s13], $0x80, s23, s13, $0xb8;
	[tilespmem:$0x1C400] =	vst v63  }
0xce: {  	_ =	swait.ge [sflag:s17], $0x4000  }
0xcf: {  	[sflag:s17] =	ssyncset.done $0x0  }
0xd0: {  	[sflag:s17] =	ssyncadd.s32 $0xFFFFC000  }
0xd1: {  	[spmem:s1] =	stream.indirect.scatter.add.f32 [tilespmem:s16], [sflag:$0x4], $0x80, s24, s13, $0xb8;
	[tilespmem:$0x1C400] =	vst v63  }
0xd2: {  	_ =	swait.ge [sflag:s19], $0x4000  }
0xd3: {  	[sflag:s19] =	ssyncset.done $0x0  }
0xd4: {  	[sflag:s19] =	ssyncadd.s32 $0xFFFFC000  }
0xd5: {  	[tilespmem:s14], [sflag:$0x1] =	stream.indirect.gather [hbm4b:s4+s13], $0x80, s25, s13, $0xb8;
	[tilespmem:$0x1C400] =	vst v63  }
0xd6: {  	_ =	swait.ge [sflag:s15], $0x4000  }
0xd7: {  	[sflag:s15] =	ssyncset.done $0x0  }
0xd8: {  	[sflag:s15] =	ssyncadd.s32 $0xFFFFC000  }
0xd9: {  	[spmem:s1] =	stream.indirect.scatter.add.f32 [tilespmem:s14], [sflag:$0x3], $0x80, s26, s13, $0xb8;
	[tilespmem:$0x1C400] =	vst v63  }
0xda: {  	_ =	swait.ge [sflag:s22], $0x4000  }
0xdb: {  	[sflag:s22] =	ssyncset.done $0x0  }
0xdc: {  	[sflag:s22] =	ssyncadd.s32 $0xFFFFC000  }
0xdd: {  	[tilespmem:s16], [sflag:$0x2] =	stream.indirect.gather [hbm4b:s4+s13], $0x80, s28, s13, $0xb8;
	[tilespmem:$0x1C400] =	vst v63  }
0xde: {  	_ =	swait.ge [sflag:s17], $0x4000  }
0xdf: {  	[sflag:s17] =	ssyncset.done $0x0  }
0xe0: {  	[sflag:s17] =	ssyncadd.s32 $0xFFFFC000  }
0xe1: {  	[spmem:s1] =	stream.indirect.scatter.add.f32 [tilespmem:s16], [sflag:$0x4], $0x80, s29, s13, $0xb8;
	[tilespmem:$0x1C400] =	vst v63  }
0xe2: {  	_ =	swait.ge [sflag:s19], $0x4000  }
0xe3: {  	[sflag:s19] =	ssyncset.done $0x0  }
0xe4: {  	[sflag:s19] =	ssyncadd.s32 $0xFFFFC000  }
0xe5: {  	[tilespmem:s14], [sflag:$0x1] =	stream.indirect.gather [hbm4b:s4+s13], $0x80, s30, s13, $0xb8;
	[tilespmem:$0x1C400] =	vst v63  }
0xe6: {  	_ =	swait.ge [sflag:s15], $0x4000  }
0xe7: {  	[sflag:s15] =	ssyncset.done $0x0  }
0xe8: {  	[sflag:s15] =	ssyncadd.s32 $0xFFFFC000  }
0xe9: {  	[spmem:s1] =	stream.indirect.scatter.add.f32 [tilespmem:s14], [sflag:$0x3], $0x80, s31, s13, $0xb8;
	[tilespmem:$0x1C400] =	vst v63  }
0xea: {  	_ =	swait.ge [sflag:s22], $0x4000  }
0xeb: {  	[sflag:s22] =	ssyncset.done $0x0  }
0xec: {  	[sflag:s22] =	ssyncadd.s32 $0xFFFFC000  }
0xed: {  	[tilespmem:s16], [sflag:$0x2] =	stream.indirect.gather [hbm4b:s4+s13], $0x80, s0, s13, $0xb8;
	[tilespmem:$0x1C400] =	vst v63  }
0xee: {  	_ =	swait.ge [sflag:s17], $0x4000  }
0xef: {  	[sflag:s17] =	ssyncset.done $0x0  }
0xf0: {  	[sflag:s17] =	ssyncadd.s32 $0xFFFFC000  }
0xf1: {  	[spmem:s1] =	stream.indirect.scatter.add.f32 [tilespmem:s16], [sflag:$0x4], $0x80, s2, s13, $0xb8;
	[tilespmem:$0x1C400] =	vst v63  }
0xf2: {  	_ =	swait.ge [sflag:s19], $0x4000  }
0xf3: {  	[sflag:s19] =	ssyncset.done $0x0  }
0xf4: {  	[sflag:s19] =	ssyncadd.s32 $0xFFFFC000  }
0xf5: {  	_ =	swait.ge [sflag:s22], $0x4000  }
0xf6: {  	[sflag:s22] =	ssyncset.done $0x0  }
0xf7: {  	[sflag:s22] =	ssyncadd.s32 $0xFFFFC000  }
0xf8: {  	[bflag:$0x0] =	sbarrier.arrive $0xFFFF  }
0xf9: {  	s7 =	rddreg [dreg:$0x5]  }
0xfa: {  	s8 =	rddreg [dreg:$0x6]  }
0xfb: {  	s6 =	rddreg [dreg:$0x8]  }
0xfc: {  	[hbm:s8], [sflag:s7] =	dma.local [spmem:s6], $0x2780  }
0xfd: {  	_ =	swait.ge [sflag:s11], $0x2780  }
0xfe: {  	s8 =	rddreg [dreg:$0x9]  }
0xff: {  	s10 =	rddreg [dreg:$0x7];
	s8 =	sadd.s32 $0x1, s8  }
0x100: {  	p0 =	sne.s32 s8, s10  }
.Ltmp1:
0x101: {  	_ = 	snop;
	(pc) =	sbr.rel @p0 .LBB2_1-.Ltmp1, $3  }
0x102: {  	_ =	sdelay $0x1  }
0x103: {  	[sflag:s11] =	ssyncset.done $0x0  }
0x104: {  	[sflag:s11] =	ssyncadd.s32 $0xFFFFD880  }
0x105: {  	_ =	sfence.sel $0x180000  }
0x106: {  	[bflag:$0x0] =	sbarrier.arrive $0xFFFF  }
0x107: {  	_ =	strace $0x9000004A  }
0x108: {  	s0 =	stileid.u32;
	[bflag:$0x2] =	sbarrier.arrive $0xFFFF  }
0x109: {  	p0 =	sne.s32 s0, $0x0;
	s0 =	rddreg [dreg:$0x2]  }
0x10a: {  	s0 =	sadd.s32 @!p0 $0x100000, s0  }
0x10b: {  	[sflag:s0] =	ssyncadd.tile.s32 @!p0 $0x1;
	_ =	shalt  }
.Lfunc_end2:
_tile_overlayer_lowered:
.L_overlay_start_2:
0x10c: {  	(tag) =	ssettag $0x2  }
0x10d: {  	s0 =	rddreg [dreg:$0x0];
	s2 =	stileid.u32  }
0x10e: {  	s1 =	rddreg [dreg:$0x1];
	p0 =	sne.s32 s2, $0x0  }
0x10f: {  	s3 =	rddreg [dreg:$0x2];
	[bflag:$0x3] =	sbarrier.arrive $0xFFFF;
	s2 =	simm.s32 @!p0 $0x1C05  }
0x110: {  	[timem:s3], [sflag:s2] =	dma.local @!p0 [hbm:s0], s1  }
0x111: {  	s0 =	simm.s32 @!p0 $0x5  }
0x112: {  	_ =	swait.ge @!p0 [sflag:s0], s1  }
0x113: {  	s1 =	ssub.s32 @!p0 $0x0, s1;
	[sflag:s0] =	ssyncset.done @!p0 $0x0  }
0x114: {  	[sflag:s0] =	ssyncadd.s32 @!p0 s1  }
0x115: {  	[bflag:$0x3] =	sbarrier.arrive $0xFFFF  }
0x116: {  	_ =	shalt  }

// kernel: kernel.19.cloned.1.call-start
scs
__scs_entry_jumppad:
0x0: {  	(pc) =	sbr.rel $0x88, $3  }
0x1: {  	(tag) =	ssettag $0x0;
	lr =	simm.s32 $0x1  }
0x2: {  	[smem:$0x3F8A] =	sst lr;
	_ =	strace $0xD0000000  }
0x3: {  	_ = 	snop  }
0x4: {  	_ = 	snop  }
0x5: {  	_ = 	snop  }
0x6: {  	_ = 	snop  }
0x7: {  	_ = 	snop  }
__scs_overlays_trampoline_lowered:
0x8: {  	[smem:$0x3F99] =	sst s0  }
0x9: {  	[smem:$0x3F9A] =	sst s1  }
0xa: {  	[smem:$0x3F9B] =	sst s2  }
0xb: {  	[smem:$0x3F9C] =	sst s3  }
0xc: {  	[smem:$0x3F9D] =	sst s4  }
0xd: {  	[smem:$0x3F9E] =	sst s5  }
0xe: {  	[smem:$0x3F9F] =	sst s6  }
0xf: {  	[smem:$0x3FA0] =	sst s7  }
0x10: {  	[smem:$0x3FA1] =	sst s8  }
0x11: {  	[smem:$0x3FA2] =	sst s9;
	s0 =	simm.s32 @!p0 $0x0  }
0x12: {  	s1 =	sld [smem:$0x3F88];
	s0 =	simm.s32 @p0 $0x1  }
0x13: {  	[smem:$0x3FA3] =	sst s0;
	s0 =	simm.s32 @!p1 $0x0  }
0x14: {  	s2 =	sld [smem:$0x3F87];
	s0 =	simm.s32 @p1 $0x1  }
0x15: {  	[smem:$0x3FA4] =	sst s0;
	s0 =	simm.s32 @!p2 $0x0  }
0x16: {  	s3 =	sld [smem:$0x3FDB];
	s0 =	simm.s32 @p2 $0x1  }
0x17: {  	s4 =	simm.s32 $0x1BF5;
	[smem:$0x3FA6] =	sst s0  }
0x18: {  	s0 =	sld [smem:$0x3F89];
	_ =	swait.ge [sflag:s4], $0x0  }
0x19: {  	s7 =	sld [smem:$0x3F8A]  }
0x1a: {  	s8 =	sadd.s32 $0xFFFFE003, lr  }
0x1b: {  	s9 =	sadd.s32 $0xFFFFFEF7, lr;
	s5 =	simm.s32 $0xFFFFFFFF;
	p2 =	slt.u32 s8, $0xFFFFF086  }
0x1c: {  	p1 =	slt.u32 s9, $0xF7A;
	s5 =	simm.s32 @!p2 $0x0  }
0x1d: {  	s5 =	simm.s32 @p1 $0x1;
	p0 =	seq.s32 s7, s2  }
0x1e: {  	s7 =	smul.u32 @!p0 $0xF7A, s2;
	p2 =	seq.s32 @!p0 s5, $0x0  }
0x1f: {  	s9 =	smul.u32 $0xF7A, s1;
	s8 =	simm.s32 @!p0 $0x1BF5;
	p2 =	por !p2, p0  }
0x20: {  	[sflag:s8] =	ssyncset.s32 @!p0 $0xFFFFF086;
	s6 =	sadd.s32 @!p0 s3, s7;
	s7 =	simm.s32 @!p0 $0x108  }
0x21: {  	s3 =	sadd.s32 s3, s9;
	s6 =	sadd.s32 @!p0 $0x88, s6;
	s7 =	simm.s32 @p2 $0x1082  }
0x22: {  	[simem:s7], [sflag:s8] =	dma.local @!p0 [hbm:s6], $0xF7A  }
0x23: {  	s9 =	sor.u32 $0xD0000000, s2;
	s6 =	simm.s32 $0x108;
	_ =	swait.ge @!p0 [sflag:s8], $0x0  }
0x24: {  	s3 =	sadd.s32 $0x88, s3;
	s6 =	simm.s32 @!p1 $0x1082;
	[sflag:s4] =	ssyncset.s32 $0xFFFFF086  }
0x25: {  	[simem:s6], [sflag:s4] =	dma.local [hbm:s3], $0xF7A  }
0x26: {  	[smem:$0x3F8A] =	sst s1;
	(tag) =	ssettag s2;
	_ =	strace s9  }
0x27: {  	s1 =	sld [smem:$0x3F9A]  }
0x28: {  	s2 =	sld [smem:$0x3F9B]  }
0x29: {  	s4 =	sld [smem:$0x3F9D]  }
0x2a: {  	p0 =	seq.s32 s5, $0x0;
	s5 =	sld [smem:$0x3F9E]  }
0x2b: {  	s6 =	sld [smem:$0x3F9F]  }
0x2c: {  	s7 =	sld [smem:$0x3FA0]  }
0x2d: {  	s3 =	simm.s32 $0x108;
	s8 =	sld [smem:$0x3FA1]  }
0x2e: {  	s3 =	simm.s32 @!p0 $0x1082;
	s9 =	sld [smem:$0x3FA2]  }
0x2f: {  	lr =	sadd.s32 s0, s3;
	s0 =	sld [smem:$0x3F99]  }
0x30: {  	s3 =	sld [smem:$0x3F9C]  }
0x31: {  	[smem:$0x3FA5] =	sst s10  }
0x32: {  	s10 =	sld [smem:$0x3FA3];
	_ =	sdelay $0x3  }
0x33: {  	p0 =	seq.s32 s10, $0x1;
	s10 =	sld [smem:$0x3FA5];
	_ =	sdelay $0x3  }
0x34: {  	[smem:$0x3FA5] =	sst s10  }
0x35: {  	s10 =	sld [smem:$0x3FA4];
	_ =	sdelay $0x3  }
0x36: {  	p1 =	seq.s32 s10, $0x1;
	s10 =	sld [smem:$0x3FA5];
	_ =	sdelay $0x3  }
0x37: {  	[smem:$0x3FA5] =	sst s10  }
0x38: {  	s10 =	sld [smem:$0x3FA6]  }
0x39: {  	_ = 	snop;
	(pc) =	sbr.ind lr, $3  }
0x3a: {  	_ = 	snop  }
0x3b: {  	_ = 	snop  }
0x3c: {  	p2 =	seq.s32 s10, $0x1;
	s10 =	sld [smem:$0x3FA5]  }
0x3d: {  	_ =	shalt  }
0x3e: {  	_ =	shalt  }
0x3f: {  	_ =	shalt  }
0x40: {  	_ =	shalt  }
0x41: {  	_ =	shalt  }
0x42: {  	_ =	shalt  }
0x43: {  	_ =	shalt  }
0x44: {  	_ =	shalt  }
0x45: {  	_ =	shalt  }
0x46: {  	_ =	shalt  }
0x47: {  	_ =	shalt  }
0x48: {  	_ =	shalt  }
0x49: {  	_ =	shalt  }
0x4a: {  	_ =	shalt  }
0x4b: {  	_ =	shalt  }
0x4c: {  	_ =	shalt  }
0x4d: {  	_ =	shalt  }
0x4e: {  	_ =	shalt  }
0x4f: {  	_ =	shalt  }
0x50: {  	_ =	shalt  }
0x51: {  	_ =	shalt  }
0x52: {  	_ =	shalt  }
0x53: {  	_ =	shalt  }
0x54: {  	_ =	shalt  }
0x55: {  	_ =	shalt  }
0x56: {  	_ =	shalt  }
0x57: {  	_ =	shalt  }
0x58: {  	_ =	shalt  }
0x59: {  	_ =	shalt  }
0x5a: {  	_ =	shalt  }
0x5b: {  	_ =	shalt  }
0x5c: {  	_ =	shalt  }
0x5d: {  	_ =	shalt  }
0x5e: {  	_ =	shalt  }
0x5f: {  	_ =	shalt  }
0x60: {  	_ =	shalt  }
0x61: {  	_ =	shalt  }
0x62: {  	_ =	shalt  }
0x63: {  	_ =	shalt  }
0x64: {  	_ =	shalt  }
0x65: {  	_ =	shalt  }
0x66: {  	_ =	shalt  }
0x67: {  	_ =	shalt  }
0x68: {  	_ =	shalt  }
0x69: {  	_ =	shalt  }
0x6a: {  	_ =	shalt  }
0x6b: {  	_ =	shalt  }
0x6c: {  	_ =	shalt  }
0x6d: {  	_ =	shalt  }
0x6e: {  	_ =	shalt  }
0x6f: {  	_ =	shalt  }
0x70: {  	_ =	shalt  }
0x71: {  	_ =	shalt  }
0x72: {  	_ =	shalt  }
0x73: {  	_ =	shalt  }
0x74: {  	_ =	shalt  }
0x75: {  	_ =	shalt  }
0x76: {  	_ =	shalt  }
0x77: {  	_ =	shalt  }
0x78: {  	_ =	shalt  }
0x79: {  	_ =	shalt  }
0x7a: {  	_ =	shalt  }
0x7b: {  	_ =	shalt  }
0x7c: {  	_ =	shalt  }
0x7d: {  	_ =	shalt  }
0x7e: {  	_ =	shalt  }
0x7f: {  	_ =	shalt  }
0x80: {  	_ =	shalt  }
0x81: {  	_ =	shalt  }
0x82: {  	_ =	shalt  }
0x83: {  	_ =	shalt  }
0x84: {  	_ =	shalt  }
0x85: {  	_ =	shalt  }
0x86: {  	_ =	shalt  }
0x87: {  	_ =	shalt  }
.Lfunc_end0:
.L_simem_size_0:
called_computation.2_lowered:
.L_overlay_start_0:
0x88: {  	s2 =	sld [smem:$0x3FD9]  }
0x89: {  	s3 =	sld [smem:$0x3FFE];
	_ =	sdelay $0x1  }
0x8a: {  	s1 =	srdreg.scid  }
0x8b: {  	s0 =	sand.u32 $0x1, s1  }
0x8c: {  	s16 =	sshll.u32 s0, $0xA;
	s2 =	sadd.s32 s3, s2  }
0x8d: {  	s2 =	sadd.s32 s2, s16  }
0x8e: {  	[smem:$0x3FB1] =	sst s2  }
0x8f: {  	_ = 	snop  }
0x90: {  	(tm) =	ssettm $0x1  }
0x91: {  	s17 =	sld [smem:$0x3FFB];
	_ =	sdelay $0x3  }
0x92: {  	_ =	strace s17  }
0x93: {  	s2 =	sld [smem:$0x3FFC];
	_ =	sdelay $0x3  }
0x94: {  	_ =	strace s2  }
0x95: {  	s2 =	sld [smem:$0x3FFD];
	_ =	sdelay $0x3  }
0x96: {  	_ =	strace s2  }
0x97: {  	_ =	strace $0x8FFFFFFF  }
0x98: {  	s18 =	sld [smem:$0x3FDB];
	_ =	sdelay $0x1  }
0x99: {  	s19 =	simm.s32 $_scs_section_size  }
0x9a: {  	s4 =	simm.s32 $_size__tile_overlayer_lowered;
	s5 =	simm.s32 $_tile_overlayer_lowered  }
0x9b: {  	s22 =	simm.s32 $0x1BFF;
	s21 =	sshll.u32 s5, $0x1;
	s2 =	sadd.s32 s19, s18  }
0x9c: {  	s6 =	simm.s32 $0x0;
	s20 =	sshll.u32 s4, $0x1;
	s4 =	sadd.s32 s21, s2  }
0x9d: {  	[timem:s6], [sflag:s22] =	dma.local [hbm:s4], s20  }
0x9e: {  	_ =	swait.ge [sflag:s22], s20  }
0x9f: {  	s3 =	ssub.s32 $0x0, s20;
	[sflag:s22] =	ssyncset.done $0x0  }
0xa0: {  	[sflag:s22] =	ssyncadd.s32 s3;
	_ =	sdelay $0x1  }
0xa1: {  	s23 =	simm.s32 $0x1B8B  }
0xa2: {  	_ =	swait.ge [sflag:s23], $0x1  }
0xa3: {  	[sflag:s23] =	ssyncset.done $0x0  }
0xa4: {  	s25 =	simm.s32 $0x1B8E;
	s24 =	sld [smem:$0x3FFE];
	[sflag:s23] =	ssyncadd.s32 $0xFFFFFFFF  }
0xa5: {  	s26 =	simm.s32 $execute0_lowered;
	[smem:$0x3FD2] =	sst s25  }
0xa6: {  	s4 =	sshll.u32 s26, $0x1;
	_ =	strace $0x8000004C;
	[dreg:$0x1] =	wrdreg $0xFFFFFFFF  }
0xa7: {  	s28 =	simm.s32 $_size_execute0_lowered;
	s2 =	sadd.s32 s2, s4;
	[dreg:$0x0] =	wrdreg $0x0  }
0xa8: {  	s4 =	sshll.u32 s28, $0x1;
	[dreg:$0x2] =	wrdreg s2  }
0xa9: {  	[dreg:$0x3] =	wrdreg s4  }
0xaa: {  	[dreg:$0x4] =	wrdreg $0xC0  }
0xab: {  	_ =	task [dreg:s6], $0x5FFFF  }
0xac: {  	[dreg:$0x1] =	wrdreg $0xFFFFFFFF  }
0xad: {  	[dreg:$0x0] =	wrdreg $0x60  }
0xae: {  	[dreg:$0x2] =	wrdreg s24  }
0xaf: {  	[dreg:$0x3] =	wrdreg $0x88000  }
0xb0: {  	[dreg:$0x4] =	wrdreg $0x9  }
0xb1: {  	_ =	task.clear_ibuf [dreg:s6], $0x5FFFF;
	_ =	strace $0x9000004C  }
0xb2: {  	s29 =	simm.s32 $0x9;
	_ =	strace $0x8000004E  }
0xb3: {  	_ =	swait.ge [sflag:s29], $0x1  }
0xb4: {  	[sflag:s29] =	ssyncadd.s32 $0xFFFFFFFF  }
0xb5: {  	_ =	strace $0x9000004E  }
0xb6: {  	_ =	sfence  }
0xb7: {  	s30 =	sld [smem:$0x0];
	_ =	sdelay $0x2  }
0xb8: {  	s31 =	sshll.u32 s1, $0xD;
	s1 =	sshrl.u32 s1, $0x2  }
0xb9: {  	s3 =	sand.u32 $0x4000, s31;
	s1 =	sadd.s32 s1, s30  }
0xba: {  	s0 =	sor.u32 s3, s0;
	s1 =	sshll.u32 s1, $0x11  }
0xbb: {  	s0 =	sor.u32 s1, s0  }
0xbc: {  	s0 =	sadd.s32 $0x8F2B, s0  }
0xbd: {  	[sflag:s0] =	ssyncadd.remote.s32 $0x1  }
0xbe: {  	_ =	sfence.sel $0xFFFF  }
0xbf: {  	[dreg:$0x0] =	wrdreg $0xFFFFFFFF;
	(pc) =	sbr.abs _section_cstart, $3  }
0xc0: {  	[dreg:$0x1] =	wrdreg $0xFFFFFFFF  }
0xc1: {  	_ =	task.clear_ibuf [dreg:s6], $0x2FFFF;
	_ =	strace $0x9FFFFFFF  }
0xc2: {  	(tm) =	ssettm $0x7FFFFFFF  }
0xc3: {  	_ =	shalt  }
tec
execute0_lowered:
.L_overlay_start_1:
0x0: {  	(tag) =	ssettag $0x1  }
0x1: {  	s0 =	rddreg [dreg:$0x0]  }
0x2: {  	s2 =	rddreg [dreg:$0x1];
	s11 =	stileid.u32  }
0x3: {  	s1 =	srdreg.scid;
	s3 =	simm.s32 $0x0;
	s12 =	simm.s32 $0x400  }
0x4: {  	s13 =	simm.s32 $0x80;
	s14 =	simm.s32 $0x800;
	s15 =	simm.s32 $0x1  }
0x5: {  	s16 =	simm.s32 $0x4800;
	s17 =	simm.s32 $0x2;
	s18 =	simm.s32 $0x480  }
0x6: {  	s19 =	simm.s32 $0x3;
	s20 =	simm.s32 $0x100;
	s28 =	simm.s32 $0x280  }
0x7: {  	s29 =	simm.s32 $0x680;
	s30 =	simm.s32 $0x300;
	s31 =	simm.s32 $0x700  }
0x8: {  	s5 =	smul.u32 $0xA00, s11;
	s1 =	sand.u32 $0x1, s1;
	[smem:$0x7FF] =	sst s3  }
0x9: {  	s7 =	smul.u32 $0x13C00, s11;
	s4 =	sadd.s32 $0x6B200, s0;
	s8 =	sadd.s32 $0xF200, s0  }
0xa: {  	s22 =	smul.u32 $0x4F000, s11;
	s24 =	sshll.u32 s11, $0x6;
	s11 =	simm.s32 $0x5  }
0xb: {  	s6 =	smul.u32 $0x13C000, s1;
	_ =	strace $0x8000004D;
	[dreg:$0x4] =	wrdreg s8  }
0xc: {  	s21 =	ssub.s32 $0x2, s1;
	s1 =	smul.u32 $0xA000, s1;
	s8 =	sor.u32 $0x1C05, s24  }
0xd: {  	s24 =	simm.s32 $0x580;
	s5 =	sadd.s32 s5, s0;
	s9 =	sshrl.u32 s21, $0x1  }
0xe: {  	s23 =	sshrl.u32 s22, $0x2;
	s22 =	simm.s32 $0x4;
	s6 =	sadd.s32 s7, s6  }
0xf: {  	s7 =	ssub.s32 s21, s9;
	s10 =	sadd.s32 s23, s2;
	s1 =	sadd.s32 s1, s5  }
0x10: {  	s9 =	sadd.s32 $0x5200, s5;
	s21 =	simm.s32 $0x500;
	s23 =	simm.s32 $0x180  }
0x11: {  	s5 =	simm.s32 $0x0;
	s6 =	sshrl.u32 s6, $0x3;
	s26 =	smax.u32 s7, $0x1  }
0x12: {  	s25 =	sadd.s32 $0x38C00, s1;
	s7 =	sshrl.u32 s10, $0x3;
	[dreg:$0x6] =	wrdreg s26  }
0x13: {  	s1 =	simm.s32 $0x780;
	s0 =	sadd.s32 s6, s0;
	[dreg:$0x3] =	wrdreg s25  }
0x14: {  	s25 =	simm.s32 $0x200;
	[dreg:$0x7] =	wrdreg s7;
	s0 =	sadd.s32 $0xB9400, s0  }
0x15: {  	s26 =	simm.s32 $0x600;
	[dreg:$0x5] =	wrdreg s0;
	s0 =	simm.s32 $0x380  }
.LBB2_1:
0x16: {  	s6 =	rddreg [dreg:$0x4]  }
0x17: {  	[spmem:s7], [sflag:s8] =	dma.local [hbm:s6], $0x2780  }
0x18: {  	_ =	swait.ge [sflag:s11], $0x2780  }
0x19: {  	[sflag:s11] =	ssyncset.done $0x0  }
0x1a: {  	[sflag:s11] =	ssyncadd.s32 $0xFFFFD880  }
0x1b: {  	[bflag:$0x0] =	sbarrier.arrive $0xFFFF  }
0x1c: {  	s6 =	rddreg [dreg:$0x3]  }
0x1d: {  	s7 =	sadd.s32 $0x0, s6  }
0x1e: {  	[tilespmem:s3], [sflag:$0x5] =	stream.linear.gather [hbm4b:s7+s3], $0x400, $0x38;
	[tilespmem:$0x1C400] =	vst v63  }
0x1f: {  	_ =	swait.ge [sflag:s11], $0x400  }
0x20: {  	[sflag:s11] =	ssyncset.done $0x0  }
0x21: {  	s10 =	smov.u32 s8;
	s8 =	sadd.s32 $0x0, s9;
	[sflag:s11] =	ssyncadd.s32 $0xFFFFFC00  }
0x22: {  	[tilespmem:s12], [sflag:$0x5] =	stream.linear.gather [hbm4b:s8+s3], $0x400, $0x38;
	[tilespmem:$0x1C400] =	vst v63  }
0x23: {  	_ =	swait.ge [sflag:s11], $0x400  }
0x24: {  	[sflag:s11] =	ssyncset.done $0x0  }
0x25: {  	[sflag:s11] =	ssyncadd.s32 $0xFFFFFC00  }
0x26: {  	[tilespmem:s14], [sflag:$0x1] =	stream.indirect.gather [hbm4b:s4+s13], $0x80, s3, s13, $0xb8;
	[tilespmem:$0x1C400] =	vst v63  }
0x27: {  	_ =	swait.ge [sflag:s15], $0x4000  }
0x28: {  	[sflag:s15] =	ssyncset.done $0x0  }
0x29: {  	[sflag:s15] =	ssyncadd.s32 $0xFFFFC000  }
0x2a: {  	[spmem:s2] =	stream.indirect.scatter.add.f32 [tilespmem:s14], [sflag:$0x3], $0x80, s12, s13, $0xb8;
	[tilespmem:$0x1C400] =	vst v63  }
0x2b: {  	_ = 	snop  }
0x2c: {  	[tilespmem:s16], [sflag:$0x2] =	stream.indirect.gather [hbm4b:s4+s13], $0x80, s13, s13, $0xb8;
	[tilespmem:$0x1C400] =	vst v63  }
0x2d: {  	_ =	swait.ge [sflag:s17], $0x4000  }
0x2e: {  	[sflag:s17] =	ssyncset.done $0x0  }
0x2f: {  	[sflag:s17] =	ssyncadd.s32 $0xFFFFC000  }
0x30: {  	[spmem:s2] =	stream.indirect.scatter.add.f32 [tilespmem:s16], [sflag:$0x4], $0x80, s18, s13, $0xb8;
	[tilespmem:$0x1C400] =	vst v63  }
0x31: {  	_ =	swait.ge [sflag:s19], $0x4000  }
0x32: {  	[sflag:s19] =	ssyncset.done $0x0  }
0x33: {  	[sflag:s19] =	ssyncadd.s32 $0xFFFFC000  }
0x34: {  	[tilespmem:s14], [sflag:$0x1] =	stream.indirect.gather [hbm4b:s4+s13], $0x80, s20, s13, $0xb8;
	[tilespmem:$0x1C400] =	vst v63  }
0x35: {  	_ =	swait.ge [sflag:s15], $0x4000  }
0x36: {  	[sflag:s15] =	ssyncset.done $0x0  }
0x37: {  	[sflag:s15] =	ssyncadd.s32 $0xFFFFC000  }
0x38: {  	[spmem:s2] =	stream.indirect.scatter.add.f32 [tilespmem:s14], [sflag:$0x3], $0x80, s21, s13, $0xb8;
	[tilespmem:$0x1C400] =	vst v63  }
0x39: {  	_ =	swait.ge [sflag:s22], $0x4000  }
0x3a: {  	[sflag:s22] =	ssyncset.done $0x0  }
0x3b: {  	[sflag:s22] =	ssyncadd.s32 $0xFFFFC000  }
0x3c: {  	[tilespmem:s16], [sflag:$0x2] =	stream.indirect.gather [hbm4b:s4+s13], $0x80, s23, s13, $0xb8;
	[tilespmem:$0x1C400] =	vst v63  }
0x3d: {  	_ =	swait.ge [sflag:s17], $0x4000  }
0x3e: {  	[sflag:s17] =	ssyncset.done $0x0  }
0x3f: {  	[sflag:s17] =	ssyncadd.s32 $0xFFFFC000  }
0x40: {  	[spmem:s2] =	stream.indirect.scatter.add.f32 [tilespmem:s16], [sflag:$0x4], $0x80, s24, s13, $0xb8;
	[tilespmem:$0x1C400] =	vst v63  }
0x41: {  	_ =	swait.ge [sflag:s19], $0x4000  }
0x42: {  	[sflag:s19] =	ssyncset.done $0x0  }
0x43: {  	[sflag:s19] =	ssyncadd.s32 $0xFFFFC000  }
0x44: {  	[tilespmem:s14], [sflag:$0x1] =	stream.indirect.gather [hbm4b:s4+s13], $0x80, s25, s13, $0xb8;
	[tilespmem:$0x1C400] =	vst v63  }
0x45: {  	_ =	swait.ge [sflag:s15], $0x4000  }
0x46: {  	[sflag:s15] =	ssyncset.done $0x0  }
0x47: {  	[sflag:s15] =	ssyncadd.s32 $0xFFFFC000  }
0x48: {  	[spmem:s2] =	stream.indirect.scatter.add.f32 [tilespmem:s14], [sflag:$0x3], $0x80, s26, s13, $0xb8;
	[tilespmem:$0x1C400] =	vst v63  }
0x49: {  	_ =	swait.ge [sflag:s22], $0x4000  }
0x4a: {  	[sflag:s22] =	ssyncset.done $0x0  }
0x4b: {  	[sflag:s22] =	ssyncadd.s32 $0xFFFFC000  }
0x4c: {  	[tilespmem:s16], [sflag:$0x2] =	stream.indirect.gather [hbm4b:s4+s13], $0x80, s28, s13, $0xb8;
	[tilespmem:$0x1C400] =	vst v63  }
0x4d: {  	_ =	swait.ge [sflag:s17], $0x4000  }
0x4e: {  	[sflag:s17] =	ssyncset.done $0x0  }
0x4f: {  	[sflag:s17] =	ssyncadd.s32 $0xFFFFC000  }
0x50: {  	[spmem:s2] =	stream.indirect.scatter.add.f32 [tilespmem:s16], [sflag:$0x4], $0x80, s29, s13, $0xb8;
	[tilespmem:$0x1C400] =	vst v63  }
0x51: {  	_ =	swait.ge [sflag:s19], $0x4000  }
0x52: {  	[sflag:s19] =	ssyncset.done $0x0  }
0x53: {  	[sflag:s19] =	ssyncadd.s32 $0xFFFFC000  }
0x54: {  	[tilespmem:s14], [sflag:$0x1] =	stream.indirect.gather [hbm4b:s4+s13], $0x80, s30, s13, $0xb8;
	[tilespmem:$0x1C400] =	vst v63  }
0x55: {  	_ =	swait.ge [sflag:s15], $0x4000  }
0x56: {  	[sflag:s15] =	ssyncset.done $0x0  }
0x57: {  	[sflag:s15] =	ssyncadd.s32 $0xFFFFC000  }
0x58: {  	[spmem:s2] =	stream.indirect.scatter.add.f32 [tilespmem:s14], [sflag:$0x3], $0x80, s31, s13, $0xb8;
	[tilespmem:$0x1C400] =	vst v63  }
0x59: {  	_ =	swait.ge [sflag:s22], $0x4000  }
0x5a: {  	[sflag:s22] =	ssyncset.done $0x0  }
0x5b: {  	[sflag:s22] =	ssyncadd.s32 $0xFFFFC000  }
0x5c: {  	[tilespmem:s16], [sflag:$0x2] =	stream.indirect.gather [hbm4b:s4+s13], $0x80, s0, s13, $0xb8;
	[tilespmem:$0x1C400] =	vst v63  }
0x5d: {  	_ =	swait.ge [sflag:s17], $0x4000  }
0x5e: {  	[sflag:s17] =	ssyncset.done $0x0  }
0x5f: {  	[sflag:s17] =	ssyncadd.s32 $0xFFFFC000  }
0x60: {  	[spmem:s2] =	stream.indirect.scatter.add.f32 [tilespmem:s16], [sflag:$0x4], $0x80, s1, s13, $0xb8;
	[tilespmem:$0x1C400] =	vst v63  }
0x61: {  	_ =	swait.ge [sflag:s19], $0x4000  }
0x62: {  	[sflag:s19] =	ssyncset.done $0x0  }
0x63: {  	[sflag:s19] =	ssyncadd.s32 $0xFFFFC000  }
0x64: {  	_ =	swait.ge [sflag:s22], $0x4000  }
0x65: {  	s7 =	simm.s32 $0x80;
	[sflag:s22] =	ssyncset.done $0x0  }
.LBB2_2:
0x66: {  	s8 =	rddreg [dreg:$0x3];
	s6 =	smov.u32 s7  }
0x67: {  	[sflag:s22] =	ssyncadd.s32 $0xFFFFC000;
	s8 =	sadd.s32 s6, s8  }
0x68: {  	[tilespmem:s3], [sflag:$0x5] =	stream.linear.gather [hbm4b:s8+s3], $0x400, $0x38;
	[tilespmem:$0x1C400] =	vst v63  }
0x69: {  	_ =	swait.ge [sflag:s11], $0x400  }
0x6a: {  	[sflag:s11] =	ssyncset.done $0x0  }
0x6b: {  	s6 =	sadd.s32 s6, s9;
	[sflag:s11] =	ssyncadd.s32 $0xFFFFFC00  }
0x6c: {  	[tilespmem:s12], [sflag:$0x5] =	stream.linear.gather [hbm4b:s6+s3], $0x400, $0x38;
	[tilespmem:$0x1C400] =	vst v63  }
0x6d: {  	_ =	swait.ge [sflag:s11], $0x400  }
0x6e: {  	[sflag:s11] =	ssyncset.done $0x0  }
0x6f: {  	[sflag:s11] =	ssyncadd.s32 $0xFFFFFC00  }
0x70: {  	[tilespmem:s14], [sflag:$0x1] =	stream.indirect.gather [hbm4b:s4+s13], $0x80, s3, s13, $0xb8;
	[tilespmem:$0x1C400] =	vst v63  }
0x71: {  	_ =	swait.ge [sflag:s15], $0x4000  }
0x72: {  	[sflag:s15] =	ssyncset.done $0x0  }
0x73: {  	[sflag:s15] =	ssyncadd.s32 $0xFFFFC000  }
0x74: {  	[spmem:s2] =	stream.indirect.scatter.add.f32 [tilespmem:s14], [sflag:$0x3], $0x80, s12, s13, $0xb8;
	[tilespmem:$0x1C400] =	vst v63  }
0x75: {  	_ = 	snop  }
0x76: {  	[tilespmem:s16], [sflag:$0x2] =	stream.indirect.gather [hbm4b:s4+s13], $0x80, s13, s13, $0xb8;
	[tilespmem:$0x1C400] =	vst v63  }
0x77: {  	_ =	swait.ge [sflag:s17], $0x4000  }
0x78: {  	[sflag:s17] =	ssyncset.done $0x0  }
0x79: {  	[sflag:s17] =	ssyncadd.s32 $0xFFFFC000  }
0x7a: {  	[spmem:s2] =	stream.indirect.scatter.add.f32 [tilespmem:s16], [sflag:$0x4], $0x80, s18, s13, $0xb8;
	[tilespmem:$0x1C400] =	vst v63  }
0x7b: {  	_ =	swait.ge [sflag:s19], $0x4000  }
0x7c: {  	[sflag:s19] =	ssyncset.done $0x0  }
0x7d: {  	[sflag:s19] =	ssyncadd.s32 $0xFFFFC000  }
0x7e: {  	[tilespmem:s14], [sflag:$0x1] =	stream.indirect.gather [hbm4b:s4+s13], $0x80, s20, s13, $0xb8;
	[tilespmem:$0x1C400] =	vst v63  }
0x7f: {  	_ =	swait.ge [sflag:s15], $0x4000  }
0x80: {  	[sflag:s15] =	ssyncset.done $0x0  }
0x81: {  	[sflag:s15] =	ssyncadd.s32 $0xFFFFC000  }
0x82: {  	[spmem:s2] =	stream.indirect.scatter.add.f32 [tilespmem:s14], [sflag:$0x3], $0x80, s21, s13, $0xb8;
	[tilespmem:$0x1C400] =	vst v63  }
0x83: {  	_ =	swait.ge [sflag:s22], $0x4000  }
0x84: {  	[sflag:s22] =	ssyncset.done $0x0  }
0x85: {  	[sflag:s22] =	ssyncadd.s32 $0xFFFFC000  }
0x86: {  	[tilespmem:s16], [sflag:$0x2] =	stream.indirect.gather [hbm4b:s4+s13], $0x80, s23, s13, $0xb8;
	[tilespmem:$0x1C400] =	vst v63  }
0x87: {  	_ =	swait.ge [sflag:s17], $0x4000  }
0x88: {  	[sflag:s17] =	ssyncset.done $0x0  }
0x89: {  	[sflag:s17] =	ssyncadd.s32 $0xFFFFC000  }
0x8a: {  	[spmem:s2] =	stream.indirect.scatter.add.f32 [tilespmem:s16], [sflag:$0x4], $0x80, s24, s13, $0xb8;
	[tilespmem:$0x1C400] =	vst v63  }
0x8b: {  	_ =	swait.ge [sflag:s19], $0x4000  }
0x8c: {  	[sflag:s19] =	ssyncset.done $0x0  }
0x8d: {  	[sflag:s19] =	ssyncadd.s32 $0xFFFFC000  }
0x8e: {  	[tilespmem:s14], [sflag:$0x1] =	stream.indirect.gather [hbm4b:s4+s13], $0x80, s25, s13, $0xb8;
	[tilespmem:$0x1C400] =	vst v63  }
0x8f: {  	_ =	swait.ge [sflag:s15], $0x4000  }
0x90: {  	[sflag:s15] =	ssyncset.done $0x0  }
0x91: {  	[sflag:s15] =	ssyncadd.s32 $0xFFFFC000  }
0x92: {  	[spmem:s2] =	stream.indirect.scatter.add.f32 [tilespmem:s14], [sflag:$0x3], $0x80, s26, s13, $0xb8;
	[tilespmem:$0x1C400] =	vst v63  }
0x93: {  	_ =	swait.ge [sflag:s22], $0x4000  }
0x94: {  	[sflag:s22] =	ssyncset.done $0x0  }
0x95: {  	[sflag:s22] =	ssyncadd.s32 $0xFFFFC000  }
0x96: {  	[tilespmem:s16], [sflag:$0x2] =	stream.indirect.gather [hbm4b:s4+s13], $0x80, s28, s13, $0xb8;
	[tilespmem:$0x1C400] =	vst v63  }
0x97: {  	_ =	swait.ge [sflag:s17], $0x4000  }
0x98: {  	[sflag:s17] =	ssyncset.done $0x0  }
0x99: {  	[sflag:s17] =	ssyncadd.s32 $0xFFFFC000  }
0x9a: {  	[spmem:s2] =	stream.indirect.scatter.add.f32 [tilespmem:s16], [sflag:$0x4], $0x80, s29, s13, $0xb8;
	[tilespmem:$0x1C400] =	vst v63  }
0x9b: {  	_ =	swait.ge [sflag:s19], $0x4000  }
0x9c: {  	[sflag:s19] =	ssyncset.done $0x0  }
0x9d: {  	[sflag:s19] =	ssyncadd.s32 $0xFFFFC000  }
0x9e: {  	[tilespmem:s14], [sflag:$0x1] =	stream.indirect.gather [hbm4b:s4+s13], $0x80, s30, s13, $0xb8;
	[tilespmem:$0x1C400] =	vst v63  }
0x9f: {  	_ =	swait.ge [sflag:s15], $0x4000  }
0xa0: {  	[sflag:s15] =	ssyncset.done $0x0  }
0xa1: {  	[sflag:s15] =	ssyncadd.s32 $0xFFFFC000  }
0xa2: {  	[spmem:s2] =	stream.indirect.scatter.add.f32 [tilespmem:s14], [sflag:$0x3], $0x80, s31, s13, $0xb8;
	[tilespmem:$0x1C400] =	vst v63  }
0xa3: {  	_ =	swait.ge [sflag:s22], $0x4000  }
0xa4: {  	[sflag:s22] =	ssyncset.done $0x0  }
0xa5: {  	[sflag:s22] =	ssyncadd.s32 $0xFFFFC000  }
0xa6: {  	[tilespmem:s16], [sflag:$0x2] =	stream.indirect.gather [hbm4b:s4+s13], $0x80, s0, s13, $0xb8;
	[tilespmem:$0x1C400] =	vst v63  }
0xa7: {  	_ =	swait.ge [sflag:s17], $0x4000  }
0xa8: {  	[sflag:s17] =	ssyncset.done $0x0  }
0xa9: {  	p0 =	sne.s32 s7, $0x980;
	[sflag:s17] =	ssyncadd.s32 $0xFFFFC000  }
0xaa: {  	[spmem:s2] =	stream.indirect.scatter.add.f32 [tilespmem:s16], [sflag:$0x4], $0x80, s1, s13, $0xb8;
	[tilespmem:$0x1C400] =	vst v63  }
.Ltmp0:
0xab: {  	_ =	swait.ge [sflag:s19], $0x4000;
	(pc) =	sbr.rel @p0 .LBB2_2-.Ltmp0, $4  }
0xac: {  	[sflag:s19] =	ssyncset.done $0x0  }
0xad: {  	[sflag:s19] =	ssyncadd.s32 $0xFFFFC000  }
0xae: {  	_ =	swait.ge [sflag:s22], $0x4000  }
0xaf: {  	s7 =	sadd.s32 $0x80, s7;
	[sflag:s22] =	ssyncset.done $0x0  }
0xb0: {  	[sflag:s22] =	ssyncadd.s32 $0xFFFFC000  }
0xb1: {  	[bflag:$0x0] =	sbarrier.arrive $0xFFFF  }
0xb2: {  	s6 =	rddreg [dreg:$0x5]  }
0xb3: {  	s7 =	rddreg [dreg:$0x7]  }
0xb4: {  	[hbm:s6], [sflag:s10] =	dma.local [spmem:s7], $0x2780  }
0xb5: {  	_ =	swait.ge [sflag:s11], $0x2780  }
0xb6: {  	s8 =	smov.u32 s10;
	s5 =	sadd.s32 $0x1, s5;
	s10 =	rddreg [dreg:$0x6]  }
0xb7: {  	p0 =	sne.s32 s5, s10  }
.Ltmp1:
0xb8: {  	_ = 	snop;
	(pc) =	sbr.rel @p0 .LBB2_1-.Ltmp1, $3  }
0xb9: {  	_ =	sdelay $0x1  }
0xba: {  	[sflag:s11] =	ssyncset.done $0x0  }
0xbb: {  	[sflag:s11] =	ssyncadd.s32 $0xFFFFD880  }
0xbc: {  	_ =	sfence.sel $0x180000  }
0xbd: {  	[bflag:$0x0] =	sbarrier.arrive $0xFFFF  }
0xbe: {  	_ =	strace $0x9000004D  }
0xbf: {  	s0 =	stileid.u32;
	[bflag:$0x2] =	sbarrier.arrive $0xFFFF  }
0xc0: {  	p0 =	sne.s32 s0, $0x0;
	s0 =	rddreg [dreg:$0x2]  }
0xc1: {  	s0 =	sadd.s32 @!p0 $0x100000, s0  }
0xc2: {  	[sflag:s0] =	ssyncadd.tile.s32 @!p0 $0x1;
	_ =	shalt  }
.Lfunc_end2:
_tile_overlayer_lowered:
.L_overlay_start_2:
0xc3: {  	(tag) =	ssettag $0x2  }
0xc4: {  	s0 =	rddreg [dreg:$0x0];
	s2 =	stileid.u32  }
0xc5: {  	s1 =	rddreg [dreg:$0x1];
	p0 =	sne.s32 s2, $0x0  }
0xc6: {  	s3 =	rddreg [dreg:$0x2];
	[bflag:$0x3] =	sbarrier.arrive $0xFFFF;
	s2 =	simm.s32 @!p0 $0x1C05  }
0xc7: {  	[timem:s3], [sflag:s2] =	dma.local @!p0 [hbm:s0], s1  }
0xc8: {  	s0 =	simm.s32 @!p0 $0x5  }
0xc9: {  	_ =	swait.ge @!p0 [sflag:s0], s1  }
0xca: {  	s1 =	ssub.s32 @!p0 $0x0, s1;
	[sflag:s0] =	ssyncset.done @!p0 $0x0  }
0xcb: {  	[sflag:s0] =	ssyncadd.s32 @!p0 s1  }
0xcc: {  	[bflag:$0x3] =	sbarrier.arrive $0xFFFF  }
0xcd: {  	_ =	shalt  }

// kernel: kernel.22.cloned.1.call-start
scs
__scs_entry_jumppad:
0x0: {  	(pc) =	sbr.rel $0x88, $3  }
0x1: {  	(tag) =	ssettag $0x0;
	lr =	simm.s32 $0x1  }
0x2: {  	[smem:$0x3F8A] =	sst lr;
	_ =	strace $0xD0000000  }
0x3: {  	_ = 	snop  }
0x4: {  	_ = 	snop  }
0x5: {  	_ = 	snop  }
0x6: {  	_ = 	snop  }
0x7: {  	_ = 	snop  }
__scs_overlays_trampoline_lowered:
0x8: {  	[smem:$0x3F99] =	sst s0  }
0x9: {  	[smem:$0x3F9A] =	sst s1  }
0xa: {  	[smem:$0x3F9B] =	sst s2  }
0xb: {  	[smem:$0x3F9C] =	sst s3  }
0xc: {  	[smem:$0x3F9D] =	sst s4  }
0xd: {  	[smem:$0x3F9E] =	sst s5  }
0xe: {  	[smem:$0x3F9F] =	sst s6  }
0xf: {  	[smem:$0x3FA0] =	sst s7  }
0x10: {  	[smem:$0x3FA1] =	sst s8  }
0x11: {  	[smem:$0x3FA2] =	sst s9;
	s0 =	simm.s32 @!p0 $0x0  }
0x12: {  	s1 =	sld [smem:$0x3F88];
	s0 =	simm.s32 @p0 $0x1  }
0x13: {  	[smem:$0x3FA3] =	sst s0;
	s0 =	simm.s32 @!p1 $0x0  }
0x14: {  	s2 =	sld [smem:$0x3F87];
	s0 =	simm.s32 @p1 $0x1  }
0x15: {  	[smem:$0x3FA4] =	sst s0;
	s0 =	simm.s32 @!p2 $0x0  }
0x16: {  	s3 =	sld [smem:$0x3FDB];
	s0 =	simm.s32 @p2 $0x1  }
0x17: {  	s4 =	simm.s32 $0x1BF5;
	[smem:$0x3FA6] =	sst s0  }
0x18: {  	s0 =	sld [smem:$0x3F89];
	_ =	swait.ge [sflag:s4], $0x0  }
0x19: {  	s7 =	sld [smem:$0x3F8A]  }
0x1a: {  	s8 =	sadd.s32 $0xFFFFE003, lr  }
0x1b: {  	s9 =	sadd.s32 $0xFFFFFEF7, lr;
	s5 =	simm.s32 $0xFFFFFFFF;
	p2 =	slt.u32 s8, $0xFFFFF086  }
0x1c: {  	p1 =	slt.u32 s9, $0xF7A;
	s5 =	simm.s32 @!p2 $0x0  }
0x1d: {  	s5 =	simm.s32 @p1 $0x1;
	p0 =	seq.s32 s7, s2  }
0x1e: {  	s7 =	smul.u32 @!p0 $0xF7A, s2;
	p2 =	seq.s32 @!p0 s5, $0x0  }
0x1f: {  	s9 =	smul.u32 $0xF7A, s1;
	s8 =	simm.s32 @!p0 $0x1BF5;
	p2 =	por !p2, p0  }
0x20: {  	[sflag:s8] =	ssyncset.s32 @!p0 $0xFFFFF086;
	s6 =	sadd.s32 @!p0 s3, s7;
	s7 =	simm.s32 @!p0 $0x108  }
0x21: {  	s3 =	sadd.s32 s3, s9;
	s6 =	sadd.s32 @!p0 $0x88, s6;
	s7 =	simm.s32 @p2 $0x1082  }
0x22: {  	[simem:s7], [sflag:s8] =	dma.local @!p0 [hbm:s6], $0xF7A  }
0x23: {  	s9 =	sor.u32 $0xD0000000, s2;
	s6 =	simm.s32 $0x108;
	_ =	swait.ge @!p0 [sflag:s8], $0x0  }
0x24: {  	s3 =	sadd.s32 $0x88, s3;
	s6 =	simm.s32 @!p1 $0x1082;
	[sflag:s4] =	ssyncset.s32 $0xFFFFF086  }
0x25: {  	[simem:s6], [sflag:s4] =	dma.local [hbm:s3], $0xF7A  }
0x26: {  	[smem:$0x3F8A] =	sst s1;
	(tag) =	ssettag s2;
	_ =	strace s9  }
0x27: {  	s1 =	sld [smem:$0x3F9A]  }
0x28: {  	s2 =	sld [smem:$0x3F9B]  }
0x29: {  	s4 =	sld [smem:$0x3F9D]  }
0x2a: {  	p0 =	seq.s32 s5, $0x0;
	s5 =	sld [smem:$0x3F9E]  }
0x2b: {  	s6 =	sld [smem:$0x3F9F]  }
0x2c: {  	s7 =	sld [smem:$0x3FA0]  }
0x2d: {  	s3 =	simm.s32 $0x108;
	s8 =	sld [smem:$0x3FA1]  }
0x2e: {  	s3 =	simm.s32 @!p0 $0x1082;
	s9 =	sld [smem:$0x3FA2]  }
0x2f: {  	lr =	sadd.s32 s0, s3;
	s0 =	sld [smem:$0x3F99]  }
0x30: {  	s3 =	sld [smem:$0x3F9C]  }
0x31: {  	[smem:$0x3FA5] =	sst s10  }
0x32: {  	s10 =	sld [smem:$0x3FA3];
	_ =	sdelay $0x3  }
0x33: {  	p0 =	seq.s32 s10, $0x1;
	s10 =	sld [smem:$0x3FA5];
	_ =	sdelay $0x3  }
0x34: {  	[smem:$0x3FA5] =	sst s10  }
0x35: {  	s10 =	sld [smem:$0x3FA4];
	_ =	sdelay $0x3  }
0x36: {  	p1 =	seq.s32 s10, $0x1;
	s10 =	sld [smem:$0x3FA5];
	_ =	sdelay $0x3  }
0x37: {  	[smem:$0x3FA5] =	sst s10  }
0x38: {  	s10 =	sld [smem:$0x3FA6]  }
0x39: {  	_ = 	snop;
	(pc) =	sbr.ind lr, $3  }
0x3a: {  	_ = 	snop  }
0x3b: {  	_ = 	snop  }
0x3c: {  	p2 =	seq.s32 s10, $0x1;
	s10 =	sld [smem:$0x3FA5]  }
0x3d: {  	_ =	shalt  }
0x3e: {  	_ =	shalt  }
0x3f: {  	_ =	shalt  }
0x40: {  	_ =	shalt  }
0x41: {  	_ =	shalt  }
0x42: {  	_ =	shalt  }
0x43: {  	_ =	shalt  }
0x44: {  	_ =	shalt  }
0x45: {  	_ =	shalt  }
0x46: {  	_ =	shalt  }
0x47: {  	_ =	shalt  }
0x48: {  	_ =	shalt  }
0x49: {  	_ =	shalt  }
0x4a: {  	_ =	shalt  }
0x4b: {  	_ =	shalt  }
0x4c: {  	_ =	shalt  }
0x4d: {  	_ =	shalt  }
0x4e: {  	_ =	shalt  }
0x4f: {  	_ =	shalt  }
0x50: {  	_ =	shalt  }
0x51: {  	_ =	shalt  }
0x52: {  	_ =	shalt  }
0x53: {  	_ =	shalt  }
0x54: {  	_ =	shalt  }
0x55: {  	_ =	shalt  }
0x56: {  	_ =	shalt  }
0x57: {  	_ =	shalt  }
0x58: {  	_ =	shalt  }
0x59: {  	_ =	shalt  }
0x5a: {  	_ =	shalt  }
0x5b: {  	_ =	shalt  }
0x5c: {  	_ =	shalt  }
0x5d: {  	_ =	shalt  }
0x5e: {  	_ =	shalt  }
0x5f: {  	_ =	shalt  }
0x60: {  	_ =	shalt  }
0x61: {  	_ =	shalt  }
0x62: {  	_ =	shalt  }
0x63: {  	_ =	shalt  }
0x64: {  	_ =	shalt  }
0x65: {  	_ =	shalt  }
0x66: {  	_ =	shalt  }
0x67: {  	_ =	shalt  }
0x68: {  	_ =	shalt  }
0x69: {  	_ =	shalt  }
0x6a: {  	_ =	shalt  }
0x6b: {  	_ =	shalt  }
0x6c: {  	_ =	shalt  }
0x6d: {  	_ =	shalt  }
0x6e: {  	_ =	shalt  }
0x6f: {  	_ =	shalt  }
0x70: {  	_ =	shalt  }
0x71: {  	_ =	shalt  }
0x72: {  	_ =	shalt  }
0x73: {  	_ =	shalt  }
0x74: {  	_ =	shalt  }
0x75: {  	_ =	shalt  }
0x76: {  	_ =	shalt  }
0x77: {  	_ =	shalt  }
0x78: {  	_ =	shalt  }
0x79: {  	_ =	shalt  }
0x7a: {  	_ =	shalt  }
0x7b: {  	_ =	shalt  }
0x7c: {  	_ =	shalt  }
0x7d: {  	_ =	shalt  }
0x7e: {  	_ =	shalt  }
0x7f: {  	_ =	shalt  }
0x80: {  	_ =	shalt  }
0x81: {  	_ =	shalt  }
0x82: {  	_ =	shalt  }
0x83: {  	_ =	shalt  }
0x84: {  	_ =	shalt  }
0x85: {  	_ =	shalt  }
0x86: {  	_ =	shalt  }
0x87: {  	_ =	shalt  }
.Lfunc_end0:
.L_simem_size_0:
called_computation.3_lowered:
.L_overlay_start_0:
0x88: {  	s2 =	sld [smem:$0x3FD9]  }
0x89: {  	s3 =	sld [smem:$0x3FFE];
	_ =	sdelay $0x1  }
0x8a: {  	s1 =	srdreg.scid  }
0x8b: {  	s0 =	sand.u32 $0x1, s1  }
0x8c: {  	s16 =	sshll.u32 s0, $0xA;
	s2 =	sadd.s32 s3, s2  }
0x8d: {  	s2 =	sadd.s32 s2, s16  }
0x8e: {  	[smem:$0x3FB1] =	sst s2  }
0x8f: {  	_ = 	snop  }
0x90: {  	(tm) =	ssettm $0x1  }
0x91: {  	s17 =	sld [smem:$0x3FFB];
	_ =	sdelay $0x3  }
0x92: {  	_ =	strace s17  }
0x93: {  	s2 =	sld [smem:$0x3FFC];
	_ =	sdelay $0x3  }
0x94: {  	_ =	strace s2  }
0x95: {  	s2 =	sld [smem:$0x3FFD];
	_ =	sdelay $0x3  }
0x96: {  	_ =	strace s2  }
0x97: {  	_ =	strace $0x8FFFFFFF  }
0x98: {  	s18 =	sld [smem:$0x3FDB];
	_ =	sdelay $0x1  }
0x99: {  	s19 =	simm.s32 $_scs_section_size  }
0x9a: {  	s4 =	simm.s32 $_size__tile_overlayer_lowered;
	s5 =	simm.s32 $_tile_overlayer_lowered  }
0x9b: {  	s22 =	simm.s32 $0x1BFF;
	s21 =	sshll.u32 s5, $0x1;
	s2 =	sadd.s32 s19, s18  }
0x9c: {  	s6 =	simm.s32 $0x0;
	s20 =	sshll.u32 s4, $0x1;
	s4 =	sadd.s32 s21, s2  }
0x9d: {  	[timem:s6], [sflag:s22] =	dma.local [hbm:s4], s20  }
0x9e: {  	_ =	swait.ge [sflag:s22], s20  }
0x9f: {  	s3 =	ssub.s32 $0x0, s20;
	[sflag:s22] =	ssyncset.done $0x0  }
0xa0: {  	[sflag:s22] =	ssyncadd.s32 s3;
	_ =	sdelay $0x1  }
0xa1: {  	s23 =	simm.s32 $0x1B8B  }
0xa2: {  	_ =	swait.ge [sflag:s23], $0x1  }
0xa3: {  	[sflag:s23] =	ssyncset.done $0x0  }
0xa4: {  	s25 =	simm.s32 $0x1B8E;
	s24 =	sld [smem:$0x3FFE];
	[sflag:s23] =	ssyncadd.s32 $0xFFFFFFFF  }
0xa5: {  	s26 =	simm.s32 $execute0_lowered;
	[smem:$0x3FD2] =	sst s25  }
0xa6: {  	s4 =	sshll.u32 s26, $0x1;
	_ =	strace $0x8000004F;
	[dreg:$0x1] =	wrdreg $0xFFFFFFFF  }
0xa7: {  	s28 =	simm.s32 $_size_execute0_lowered;
	s2 =	sadd.s32 s2, s4;
	[dreg:$0x0] =	wrdreg $0x0  }
0xa8: {  	s4 =	sshll.u32 s28, $0x1;
	[dreg:$0x2] =	wrdreg s2  }
0xa9: {  	[dreg:$0x3] =	wrdreg s4  }
0xaa: {  	[dreg:$0x4] =	wrdreg $0xC0  }
0xab: {  	_ =	task [dreg:s6], $0x5FFFF  }
0xac: {  	[dreg:$0x1] =	wrdreg $0xFFFFFFFF  }
0xad: {  	[dreg:$0x0] =	wrdreg $0x60  }
0xae: {  	[dreg:$0x2] =	wrdreg s24  }
0xaf: {  	[dreg:$0x3] =	wrdreg $0x88000  }
0xb0: {  	[dreg:$0x4] =	wrdreg $0x9  }
0xb1: {  	_ =	task.clear_ibuf [dreg:s6], $0x5FFFF;
	_ =	strace $0x9000004F  }
0xb2: {  	s29 =	simm.s32 $0x9;
	_ =	strace $0x80000051  }
0xb3: {  	_ =	swait.ge [sflag:s29], $0x1  }
0xb4: {  	[sflag:s29] =	ssyncadd.s32 $0xFFFFFFFF  }
0xb5: {  	_ =	strace $0x90000051  }
0xb6: {  	_ =	sfence  }
0xb7: {  	s30 =	sld [smem:$0x0];
	_ =	sdelay $0x2  }
0xb8: {  	s31 =	sshll.u32 s1, $0xD;
	s1 =	sshrl.u32 s1, $0x2  }
0xb9: {  	s3 =	sand.u32 $0x4000, s31;
	s1 =	sadd.s32 s1, s30  }
0xba: {  	s0 =	sor.u32 s3, s0;
	s1 =	sshll.u32 s1, $0x11  }
0xbb: {  	s0 =	sor.u32 s1, s0  }
0xbc: {  	s0 =	sadd.s32 $0x8F2B, s0  }
0xbd: {  	[sflag:s0] =	ssyncadd.remote.s32 $0x1  }
0xbe: {  	_ =	sfence.sel $0xFFFF  }
0xbf: {  	[dreg:$0x0] =	wrdreg $0xFFFFFFFF;
	(pc) =	sbr.abs _section_cstart, $3  }
0xc0: {  	[dreg:$0x1] =	wrdreg $0xFFFFFFFF  }
0xc1: {  	_ =	task.clear_ibuf [dreg:s6], $0x2FFFF;
	_ =	strace $0x9FFFFFFF  }
0xc2: {  	(tm) =	ssettm $0x7FFFFFFF  }
0xc3: {  	_ =	shalt  }
tec
execute0_lowered:
.L_overlay_start_1:
0x0: {  	(tag) =	ssettag $0x1  }
0x1: {  	s0 =	rddreg [dreg:$0x0]  }
0x2: {  	s1 =	rddreg [dreg:$0x1];
	s2 =	srdreg.scid;
	s3 =	simm.s32 $0x0  }
0x3: {  	s10 =	stileid.u32;
	s11 =	simm.s32 $0x5;
	s12 =	simm.s32 $0x400  }
0x4: {  	s13 =	simm.s32 $0x80;
	s14 =	simm.s32 $0x800;
	s15 =	simm.s32 $0x1  }
0x5: {  	s16 =	simm.s32 $0x4800;
	s17 =	simm.s32 $0x2;
	s18 =	simm.s32 $0x480  }
0x6: {  	s19 =	simm.s32 $0x3;
	s20 =	simm.s32 $0x100;
	s21 =	simm.s32 $0x500  }
0x7: {  	s28 =	simm.s32 $0x280;
	s29 =	simm.s32 $0x680;
	s7 =	smul.u32 $0x13C00, s10  }
0x8: {  	s30 =	simm.s32 $0x300;
	s31 =	simm.s32 $0x700;
	s22 =	smul.u32 $0x4F000, s10  }
0x9: {  	s2 =	sand.u32 $0x1, s2;
	[smem:$0x7FF] =	sst s3;
	s9 =	smul.u32 $0x500, s10  }
0xa: {  	s4 =	sadd.s32 $0x11A00, s0;
	s8 =	sadd.s32 $0xF200, s0;
	s5 =	smul.u32 $0x5000, s2  }
0xb: {  	s25 =	sshll.u32 s10, $0x6;
	s6 =	smul.u32 $0x13C000, s2;
	_ =	strace $0x80000050  }
0xc: {  	[dreg:$0x4] =	wrdreg s8;
	s2 =	ssub.s32 $0x2, s2;
	s8 =	simm.s32 $0x0  }
0xd: {  	s23 =	sshrl.u32 s2, $0x1;
	s24 =	sshrl.u32 s22, $0x2;
	s22 =	simm.s32 $0x4  }
0xe: {  	s5 =	sadd.s32 s5, s0;
	s6 =	sadd.s32 s7, s6;
	s2 =	ssub.s32 s2, s23  }
0xf: {  	s7 =	sor.u32 $0x1C05, s25;
	s23 =	simm.s32 $0x180;
	s25 =	simm.s32 $0x200  }
0x10: {  	s6 =	sshrl.u32 s6, $0x3;
	s5 =	sadd.s32 s9, s5;
	s2 =	smax.u32 s2, $0x1  }
0x11: {  	[dreg:$0x5] =	wrdreg s7;
	s0 =	sadd.s32 s6, s0;
	s6 =	sadd.s32 s24, s1  }
0x12: {  	s26 =	sadd.s32 $0x5200, s5;
	[dreg:$0x7] =	wrdreg s2;
	s9 =	sadd.s32 $0x61200, s5  }
0x13: {  	s24 =	simm.s32 $0x580;
	s0 =	sadd.s32 $0x6B200, s0;
	[dreg:$0x3] =	wrdreg s26  }
0x14: {  	s2 =	simm.s32 $0x780;
	s6 =	sshrl.u32 s6, $0x3;
	[dreg:$0x6] =	wrdreg s0  }
0x15: {  	s26 =	simm.s32 $0x600;
	s0 =	simm.s32 $0x380;
	[dreg:$0x8] =	wrdreg s6  }
.LBB2_1:
0x16: {  	[dreg:$0x9] =	wrdreg s8  }
0x17: {  	s5 =	rddreg [dreg:$0x4]  }
0x18: {  	[spmem:s6], [sflag:s7] =	dma.local [hbm:s5], $0x2780  }
0x19: {  	_ =	swait.ge [sflag:s11], $0x2780  }
0x1a: {  	[sflag:s11] =	ssyncset.done $0x0  }
0x1b: {  	[sflag:s11] =	ssyncadd.s32 $0xFFFFD880  }
0x1c: {  	s8 =	sadd.s32 $0x0, s9;
	[bflag:$0x0] =	sbarrier.arrive $0xFFFF  }
0x1d: {  	[tilespmem:s3], [sflag:$0x5] =	stream.linear.gather [hbm4b:s8+s3], $0x400, $0x38;
	[tilespmem:$0x1C400] =	vst v63  }
0x1e: {  	_ =	swait.ge [sflag:s11], $0x400  }
0x1f: {  	s10 =	rddreg [dreg:$0x3];
	[sflag:s11] =	ssyncset.done $0x0  }
0x20: {  	[sflag:s11] =	ssyncadd.s32 $0xFFFFFC00;
	s6 =	sadd.s32 $0x0, s10  }
0x21: {  	[tilespmem:s12], [sflag:$0x5] =	stream.linear.gather [hbm4b:s6+s3], $0x400, $0x38;
	[tilespmem:$0x1C400] =	vst v63  }
0x22: {  	_ =	swait.ge [sflag:s11], $0x400  }
0x23: {  	[sflag:s11] =	ssyncset.done $0x0  }
0x24: {  	[sflag:s11] =	ssyncadd.s32 $0xFFFFFC00  }
0x25: {  	[tilespmem:s14], [sflag:$0x1] =	stream.indirect.gather [hbm4b:s4+s13], $0x80, s3, s13, $0xb8;
	[tilespmem:$0x1C400] =	vst v63  }
0x26: {  	_ =	swait.ge [sflag:s15], $0x4000  }
0x27: {  	[sflag:s15] =	ssyncset.done $0x0  }
0x28: {  	[sflag:s15] =	ssyncadd.s32 $0xFFFFC000  }
0x29: {  	[spmem:s1] =	stream.indirect.scatter.add.f32 [tilespmem:s14], [sflag:$0x3], $0x80, s12, s13, $0xb8;
	[tilespmem:$0x1C400] =	vst v63  }
0x2a: {  	_ = 	snop  }
0x2b: {  	[tilespmem:s16], [sflag:$0x2] =	stream.indirect.gather [hbm4b:s4+s13], $0x80, s13, s13, $0xb8;
	[tilespmem:$0x1C400] =	vst v63  }
0x2c: {  	_ =	swait.ge [sflag:s17], $0x4000  }
0x2d: {  	[sflag:s17] =	ssyncset.done $0x0  }
0x2e: {  	[sflag:s17] =	ssyncadd.s32 $0xFFFFC000  }
0x2f: {  	[spmem:s1] =	stream.indirect.scatter.add.f32 [tilespmem:s16], [sflag:$0x4], $0x80, s18, s13, $0xb8;
	[tilespmem:$0x1C400] =	vst v63  }
0x30: {  	_ =	swait.ge [sflag:s19], $0x4000  }
0x31: {  	[sflag:s19] =	ssyncset.done $0x0  }
0x32: {  	[sflag:s19] =	ssyncadd.s32 $0xFFFFC000  }
0x33: {  	[tilespmem:s14], [sflag:$0x1] =	stream.indirect.gather [hbm4b:s4+s13], $0x80, s20, s13, $0xb8;
	[tilespmem:$0x1C400] =	vst v63  }
0x34: {  	_ =	swait.ge [sflag:s15], $0x4000  }
0x35: {  	[sflag:s15] =	ssyncset.done $0x0  }
0x36: {  	[sflag:s15] =	ssyncadd.s32 $0xFFFFC000  }
0x37: {  	[spmem:s1] =	stream.indirect.scatter.add.f32 [tilespmem:s14], [sflag:$0x3], $0x80, s21, s13, $0xb8;
	[tilespmem:$0x1C400] =	vst v63  }
0x38: {  	_ =	swait.ge [sflag:s22], $0x4000  }
0x39: {  	[sflag:s22] =	ssyncset.done $0x0  }
0x3a: {  	[sflag:s22] =	ssyncadd.s32 $0xFFFFC000  }
0x3b: {  	[tilespmem:s16], [sflag:$0x2] =	stream.indirect.gather [hbm4b:s4+s13], $0x80, s23, s13, $0xb8;
	[tilespmem:$0x1C400] =	vst v63  }
0x3c: {  	_ =	swait.ge [sflag:s17], $0x4000  }
0x3d: {  	[sflag:s17] =	ssyncset.done $0x0  }
0x3e: {  	[sflag:s17] =	ssyncadd.s32 $0xFFFFC000  }
0x3f: {  	[spmem:s1] =	stream.indirect.scatter.add.f32 [tilespmem:s16], [sflag:$0x4], $0x80, s24, s13, $0xb8;
	[tilespmem:$0x1C400] =	vst v63  }
0x40: {  	_ =	swait.ge [sflag:s19], $0x4000  }
0x41: {  	[sflag:s19] =	ssyncset.done $0x0  }
0x42: {  	[sflag:s19] =	ssyncadd.s32 $0xFFFFC000  }
0x43: {  	[tilespmem:s14], [sflag:$0x1] =	stream.indirect.gather [hbm4b:s4+s13], $0x80, s25, s13, $0xb8;
	[tilespmem:$0x1C400] =	vst v63  }
0x44: {  	_ =	swait.ge [sflag:s15], $0x4000  }
0x45: {  	[sflag:s15] =	ssyncset.done $0x0  }
0x46: {  	[sflag:s15] =	ssyncadd.s32 $0xFFFFC000  }
0x47: {  	[spmem:s1] =	stream.indirect.scatter.add.f32 [tilespmem:s14], [sflag:$0x3], $0x80, s26, s13, $0xb8;
	[tilespmem:$0x1C400] =	vst v63  }
0x48: {  	_ =	swait.ge [sflag:s22], $0x4000  }
0x49: {  	[sflag:s22] =	ssyncset.done $0x0  }
0x4a: {  	[sflag:s22] =	ssyncadd.s32 $0xFFFFC000  }
0x4b: {  	[tilespmem:s16], [sflag:$0x2] =	stream.indirect.gather [hbm4b:s4+s13], $0x80, s28, s13, $0xb8;
	[tilespmem:$0x1C400] =	vst v63  }
0x4c: {  	_ =	swait.ge [sflag:s17], $0x4000  }
0x4d: {  	[sflag:s17] =	ssyncset.done $0x0  }
0x4e: {  	[sflag:s17] =	ssyncadd.s32 $0xFFFFC000  }
0x4f: {  	[spmem:s1] =	stream.indirect.scatter.add.f32 [tilespmem:s16], [sflag:$0x4], $0x80, s29, s13, $0xb8;
	[tilespmem:$0x1C400] =	vst v63  }
0x50: {  	_ =	swait.ge [sflag:s19], $0x4000  }
0x51: {  	[sflag:s19] =	ssyncset.done $0x0  }
0x52: {  	[sflag:s19] =	ssyncadd.s32 $0xFFFFC000  }
0x53: {  	[tilespmem:s14], [sflag:$0x1] =	stream.indirect.gather [hbm4b:s4+s13], $0x80, s30, s13, $0xb8;
	[tilespmem:$0x1C400] =	vst v63  }
0x54: {  	_ =	swait.ge [sflag:s15], $0x4000  }
0x55: {  	[sflag:s15] =	ssyncset.done $0x0  }
0x56: {  	[sflag:s15] =	ssyncadd.s32 $0xFFFFC000  }
0x57: {  	[spmem:s1] =	stream.indirect.scatter.add.f32 [tilespmem:s14], [sflag:$0x3], $0x80, s31, s13, $0xb8;
	[tilespmem:$0x1C400] =	vst v63  }
0x58: {  	_ =	swait.ge [sflag:s22], $0x4000  }
0x59: {  	[sflag:s22] =	ssyncset.done $0x0  }
0x5a: {  	[sflag:s22] =	ssyncadd.s32 $0xFFFFC000  }
0x5b: {  	[tilespmem:s16], [sflag:$0x2] =	stream.indirect.gather [hbm4b:s4+s13], $0x80, s0, s13, $0xb8;
	[tilespmem:$0x1C400] =	vst v63  }
0x5c: {  	_ =	swait.ge [sflag:s17], $0x4000  }
0x5d: {  	[sflag:s17] =	ssyncset.done $0x0  }
0x5e: {  	[sflag:s17] =	ssyncadd.s32 $0xFFFFC000  }
0x5f: {  	[spmem:s1] =	stream.indirect.scatter.add.f32 [tilespmem:s16], [sflag:$0x4], $0x80, s2, s13, $0xb8;
	[tilespmem:$0x1C400] =	vst v63  }
0x60: {  	_ =	swait.ge [sflag:s19], $0x4000  }
0x61: {  	[sflag:s19] =	ssyncset.done $0x0  }
0x62: {  	[sflag:s19] =	ssyncadd.s32 $0xFFFFC000  }
0x63: {  	_ =	swait.ge [sflag:s22], $0x4000  }
0x64: {  	s7 =	simm.s32 $0x80;
	s8 =	simm.s32 $0x100;
	[sflag:s22] =	ssyncset.done $0x0  }
.LBB2_2:
0x65: {  	s10 =	sadd.s32 s7, s9;
	[sflag:s22] =	ssyncadd.s32 $0xFFFFC000  }
0x66: {  	[tilespmem:s3], [sflag:$0x5] =	stream.linear.gather [hbm4b:s10+s3], $0x400, $0x38;
	[tilespmem:$0x1C400] =	vst v63  }
0x67: {  	s5 =	smov.u32 s8;
	_ =	swait.ge [sflag:s11], $0x400  }
0x68: {  	s6 =	sadd.s32 $0x80, s8;
	s10 =	rddreg [dreg:$0x3];
	[sflag:s11] =	ssyncset.done $0x0  }
0x69: {  	p0 =	sne.s32 s8, $0x480;
	[sflag:s11] =	ssyncadd.s32 $0xFFFFFC00;
	s8 =	sadd.s32 s7, s10  }
0x6a: {  	[tilespmem:s12], [sflag:$0x5] =	stream.linear.gather [hbm4b:s8+s3], $0x400, $0x38;
	[tilespmem:$0x1C400] =	vst v63  }
0x6b: {  	_ =	swait.ge [sflag:s11], $0x400  }
0x6c: {  	[sflag:s11] =	ssyncset.done $0x0  }
0x6d: {  	[sflag:s11] =	ssyncadd.s32 $0xFFFFFC00  }
0x6e: {  	[tilespmem:s14], [sflag:$0x1] =	stream.indirect.gather [hbm4b:s4+s13], $0x80, s3, s13, $0xb8;
	[tilespmem:$0x1C400] =	vst v63  }
0x6f: {  	_ =	swait.ge [sflag:s15], $0x4000  }
0x70: {  	[sflag:s15] =	ssyncset.done $0x0  }
0x71: {  	[sflag:s15] =	ssyncadd.s32 $0xFFFFC000  }
0x72: {  	[spmem:s1] =	stream.indirect.scatter.add.f32 [tilespmem:s14], [sflag:$0x3], $0x80, s12, s13, $0xb8;
	[tilespmem:$0x1C400] =	vst v63  }
0x73: {  	_ = 	snop  }
0x74: {  	[tilespmem:s16], [sflag:$0x2] =	stream.indirect.gather [hbm4b:s4+s13], $0x80, s13, s13, $0xb8;
	[tilespmem:$0x1C400] =	vst v63  }
0x75: {  	_ =	swait.ge [sflag:s17], $0x4000  }
0x76: {  	[sflag:s17] =	ssyncset.done $0x0  }
0x77: {  	[sflag:s17] =	ssyncadd.s32 $0xFFFFC000  }
0x78: {  	[spmem:s1] =	stream.indirect.scatter.add.f32 [tilespmem:s16], [sflag:$0x4], $0x80, s18, s13, $0xb8;
	[tilespmem:$0x1C400] =	vst v63  }
0x79: {  	_ =	swait.ge [sflag:s19], $0x4000  }
0x7a: {  	[sflag:s19] =	ssyncset.done $0x0  }
0x7b: {  	[sflag:s19] =	ssyncadd.s32 $0xFFFFC000  }
0x7c: {  	[tilespmem:s14], [sflag:$0x1] =	stream.indirect.gather [hbm4b:s4+s13], $0x80, s20, s13, $0xb8;
	[tilespmem:$0x1C400] =	vst v63  }
0x7d: {  	_ =	swait.ge [sflag:s15], $0x4000  }
0x7e: {  	[sflag:s15] =	ssyncset.done $0x0  }
0x7f: {  	[sflag:s15] =	ssyncadd.s32 $0xFFFFC000  }
0x80: {  	[spmem:s1] =	stream.indirect.scatter.add.f32 [tilespmem:s14], [sflag:$0x3], $0x80, s21, s13, $0xb8;
	[tilespmem:$0x1C400] =	vst v63  }
0x81: {  	_ =	swait.ge [sflag:s22], $0x4000  }
0x82: {  	[sflag:s22] =	ssyncset.done $0x0  }
0x83: {  	[sflag:s22] =	ssyncadd.s32 $0xFFFFC000  }
0x84: {  	[tilespmem:s16], [sflag:$0x2] =	stream.indirect.gather [hbm4b:s4+s13], $0x80, s23, s13, $0xb8;
	[tilespmem:$0x1C400] =	vst v63  }
0x85: {  	_ =	swait.ge [sflag:s17], $0x4000  }
0x86: {  	[sflag:s17] =	ssyncset.done $0x0  }
0x87: {  	[sflag:s17] =	ssyncadd.s32 $0xFFFFC000  }
0x88: {  	[spmem:s1] =	stream.indirect.scatter.add.f32 [tilespmem:s16], [sflag:$0x4], $0x80, s24, s13, $0xb8;
	[tilespmem:$0x1C400] =	vst v63  }
0x89: {  	_ =	swait.ge [sflag:s19], $0x4000  }
0x8a: {  	[sflag:s19] =	ssyncset.done $0x0  }
0x8b: {  	[sflag:s19] =	ssyncadd.s32 $0xFFFFC000  }
0x8c: {  	[tilespmem:s14], [sflag:$0x1] =	stream.indirect.gather [hbm4b:s4+s13], $0x80, s25, s13, $0xb8;
	[tilespmem:$0x1C400] =	vst v63  }
0x8d: {  	_ =	swait.ge [sflag:s15], $0x4000  }
0x8e: {  	[sflag:s15] =	ssyncset.done $0x0  }
0x8f: {  	[sflag:s15] =	ssyncadd.s32 $0xFFFFC000  }
0x90: {  	[spmem:s1] =	stream.indirect.scatter.add.f32 [tilespmem:s14], [sflag:$0x3], $0x80, s26, s13, $0xb8;
	[tilespmem:$0x1C400] =	vst v63  }
0x91: {  	_ =	swait.ge [sflag:s22], $0x4000  }
0x92: {  	[sflag:s22] =	ssyncset.done $0x0  }
0x93: {  	[sflag:s22] =	ssyncadd.s32 $0xFFFFC000  }
0x94: {  	[tilespmem:s16], [sflag:$0x2] =	stream.indirect.gather [hbm4b:s4+s13], $0x80, s28, s13, $0xb8;
	[tilespmem:$0x1C400] =	vst v63  }
0x95: {  	_ =	swait.ge [sflag:s17], $0x4000  }
0x96: {  	[sflag:s17] =	ssyncset.done $0x0  }
0x97: {  	[sflag:s17] =	ssyncadd.s32 $0xFFFFC000  }
0x98: {  	[spmem:s1] =	stream.indirect.scatter.add.f32 [tilespmem:s16], [sflag:$0x4], $0x80, s29, s13, $0xb8;
	[tilespmem:$0x1C400] =	vst v63  }
0x99: {  	_ =	swait.ge [sflag:s19], $0x4000  }
0x9a: {  	[sflag:s19] =	ssyncset.done $0x0  }
0x9b: {  	[sflag:s19] =	ssyncadd.s32 $0xFFFFC000  }
0x9c: {  	[tilespmem:s14], [sflag:$0x1] =	stream.indirect.gather [hbm4b:s4+s13], $0x80, s30, s13, $0xb8;
	[tilespmem:$0x1C400] =	vst v63  }
0x9d: {  	_ =	swait.ge [sflag:s15], $0x4000  }
0x9e: {  	[sflag:s15] =	ssyncset.done $0x0  }
0x9f: {  	[sflag:s15] =	ssyncadd.s32 $0xFFFFC000  }
0xa0: {  	[spmem:s1] =	stream.indirect.scatter.add.f32 [tilespmem:s14], [sflag:$0x3], $0x80, s31, s13, $0xb8;
	[tilespmem:$0x1C400] =	vst v63  }
0xa1: {  	_ =	swait.ge [sflag:s22], $0x4000  }
0xa2: {  	[sflag:s22] =	ssyncset.done $0x0  }
0xa3: {  	[sflag:s22] =	ssyncadd.s32 $0xFFFFC000  }
0xa4: {  	[tilespmem:s16], [sflag:$0x2] =	stream.indirect.gather [hbm4b:s4+s13], $0x80, s0, s13, $0xb8;
	[tilespmem:$0x1C400] =	vst v63  }
0xa5: {  	_ =	swait.ge [sflag:s17], $0x4000  }
0xa6: {  	[sflag:s17] =	ssyncset.done $0x0  }
0xa7: {  	[sflag:s17] =	ssyncadd.s32 $0xFFFFC000  }
0xa8: {  	[spmem:s1] =	stream.indirect.scatter.add.f32 [tilespmem:s16], [sflag:$0x4], $0x80, s2, s13, $0xb8;
	[tilespmem:$0x1C400] =	vst v63  }
.Ltmp0:
0xa9: {  	_ =	swait.ge [sflag:s19], $0x4000;
	(pc) =	sbr.rel @p0 .LBB2_2-.Ltmp0, $4  }
0xaa: {  	[sflag:s19] =	ssyncset.done $0x0  }
0xab: {  	[sflag:s19] =	ssyncadd.s32 $0xFFFFC000  }
0xac: {  	_ =	swait.ge [sflag:s22], $0x4000  }
0xad: {  	s7 =	smov.u32 s5;
	s8 =	smov.u32 s6;
	[sflag:s22] =	ssyncset.done $0x0  }
0xae: {  	s5 =	sadd.s32 s7, s9;
	[sflag:s22] =	ssyncadd.s32 $0xFFFFC000  }
0xaf: {  	[tilespmem:s3], [sflag:$0x5] =	stream.linear.gather [hbm4b:s5+s3], $0x400, $0x38;
	[tilespmem:$0x1C400] =	vst v63  }
0xb0: {  	_ =	swait.ge [sflag:s11], $0x400  }
0xb1: {  	s6 =	rddreg [dreg:$0x3];
	[sflag:s11] =	ssyncset.done $0x0  }
0xb2: {  	s5 =	sadd.s32 s7, s6;
	[sflag:s11] =	ssyncadd.s32 $0xFFFFFC00  }
0xb3: {  	[tilespmem:s12], [sflag:$0x5] =	stream.linear.gather [hbm4b:s5+s3], $0x400, $0x38;
	[tilespmem:$0x1C400] =	vst v63  }
0xb4: {  	_ =	swait.ge [sflag:s11], $0x400  }
0xb5: {  	[sflag:s11] =	ssyncset.done $0x0  }
0xb6: {  	[sflag:s11] =	ssyncadd.s32 $0xFFFFFC00  }
0xb7: {  	[tilespmem:s14], [sflag:$0x1] =	stream.indirect.gather [hbm4b:s4+s13], $0x80, s3, s13, $0xb8;
	[tilespmem:$0x1C400] =	vst v63  }
0xb8: {  	_ =	swait.ge [sflag:s15], $0x4000  }
0xb9: {  	[sflag:s15] =	ssyncset.done $0x0  }
0xba: {  	[sflag:s15] =	ssyncadd.s32 $0xFFFFC000  }
0xbb: {  	[spmem:s1] =	stream.indirect.scatter.add.f32 [tilespmem:s14], [sflag:$0x3], $0x80, s12, s13, $0xb8;
	[tilespmem:$0x1C400] =	vst v63  }
0xbc: {  	_ = 	snop  }
0xbd: {  	[tilespmem:s16], [sflag:$0x2] =	stream.indirect.gather [hbm4b:s4+s13], $0x80, s13, s13, $0xb8;
	[tilespmem:$0x1C400] =	vst v63  }
0xbe: {  	_ =	swait.ge [sflag:s17], $0x4000  }
0xbf: {  	[sflag:s17] =	ssyncset.done $0x0  }
0xc0: {  	[sflag:s17] =	ssyncadd.s32 $0xFFFFC000  }
0xc1: {  	[spmem:s1] =	stream.indirect.scatter.add.f32 [tilespmem:s16], [sflag:$0x4], $0x80, s18, s13, $0xb8;
	[tilespmem:$0x1C400] =	vst v63  }
0xc2: {  	_ =	swait.ge [sflag:s19], $0x4000  }
0xc3: {  	[sflag:s19] =	ssyncset.done $0x0  }
0xc4: {  	[sflag:s19] =	ssyncadd.s32 $0xFFFFC000  }
0xc5: {  	[tilespmem:s14], [sflag:$0x1] =	stream.indirect.gather [hbm4b:s4+s13], $0x80, s20, s13, $0xb8;
	[tilespmem:$0x1C400] =	vst v63  }
0xc6: {  	_ =	swait.ge [sflag:s15], $0x4000  }
0xc7: {  	[sflag:s15] =	ssyncset.done $0x0  }
0xc8: {  	[sflag:s15] =	ssyncadd.s32 $0xFFFFC000  }
0xc9: {  	[spmem:s1] =	stream.indirect.scatter.add.f32 [tilespmem:s14], [sflag:$0x3], $0x80, s21, s13, $0xb8;
	[tilespmem:$0x1C400] =	vst v63  }
0xca: {  	_ =	swait.ge [sflag:s22], $0x4000  }
0xcb: {  	[sflag:s22] =	ssyncset.done $0x0  }
0xcc: {  	[sflag:s22] =	ssyncadd.s32 $0xFFFFC000  }
0xcd: {  	[tilespmem:s16], [sflag:$0x2] =	stream.indirect.gather [hbm4b:s4+s13], $0x80, s23, s13, $0xb8;
	[tilespmem:$0x1C400] =	vst v63  }
0xce: {  	_ =	swait.ge [sflag:s17], $0x4000  }
0xcf: {  	[sflag:s17] =	ssyncset.done $0x0  }
0xd0: {  	[sflag:s17] =	ssyncadd.s32 $0xFFFFC000  }
0xd1: {  	[spmem:s1] =	stream.indirect.scatter.add.f32 [tilespmem:s16], [sflag:$0x4], $0x80, s24, s13, $0xb8;
	[tilespmem:$0x1C400] =	vst v63  }
0xd2: {  	_ =	swait.ge [sflag:s19], $0x4000  }
0xd3: {  	[sflag:s19] =	ssyncset.done $0x0  }
0xd4: {  	[sflag:s19] =	ssyncadd.s32 $0xFFFFC000  }
0xd5: {  	[tilespmem:s14], [sflag:$0x1] =	stream.indirect.gather [hbm4b:s4+s13], $0x80, s25, s13, $0xb8;
	[tilespmem:$0x1C400] =	vst v63  }
0xd6: {  	_ =	swait.ge [sflag:s15], $0x4000  }
0xd7: {  	[sflag:s15] =	ssyncset.done $0x0  }
0xd8: {  	[sflag:s15] =	ssyncadd.s32 $0xFFFFC000  }
0xd9: {  	[spmem:s1] =	stream.indirect.scatter.add.f32 [tilespmem:s14], [sflag:$0x3], $0x80, s26, s13, $0xb8;
	[tilespmem:$0x1C400] =	vst v63  }
0xda: {  	_ =	swait.ge [sflag:s22], $0x4000  }
0xdb: {  	[sflag:s22] =	ssyncset.done $0x0  }
0xdc: {  	[sflag:s22] =	ssyncadd.s32 $0xFFFFC000  }
0xdd: {  	[tilespmem:s16], [sflag:$0x2] =	stream.indirect.gather [hbm4b:s4+s13], $0x80, s28, s13, $0xb8;
	[tilespmem:$0x1C400] =	vst v63  }
0xde: {  	_ =	swait.ge [sflag:s17], $0x4000  }
0xdf: {  	[sflag:s17] =	ssyncset.done $0x0  }
0xe0: {  	[sflag:s17] =	ssyncadd.s32 $0xFFFFC000  }
0xe1: {  	[spmem:s1] =	stream.indirect.scatter.add.f32 [tilespmem:s16], [sflag:$0x4], $0x80, s29, s13, $0xb8;
	[tilespmem:$0x1C400] =	vst v63  }
0xe2: {  	_ =	swait.ge [sflag:s19], $0x4000  }
0xe3: {  	[sflag:s19] =	ssyncset.done $0x0  }
0xe4: {  	[sflag:s19] =	ssyncadd.s32 $0xFFFFC000  }
0xe5: {  	[tilespmem:s14], [sflag:$0x1] =	stream.indirect.gather [hbm4b:s4+s13], $0x80, s30, s13, $0xb8;
	[tilespmem:$0x1C400] =	vst v63  }
0xe6: {  	_ =	swait.ge [sflag:s15], $0x4000  }
0xe7: {  	[sflag:s15] =	ssyncset.done $0x0  }
0xe8: {  	[sflag:s15] =	ssyncadd.s32 $0xFFFFC000  }
0xe9: {  	[spmem:s1] =	stream.indirect.scatter.add.f32 [tilespmem:s14], [sflag:$0x3], $0x80, s31, s13, $0xb8;
	[tilespmem:$0x1C400] =	vst v63  }
0xea: {  	_ =	swait.ge [sflag:s22], $0x4000  }
0xeb: {  	[sflag:s22] =	ssyncset.done $0x0  }
0xec: {  	[sflag:s22] =	ssyncadd.s32 $0xFFFFC000  }
0xed: {  	[tilespmem:s16], [sflag:$0x2] =	stream.indirect.gather [hbm4b:s4+s13], $0x80, s0, s13, $0xb8;
	[tilespmem:$0x1C400] =	vst v63  }
0xee: {  	_ =	swait.ge [sflag:s17], $0x4000  }
0xef: {  	[sflag:s17] =	ssyncset.done $0x0  }
0xf0: {  	[sflag:s17] =	ssyncadd.s32 $0xFFFFC000  }
0xf1: {  	[spmem:s1] =	stream.indirect.scatter.add.f32 [tilespmem:s16], [sflag:$0x4], $0x80, s2, s13, $0xb8;
	[tilespmem:$0x1C400] =	vst v63  }
0xf2: {  	_ =	swait.ge [sflag:s19], $0x4000  }
0xf3: {  	[sflag:s19] =	ssyncset.done $0x0  }
0xf4: {  	[sflag:s19] =	ssyncadd.s32 $0xFFFFC000  }
0xf5: {  	_ =	swait.ge [sflag:s22], $0x4000  }
0xf6: {  	[sflag:s22] =	ssyncset.done $0x0  }
0xf7: {  	[sflag:s22] =	ssyncadd.s32 $0xFFFFC000  }
0xf8: {  	[bflag:$0x0] =	sbarrier.arrive $0xFFFF  }
0xf9: {  	s7 =	rddreg [dreg:$0x5]  }
0xfa: {  	s8 =	rddreg [dreg:$0x6]  }
0xfb: {  	s6 =	rddreg [dreg:$0x8]  }
0xfc: {  	[hbm:s8], [sflag:s7] =	dma.local [spmem:s6], $0x2780  }
0xfd: {  	_ =	swait.ge [sflag:s11], $0x2780  }
0xfe: {  	s8 =	rddreg [dreg:$0x9]  }
0xff: {  	s10 =	rddreg [dreg:$0x7];
	s8 =	sadd.s32 $0x1, s8  }
0x100: {  	p0 =	sne.s32 s8, s10  }
.Ltmp1:
0x101: {  	_ = 	snop;
	(pc) =	sbr.rel @p0 .LBB2_1-.Ltmp1, $3  }
0x102: {  	_ =	sdelay $0x1  }
0x103: {  	[sflag:s11] =	ssyncset.done $0x0  }
0x104: {  	[sflag:s11] =	ssyncadd.s32 $0xFFFFD880  }
0x105: {  	_ =	sfence.sel $0x180000  }
0x106: {  	[bflag:$0x0] =	sbarrier.arrive $0xFFFF  }
0x107: {  	_ =	strace $0x90000050  }
0x108: {  	s0 =	stileid.u32;
	[bflag:$0x2] =	sbarrier.arrive $0xFFFF  }
0x109: {  	p0 =	sne.s32 s0, $0x0;
	s0 =	rddreg [dreg:$0x2]  }
0x10a: {  	s0 =	sadd.s32 @!p0 $0x100000, s0  }
0x10b: {  	[sflag:s0] =	ssyncadd.tile.s32 @!p0 $0x1;
	_ =	shalt  }
.Lfunc_end2:
_tile_overlayer_lowered:
.L_overlay_start_2:
0x10c: {  	(tag) =	ssettag $0x2  }
0x10d: {  	s0 =	rddreg [dreg:$0x0];
	s2 =	stileid.u32  }
0x10e: {  	s1 =	rddreg [dreg:$0x1];
	p0 =	sne.s32 s2, $0x0  }
0x10f: {  	s3 =	rddreg [dreg:$0x2];
	[bflag:$0x3] =	sbarrier.arrive $0xFFFF;
	s2 =	simm.s32 @!p0 $0x1C05  }
0x110: {  	[timem:s3], [sflag:s2] =	dma.local @!p0 [hbm:s0], s1  }
0x111: {  	s0 =	simm.s32 @!p0 $0x5  }
0x112: {  	_ =	swait.ge @!p0 [sflag:s0], s1  }
0x113: {  	s1 =	ssub.s32 @!p0 $0x0, s1;
	[sflag:s0] =	ssyncset.done @!p0 $0x0  }
0x114: {  	[sflag:s0] =	ssyncadd.s32 @!p0 s1  }
0x115: {  	[bflag:$0x3] =	sbarrier.arrive $0xFFFF  }
0x116: {  	_ =	shalt  }

</sc_bundles>
